<compile_context>
chip_gen: v7x
topology: tpu7x:2x2x1
jax: 0.10.2.dev20260603
libtpu: 0.0.44.dev20260713+nightly
codegen_flags: <defaults>
</compile_context>

<pallas_src>
import functools

import jax
import jax.numpy as jnp
from jax import lax
from jax.experimental import pallas as pl
from jax.experimental.pallas import tpu as pltpu
from jax.experimental.pallas import tpu_sc as plsc


_N = 8
_CPAIRS = 96
_H = 64
_W = 64
_NWORKERS = 32
_PAIRS_PER_WORKER = (_N * _CPAIRS) // _NWORKERS
_NCHUNKS = _PAIRS_PER_WORKER
_NSLOTS = 6
_LAG = 3

_TC_BLOCK = 16


def _make_sc_kernel(dtype):
    mesh = plsc.VectorSubcoreMesh(core_axis_name="c", subcore_axis_name="s")
    out_sds = jax.ShapeDtypeStruct((_N, 2 * _CPAIRS, _H, _W), dtype)
    buf_t = pltpu.VMEM((_NSLOTS, 2, _H, _W), dtype)

    @functools.partial(
        pl.kernel,
        mesh=mesh,
        out_type=out_sds,
        scratch_types=[
            buf_t,
            pltpu.SemaphoreType.DMA((_NSLOTS,)),
            pltpu.SemaphoreType.DMA((_NSLOTS,)),
        ],
    )
    def sc_out1(x1_hbm, x2_hbm, o1_hbm, buf, sem_in, sem_out):
        wid = lax.axis_index("s") * 2 + lax.axis_index("c")
        workers_per_sample = _CPAIRS // _PAIRS_PER_WORKER
        n = wid // workers_per_sample
        p0 = (wid % workers_per_sample) * _PAIRS_PER_WORKER

        def in_copies(k):
            slot = k % _NSLOTS
            p = p0 + k
            return (
                pltpu.make_async_copy(x2_hbm.at[n, p, 0], buf.at[slot, 0], sem_in.at[slot]),
                pltpu.make_async_copy(x1_hbm.at[n, p, 1], buf.at[slot, 1], sem_in.at[slot]),
            )

        def out_copy(k):
            slot = k % _NSLOTS
            return pltpu.make_async_copy(
                buf.at[slot], o1_hbm.at[n, pl.ds(2 * (p0 + k), 2)], sem_out.at[slot])

        for k in range(min(_NSLOTS, _NCHUNKS)):
            for cp in in_copies(k):
                cp.start()

        for k in range(_NCHUNKS):
            for cp in in_copies(k):
                cp.wait()
            out_copy(k).start()
            j = k - _LAG
            if j >= 0 and j + _NSLOTS < _NCHUNKS:
                out_copy(j).wait()
                for cp in in_copies(j + _NSLOTS):
                    cp.start()

        lo = max(0, min(_NCHUNKS - _LAG, _NCHUNKS - _NSLOTS))
        for k in range(lo, _NCHUNKS):
            out_copy(k).wait()

    return sc_out1


def _tc_out2_body(x1_ref, x2_ref, o2_ref):
    e = x1_ref[...]
    o = x2_ref[...]
    inter = jnp.concatenate([e, o], axis=2)
    o2_ref[...] = inter.reshape(1, 2 * _TC_BLOCK, _H, _W)


def _make_tc_kernel(dtype):
    grid = (_N, _CPAIRS // _TC_BLOCK)
    return pl.pallas_call(
        _tc_out2_body,
        grid=grid,
        in_specs=[
            pl.BlockSpec((1, _TC_BLOCK, 1, _H, _W), lambda n, b: (n, b, 0, 0, 0)),
            pl.BlockSpec((1, _TC_BLOCK, 1, _H, _W), lambda n, b: (n, b, 1, 0, 0)),
        ],
        out_specs=pl.BlockSpec((1, 2 * _TC_BLOCK, _H, _W),
                               lambda n, b: (n, b, 0, 0)),
        out_shape=jax.ShapeDtypeStruct((_N, 2 * _CPAIRS, _H, _W), dtype),
    )


def kernel(x1, x2):
    N, c, h, w = x1.shape
    a = x1.reshape(N, c // 2, 2, h, w)
    b = x2.reshape(N, c // 2, 2, h, w)
    o1 = _make_sc_kernel(x1.dtype)(a, b)
    o2 = _make_tc_kernel(x1.dtype)(a, b)
    return (o1, o2)

# --- scband reference (transcript-rebuilt; emitter-appended) ---
"""Pipeline reference for scband-channel-exchange-3796751090005 (READ-ONLY COPY).

The authoritative reference and input builder live on the scoring server;
editing this copy changes nothing except your own understanding.
"""

import jax, jax.numpy as jnp
import numpy as np

P = 2  # int(1 / 0.5) from __init__ p=1/2

def setup_inputs(seed: int = 0) -> dict:
    key = jax.random.key(seed)
    k1, k2 = jax.random.split(key)
    x1 = jax.random.normal(k1, (8, 192, 64, 64), dtype=jnp.float32)
    x2 = jax.random.normal(k2, (8, 192, 64, 64), dtype=jnp.float32)
    return {"x1": x1, "x2": x2}

def reference(x1, x2):
    N, c, h, w = x1.shape
    # exchange_map: channels where (arange(c) % p) == 0 get swapped between x1 and x2
    exchange_map = (jnp.arange(c) % P) == 0  # [c]
    mask = exchange_map[None, :, None, None]  # broadcast over N, h, w
    out_x1 = jnp.where(mask, x2, x1)
    out_x2 = jnp.where(mask, x1, x2)
    return (out_x1, out_x2)

if __name__ == "__main__":
    import jax
    _d = setup_inputs()
    print(jax.jit(kernel)(*tuple(_d.values())))

</pallas_src>

<mosaic_0001>
#map = affine_map<(d0, d1) -> (0, 0, 0, 0, 0)>
#map1 = affine_map<(d0, d1) -> (0, 0, 0, 0)>
module attributes {stable_mosaic.version = 14 : i64} {
  func.func @sc_out1(%arg0: i32, %arg1: i32, %arg2: memref<8x96x2x64x64xf32, #tpu.memory_space<hbm>>, %arg3: memref<8x96x2x64x64xf32, #tpu.memory_space<hbm>>, %arg4: memref<8x192x64x64xf32, #tpu.memory_space<hbm>>, %arg5: memref<6x2x64x64xf32, #tpu.memory_space<vmem>>, %arg6: memref<6x!tpu.dma_semaphore, #tpu.memory_space<semaphore_mem>>, %arg7: memref<6x!tpu.dma_semaphore, #tpu.memory_space<semaphore_mem>>) attributes {dimension_semantics = [#tpu.dimension_semantics<core_parallel>, #tpu.dimension_semantics<subcore_parallel>], iteration_bounds = array<i64: 2, 16>, scalar_prefetch = 0 : i64, scratch_operands = 3 : i64, tpu.core_type = #tpu.core_type<sc_vector_subcore>, window_params = [{transform_indices = #map}, {transform_indices = #map}, {transform_indices = #map1}]} {
    %mul3A = arith.constant 2 : i32
    %mul3A_0 = arith.muli %arg1, %mul3A : i32
    %add3A = arith.addi %mul3A_0, %arg0 : i32
    %jit3A = arith.constant 4 : i32
    %div3A = arith.divsi %add3A, %jit3A : i32
    %sign3A = arith.constant 0 : i32
    %sign3A_1 = arith.cmpi sgt, %add3A, %sign3A : i32
    %sign3A_2 = arith.extui %sign3A_1 : i1 to i32
    %sign3A_3 = arith.constant 0 : i32
    %sign3A_4 = arith.cmpi slt, %add3A, %sign3A_3 : i32
    %sign3A_5 = arith.extui %sign3A_4 : i1 to i32
    %sign3A_6 = arith.subi %sign3A_2, %sign3A_5 : i32
    %sign3A_7 = arith.constant 0 : i32
    %sign3A_8 = arith.cmpi sgt, %jit3A, %sign3A_7 : i32
    %sign3A_9 = arith.extui %sign3A_8 : i1 to i32
    %sign3A_10 = arith.constant 0 : i32
    %sign3A_11 = arith.cmpi slt, %jit3A, %sign3A_10 : i32
    %sign3A_12 = arith.extui %sign3A_11 : i1 to i32
    %sign3A_13 = arith.subi %sign3A_9, %sign3A_12 : i32
    %ne3A = arith.cmpi ne, %sign3A_6, %sign3A_13 : i32
    %rem3A = arith.remsi %add3A, %jit3A : i32
    %ne3A_14 = arith.constant 0 : i32
    %ne3A_15 = arith.cmpi ne, %rem3A, %ne3A_14 : i32
    %and3A = arith.andi %ne3A, %ne3A_15 : i1
    %sub3A = arith.constant 1 : i32
    %sub3A_16 = arith.subi %div3A, %sub3A : i32
    %select_n3A = arith.select %and3A, %sub3A_16, %div3A : i32
    %jit3A_17 = arith.constant 4 : i32
    %eq3A = arith.constant 0 : i32
    %eq3A_18 = arith.cmpi eq, %jit3A_17, %eq3A : i32
    %jit3A_19 = arith.constant 1 : i32
    %select_n3A_20 = arith.select %eq3A_18, %jit3A_19, %jit3A_17 : i32
    %rem3A_21 = arith.remsi %add3A, %select_n3A_20 : i32
    %ne3A_22 = arith.constant 0 : i32
    %ne3A_23 = arith.cmpi ne, %rem3A_21, %ne3A_22 : i32
    %lt3A = arith.constant 0 : i32
    %lt3A_24 = arith.cmpi slt, %rem3A_21, %lt3A : i32
    %lt3A_25 = arith.constant 0 : i32
    %lt3A_26 = arith.cmpi slt, %select_n3A_20, %lt3A_25 : i32
    %ne3A_27 = arith.xori %lt3A_24, %lt3A_26 : i1
    %and3A_28 = arith.andi %ne3A_27, %ne3A_23 : i1
    %add3A_29 = arith.addi %rem3A_21, %select_n3A_20 : i32
    %select_n3A_30 = arith.select %and3A_28, %add3A_29, %rem3A_21 : i32
    %mul3A_31 = arith.constant 24 : i32
    %mul3A_32 = arith.muli %select_n3A_30, %mul3A_31 : i32
    %add3A_33 = arith.constant 0 : i32
    %add3A_34 = arith.addi %mul3A_32, %add3A_33 : i32
    %dma_start3A = arith.constant 0 : i32
    %dma_start3A_35 = arith.constant 0 : i32
    %dma_start3A_36 = arith.constant 0 : i32
    %dma_start3A_37 = arith.constant 0 : i32
    %dma_start3A_38 = arith.constant 0 : i32
    %dma_start3A_39 = arith.constant 0 : i32
    %dma_start3A_40 = tpu.memref_slice %arg5[%dma_start3A_35, %dma_start3A_36, %dma_start3A_38, %dma_start3A_39] : memref<6x2x64x64xf32, #tpu.memory_space<vmem>> -> memref<1x1x64x64xf32, #tpu.memory_space<vmem>>
    %dma_start3A_41 = tpu.memref_squeeze %dma_start3A_40 : memref<1x1x64x64xf32, #tpu.memory_space<vmem>> -> memref<64x64xf32, #tpu.memory_space<vmem>>
    %dma_start3A_42 = arith.constant 0 : i32
    %dma_start3A_43 = arith.constant 0 : i32
    %dma_start3A_44 = tpu.memref_slice %arg3[%select_n3A, %add3A_34, %dma_start3A, %dma_start3A_42, %dma_start3A_43] : memref<8x96x2x64x64xf32, #tpu.memory_space<hbm>> -> memref<1x1x1x64x64xf32, #tpu.memory_space<hbm>>
    %dma_start3A_45 = tpu.memref_squeeze %dma_start3A_44 : memref<1x1x1x64x64xf32, #tpu.memory_space<hbm>> -> memref<64x64xf32, #tpu.memory_space<hbm>>
    %dma_start3A_46 = tpu.memref_slice %arg6[%dma_start3A_37] : memref<6x!tpu.dma_semaphore, #tpu.memory_space<semaphore_mem>> -> memref<1x!tpu.dma_semaphore, #tpu.memory_space<semaphore_mem>>
    %dma_start3A_47 = tpu.memref_squeeze %dma_start3A_46 : memref<1x!tpu.dma_semaphore, #tpu.memory_space<semaphore_mem>> -> memref<!tpu.dma_semaphore, #tpu.memory_space<semaphore_mem>>
    %dma_start3A_48 = arith.constant 0 : i32
    %dma_start3A_49 = arith.constant 0 : i32
    %dma_start3A_50 = tpu.memref_slice %arg5[%dma_start3A_35, %dma_start3A_36, %dma_start3A_48, %dma_start3A_49] : memref<6x2x64x64xf32, #tpu.memory_space<vmem>> -> memref<1x1x64x64xf32, #tpu.memory_space<vmem>>
    %dma_start3A_51 = tpu.memref_squeeze %dma_start3A_50 : memref<1x1x64x64xf32, #tpu.memory_space<vmem>> -> memref<64x64xf32, #tpu.memory_space<vmem>>
    %dma_start3A_52 = arith.constant 0 : i32
    %dma_start3A_53 = arith.constant 0 : i32
    %dma_start3A_54 = tpu.memref_slice %arg3[%select_n3A, %add3A_34, %dma_start3A, %dma_start3A_52, %dma_start3A_53] : memref<8x96x2x64x64xf32, #tpu.memory_space<hbm>> -> memref<1x1x1x64x64xf32, #tpu.memory_space<hbm>>
    %dma_start3A_55 = tpu.memref_squeeze %dma_start3A_54 : memref<1x1x1x64x64xf32, #tpu.memory_space<hbm>> -> memref<64x64xf32, #tpu.memory_space<hbm>>
    tpu.enqueue_dma source(%dma_start3A_55 : memref<64x64xf32, #tpu.memory_space<hbm>>) target(%dma_start3A_51 : memref<64x64xf32, #tpu.memory_space<vmem>>) target_semaphore(%dma_start3A_47 : memref<!tpu.dma_semaphore, #tpu.memory_space<semaphore_mem>>)
    %dma_start3A_56 = arith.constant 1 : i32
    %dma_start3A_57 = arith.constant 0 : i32
    %dma_start3A_58 = arith.constant 1 : i32
    %dma_start3A_59 = arith.constant 0 : i32
    %dma_start3A_60 = arith.constant 0 : i32
    %dma_start3A_61 = arith.constant 0 : i32
    %dma_start3A_62 = tpu.memref_slice %arg5[%dma_start3A_57, %dma_start3A_58, %dma_start3A_60, %dma_start3A_61] : memref<6x2x64x64xf32, #tpu.memory_space<vmem>> -> memref<1x1x64x64xf32, #tpu.memory_space<vmem>>
    %dma_start3A_63 = tpu.memref_squeeze %dma_start3A_62 : memref<1x1x64x64xf32, #tpu.memory_space<vmem>> -> memref<64x64xf32, #tpu.memory_space<vmem>>
    %dma_start3A_64 = arith.constant 0 : i32
    %dma_start3A_65 = arith.constant 0 : i32
    %dma_start3A_66 = tpu.memref_slice %arg2[%select_n3A, %add3A_34, %dma_start3A_56, %dma_start3A_64, %dma_start3A_65] : memref<8x96x2x64x64xf32, #tpu.memory_space<hbm>> -> memref<1x1x1x64x64xf32, #tpu.memory_space<hbm>>
    %dma_start3A_67 = tpu.memref_squeeze %dma_start3A_66 : memref<1x1x1x64x64xf32, #tpu.memory_space<hbm>> -> memref<64x64xf32, #tpu.memory_space<hbm>>
    %dma_start3A_68 = tpu.memref_slice %arg6[%dma_start3A_59] : memref<6x!tpu.dma_semaphore, #tpu.memory_space<semaphore_mem>> -> memref<1x!tpu.dma_semaphore, #tpu.memory_space<semaphore_mem>>
    %dma_start3A_69 = tpu.memref_squeeze %dma_start3A_68 : memref<1x!tpu.dma_semaphore, #tpu.memory_space<semaphore_mem>> -> memref<!tpu.dma_semaphore, #tpu.memory_space<semaphore_mem>>
    %dma_start3A_70 = arith.constant 0 : i32
    %dma_start3A_71 = arith.constant 0 : i32
    %dma_start3A_72 = tpu.memref_slice %arg5[%dma_start3A_57, %dma_start3A_58, %dma_start3A_70, %dma_start3A_71] : memref<6x2x64x64xf32, #tpu.memory_space<vmem>> -> memref<1x1x64x64xf32, #tpu.memory_space<vmem>>
    %dma_start3A_73 = tpu.memref_squeeze %dma_start3A_72 : memref<1x1x64x64xf32, #tpu.memory_space<vmem>> -> memref<64x64xf32, #tpu.memory_space<vmem>>
    %dma_start3A_74 = arith.constant 0 : i32
    %dma_start3A_75 = arith.constant 0 : i32
    %dma_start3A_76 = tpu.memref_slice %arg2[%select_n3A, %add3A_34, %dma_start3A_56, %dma_start3A_74, %dma_start3A_75] : memref<8x96x2x64x64xf32, #tpu.memory_space<hbm>> -> memref<1x1x1x64x64xf32, #tpu.memory_space<hbm>>
    %dma_start3A_77 = tpu.memref_squeeze %dma_start3A_76 : memref<1x1x1x64x64xf32, #tpu.memory_space<hbm>> -> memref<64x64xf32, #tpu.memory_space<hbm>>
    tpu.enqueue_dma source(%dma_start3A_77 : memref<64x64xf32, #tpu.memory_space<hbm>>) target(%dma_start3A_73 : memref<64x64xf32, #tpu.memory_space<vmem>>) target_semaphore(%dma_start3A_69 : memref<!tpu.dma_semaphore, #tpu.memory_space<semaphore_mem>>)
    %add3A_78 = arith.constant 1 : i32
    %add3A_79 = arith.addi %mul3A_32, %add3A_78 : i32
    %dma_start3A_80 = arith.constant 0 : i32
    %dma_start3A_81 = arith.constant 1 : i32
    %dma_start3A_82 = arith.constant 0 : i32
    %dma_start3A_83 = arith.constant 1 : i32
    %dma_start3A_84 = arith.constant 0 : i32
    %dma_start3A_85 = arith.constant 0 : i32
    %dma_start3A_86 = tpu.memref_slice %arg5[%dma_start3A_81, %dma_start3A_82, %dma_start3A_84, %dma_start3A_85] : memref<6x2x64x64xf32, #tpu.memory_space<vmem>> -> memref<1x1x64x64xf32, #tpu.memory_space<vmem>>
    %dma_start3A_87 = tpu.memref_squeeze %dma_start3A_86 : memref<1x1x64x64xf32, #tpu.memory_space<vmem>> -> memref<64x64xf32, #tpu.memory_space<vmem>>
    %dma_start3A_88 = arith.constant 0 : i32
    %dma_start3A_89 = arith.constant 0 : i32
    %dma_start3A_90 = tpu.memref_slice %arg3[%select_n3A, %add3A_79, %dma_start3A_80, %dma_start3A_88, %dma_start3A_89] : memref<8x96x2x64x64xf32, #tpu.memory_space<hbm>> -> memref<1x1x1x64x64xf32, #tpu.memory_space<hbm>>
    %dma_start3A_91 = tpu.memref_squeeze %dma_start3A_90 : memref<1x1x1x64x64xf32, #tpu.memory_space<hbm>> -> memref<64x64xf32, #tpu.memory_space<hbm>>
    %dma_start3A_92 = tpu.memref_slice %arg6[%dma_start3A_83] : memref<6x!tpu.dma_semaphore, #tpu.memory_space<semaphore_mem>> -> memref<1x!tpu.dma_semaphore, #tpu.memory_space<semaphore_mem>>
    %dma_start3A_93 = tpu.memref_squeeze %dma_start3A_92 : memref<1x!tpu.dma_semaphore, #tpu.memory_space<semaphore_mem>> -> memref<!tpu.dma_semaphore, #tpu.memory_space<semaphore_mem>>
    %dma_start3A_94 = arith.constant 0 : i32
    %dma_start3A_95 = arith.constant 0 : i32
    %dma_start3A_96 = tpu.memref_slice %arg5[%dma_start3A_81, %dma_start3A_82, %dma_start3A_94, %dma_start3A_95] : memref<6x2x64x64xf32, #tpu.memory_space<vmem>> -> memref<1x1x64x64xf32, #tpu.memory_space<vmem>>
    %dma_start3A_97 = tpu.memref_squeeze %dma_start3A_96 : memref<1x1x64x64xf32, #tpu.memory_space<vmem>> -> memref<64x64xf32, #tpu.memory_space<vmem>>
    %dma_start3A_98 = arith.constant 0 : i32
    %dma_start3A_99 = arith.constant 0 : i32
    %dma_start3A_100 = tpu.memref_slice %arg3[%select_n3A, %add3A_79, %dma_start3A_80, %dma_start3A_98, %dma_start3A_99] : memref<8x96x2x64x64xf32, #tpu.memory_space<hbm>> -> memref<1x1x1x64x64xf32, #tpu.memory_space<hbm>>
    %dma_start3A_101 = tpu.memref_squeeze %dma_start3A_100 : memref<1x1x1x64x64xf32, #tpu.memory_space<hbm>> -> memref<64x64xf32, #tpu.memory_space<hbm>>
    tpu.enqueue_dma source(%dma_start3A_101 : memref<64x64xf32, #tpu.memory_space<hbm>>) target(%dma_start3A_97 : memref<64x64xf32, #tpu.memory_space<vmem>>) target_semaphore(%dma_start3A_93 : memref<!tpu.dma_semaphore, #tpu.memory_space<semaphore_mem>>)
    %dma_start3A_102 = arith.constant 1 : i32
    %dma_start3A_103 = arith.constant 1 : i32
    %dma_start3A_104 = arith.constant 1 : i32
    %dma_start3A_105 = arith.constant 1 : i32
    %dma_start3A_106 = arith.constant 0 : i32
    %dma_start3A_107 = arith.constant 0 : i32
    %dma_start3A_108 = tpu.memref_slice %arg5[%dma_start3A_103, %dma_start3A_104, %dma_start3A_106, %dma_start3A_107] : memref<6x2x64x64xf32, #tpu.memory_space<vmem>> -> memref<1x1x64x64xf32, #tpu.memory_space<vmem>>
    %dma_start3A_109 = tpu.memref_squeeze %dma_start3A_108 : memref<1x1x64x64xf32, #tpu.memory_space<vmem>> -> memref<64x64xf32, #tpu.memory_space<vmem>>
    %dma_start3A_110 = arith.constant 0 : i32
    %dma_start3A_111 = arith.constant 0 : i32
    %dma_start3A_112 = tpu.memref_slice %arg2[%select_n3A, %add3A_79, %dma_start3A_102, %dma_start3A_110, %dma_start3A_111] : memref<8x96x2x64x64xf32, #tpu.memory_space<hbm>> -> memref<1x1x1x64x64xf32, #tpu.memory_space<hbm>>
    %dma_start3A_113 = tpu.memref_squeeze %dma_start3A_112 : memref<1x1x1x64x64xf32, #tpu.memory_space<hbm>> -> memref<64x64xf32, #tpu.memory_space<hbm>>
    %dma_start3A_114 = tpu.memref_slice %arg6[%dma_start3A_105] : memref<6x!tpu.dma_semaphore, #tpu.memory_space<semaphore_mem>> -> memref<1x!tpu.dma_semaphore, #tpu.memory_space<semaphore_mem>>
    %dma_start3A_115 = tpu.memref_squeeze %dma_start3A_114 : memref<1x!tpu.dma_semaphore, #tpu.memory_space<semaphore_mem>> -> memref<!tpu.dma_semaphore, #tpu.memory_space<semaphore_mem>>
    %dma_start3A_116 = arith.constant 0 : i32
    %dma_start3A_117 = arith.constant 0 : i32
    %dma_start3A_118 = tpu.memref_slice %arg5[%dma_start3A_103, %dma_start3A_104, %dma_start3A_116, %dma_start3A_117] : memref<6x2x64x64xf32, #tpu.memory_space<vmem>> -> memref<1x1x64x64xf32, #tpu.memory_space<vmem>>
    %dma_start3A_119 = tpu.memref_squeeze %dma_start3A_118 : memref<1x1x64x64xf32, #tpu.memory_space<vmem>> -> memref<64x64xf32, #tpu.memory_space<vmem>>
    %dma_start3A_120 = arith.constant 0 : i32
    %dma_start3A_121 = arith.constant 0 : i32
    %dma_start3A_122 = tpu.memref_slice %arg2[%select_n3A, %add3A_79, %dma_start3A_102, %dma_start3A_120, %dma_start3A_121] : memref<8x96x2x64x64xf32, #tpu.memory_space<hbm>> -> memref<1x1x1x64x64xf32, #tpu.memory_space<hbm>>
    %dma_start3A_123 = tpu.memref_squeeze %dma_start3A_122 : memref<1x1x1x64x64xf32, #tpu.memory_space<hbm>> -> memref<64x64xf32, #tpu.memory_space<hbm>>
    tpu.enqueue_dma source(%dma_start3A_123 : memref<64x64xf32, #tpu.memory_space<hbm>>) target(%dma_start3A_119 : memref<64x64xf32, #tpu.memory_space<vmem>>) target_semaphore(%dma_start3A_115 : memref<!tpu.dma_semaphore, #tpu.memory_space<semaphore_mem>>)
    %add3A_124 = arith.constant 2 : i32
    %add3A_125 = arith.addi %mul3A_32, %add3A_124 : i32
    %dma_start3A_126 = arith.constant 0 : i32
    %dma_start3A_127 = arith.constant 2 : i32
    %dma_start3A_128 = arith.constant 0 : i32
    %dma_start3A_129 = arith.constant 2 : i32
    %dma_start3A_130 = arith.constant 0 : i32
    %dma_start3A_131 = arith.constant 0 : i32
    %dma_start3A_132 = tpu.memref_slice %arg5[%dma_start3A_127, %dma_start3A_128, %dma_start3A_130, %dma_start3A_131] : memref<6x2x64x64xf32, #tpu.memory_space<vmem>> -> memref<1x1x64x64xf32, #tpu.memory_space<vmem>>
    %dma_start3A_133 = tpu.memref_squeeze %dma_start3A_132 : memref<1x1x64x64xf32, #tpu.memory_space<vmem>> -> memref<64x64xf32, #tpu.memory_space<vmem>>
    %dma_start3A_134 = arith.constant 0 : i32
    %dma_start3A_135 = arith.constant 0 : i32
    %dma_start3A_136 = tpu.memref_slice %arg3[%select_n3A, %add3A_125, %dma_start3A_126, %dma_start3A_134, %dma_start3A_135] : memref<8x96x2x64x64xf32, #tpu.memory_space<hbm>> -> memref<1x1x1x64x64xf32, #tpu.memory_space<hbm>>
    %dma_start3A_137 = tpu.memref_squeeze %dma_start3A_136 : memref<1x1x1x64x64xf32, #tpu.memory_space<hbm>> -> memref<64x64xf32, #tpu.memory_space<hbm>>
    %dma_start3A_138 = tpu.memref_slice %arg6[%dma_start3A_129] : memref<6x!tpu.dma_semaphore, #tpu.memory_space<semaphore_mem>> -> memref<1x!tpu.dma_semaphore, #tpu.memory_space<semaphore_mem>>
    %dma_start3A_139 = tpu.memref_squeeze %dma_start3A_138 : memref<1x!tpu.dma_semaphore, #tpu.memory_space<semaphore_mem>> -> memref<!tpu.dma_semaphore, #tpu.memory_space<semaphore_mem>>
    %dma_start3A_140 = arith.constant 0 : i32
    %dma_start3A_141 = arith.constant 0 : i32
    %dma_start3A_142 = tpu.memref_slice %arg5[%dma_start3A_127, %dma_start3A_128, %dma_start3A_140, %dma_start3A_141] : memref<6x2x64x64xf32, #tpu.memory_space<vmem>> -> memref<1x1x64x64xf32, #tpu.memory_space<vmem>>
    %dma_start3A_143 = tpu.memref_squeeze %dma_start3A_142 : memref<1x1x64x64xf32, #tpu.memory_space<vmem>> -> memref<64x64xf32, #tpu.memory_space<vmem>>
    %dma_start3A_144 = arith.constant 0 : i32
    %dma_start3A_145 = arith.constant 0 : i32
    %dma_start3A_146 = tpu.memref_slice %arg3[%select_n3A, %add3A_125, %dma_start3A_126, %dma_start3A_144, %dma_start3A_145] : memref<8x96x2x64x64xf32, #tpu.memory_space<hbm>> -> memref<1x1x1x64x64xf32, #tpu.memory_space<hbm>>
    %dma_start3A_147 = tpu.memref_squeeze %dma_start3A_146 : memref<1x1x1x64x64xf32, #tpu.memory_space<hbm>> -> memref<64x64xf32, #tpu.memory_space<hbm>>
    tpu.enqueue_dma source(%dma_start3A_147 : memref<64x64xf32, #tpu.memory_space<hbm>>) target(%dma_start3A_143 : memref<64x64xf32, #tpu.memory_space<vmem>>) target_semaphore(%dma_start3A_139 : memref<!tpu.dma_semaphore, #tpu.memory_space<semaphore_mem>>)
    %dma_start3A_148 = arith.constant 1 : i32
    %dma_start3A_149 = arith.constant 2 : i32
    %dma_start3A_150 = arith.constant 1 : i32
    %dma_start3A_151 = arith.constant 2 : i32
    %dma_start3A_152 = arith.constant 0 : i32
    %dma_start3A_153 = arith.constant 0 : i32
    %dma_start3A_154 = tpu.memref_slice %arg5[%dma_start3A_149, %dma_start3A_150, %dma_start3A_152, %dma_start3A_153] : memref<6x2x64x64xf32, #tpu.memory_space<vmem>> -> memref<1x1x64x64xf32, #tpu.memory_space<vmem>>
    %dma_start3A_155 = tpu.memref_squeeze %dma_start3A_154 : memref<1x1x64x64xf32, #tpu.memory_space<vmem>> -> memref<64x64xf32, #tpu.memory_space<vmem>>
    %dma_start3A_156 = arith.constant 0 : i32
    %dma_start3A_157 = arith.constant 0 : i32
    %dma_start3A_158 = tpu.memref_slice %arg2[%select_n3A, %add3A_125, %dma_start3A_148, %dma_start3A_156, %dma_start3A_157] : memref<8x96x2x64x64xf32, #tpu.memory_space<hbm>> -> memref<1x1x1x64x64xf32, #tpu.memory_space<hbm>>
    %dma_start3A_159 = tpu.memref_squeeze %dma_start3A_158 : memref<1x1x1x64x64xf32, #tpu.memory_space<hbm>> -> memref<64x64xf32, #tpu.memory_space<hbm>>
    %dma_start3A_160 = tpu.memref_slice %arg6[%dma_start3A_151] : memref<6x!tpu.dma_semaphore, #tpu.memory_space<semaphore_mem>> -> memref<1x!tpu.dma_semaphore, #tpu.memory_space<semaphore_mem>>
    %dma_start3A_161 = tpu.memref_squeeze %dma_start3A_160 : memref<1x!tpu.dma_semaphore, #tpu.memory_space<semaphore_mem>> -> memref<!tpu.dma_semaphore, #tpu.memory_space<semaphore_mem>>
    %dma_start3A_162 = arith.constant 0 : i32
    %dma_start3A_163 = arith.constant 0 : i32
    %dma_start3A_164 = tpu.memref_slice %arg5[%dma_start3A_149, %dma_start3A_150, %dma_start3A_162, %dma_start3A_163] : memref<6x2x64x64xf32, #tpu.memory_space<vmem>> -> memref<1x1x64x64xf32, #tpu.memory_space<vmem>>
    %dma_start3A_165 = tpu.memref_squeeze %dma_start3A_164 : memref<1x1x64x64xf32, #tpu.memory_space<vmem>> -> memref<64x64xf32, #tpu.memory_space<vmem>>
    %dma_start3A_166 = arith.constant 0 : i32
    %dma_start3A_167 = arith.constant 0 : i32
    %dma_start3A_168 = tpu.memref_slice %arg2[%select_n3A, %add3A_125, %dma_start3A_148, %dma_start3A_166, %dma_start3A_167] : memref<8x96x2x64x64xf32, #tpu.memory_space<hbm>> -> memref<1x1x1x64x64xf32, #tpu.memory_space<hbm>>
    %dma_start3A_169 = tpu.memref_squeeze %dma_start3A_168 : memref<1x1x1x64x64xf32, #tpu.memory_space<hbm>> -> memref<64x64xf32, #tpu.memory_space<hbm>>
    tpu.enqueue_dma source(%dma_start3A_169 : memref<64x64xf32, #tpu.memory_space<hbm>>) target(%dma_start3A_165 : memref<64x64xf32, #tpu.memory_space<vmem>>) target_semaphore(%dma_start3A_161 : memref<!tpu.dma_semaphore, #tpu.memory_space<semaphore_mem>>)
    %add3A_170 = arith.constant 3 : i32
    %add3A_171 = arith.addi %mul3A_32, %add3A_170 : i32
    %dma_start3A_172 = arith.constant 0 : i32
    %dma_start3A_173 = arith.constant 3 : i32
    %dma_start3A_174 = arith.constant 0 : i32
    %dma_start3A_175 = arith.constant 3 : i32
    %dma_start3A_176 = arith.constant 0 : i32
    %dma_start3A_177 = arith.constant 0 : i32
    %dma_start3A_178 = tpu.memref_slice %arg5[%dma_start3A_173, %dma_start3A_174, %dma_start3A_176, %dma_start3A_177] : memref<6x2x64x64xf32, #tpu.memory_space<vmem>> -> memref<1x1x64x64xf32, #tpu.memory_space<vmem>>
    %dma_start3A_179 = tpu.memref_squeeze %dma_start3A_178 : memref<1x1x64x64xf32, #tpu.memory_space<vmem>> -> memref<64x64xf32, #tpu.memory_space<vmem>>
    %dma_start3A_180 = arith.constant 0 : i32
    %dma_start3A_181 = arith.constant 0 : i32
    %dma_start3A_182 = tpu.memref_slice %arg3[%select_n3A, %add3A_171, %dma_start3A_172, %dma_start3A_180, %dma_start3A_181] : memref<8x96x2x64x64xf32, #tpu.memory_space<hbm>> -> memref<1x1x1x64x64xf32, #tpu.memory_space<hbm>>
    %dma_start3A_183 = tpu.memref_squeeze %dma_start3A_182 : memref<1x1x1x64x64xf32, #tpu.memory_space<hbm>> -> memref<64x64xf32, #tpu.memory_space<hbm>>
    %dma_start3A_184 = tpu.memref_slice %arg6[%dma_start3A_175] : memref<6x!tpu.dma_semaphore, #tpu.memory_space<semaphore_mem>> -> memref<1x!tpu.dma_semaphore, #tpu.memory_space<semaphore_mem>>
    %dma_start3A_185 = tpu.memref_squeeze %dma_start3A_184 : memref<1x!tpu.dma_semaphore, #tpu.memory_space<semaphore_mem>> -> memref<!tpu.dma_semaphore, #tpu.memory_space<semaphore_mem>>
    %dma_start3A_186 = arith.constant 0 : i32
    %dma_start3A_187 = arith.constant 0 : i32
    %dma_start3A_188 = tpu.memref_slice %arg5[%dma_start3A_173, %dma_start3A_174, %dma_start3A_186, %dma_start3A_187] : memref<6x2x64x64xf32, #tpu.memory_space<vmem>> -> memref<1x1x64x64xf32, #tpu.memory_space<vmem>>
    %dma_start3A_189 = tpu.memref_squeeze %dma_start3A_188 : memref<1x1x64x64xf32, #tpu.memory_space<vmem>> -> memref<64x64xf32, #tpu.memory_space<vmem>>
    %dma_start3A_190 = arith.constant 0 : i32
    %dma_start3A_191 = arith.constant 0 : i32
    %dma_start3A_192 = tpu.memref_slice %arg3[%select_n3A, %add3A_171, %dma_start3A_172, %dma_start3A_190, %dma_start3A_191] : memref<8x96x2x64x64xf32, #tpu.memory_space<hbm>> -> memref<1x1x1x64x64xf32, #tpu.memory_space<hbm>>
    %dma_start3A_193 = tpu.memref_squeeze %dma_start3A_192 : memref<1x1x1x64x64xf32, #tpu.memory_space<hbm>> -> memref<64x64xf32, #tpu.memory_space<hbm>>
    tpu.enqueue_dma source(%dma_start3A_193 : memref<64x64xf32, #tpu.memory_space<hbm>>) target(%dma_start3A_189 : memref<64x64xf32, #tpu.memory_space<vmem>>) target_semaphore(%dma_start3A_185 : memref<!tpu.dma_semaphore, #tpu.memory_space<semaphore_mem>>)
    %dma_start3A_194 = arith.constant 1 : i32
    %dma_start3A_195 = arith.constant 3 : i32
    %dma_start3A_196 = arith.constant 1 : i32
    %dma_start3A_197 = arith.constant 3 : i32
    %dma_start3A_198 = arith.constant 0 : i32
    %dma_start3A_199 = arith.constant 0 : i32
    %dma_start3A_200 = tpu.memref_slice %arg5[%dma_start3A_195, %dma_start3A_196, %dma_start3A_198, %dma_start3A_199] : memref<6x2x64x64xf32, #tpu.memory_space<vmem>> -> memref<1x1x64x64xf32, #tpu.memory_space<vmem>>
    %dma_start3A_201 = tpu.memref_squeeze %dma_start3A_200 : memref<1x1x64x64xf32, #tpu.memory_space<vmem>> -> memref<64x64xf32, #tpu.memory_space<vmem>>
    %dma_start3A_202 = arith.constant 0 : i32
    %dma_start3A_203 = arith.constant 0 : i32
    %dma_start3A_204 = tpu.memref_slice %arg2[%select_n3A, %add3A_171, %dma_start3A_194, %dma_start3A_202, %dma_start3A_203] : memref<8x96x2x64x64xf32, #tpu.memory_space<hbm>> -> memref<1x1x1x64x64xf32, #tpu.memory_space<hbm>>
    %dma_start3A_205 = tpu.memref_squeeze %dma_start3A_204 : memref<1x1x1x64x64xf32, #tpu.memory_space<hbm>> -> memref<64x64xf32, #tpu.memory_space<hbm>>
    %dma_start3A_206 = tpu.memref_slice %arg6[%dma_start3A_197] : memref<6x!tpu.dma_semaphore, #tpu.memory_space<semaphore_mem>> -> memref<1x!tpu.dma_semaphore, #tpu.memory_space<semaphore_mem>>
    %dma_start3A_207 = tpu.memref_squeeze %dma_start3A_206 : memref<1x!tpu.dma_semaphore, #tpu.memory_space<semaphore_mem>> -> memref<!tpu.dma_semaphore, #tpu.memory_space<semaphore_mem>>
    %dma_start3A_208 = arith.constant 0 : i32
    %dma_start3A_209 = arith.constant 0 : i32
    %dma_start3A_210 = tpu.memref_slice %arg5[%dma_start3A_195, %dma_start3A_196, %dma_start3A_208, %dma_start3A_209] : memref<6x2x64x64xf32, #tpu.memory_space<vmem>> -> memref<1x1x64x64xf32, #tpu.memory_space<vmem>>
    %dma_start3A_211 = tpu.memref_squeeze %dma_start3A_210 : memref<1x1x64x64xf32, #tpu.memory_space<vmem>> -> memref<64x64xf32, #tpu.memory_space<vmem>>
    %dma_start3A_212 = arith.constant 0 : i32
    %dma_start3A_213 = arith.constant 0 : i32
    %dma_start3A_214 = tpu.memref_slice %arg2[%select_n3A, %add3A_171, %dma_start3A_194, %dma_start3A_212, %dma_start3A_213] : memref<8x96x2x64x64xf32, #tpu.memory_space<hbm>> -> memref<1x1x1x64x64xf32, #tpu.memory_space<hbm>>
    %dma_start3A_215 = tpu.memref_squeeze %dma_start3A_214 : memref<1x1x1x64x64xf32, #tpu.memory_space<hbm>> -> memref<64x64xf32, #tpu.memory_space<hbm>>
    tpu.enqueue_dma source(%dma_start3A_215 : memref<64x64xf32, #tpu.memory_space<hbm>>) target(%dma_start3A_211 : memref<64x64xf32, #tpu.memory_space<vmem>>) target_semaphore(%dma_start3A_207 : memref<!tpu.dma_semaphore, #tpu.memory_space<semaphore_mem>>)
    %add3A_216 = arith.constant 4 : i32
    %add3A_217 = arith.addi %mul3A_32, %add3A_216 : i32
    %dma_start3A_218 = arith.constant 0 : i32
    %dma_start3A_219 = arith.constant 4 : i32
    %dma_start3A_220 = arith.constant 0 : i32
    %dma_start3A_221 = arith.constant 4 : i32
    %dma_start3A_222 = arith.constant 0 : i32
    %dma_start3A_223 = arith.constant 0 : i32
    %dma_start3A_224 = tpu.memref_slice %arg5[%dma_start3A_219, %dma_start3A_220, %dma_start3A_222, %dma_start3A_223] : memref<6x2x64x64xf32, #tpu.memory_space<vmem>> -> memref<1x1x64x64xf32, #tpu.memory_space<vmem>>
    %dma_start3A_225 = tpu.memref_squeeze %dma_start3A_224 : memref<1x1x64x64xf32, #tpu.memory_space<vmem>> -> memref<64x64xf32, #tpu.memory_space<vmem>>
    %dma_start3A_226 = arith.constant 0 : i32
    %dma_start3A_227 = arith.constant 0 : i32
    %dma_start3A_228 = tpu.memref_slice %arg3[%select_n3A, %add3A_217, %dma_start3A_218, %dma_start3A_226, %dma_start3A_227] : memref<8x96x2x64x64xf32, #tpu.memory_space<hbm>> -> memref<1x1x1x64x64xf32, #tpu.memory_space<hbm>>
    %dma_start3A_229 = tpu.memref_squeeze %dma_start3A_228 : memref<1x1x1x64x64xf32, #tpu.memory_space<hbm>> -> memref<64x64xf32, #tpu.memory_space<hbm>>
    %dma_start3A_230 = tpu.memref_slice %arg6[%dma_start3A_221] : memref<6x!tpu.dma_semaphore, #tpu.memory_space<semaphore_mem>> -> memref<1x!tpu.dma_semaphore, #tpu.memory_space<semaphore_mem>>
    %dma_start3A_231 = tpu.memref_squeeze %dma_start3A_230 : memref<1x!tpu.dma_semaphore, #tpu.memory_space<semaphore_mem>> -> memref<!tpu.dma_semaphore, #tpu.memory_space<semaphore_mem>>
    %dma_start3A_232 = arith.constant 0 : i32
    %dma_start3A_233 = arith.constant 0 : i32
    %dma_start3A_234 = tpu.memref_slice %arg5[%dma_start3A_219, %dma_start3A_220, %dma_start3A_232, %dma_start3A_233] : memref<6x2x64x64xf32, #tpu.memory_space<vmem>> -> memref<1x1x64x64xf32, #tpu.memory_space<vmem>>
    %dma_start3A_235 = tpu.memref_squeeze %dma_start3A_234 : memref<1x1x64x64xf32, #tpu.memory_space<vmem>> -> memref<64x64xf32, #tpu.memory_space<vmem>>
    %dma_start3A_236 = arith.constant 0 : i32
    %dma_start3A_237 = arith.constant 0 : i32
    %dma_start3A_238 = tpu.memref_slice %arg3[%select_n3A, %add3A_217, %dma_start3A_218, %dma_start3A_236, %dma_start3A_237] : memref<8x96x2x64x64xf32, #tpu.memory_space<hbm>> -> memref<1x1x1x64x64xf32, #tpu.memory_space<hbm>>
    %dma_start3A_239 = tpu.memref_squeeze %dma_start3A_238 : memref<1x1x1x64x64xf32, #tpu.memory_space<hbm>> -> memref<64x64xf32, #tpu.memory_space<hbm>>
    tpu.enqueue_dma source(%dma_start3A_239 : memref<64x64xf32, #tpu.memory_space<hbm>>) target(%dma_start3A_235 : memref<64x64xf32, #tpu.memory_space<vmem>>) target_semaphore(%dma_start3A_231 : memref<!tpu.dma_semaphore, #tpu.memory_space<semaphore_mem>>)
    %dma_start3A_240 = arith.constant 1 : i32
    %dma_start3A_241 = arith.constant 4 : i32
    %dma_start3A_242 = arith.constant 1 : i32
    %dma_start3A_243 = arith.constant 4 : i32
    %dma_start3A_244 = arith.constant 0 : i32
    %dma_start3A_245 = arith.constant 0 : i32
    %dma_start3A_246 = tpu.memref_slice %arg5[%dma_start3A_241, %dma_start3A_242, %dma_start3A_244, %dma_start3A_245] : memref<6x2x64x64xf32, #tpu.memory_space<vmem>> -> memref<1x1x64x64xf32, #tpu.memory_space<vmem>>
    %dma_start3A_247 = tpu.memref_squeeze %dma_start3A_246 : memref<1x1x64x64xf32, #tpu.memory_space<vmem>> -> memref<64x64xf32, #tpu.memory_space<vmem>>
    %dma_start3A_248 = arith.constant 0 : i32
    %dma_start3A_249 = arith.constant 0 : i32
    %dma_start3A_250 = tpu.memref_slice %arg2[%select_n3A, %add3A_217, %dma_start3A_240, %dma_start3A_248, %dma_start3A_249] : memref<8x96x2x64x64xf32, #tpu.memory_space<hbm>> -> memref<1x1x1x64x64xf32, #tpu.memory_space<hbm>>
    %dma_start3A_251 = tpu.memref_squeeze %dma_start3A_250 : memref<1x1x1x64x64xf32, #tpu.memory_space<hbm>> -> memref<64x64xf32, #tpu.memory_space<hbm>>
    %dma_start3A_252 = tpu.memref_slice %arg6[%dma_start3A_243] : memref<6x!tpu.dma_semaphore, #tpu.memory_space<semaphore_mem>> -> memref<1x!tpu.dma_semaphore, #tpu.memory_space<semaphore_mem>>
    %dma_start3A_253 = tpu.memref_squeeze %dma_start3A_252 : memref<1x!tpu.dma_semaphore, #tpu.memory_space<semaphore_mem>> -> memref<!tpu.dma_semaphore, #tpu.memory_space<semaphore_mem>>
    %dma_start3A_254 = arith.constant 0 : i32
    %dma_start3A_255 = arith.constant 0 : i32
    %dma_start3A_256 = tpu.memref_slice %arg5[%dma_start3A_241, %dma_start3A_242, %dma_start3A_254, %dma_start3A_255] : memref<6x2x64x64xf32, #tpu.memory_space<vmem>> -> memref<1x1x64x64xf32, #tpu.memory_space<vmem>>
    %dma_start3A_257 = tpu.memref_squeeze %dma_start3A_256 : memref<1x1x64x64xf32, #tpu.memory_space<vmem>> -> memref<64x64xf32, #tpu.memory_space<vmem>>
    %dma_start3A_258 = arith.constant 0 : i32
    %dma_start3A_259 = arith.constant 0 : i32
    %dma_start3A_260 = tpu.memref_slice %arg2[%select_n3A, %add3A_217, %dma_start3A_240, %dma_start3A_258, %dma_start3A_259] : memref<8x96x2x64x64xf32, #tpu.memory_space<hbm>> -> memref<1x1x1x64x64xf32, #tpu.memory_space<hbm>>
    %dma_start3A_261 = tpu.memref_squeeze %dma_start3A_260 : memref<1x1x1x64x64xf32, #tpu.memory_space<hbm>> -> memref<64x64xf32, #tpu.memory_space<hbm>>
    tpu.enqueue_dma source(%dma_start3A_261 : memref<64x64xf32, #tpu.memory_space<hbm>>) target(%dma_start3A_257 : memref<64x64xf32, #tpu.memory_space<vmem>>) target_semaphore(%dma_start3A_253 : memref<!tpu.dma_semaphore, #tpu.memory_space<semaphore_mem>>)
    %add3A_262 = arith.constant 5 : i32
    %add3A_263 = arith.addi %mul3A_32, %add3A_262 : i32
    %dma_start3A_264 = arith.constant 0 : i32
    %dma_start3A_265 = arith.constant 5 : i32
    %dma_start3A_266 = arith.constant 0 : i32
    %dma_start3A_267 = arith.constant 5 : i32
    %dma_start3A_268 = arith.constant 0 : i32
    %dma_start3A_269 = arith.constant 0 : i32
    %dma_start3A_270 = tpu.memref_slice %arg5[%dma_start3A_265, %dma_start3A_266, %dma_start3A_268, %dma_start3A_269] : memref<6x2x64x64xf32, #tpu.memory_space<vmem>> -> memref<1x1x64x64xf32, #tpu.memory_space<vmem>>
    %dma_start3A_271 = tpu.memref_squeeze %dma_start3A_270 : memref<1x1x64x64xf32, #tpu.memory_space<vmem>> -> memref<64x64xf32, #tpu.memory_space<vmem>>
    %dma_start3A_272 = arith.constant 0 : i32
    %dma_start3A_273 = arith.constant 0 : i32
    %dma_start3A_274 = tpu.memref_slice %arg3[%select_n3A, %add3A_263, %dma_start3A_264, %dma_start3A_272, %dma_start3A_273] : memref<8x96x2x64x64xf32, #tpu.memory_space<hbm>> -> memref<1x1x1x64x64xf32, #tpu.memory_space<hbm>>
    %dma_start3A_275 = tpu.memref_squeeze %dma_start3A_274 : memref<1x1x1x64x64xf32, #tpu.memory_space<hbm>> -> memref<64x64xf32, #tpu.memory_space<hbm>>
    %dma_start3A_276 = tpu.memref_slice %arg6[%dma_start3A_267] : memref<6x!tpu.dma_semaphore, #tpu.memory_space<semaphore_mem>> -> memref<1x!tpu.dma_semaphore, #tpu.memory_space<semaphore_mem>>
    %dma_start3A_277 = tpu.memref_squeeze %dma_start3A_276 : memref<1x!tpu.dma_semaphore, #tpu.memory_space<semaphore_mem>> -> memref<!tpu.dma_semaphore, #tpu.memory_space<semaphore_mem>>
    %dma_start3A_278 = arith.constant 0 : i32
    %dma_start3A_279 = arith.constant 0 : i32
    %dma_start3A_280 = tpu.memref_slice %arg5[%dma_start3A_265, %dma_start3A_266, %dma_start3A_278, %dma_start3A_279] : memref<6x2x64x64xf32, #tpu.memory_space<vmem>> -> memref<1x1x64x64xf32, #tpu.memory_space<vmem>>
    %dma_start3A_281 = tpu.memref_squeeze %dma_start3A_280 : memref<1x1x64x64xf32, #tpu.memory_space<vmem>> -> memref<64x64xf32, #tpu.memory_space<vmem>>
    %dma_start3A_282 = arith.constant 0 : i32
    %dma_start3A_283 = arith.constant 0 : i32
    %dma_start3A_284 = tpu.memref_slice %arg3[%select_n3A, %add3A_263, %dma_start3A_264, %dma_start3A_282, %dma_start3A_283] : memref<8x96x2x64x64xf32, #tpu.memory_space<hbm>> -> memref<1x1x1x64x64xf32, #tpu.memory_space<hbm>>
    %dma_start3A_285 = tpu.memref_squeeze %dma_start3A_284 : memref<1x1x1x64x64xf32, #tpu.memory_space<hbm>> -> memref<64x64xf32, #tpu.memory_space<hbm>>
    tpu.enqueue_dma source(%dma_start3A_285 : memref<64x64xf32, #tpu.memory_space<hbm>>) target(%dma_start3A_281 : memref<64x64xf32, #tpu.memory_space<vmem>>) target_semaphore(%dma_start3A_277 : memref<!tpu.dma_semaphore, #tpu.memory_space<semaphore_mem>>)
    %dma_start3A_286 = arith.constant 1 : i32
    %dma_start3A_287 = arith.constant 5 : i32
    %dma_start3A_288 = arith.constant 1 : i32
    %dma_start3A_289 = arith.constant 5 : i32
    %dma_start3A_290 = arith.constant 0 : i32
    %dma_start3A_291 = arith.constant 0 : i32
    %dma_start3A_292 = tpu.memref_slice %arg5[%dma_start3A_287, %dma_start3A_288, %dma_start3A_290, %dma_start3A_291] : memref<6x2x64x64xf32, #tpu.memory_space<vmem>> -> memref<1x1x64x64xf32, #tpu.memory_space<vmem>>
    %dma_start3A_293 = tpu.memref_squeeze %dma_start3A_292 : memref<1x1x64x64xf32, #tpu.memory_space<vmem>> -> memref<64x64xf32, #tpu.memory_space<vmem>>
    %dma_start3A_294 = arith.constant 0 : i32
    %dma_start3A_295 = arith.constant 0 : i32
    %dma_start3A_296 = tpu.memref_slice %arg2[%select_n3A, %add3A_263, %dma_start3A_286, %dma_start3A_294, %dma_start3A_295] : memref<8x96x2x64x64xf32, #tpu.memory_space<hbm>> -> memref<1x1x1x64x64xf32, #tpu.memory_space<hbm>>
    %dma_start3A_297 = tpu.memref_squeeze %dma_start3A_296 : memref<1x1x1x64x64xf32, #tpu.memory_space<hbm>> -> memref<64x64xf32, #tpu.memory_space<hbm>>
    %dma_start3A_298 = tpu.memref_slice %arg6[%dma_start3A_289] : memref<6x!tpu.dma_semaphore, #tpu.memory_space<semaphore_mem>> -> memref<1x!tpu.dma_semaphore, #tpu.memory_space<semaphore_mem>>
    %dma_start3A_299 = tpu.memref_squeeze %dma_start3A_298 : memref<1x!tpu.dma_semaphore, #tpu.memory_space<semaphore_mem>> -> memref<!tpu.dma_semaphore, #tpu.memory_space<semaphore_mem>>
    %dma_start3A_300 = arith.constant 0 : i32
    %dma_start3A_301 = arith.constant 0 : i32
    %dma_start3A_302 = tpu.memref_slice %arg5[%dma_start3A_287, %dma_start3A_288, %dma_start3A_300, %dma_start3A_301] : memref<6x2x64x64xf32, #tpu.memory_space<vmem>> -> memref<1x1x64x64xf32, #tpu.memory_space<vmem>>
    %dma_start3A_303 = tpu.memref_squeeze %dma_start3A_302 : memref<1x1x64x64xf32, #tpu.memory_space<vmem>> -> memref<64x64xf32, #tpu.memory_space<vmem>>
    %dma_start3A_304 = arith.constant 0 : i32
    %dma_start3A_305 = arith.constant 0 : i32
    %dma_start3A_306 = tpu.memref_slice %arg2[%select_n3A, %add3A_263, %dma_start3A_286, %dma_start3A_304, %dma_start3A_305] : memref<8x96x2x64x64xf32, #tpu.memory_space<hbm>> -> memref<1x1x1x64x64xf32, #tpu.memory_space<hbm>>
    %dma_start3A_307 = tpu.memref_squeeze %dma_start3A_306 : memref<1x1x1x64x64xf32, #tpu.memory_space<hbm>> -> memref<64x64xf32, #tpu.memory_space<hbm>>
    tpu.enqueue_dma source(%dma_start3A_307 : memref<64x64xf32, #tpu.memory_space<hbm>>) target(%dma_start3A_303 : memref<64x64xf32, #tpu.memory_space<vmem>>) target_semaphore(%dma_start3A_299 : memref<!tpu.dma_semaphore, #tpu.memory_space<semaphore_mem>>)
    %add3A_308 = arith.constant 0 : i32
    %add3A_309 = arith.addi %mul3A_32, %add3A_308 : i32
    %dma_wait3A = arith.constant 0 : i32
    %dma_wait3A_310 = arith.constant 0 : i32
    %dma_wait3A_311 = arith.constant 0 : i32
    %dma_wait3A_312 = arith.constant 0 : i32
    %dma_wait3A_313 = arith.constant 0 : i32
    %dma_wait3A_314 = arith.constant 0 : i32
    %dma_wait3A_315 = tpu.memref_slice %arg5[%dma_wait3A_310, %dma_wait3A_311, %dma_wait3A_313, %dma_wait3A_314] : memref<6x2x64x64xf32, #tpu.memory_space<vmem>> -> memref<1x1x64x64xf32, #tpu.memory_space<vmem>>
    %dma_wait3A_316 = tpu.memref_squeeze %dma_wait3A_315 : memref<1x1x64x64xf32, #tpu.memory_space<vmem>> -> memref<64x64xf32, #tpu.memory_space<vmem>>
    %dma_wait3A_317 = arith.constant 0 : i32
    %dma_wait3A_318 = arith.constant 0 : i32
    %dma_wait3A_319 = tpu.memref_slice %arg3[%select_n3A, %add3A_309, %dma_wait3A, %dma_wait3A_317, %dma_wait3A_318] : memref<8x96x2x64x64xf32, #tpu.memory_space<hbm>> -> memref<1x1x1x64x64xf32, #tpu.memory_space<hbm>>
    %dma_wait3A_320 = tpu.memref_squeeze %dma_wait3A_319 : memref<1x1x1x64x64xf32, #tpu.memory_space<hbm>> -> memref<64x64xf32, #tpu.memory_space<hbm>>
    %dma_wait3A_321 = tpu.memref_slice %arg6[%dma_wait3A_312] : memref<6x!tpu.dma_semaphore, #tpu.memory_space<semaphore_mem>> -> memref<1x!tpu.dma_semaphore, #tpu.memory_space<semaphore_mem>>
    %dma_wait3A_322 = tpu.memref_squeeze %dma_wait3A_321 : memref<1x!tpu.dma_semaphore, #tpu.memory_space<semaphore_mem>> -> memref<!tpu.dma_semaphore, #tpu.memory_space<semaphore_mem>>
    %dma_wait3A_323 = arith.constant 0 : i32
    %dma_wait3A_324 = arith.constant 0 : i32
    %dma_wait3A_325 = tpu.memref_slice %arg5[%dma_wait3A_310, %dma_wait3A_311, %dma_wait3A_323, %dma_wait3A_324] : memref<6x2x64x64xf32, #tpu.memory_space<vmem>> -> memref<1x1x64x64xf32, #tpu.memory_space<vmem>>
    %dma_wait3A_326 = tpu.memref_squeeze %dma_wait3A_325 : memref<1x1x64x64xf32, #tpu.memory_space<vmem>> -> memref<64x64xf32, #tpu.memory_space<vmem>>
    %dma_wait3A_327 = arith.constant 0 : i32
    %dma_wait3A_328 = arith.constant 0 : i32
    %dma_wait3A_329 = tpu.memref_slice %arg3[%select_n3A, %add3A_309, %dma_wait3A, %dma_wait3A_327, %dma_wait3A_328] : memref<8x96x2x64x64xf32, #tpu.memory_space<hbm>> -> memref<1x1x1x64x64xf32, #tpu.memory_space<hbm>>
    %dma_wait3A_330 = tpu.memref_squeeze %dma_wait3A_329 : memref<1x1x1x64x64xf32, #tpu.memory_space<hbm>> -> memref<64x64xf32, #tpu.memory_space<hbm>>
    tpu.wait_dma2 semaphore(%dma_wait3A_322 : memref<!tpu.dma_semaphore, #tpu.memory_space<semaphore_mem>>) src(%dma_wait3A_330 : memref<64x64xf32, #tpu.memory_space<hbm>>) dst(%dma_wait3A_326 : memref<64x64xf32, #tpu.memory_space<vmem>>)
    %dma_wait3A_331 = arith.constant 1 : i32
    %dma_wait3A_332 = arith.constant 0 : i32
    %dma_wait3A_333 = arith.constant 1 : i32
    %dma_wait3A_334 = arith.constant 0 : i32
    %dma_wait3A_335 = arith.constant 0 : i32
    %dma_wait3A_336 = arith.constant 0 : i32
    %dma_wait3A_337 = tpu.memref_slice %arg5[%dma_wait3A_332, %dma_wait3A_333, %dma_wait3A_335, %dma_wait3A_336] : memref<6x2x64x64xf32, #tpu.memory_space<vmem>> -> memref<1x1x64x64xf32, #tpu.memory_space<vmem>>
    %dma_wait3A_338 = tpu.memref_squeeze %dma_wait3A_337 : memref<1x1x64x64xf32, #tpu.memory_space<vmem>> -> memref<64x64xf32, #tpu.memory_space<vmem>>
    %dma_wait3A_339 = arith.constant 0 : i32
    %dma_wait3A_340 = arith.constant 0 : i32
    %dma_wait3A_341 = tpu.memref_slice %arg2[%select_n3A, %add3A_309, %dma_wait3A_331, %dma_wait3A_339, %dma_wait3A_340] : memref<8x96x2x64x64xf32, #tpu.memory_space<hbm>> -> memref<1x1x1x64x64xf32, #tpu.memory_space<hbm>>
    %dma_wait3A_342 = tpu.memref_squeeze %dma_wait3A_341 : memref<1x1x1x64x64xf32, #tpu.memory_space<hbm>> -> memref<64x64xf32, #tpu.memory_space<hbm>>
    %dma_wait3A_343 = tpu.memref_slice %arg6[%dma_wait3A_334] : memref<6x!tpu.dma_semaphore, #tpu.memory_space<semaphore_mem>> -> memref<1x!tpu.dma_semaphore, #tpu.memory_space<semaphore_mem>>
    %dma_wait3A_344 = tpu.memref_squeeze %dma_wait3A_343 : memref<1x!tpu.dma_semaphore, #tpu.memory_space<semaphore_mem>> -> memref<!tpu.dma_semaphore, #tpu.memory_space<semaphore_mem>>
    %dma_wait3A_345 = arith.constant 0 : i32
    %dma_wait3A_346 = arith.constant 0 : i32
    %dma_wait3A_347 = tpu.memref_slice %arg5[%dma_wait3A_332, %dma_wait3A_333, %dma_wait3A_345, %dma_wait3A_346] : memref<6x2x64x64xf32, #tpu.memory_space<vmem>> -> memref<1x1x64x64xf32, #tpu.memory_space<vmem>>
    %dma_wait3A_348 = tpu.memref_squeeze %dma_wait3A_347 : memref<1x1x64x64xf32, #tpu.memory_space<vmem>> -> memref<64x64xf32, #tpu.memory_space<vmem>>
    %dma_wait3A_349 = arith.constant 0 : i32
    %dma_wait3A_350 = arith.constant 0 : i32
    %dma_wait3A_351 = tpu.memref_slice %arg2[%select_n3A, %add3A_309, %dma_wait3A_331, %dma_wait3A_349, %dma_wait3A_350] : memref<8x96x2x64x64xf32, #tpu.memory_space<hbm>> -> memref<1x1x1x64x64xf32, #tpu.memory_space<hbm>>
    %dma_wait3A_352 = tpu.memref_squeeze %dma_wait3A_351 : memref<1x1x1x64x64xf32, #tpu.memory_space<hbm>> -> memref<64x64xf32, #tpu.memory_space<hbm>>
    tpu.wait_dma2 semaphore(%dma_wait3A_344 : memref<!tpu.dma_semaphore, #tpu.memory_space<semaphore_mem>>) src(%dma_wait3A_352 : memref<64x64xf32, #tpu.memory_space<hbm>>) dst(%dma_wait3A_348 : memref<64x64xf32, #tpu.memory_space<vmem>>)
    %add3A_353 = arith.constant 0 : i32
    %add3A_354 = arith.addi %mul3A_32, %add3A_353 : i32
    %mul3A_355 = arith.constant 2 : i32
    %mul3A_356 = arith.muli %mul3A_355, %add3A_354 : i32
    %dma_start3A_357 = arith.constant 0 : i32
    %dma_start3A_358 = arith.constant 0 : i32
    %dma_start3A_359 = arith.constant 0 : i32
    %dma_start3A_360 = arith.constant 0 : i32
    %dma_start3A_361 = arith.constant 0 : i32
    %dma_start3A_362 = tpu.memref_slice %arg5[%dma_start3A_357, %dma_start3A_359, %dma_start3A_360, %dma_start3A_361] : memref<6x2x64x64xf32, #tpu.memory_space<vmem>> -> memref<1x2x64x64xf32, #tpu.memory_space<vmem>>
    %dma_start3A_363 = tpu.memref_squeeze %dma_start3A_362 : memref<1x2x64x64xf32, #tpu.memory_space<vmem>> -> memref<2x64x64xf32, #tpu.memory_space<vmem>>
    %dma_start3A_364 = arith.constant 0 : i32
    %dma_start3A_365 = arith.constant 0 : i32
    %dma_start3A_366 = tpu.memref_slice %arg4[%select_n3A, %mul3A_356, %dma_start3A_364, %dma_start3A_365] : memref<8x192x64x64xf32, #tpu.memory_space<hbm>> -> memref<1x2x64x64xf32, #tpu.memory_space<hbm>>
    %dma_start3A_367 = tpu.memref_squeeze %dma_start3A_366 : memref<1x2x64x64xf32, #tpu.memory_space<hbm>> -> memref<2x64x64xf32, #tpu.memory_space<hbm>>
    %dma_start3A_368 = tpu.memref_slice %arg7[%dma_start3A_358] : memref<6x!tpu.dma_semaphore, #tpu.memory_space<semaphore_mem>> -> memref<1x!tpu.dma_semaphore, #tpu.memory_space<semaphore_mem>>
    %dma_start3A_369 = tpu.memref_squeeze %dma_start3A_368 : memref<1x!tpu.dma_semaphore, #tpu.memory_space<semaphore_mem>> -> memref<!tpu.dma_semaphore, #tpu.memory_space<semaphore_mem>>
    %dma_start3A_370 = arith.constant 0 : i32
    %dma_start3A_371 = arith.constant 0 : i32
    %dma_start3A_372 = tpu.memref_slice %arg4[%select_n3A, %mul3A_356, %dma_start3A_370, %dma_start3A_371] : memref<8x192x64x64xf32, #tpu.memory_space<hbm>> -> memref<1x2x64x64xf32, #tpu.memory_space<hbm>>
    %dma_start3A_373 = tpu.memref_squeeze %dma_start3A_372 : memref<1x2x64x64xf32, #tpu.memory_space<hbm>> -> memref<2x64x64xf32, #tpu.memory_space<hbm>>
    %dma_start3A_374 = arith.constant 0 : i32
    %dma_start3A_375 = arith.constant 0 : i32
    %dma_start3A_376 = arith.constant 0 : i32
    %dma_start3A_377 = tpu.memref_slice %arg5[%dma_start3A_357, %dma_start3A_374, %dma_start3A_375, %dma_start3A_376] : memref<6x2x64x64xf32, #tpu.memory_space<vmem>> -> memref<1x2x64x64xf32, #tpu.memory_space<vmem>>
    %dma_start3A_378 = tpu.memref_squeeze %dma_start3A_377 : memref<1x2x64x64xf32, #tpu.memory_space<vmem>> -> memref<2x64x64xf32, #tpu.memory_space<vmem>>
    tpu.enqueue_dma source(%dma_start3A_378 : memref<2x64x64xf32, #tpu.memory_space<vmem>>) target(%dma_start3A_373 : memref<2x64x64xf32, #tpu.memory_space<hbm>>) target_semaphore(%dma_start3A_369 : memref<!tpu.dma_semaphore, #tpu.memory_space<semaphore_mem>>)
    %add3A_379 = arith.constant 1 : i32
    %add3A_380 = arith.addi %mul3A_32, %add3A_379 : i32
    %dma_wait3A_381 = arith.constant 0 : i32
    %dma_wait3A_382 = arith.constant 1 : i32
    %dma_wait3A_383 = arith.constant 0 : i32
    %dma_wait3A_384 = arith.constant 1 : i32
    %dma_wait3A_385 = arith.constant 0 : i32
    %dma_wait3A_386 = arith.constant 0 : i32
    %dma_wait3A_387 = tpu.memref_slice %arg5[%dma_wait3A_382, %dma_wait3A_383, %dma_wait3A_385, %dma_wait3A_386] : memref<6x2x64x64xf32, #tpu.memory_space<vmem>> -> memref<1x1x64x64xf32, #tpu.memory_space<vmem>>
    %dma_wait3A_388 = tpu.memref_squeeze %dma_wait3A_387 : memref<1x1x64x64xf32, #tpu.memory_space<vmem>> -> memref<64x64xf32, #tpu.memory_space<vmem>>
    %dma_wait3A_389 = arith.constant 0 : i32
    %dma_wait3A_390 = arith.constant 0 : i32
    %dma_wait3A_391 = tpu.memref_slice %arg3[%select_n3A, %add3A_380, %dma_wait3A_381, %dma_wait3A_389, %dma_wait3A_390] : memref<8x96x2x64x64xf32, #tpu.memory_space<hbm>> -> memref<1x1x1x64x64xf32, #tpu.memory_space<hbm>>
    %dma_wait3A_392 = tpu.memref_squeeze %dma_wait3A_391 : memref<1x1x1x64x64xf32, #tpu.memory_space<hbm>> -> memref<64x64xf32, #tpu.memory_space<hbm>>
    %dma_wait3A_393 = tpu.memref_slice %arg6[%dma_wait3A_384] : memref<6x!tpu.dma_semaphore, #tpu.memory_space<semaphore_mem>> -> memref<1x!tpu.dma_semaphore, #tpu.memory_space<semaphore_mem>>
    %dma_wait3A_394 = tpu.memref_squeeze %dma_wait3A_393 : memref<1x!tpu.dma_semaphore, #tpu.memory_space<semaphore_mem>> -> memref<!tpu.dma_semaphore, #tpu.memory_space<semaphore_mem>>
    %dma_wait3A_395 = arith.constant 0 : i32
    %dma_wait3A_396 = arith.constant 0 : i32
    %dma_wait3A_397 = tpu.memref_slice %arg5[%dma_wait3A_382, %dma_wait3A_383, %dma_wait3A_395, %dma_wait3A_396] : memref<6x2x64x64xf32, #tpu.memory_space<vmem>> -> memref<1x1x64x64xf32, #tpu.memory_space<vmem>>
    %dma_wait3A_398 = tpu.memref_squeeze %dma_wait3A_397 : memref<1x1x64x64xf32, #tpu.memory_space<vmem>> -> memref<64x64xf32, #tpu.memory_space<vmem>>
    %dma_wait3A_399 = arith.constant 0 : i32
    %dma_wait3A_400 = arith.constant 0 : i32
    %dma_wait3A_401 = tpu.memref_slice %arg3[%select_n3A, %add3A_380, %dma_wait3A_381, %dma_wait3A_399, %dma_wait3A_400] : memref<8x96x2x64x64xf32, #tpu.memory_space<hbm>> -> memref<1x1x1x64x64xf32, #tpu.memory_space<hbm>>
    %dma_wait3A_402 = tpu.memref_squeeze %dma_wait3A_401 : memref<1x1x1x64x64xf32, #tpu.memory_space<hbm>> -> memref<64x64xf32, #tpu.memory_space<hbm>>
    tpu.wait_dma2 semaphore(%dma_wait3A_394 : memref<!tpu.dma_semaphore, #tpu.memory_space<semaphore_mem>>) src(%dma_wait3A_402 : memref<64x64xf32, #tpu.memory_space<hbm>>) dst(%dma_wait3A_398 : memref<64x64xf32, #tpu.memory_space<vmem>>)
    %dma_wait3A_403 = arith.constant 1 : i32
    %dma_wait3A_404 = arith.constant 1 : i32
    %dma_wait3A_405 = arith.constant 1 : i32
    %dma_wait3A_406 = arith.constant 1 : i32
    %dma_wait3A_407 = arith.constant 0 : i32
    %dma_wait3A_408 = arith.constant 0 : i32
    %dma_wait3A_409 = tpu.memref_slice %arg5[%dma_wait3A_404, %dma_wait3A_405, %dma_wait3A_407, %dma_wait3A_408] : memref<6x2x64x64xf32, #tpu.memory_space<vmem>> -> memref<1x1x64x64xf32, #tpu.memory_space<vmem>>
    %dma_wait3A_410 = tpu.memref_squeeze %dma_wait3A_409 : memref<1x1x64x64xf32, #tpu.memory_space<vmem>> -> memref<64x64xf32, #tpu.memory_space<vmem>>
    %dma_wait3A_411 = arith.constant 0 : i32
    %dma_wait3A_412 = arith.constant 0 : i32
    %dma_wait3A_413 = tpu.memref_slice %arg2[%select_n3A, %add3A_380, %dma_wait3A_403, %dma_wait3A_411, %dma_wait3A_412] : memref<8x96x2x64x64xf32, #tpu.memory_space<hbm>> -> memref<1x1x1x64x64xf32, #tpu.memory_space<hbm>>
    %dma_wait3A_414 = tpu.memref_squeeze %dma_wait3A_413 : memref<1x1x1x64x64xf32, #tpu.memory_space<hbm>> -> memref<64x64xf32, #tpu.memory_space<hbm>>
    %dma_wait3A_415 = tpu.memref_slice %arg6[%dma_wait3A_406] : memref<6x!tpu.dma_semaphore, #tpu.memory_space<semaphore_mem>> -> memref<1x!tpu.dma_semaphore, #tpu.memory_space<semaphore_mem>>
    %dma_wait3A_416 = tpu.memref_squeeze %dma_wait3A_415 : memref<1x!tpu.dma_semaphore, #tpu.memory_space<semaphore_mem>> -> memref<!tpu.dma_semaphore, #tpu.memory_space<semaphore_mem>>
    %dma_wait3A_417 = arith.constant 0 : i32
    %dma_wait3A_418 = arith.constant 0 : i32
    %dma_wait3A_419 = tpu.memref_slice %arg5[%dma_wait3A_404, %dma_wait3A_405, %dma_wait3A_417, %dma_wait3A_418] : memref<6x2x64x64xf32, #tpu.memory_space<vmem>> -> memref<1x1x64x64xf32, #tpu.memory_space<vmem>>
    %dma_wait3A_420 = tpu.memref_squeeze %dma_wait3A_419 : memref<1x1x64x64xf32, #tpu.memory_space<vmem>> -> memref<64x64xf32, #tpu.memory_space<vmem>>
    %dma_wait3A_421 = arith.constant 0 : i32
    %dma_wait3A_422 = arith.constant 0 : i32
    %dma_wait3A_423 = tpu.memref_slice %arg2[%select_n3A, %add3A_380, %dma_wait3A_403, %dma_wait3A_421, %dma_wait3A_422] : memref<8x96x2x64x64xf32, #tpu.memory_space<hbm>> -> memref<1x1x1x64x64xf32, #tpu.memory_space<hbm>>
    %dma_wait3A_424 = tpu.memref_squeeze %dma_wait3A_423 : memref<1x1x1x64x64xf32, #tpu.memory_space<hbm>> -> memref<64x64xf32, #tpu.memory_space<hbm>>
    tpu.wait_dma2 semaphore(%dma_wait3A_416 : memref<!tpu.dma_semaphore, #tpu.memory_space<semaphore_mem>>) src(%dma_wait3A_424 : memref<64x64xf32, #tpu.memory_space<hbm>>) dst(%dma_wait3A_420 : memref<64x64xf32, #tpu.memory_space<vmem>>)
    %add3A_425 = arith.constant 1 : i32
    %add3A_426 = arith.addi %mul3A_32, %add3A_425 : i32
    %mul3A_427 = arith.constant 2 : i32
    %mul3A_428 = arith.muli %mul3A_427, %add3A_426 : i32
    %dma_start3A_429 = arith.constant 1 : i32
    %dma_start3A_430 = arith.constant 1 : i32
    %dma_start3A_431 = arith.constant 0 : i32
    %dma_start3A_432 = arith.constant 0 : i32
    %dma_start3A_433 = arith.constant 0 : i32
    %dma_start3A_434 = tpu.memref_slice %arg5[%dma_start3A_429, %dma_start3A_431, %dma_start3A_432, %dma_start3A_433] : memref<6x2x64x64xf32, #tpu.memory_space<vmem>> -> memref<1x2x64x64xf32, #tpu.memory_space<vmem>>
    %dma_start3A_435 = tpu.memref_squeeze %dma_start3A_434 : memref<1x2x64x64xf32, #tpu.memory_space<vmem>> -> memref<2x64x64xf32, #tpu.memory_space<vmem>>
    %dma_start3A_436 = arith.constant 0 : i32
    %dma_start3A_437 = arith.constant 0 : i32
    %dma_start3A_438 = tpu.memref_slice %arg4[%select_n3A, %mul3A_428, %dma_start3A_436, %dma_start3A_437] : memref<8x192x64x64xf32, #tpu.memory_space<hbm>> -> memref<1x2x64x64xf32, #tpu.memory_space<hbm>>
    %dma_start3A_439 = tpu.memref_squeeze %dma_start3A_438 : memref<1x2x64x64xf32, #tpu.memory_space<hbm>> -> memref<2x64x64xf32, #tpu.memory_space<hbm>>
    %dma_start3A_440 = tpu.memref_slice %arg7[%dma_start3A_430] : memref<6x!tpu.dma_semaphore, #tpu.memory_space<semaphore_mem>> -> memref<1x!tpu.dma_semaphore, #tpu.memory_space<semaphore_mem>>
    %dma_start3A_441 = tpu.memref_squeeze %dma_start3A_440 : memref<1x!tpu.dma_semaphore, #tpu.memory_space<semaphore_mem>> -> memref<!tpu.dma_semaphore, #tpu.memory_space<semaphore_mem>>
    %dma_start3A_442 = arith.constant 0 : i32
    %dma_start3A_443 = arith.constant 0 : i32
    %dma_start3A_444 = tpu.memref_slice %arg4[%select_n3A, %mul3A_428, %dma_start3A_442, %dma_start3A_443] : memref<8x192x64x64xf32, #tpu.memory_space<hbm>> -> memref<1x2x64x64xf32, #tpu.memory_space<hbm>>
    %dma_start3A_445 = tpu.memref_squeeze %dma_start3A_444 : memref<1x2x64x64xf32, #tpu.memory_space<hbm>> -> memref<2x64x64xf32, #tpu.memory_space<hbm>>
    %dma_start3A_446 = arith.constant 0 : i32
    %dma_start3A_447 = arith.constant 0 : i32
    %dma_start3A_448 = arith.constant 0 : i32
    %dma_start3A_449 = tpu.memref_slice %arg5[%dma_start3A_429, %dma_start3A_446, %dma_start3A_447, %dma_start3A_448] : memref<6x2x64x64xf32, #tpu.memory_space<vmem>> -> memref<1x2x64x64xf32, #tpu.memory_space<vmem>>
    %dma_start3A_450 = tpu.memref_squeeze %dma_start3A_449 : memref<1x2x64x64xf32, #tpu.memory_space<vmem>> -> memref<2x64x64xf32, #tpu.memory_space<vmem>>
    tpu.enqueue_dma source(%dma_start3A_450 : memref<2x64x64xf32, #tpu.memory_space<vmem>>) target(%dma_start3A_445 : memref<2x64x64xf32, #tpu.memory_space<hbm>>) target_semaphore(%dma_start3A_441 : memref<!tpu.dma_semaphore, #tpu.memory_space<semaphore_mem>>)
    %add3A_451 = arith.constant 2 : i32
    %add3A_452 = arith.addi %mul3A_32, %add3A_451 : i32
    %dma_wait3A_453 = arith.constant 0 : i32
    %dma_wait3A_454 = arith.constant 2 : i32
    %dma_wait3A_455 = arith.constant 0 : i32
    %dma_wait3A_456 = arith.constant 2 : i32
    %dma_wait3A_457 = arith.constant 0 : i32
    %dma_wait3A_458 = arith.constant 0 : i32
    %dma_wait3A_459 = tpu.memref_slice %arg5[%dma_wait3A_454, %dma_wait3A_455, %dma_wait3A_457, %dma_wait3A_458] : memref<6x2x64x64xf32, #tpu.memory_space<vmem>> -> memref<1x1x64x64xf32, #tpu.memory_space<vmem>>
    %dma_wait3A_460 = tpu.memref_squeeze %dma_wait3A_459 : memref<1x1x64x64xf32, #tpu.memory_space<vmem>> -> memref<64x64xf32, #tpu.memory_space<vmem>>
    %dma_wait3A_461 = arith.constant 0 : i32
    %dma_wait3A_462 = arith.constant 0 : i32
    %dma_wait3A_463 = tpu.memref_slice %arg3[%select_n3A, %add3A_452, %dma_wait3A_453, %dma_wait3A_461, %dma_wait3A_462] : memref<8x96x2x64x64xf32, #tpu.memory_space<hbm>> -> memref<1x1x1x64x64xf32, #tpu.memory_space<hbm>>
    %dma_wait3A_464 = tpu.memref_squeeze %dma_wait3A_463 : memref<1x1x1x64x64xf32, #tpu.memory_space<hbm>> -> memref<64x64xf32, #tpu.memory_space<hbm>>
    %dma_wait3A_465 = tpu.memref_slice %arg6[%dma_wait3A_456] : memref<6x!tpu.dma_semaphore, #tpu.memory_space<semaphore_mem>> -> memref<1x!tpu.dma_semaphore, #tpu.memory_space<semaphore_mem>>
    %dma_wait3A_466 = tpu.memref_squeeze %dma_wait3A_465 : memref<1x!tpu.dma_semaphore, #tpu.memory_space<semaphore_mem>> -> memref<!tpu.dma_semaphore, #tpu.memory_space<semaphore_mem>>
    %dma_wait3A_467 = arith.constant 0 : i32
    %dma_wait3A_468 = arith.constant 0 : i32
    %dma_wait3A_469 = tpu.memref_slice %arg5[%dma_wait3A_454, %dma_wait3A_455, %dma_wait3A_467, %dma_wait3A_468] : memref<6x2x64x64xf32, #tpu.memory_space<vmem>> -> memref<1x1x64x64xf32, #tpu.memory_space<vmem>>
    %dma_wait3A_470 = tpu.memref_squeeze %dma_wait3A_469 : memref<1x1x64x64xf32, #tpu.memory_space<vmem>> -> memref<64x64xf32, #tpu.memory_space<vmem>>
    %dma_wait3A_471 = arith.constant 0 : i32
    %dma_wait3A_472 = arith.constant 0 : i32
    %dma_wait3A_473 = tpu.memref_slice %arg3[%select_n3A, %add3A_452, %dma_wait3A_453, %dma_wait3A_471, %dma_wait3A_472] : memref<8x96x2x64x64xf32, #tpu.memory_space<hbm>> -> memref<1x1x1x64x64xf32, #tpu.memory_space<hbm>>
    %dma_wait3A_474 = tpu.memref_squeeze %dma_wait3A_473 : memref<1x1x1x64x64xf32, #tpu.memory_space<hbm>> -> memref<64x64xf32, #tpu.memory_space<hbm>>
    tpu.wait_dma2 semaphore(%dma_wait3A_466 : memref<!tpu.dma_semaphore, #tpu.memory_space<semaphore_mem>>) src(%dma_wait3A_474 : memref<64x64xf32, #tpu.memory_space<hbm>>) dst(%dma_wait3A_470 : memref<64x64xf32, #tpu.memory_space<vmem>>)
    %dma_wait3A_475 = arith.constant 1 : i32
    %dma_wait3A_476 = arith.constant 2 : i32
    %dma_wait3A_477 = arith.constant 1 : i32
    %dma_wait3A_478 = arith.constant 2 : i32
    %dma_wait3A_479 = arith.constant 0 : i32
    %dma_wait3A_480 = arith.constant 0 : i32
    %dma_wait3A_481 = tpu.memref_slice %arg5[%dma_wait3A_476, %dma_wait3A_477, %dma_wait3A_479, %dma_wait3A_480] : memref<6x2x64x64xf32, #tpu.memory_space<vmem>> -> memref<1x1x64x64xf32, #tpu.memory_space<vmem>>
    %dma_wait3A_482 = tpu.memref_squeeze %dma_wait3A_481 : memref<1x1x64x64xf32, #tpu.memory_space<vmem>> -> memref<64x64xf32, #tpu.memory_space<vmem>>
    %dma_wait3A_483 = arith.constant 0 : i32
    %dma_wait3A_484 = arith.constant 0 : i32
    %dma_wait3A_485 = tpu.memref_slice %arg2[%select_n3A, %add3A_452, %dma_wait3A_475, %dma_wait3A_483, %dma_wait3A_484] : memref<8x96x2x64x64xf32, #tpu.memory_space<hbm>> -> memref<1x1x1x64x64xf32, #tpu.memory_space<hbm>>
    %dma_wait3A_486 = tpu.memref_squeeze %dma_wait3A_485 : memref<1x1x1x64x64xf32, #tpu.memory_space<hbm>> -> memref<64x64xf32, #tpu.memory_space<hbm>>
    %dma_wait3A_487 = tpu.memref_slice %arg6[%dma_wait3A_478] : memref<6x!tpu.dma_semaphore, #tpu.memory_space<semaphore_mem>> -> memref<1x!tpu.dma_semaphore, #tpu.memory_space<semaphore_mem>>
    %dma_wait3A_488 = tpu.memref_squeeze %dma_wait3A_487 : memref<1x!tpu.dma_semaphore, #tpu.memory_space<semaphore_mem>> -> memref<!tpu.dma_semaphore, #tpu.memory_space<semaphore_mem>>
    %dma_wait3A_489 = arith.constant 0 : i32
    %dma_wait3A_490 = arith.constant 0 : i32
    %dma_wait3A_491 = tpu.memref_slice %arg5[%dma_wait3A_476, %dma_wait3A_477, %dma_wait3A_489, %dma_wait3A_490] : memref<6x2x64x64xf32, #tpu.memory_space<vmem>> -> memref<1x1x64x64xf32, #tpu.memory_space<vmem>>
    %dma_wait3A_492 = tpu.memref_squeeze %dma_wait3A_491 : memref<1x1x64x64xf32, #tpu.memory_space<vmem>> -> memref<64x64xf32, #tpu.memory_space<vmem>>
    %dma_wait3A_493 = arith.constant 0 : i32
    %dma_wait3A_494 = arith.constant 0 : i32
    %dma_wait3A_495 = tpu.memref_slice %arg2[%select_n3A, %add3A_452, %dma_wait3A_475, %dma_wait3A_493, %dma_wait3A_494] : memref<8x96x2x64x64xf32, #tpu.memory_space<hbm>> -> memref<1x1x1x64x64xf32, #tpu.memory_space<hbm>>
    %dma_wait3A_496 = tpu.memref_squeeze %dma_wait3A_495 : memref<1x1x1x64x64xf32, #tpu.memory_space<hbm>> -> memref<64x64xf32, #tpu.memory_space<hbm>>
    tpu.wait_dma2 semaphore(%dma_wait3A_488 : memref<!tpu.dma_semaphore, #tpu.memory_space<semaphore_mem>>) src(%dma_wait3A_496 : memref<64x64xf32, #tpu.memory_space<hbm>>) dst(%dma_wait3A_492 : memref<64x64xf32, #tpu.memory_space<vmem>>)
    %add3A_497 = arith.constant 2 : i32
    %add3A_498 = arith.addi %mul3A_32, %add3A_497 : i32
    %mul3A_499 = arith.constant 2 : i32
    %mul3A_500 = arith.muli %mul3A_499, %add3A_498 : i32
    %dma_start3A_501 = arith.constant 2 : i32
    %dma_start3A_502 = arith.constant 2 : i32
    %dma_start3A_503 = arith.constant 0 : i32
    %dma_start3A_504 = arith.constant 0 : i32
    %dma_start3A_505 = arith.constant 0 : i32
    %dma_start3A_506 = tpu.memref_slice %arg5[%dma_start3A_501, %dma_start3A_503, %dma_start3A_504, %dma_start3A_505] : memref<6x2x64x64xf32, #tpu.memory_space<vmem>> -> memref<1x2x64x64xf32, #tpu.memory_space<vmem>>
    %dma_start3A_507 = tpu.memref_squeeze %dma_start3A_506 : memref<1x2x64x64xf32, #tpu.memory_space<vmem>> -> memref<2x64x64xf32, #tpu.memory_space<vmem>>
    %dma_start3A_508 = arith.constant 0 : i32
    %dma_start3A_509 = arith.constant 0 : i32
    %dma_start3A_510 = tpu.memref_slice %arg4[%select_n3A, %mul3A_500, %dma_start3A_508, %dma_start3A_509] : memref<8x192x64x64xf32, #tpu.memory_space<hbm>> -> memref<1x2x64x64xf32, #tpu.memory_space<hbm>>
    %dma_start3A_511 = tpu.memref_squeeze %dma_start3A_510 : memref<1x2x64x64xf32, #tpu.memory_space<hbm>> -> memref<2x64x64xf32, #tpu.memory_space<hbm>>
    %dma_start3A_512 = tpu.memref_slice %arg7[%dma_start3A_502] : memref<6x!tpu.dma_semaphore, #tpu.memory_space<semaphore_mem>> -> memref<1x!tpu.dma_semaphore, #tpu.memory_space<semaphore_mem>>
    %dma_start3A_513 = tpu.memref_squeeze %dma_start3A_512 : memref<1x!tpu.dma_semaphore, #tpu.memory_space<semaphore_mem>> -> memref<!tpu.dma_semaphore, #tpu.memory_space<semaphore_mem>>
    %dma_start3A_514 = arith.constant 0 : i32
    %dma_start3A_515 = arith.constant 0 : i32
    %dma_start3A_516 = tpu.memref_slice %arg4[%select_n3A, %mul3A_500, %dma_start3A_514, %dma_start3A_515] : memref<8x192x64x64xf32, #tpu.memory_space<hbm>> -> memref<1x2x64x64xf32, #tpu.memory_space<hbm>>
    %dma_start3A_517 = tpu.memref_squeeze %dma_start3A_516 : memref<1x2x64x64xf32, #tpu.memory_space<hbm>> -> memref<2x64x64xf32, #tpu.memory_space<hbm>>
    %dma_start3A_518 = arith.constant 0 : i32
    %dma_start3A_519 = arith.constant 0 : i32
    %dma_start3A_520 = arith.constant 0 : i32
    %dma_start3A_521 = tpu.memref_slice %arg5[%dma_start3A_501, %dma_start3A_518, %dma_start3A_519, %dma_start3A_520] : memref<6x2x64x64xf32, #tpu.memory_space<vmem>> -> memref<1x2x64x64xf32, #tpu.memory_space<vmem>>
    %dma_start3A_522 = tpu.memref_squeeze %dma_start3A_521 : memref<1x2x64x64xf32, #tpu.memory_space<vmem>> -> memref<2x64x64xf32, #tpu.memory_space<vmem>>
    tpu.enqueue_dma source(%dma_start3A_522 : memref<2x64x64xf32, #tpu.memory_space<vmem>>) target(%dma_start3A_517 : memref<2x64x64xf32, #tpu.memory_space<hbm>>) target_semaphore(%dma_start3A_513 : memref<!tpu.dma_semaphore, #tpu.memory_space<semaphore_mem>>)
    %add3A_523 = arith.constant 3 : i32
    %add3A_524 = arith.addi %mul3A_32, %add3A_523 : i32
    %dma_wait3A_525 = arith.constant 0 : i32
    %dma_wait3A_526 = arith.constant 3 : i32
    %dma_wait3A_527 = arith.constant 0 : i32
    %dma_wait3A_528 = arith.constant 3 : i32
    %dma_wait3A_529 = arith.constant 0 : i32
    %dma_wait3A_530 = arith.constant 0 : i32
    %dma_wait3A_531 = tpu.memref_slice %arg5[%dma_wait3A_526, %dma_wait3A_527, %dma_wait3A_529, %dma_wait3A_530] : memref<6x2x64x64xf32, #tpu.memory_space<vmem>> -> memref<1x1x64x64xf32, #tpu.memory_space<vmem>>
    %dma_wait3A_532 = tpu.memref_squeeze %dma_wait3A_531 : memref<1x1x64x64xf32, #tpu.memory_space<vmem>> -> memref<64x64xf32, #tpu.memory_space<vmem>>
    %dma_wait3A_533 = arith.constant 0 : i32
    %dma_wait3A_534 = arith.constant 0 : i32
    %dma_wait3A_535 = tpu.memref_slice %arg3[%select_n3A, %add3A_524, %dma_wait3A_525, %dma_wait3A_533, %dma_wait3A_534] : memref<8x96x2x64x64xf32, #tpu.memory_space<hbm>> -> memref<1x1x1x64x64xf32, #tpu.memory_space<hbm>>
    %dma_wait3A_536 = tpu.memref_squeeze %dma_wait3A_535 : memref<1x1x1x64x64xf32, #tpu.memory_space<hbm>> -> memref<64x64xf32, #tpu.memory_space<hbm>>
    %dma_wait3A_537 = tpu.memref_slice %arg6[%dma_wait3A_528] : memref<6x!tpu.dma_semaphore, #tpu.memory_space<semaphore_mem>> -> memref<1x!tpu.dma_semaphore, #tpu.memory_space<semaphore_mem>>
    %dma_wait3A_538 = tpu.memref_squeeze %dma_wait3A_537 : memref<1x!tpu.dma_semaphore, #tpu.memory_space<semaphore_mem>> -> memref<!tpu.dma_semaphore, #tpu.memory_space<semaphore_mem>>
    %dma_wait3A_539 = arith.constant 0 : i32
    %dma_wait3A_540 = arith.constant 0 : i32
    %dma_wait3A_541 = tpu.memref_slice %arg5[%dma_wait3A_526, %dma_wait3A_527, %dma_wait3A_539, %dma_wait3A_540] : memref<6x2x64x64xf32, #tpu.memory_space<vmem>> -> memref<1x1x64x64xf32, #tpu.memory_space<vmem>>
    %dma_wait3A_542 = tpu.memref_squeeze %dma_wait3A_541 : memref<1x1x64x64xf32, #tpu.memory_space<vmem>> -> memref<64x64xf32, #tpu.memory_space<vmem>>
    %dma_wait3A_543 = arith.constant 0 : i32
    %dma_wait3A_544 = arith.constant 0 : i32
    %dma_wait3A_545 = tpu.memref_slice %arg3[%select_n3A, %add3A_524, %dma_wait3A_525, %dma_wait3A_543, %dma_wait3A_544] : memref<8x96x2x64x64xf32, #tpu.memory_space<hbm>> -> memref<1x1x1x64x64xf32, #tpu.memory_space<hbm>>
    %dma_wait3A_546 = tpu.memref_squeeze %dma_wait3A_545 : memref<1x1x1x64x64xf32, #tpu.memory_space<hbm>> -> memref<64x64xf32, #tpu.memory_space<hbm>>
    tpu.wait_dma2 semaphore(%dma_wait3A_538 : memref<!tpu.dma_semaphore, #tpu.memory_space<semaphore_mem>>) src(%dma_wait3A_546 : memref<64x64xf32, #tpu.memory_space<hbm>>) dst(%dma_wait3A_542 : memref<64x64xf32, #tpu.memory_space<vmem>>)
    %dma_wait3A_547 = arith.constant 1 : i32
    %dma_wait3A_548 = arith.constant 3 : i32
    %dma_wait3A_549 = arith.constant 1 : i32
    %dma_wait3A_550 = arith.constant 3 : i32
    %dma_wait3A_551 = arith.constant 0 : i32
    %dma_wait3A_552 = arith.constant 0 : i32
    %dma_wait3A_553 = tpu.memref_slice %arg5[%dma_wait3A_548, %dma_wait3A_549, %dma_wait3A_551, %dma_wait3A_552] : memref<6x2x64x64xf32, #tpu.memory_space<vmem>> -> memref<1x1x64x64xf32, #tpu.memory_space<vmem>>
    %dma_wait3A_554 = tpu.memref_squeeze %dma_wait3A_553 : memref<1x1x64x64xf32, #tpu.memory_space<vmem>> -> memref<64x64xf32, #tpu.memory_space<vmem>>
    %dma_wait3A_555 = arith.constant 0 : i32
    %dma_wait3A_556 = arith.constant 0 : i32
    %dma_wait3A_557 = tpu.memref_slice %arg2[%select_n3A, %add3A_524, %dma_wait3A_547, %dma_wait3A_555, %dma_wait3A_556] : memref<8x96x2x64x64xf32, #tpu.memory_space<hbm>> -> memref<1x1x1x64x64xf32, #tpu.memory_space<hbm>>
    %dma_wait3A_558 = tpu.memref_squeeze %dma_wait3A_557 : memref<1x1x1x64x64xf32, #tpu.memory_space<hbm>> -> memref<64x64xf32, #tpu.memory_space<hbm>>
    %dma_wait3A_559 = tpu.memref_slice %arg6[%dma_wait3A_550] : memref<6x!tpu.dma_semaphore, #tpu.memory_space<semaphore_mem>> -> memref<1x!tpu.dma_semaphore, #tpu.memory_space<semaphore_mem>>
    %dma_wait3A_560 = tpu.memref_squeeze %dma_wait3A_559 : memref<1x!tpu.dma_semaphore, #tpu.memory_space<semaphore_mem>> -> memref<!tpu.dma_semaphore, #tpu.memory_space<semaphore_mem>>
    %dma_wait3A_561 = arith.constant 0 : i32
    %dma_wait3A_562 = arith.constant 0 : i32
    %dma_wait3A_563 = tpu.memref_slice %arg5[%dma_wait3A_548, %dma_wait3A_549, %dma_wait3A_561, %dma_wait3A_562] : memref<6x2x64x64xf32, #tpu.memory_space<vmem>> -> memref<1x1x64x64xf32, #tpu.memory_space<vmem>>
    %dma_wait3A_564 = tpu.memref_squeeze %dma_wait3A_563 : memref<1x1x64x64xf32, #tpu.memory_space<vmem>> -> memref<64x64xf32, #tpu.memory_space<vmem>>
    %dma_wait3A_565 = arith.constant 0 : i32
    %dma_wait3A_566 = arith.constant 0 : i32
    %dma_wait3A_567 = tpu.memref_slice %arg2[%select_n3A, %add3A_524, %dma_wait3A_547, %dma_wait3A_565, %dma_wait3A_566] : memref<8x96x2x64x64xf32, #tpu.memory_space<hbm>> -> memref<1x1x1x64x64xf32, #tpu.memory_space<hbm>>
    %dma_wait3A_568 = tpu.memref_squeeze %dma_wait3A_567 : memref<1x1x1x64x64xf32, #tpu.memory_space<hbm>> -> memref<64x64xf32, #tpu.memory_space<hbm>>
    tpu.wait_dma2 semaphore(%dma_wait3A_560 : memref<!tpu.dma_semaphore, #tpu.memory_space<semaphore_mem>>) src(%dma_wait3A_568 : memref<64x64xf32, #tpu.memory_space<hbm>>) dst(%dma_wait3A_564 : memref<64x64xf32, #tpu.memory_space<vmem>>)
    %add3A_569 = arith.constant 3 : i32
    %add3A_570 = arith.addi %mul3A_32, %add3A_569 : i32
    %mul3A_571 = arith.constant 2 : i32
    %mul3A_572 = arith.muli %mul3A_571, %add3A_570 : i32
    %dma_start3A_573 = arith.constant 3 : i32
    %dma_start3A_574 = arith.constant 3 : i32
    %dma_start3A_575 = arith.constant 0 : i32
    %dma_start3A_576 = arith.constant 0 : i32
    %dma_start3A_577 = arith.constant 0 : i32
    %dma_start3A_578 = tpu.memref_slice %arg5[%dma_start3A_573, %dma_start3A_575, %dma_start3A_576, %dma_start3A_577] : memref<6x2x64x64xf32, #tpu.memory_space<vmem>> -> memref<1x2x64x64xf32, #tpu.memory_space<vmem>>
    %dma_start3A_579 = tpu.memref_squeeze %dma_start3A_578 : memref<1x2x64x64xf32, #tpu.memory_space<vmem>> -> memref<2x64x64xf32, #tpu.memory_space<vmem>>
    %dma_start3A_580 = arith.constant 0 : i32
    %dma_start3A_581 = arith.constant 0 : i32
    %dma_start3A_582 = tpu.memref_slice %arg4[%select_n3A, %mul3A_572, %dma_start3A_580, %dma_start3A_581] : memref<8x192x64x64xf32, #tpu.memory_space<hbm>> -> memref<1x2x64x64xf32, #tpu.memory_space<hbm>>
    %dma_start3A_583 = tpu.memref_squeeze %dma_start3A_582 : memref<1x2x64x64xf32, #tpu.memory_space<hbm>> -> memref<2x64x64xf32, #tpu.memory_space<hbm>>
    %dma_start3A_584 = tpu.memref_slice %arg7[%dma_start3A_574] : memref<6x!tpu.dma_semaphore, #tpu.memory_space<semaphore_mem>> -> memref<1x!tpu.dma_semaphore, #tpu.memory_space<semaphore_mem>>
    %dma_start3A_585 = tpu.memref_squeeze %dma_start3A_584 : memref<1x!tpu.dma_semaphore, #tpu.memory_space<semaphore_mem>> -> memref<!tpu.dma_semaphore, #tpu.memory_space<semaphore_mem>>
    %dma_start3A_586 = arith.constant 0 : i32
    %dma_start3A_587 = arith.constant 0 : i32
    %dma_start3A_588 = tpu.memref_slice %arg4[%select_n3A, %mul3A_572, %dma_start3A_586, %dma_start3A_587] : memref<8x192x64x64xf32, #tpu.memory_space<hbm>> -> memref<1x2x64x64xf32, #tpu.memory_space<hbm>>
    %dma_start3A_589 = tpu.memref_squeeze %dma_start3A_588 : memref<1x2x64x64xf32, #tpu.memory_space<hbm>> -> memref<2x64x64xf32, #tpu.memory_space<hbm>>
    %dma_start3A_590 = arith.constant 0 : i32
    %dma_start3A_591 = arith.constant 0 : i32
    %dma_start3A_592 = arith.constant 0 : i32
    %dma_start3A_593 = tpu.memref_slice %arg5[%dma_start3A_573, %dma_start3A_590, %dma_start3A_591, %dma_start3A_592] : memref<6x2x64x64xf32, #tpu.memory_space<vmem>> -> memref<1x2x64x64xf32, #tpu.memory_space<vmem>>
    %dma_start3A_594 = tpu.memref_squeeze %dma_start3A_593 : memref<1x2x64x64xf32, #tpu.memory_space<vmem>> -> memref<2x64x64xf32, #tpu.memory_space<vmem>>
    tpu.enqueue_dma source(%dma_start3A_594 : memref<2x64x64xf32, #tpu.memory_space<vmem>>) target(%dma_start3A_589 : memref<2x64x64xf32, #tpu.memory_space<hbm>>) target_semaphore(%dma_start3A_585 : memref<!tpu.dma_semaphore, #tpu.memory_space<semaphore_mem>>)
    %add3A_595 = arith.constant 0 : i32
    %add3A_596 = arith.addi %mul3A_32, %add3A_595 : i32
    %mul3A_597 = arith.constant 2 : i32
    %mul3A_598 = arith.muli %mul3A_597, %add3A_596 : i32
    %dma_wait3A_599 = arith.constant 0 : i32
    %dma_wait3A_600 = arith.constant 0 : i32
    %dma_wait3A_601 = arith.constant 0 : i32
    %dma_wait3A_602 = arith.constant 0 : i32
    %dma_wait3A_603 = arith.constant 0 : i32
    %dma_wait3A_604 = tpu.memref_slice %arg5[%dma_wait3A_599, %dma_wait3A_601, %dma_wait3A_602, %dma_wait3A_603] : memref<6x2x64x64xf32, #tpu.memory_space<vmem>> -> memref<1x2x64x64xf32, #tpu.memory_space<vmem>>
    %dma_wait3A_605 = tpu.memref_squeeze %dma_wait3A_604 : memref<1x2x64x64xf32, #tpu.memory_space<vmem>> -> memref<2x64x64xf32, #tpu.memory_space<vmem>>
    %dma_wait3A_606 = arith.constant 0 : i32
    %dma_wait3A_607 = arith.constant 0 : i32
    %dma_wait3A_608 = tpu.memref_slice %arg4[%select_n3A, %mul3A_598, %dma_wait3A_606, %dma_wait3A_607] : memref<8x192x64x64xf32, #tpu.memory_space<hbm>> -> memref<1x2x64x64xf32, #tpu.memory_space<hbm>>
    %dma_wait3A_609 = tpu.memref_squeeze %dma_wait3A_608 : memref<1x2x64x64xf32, #tpu.memory_space<hbm>> -> memref<2x64x64xf32, #tpu.memory_space<hbm>>
    %dma_wait3A_610 = tpu.memref_slice %arg7[%dma_wait3A_600] : memref<6x!tpu.dma_semaphore, #tpu.memory_space<semaphore_mem>> -> memref<1x!tpu.dma_semaphore, #tpu.memory_space<semaphore_mem>>
    %dma_wait3A_611 = tpu.memref_squeeze %dma_wait3A_610 : memref<1x!tpu.dma_semaphore, #tpu.memory_space<semaphore_mem>> -> memref<!tpu.dma_semaphore, #tpu.memory_space<semaphore_mem>>
    %dma_wait3A_612 = arith.constant 0 : i32
    %dma_wait3A_613 = arith.constant 0 : i32
    %dma_wait3A_614 = tpu.memref_slice %arg4[%select_n3A, %mul3A_598, %dma_wait3A_612, %dma_wait3A_613] : memref<8x192x64x64xf32, #tpu.memory_space<hbm>> -> memref<1x2x64x64xf32, #tpu.memory_space<hbm>>
    %dma_wait3A_615 = tpu.memref_squeeze %dma_wait3A_614 : memref<1x2x64x64xf32, #tpu.memory_space<hbm>> -> memref<2x64x64xf32, #tpu.memory_space<hbm>>
    %dma_wait3A_616 = arith.constant 0 : i32
    %dma_wait3A_617 = arith.constant 0 : i32
    %dma_wait3A_618 = arith.constant 0 : i32
    %dma_wait3A_619 = tpu.memref_slice %arg5[%dma_wait3A_599, %dma_wait3A_616, %dma_wait3A_617, %dma_wait3A_618] : memref<6x2x64x64xf32, #tpu.memory_space<vmem>> -> memref<1x2x64x64xf32, #tpu.memory_space<vmem>>
    %dma_wait3A_620 = tpu.memref_squeeze %dma_wait3A_619 : memref<1x2x64x64xf32, #tpu.memory_space<vmem>> -> memref<2x64x64xf32, #tpu.memory_space<vmem>>
    tpu.wait_dma2 semaphore(%dma_wait3A_611 : memref<!tpu.dma_semaphore, #tpu.memory_space<semaphore_mem>>) src(%dma_wait3A_620 : memref<2x64x64xf32, #tpu.memory_space<vmem>>) dst(%dma_wait3A_615 : memref<2x64x64xf32, #tpu.memory_space<hbm>>)
    %add3A_621 = arith.constant 6 : i32
    %add3A_622 = arith.addi %mul3A_32, %add3A_621 : i32
    %dma_start3A_623 = arith.constant 0 : i32
    %dma_start3A_624 = arith.constant 0 : i32
    %dma_start3A_625 = arith.constant 0 : i32
    %dma_start3A_626 = arith.constant 0 : i32
    %dma_start3A_627 = arith.constant 0 : i32
    %dma_start3A_628 = arith.constant 0 : i32
    %dma_start3A_629 = tpu.memref_slice %arg5[%dma_start3A_624, %dma_start3A_625, %dma_start3A_627, %dma_start3A_628] : memref<6x2x64x64xf32, #tpu.memory_space<vmem>> -> memref<1x1x64x64xf32, #tpu.memory_space<vmem>>
    %dma_start3A_630 = tpu.memref_squeeze %dma_start3A_629 : memref<1x1x64x64xf32, #tpu.memory_space<vmem>> -> memref<64x64xf32, #tpu.memory_space<vmem>>
    %dma_start3A_631 = arith.constant 0 : i32
    %dma_start3A_632 = arith.constant 0 : i32
    %dma_start3A_633 = tpu.memref_slice %arg3[%select_n3A, %add3A_622, %dma_start3A_623, %dma_start3A_631, %dma_start3A_632] : memref<8x96x2x64x64xf32, #tpu.memory_space<hbm>> -> memref<1x1x1x64x64xf32, #tpu.memory_space<hbm>>
    %dma_start3A_634 = tpu.memref_squeeze %dma_start3A_633 : memref<1x1x1x64x64xf32, #tpu.memory_space<hbm>> -> memref<64x64xf32, #tpu.memory_space<hbm>>
    %dma_start3A_635 = tpu.memref_slice %arg6[%dma_start3A_626] : memref<6x!tpu.dma_semaphore, #tpu.memory_space<semaphore_mem>> -> memref<1x!tpu.dma_semaphore, #tpu.memory_space<semaphore_mem>>
    %dma_start3A_636 = tpu.memref_squeeze %dma_start3A_635 : memref<1x!tpu.dma_semaphore, #tpu.memory_space<semaphore_mem>> -> memref<!tpu.dma_semaphore, #tpu.memory_space<semaphore_mem>>
    %dma_start3A_637 = arith.constant 0 : i32
    %dma_start3A_638 = arith.constant 0 : i32
    %dma_start3A_639 = tpu.memref_slice %arg5[%dma_start3A_624, %dma_start3A_625, %dma_start3A_637, %dma_start3A_638] : memref<6x2x64x64xf32, #tpu.memory_space<vmem>> -> memref<1x1x64x64xf32, #tpu.memory_space<vmem>>
    %dma_start3A_640 = tpu.memref_squeeze %dma_start3A_639 : memref<1x1x64x64xf32, #tpu.memory_space<vmem>> -> memref<64x64xf32, #tpu.memory_space<vmem>>
    %dma_start3A_641 = arith.constant 0 : i32
    %dma_start3A_642 = arith.constant 0 : i32
    %dma_start3A_643 = tpu.memref_slice %arg3[%select_n3A, %add3A_622, %dma_start3A_623, %dma_start3A_641, %dma_start3A_642] : memref<8x96x2x64x64xf32, #tpu.memory_space<hbm>> -> memref<1x1x1x64x64xf32, #tpu.memory_space<hbm>>
    %dma_start3A_644 = tpu.memref_squeeze %dma_start3A_643 : memref<1x1x1x64x64xf32, #tpu.memory_space<hbm>> -> memref<64x64xf32, #tpu.memory_space<hbm>>
    tpu.enqueue_dma source(%dma_start3A_644 : memref<64x64xf32, #tpu.memory_space<hbm>>) target(%dma_start3A_640 : memref<64x64xf32, #tpu.memory_space<vmem>>) target_semaphore(%dma_start3A_636 : memref<!tpu.dma_semaphore, #tpu.memory_space<semaphore_mem>>)
    %dma_start3A_645 = arith.constant 1 : i32
    %dma_start3A_646 = arith.constant 0 : i32
    %dma_start3A_647 = arith.constant 1 : i32
    %dma_start3A_648 = arith.constant 0 : i32
    %dma_start3A_649 = arith.constant 0 : i32
    %dma_start3A_650 = arith.constant 0 : i32
    %dma_start3A_651 = tpu.memref_slice %arg5[%dma_start3A_646, %dma_start3A_647, %dma_start3A_649, %dma_start3A_650] : memref<6x2x64x64xf32, #tpu.memory_space<vmem>> -> memref<1x1x64x64xf32, #tpu.memory_space<vmem>>
    %dma_start3A_652 = tpu.memref_squeeze %dma_start3A_651 : memref<1x1x64x64xf32, #tpu.memory_space<vmem>> -> memref<64x64xf32, #tpu.memory_space<vmem>>
    %dma_start3A_653 = arith.constant 0 : i32
    %dma_start3A_654 = arith.constant 0 : i32
    %dma_start3A_655 = tpu.memref_slice %arg2[%select_n3A, %add3A_622, %dma_start3A_645, %dma_start3A_653, %dma_start3A_654] : memref<8x96x2x64x64xf32, #tpu.memory_space<hbm>> -> memref<1x1x1x64x64xf32, #tpu.memory_space<hbm>>
    %dma_start3A_656 = tpu.memref_squeeze %dma_start3A_655 : memref<1x1x1x64x64xf32, #tpu.memory_space<hbm>> -> memref<64x64xf32, #tpu.memory_space<hbm>>
    %dma_start3A_657 = tpu.memref_slice %arg6[%dma_start3A_648] : memref<6x!tpu.dma_semaphore, #tpu.memory_space<semaphore_mem>> -> memref<1x!tpu.dma_semaphore, #tpu.memory_space<semaphore_mem>>
    %dma_start3A_658 = tpu.memref_squeeze %dma_start3A_657 : memref<1x!tpu.dma_semaphore, #tpu.memory_space<semaphore_mem>> -> memref<!tpu.dma_semaphore, #tpu.memory_space<semaphore_mem>>
    %dma_start3A_659 = arith.constant 0 : i32
    %dma_start3A_660 = arith.constant 0 : i32
    %dma_start3A_661 = tpu.memref_slice %arg5[%dma_start3A_646, %dma_start3A_647, %dma_start3A_659, %dma_start3A_660] : memref<6x2x64x64xf32, #tpu.memory_space<vmem>> -> memref<1x1x64x64xf32, #tpu.memory_space<vmem>>
    %dma_start3A_662 = tpu.memref_squeeze %dma_start3A_661 : memref<1x1x64x64xf32, #tpu.memory_space<vmem>> -> memref<64x64xf32, #tpu.memory_space<vmem>>
    %dma_start3A_663 = arith.constant 0 : i32
    %dma_start3A_664 = arith.constant 0 : i32
    %dma_start3A_665 = tpu.memref_slice %arg2[%select_n3A, %add3A_622, %dma_start3A_645, %dma_start3A_663, %dma_start3A_664] : memref<8x96x2x64x64xf32, #tpu.memory_space<hbm>> -> memref<1x1x1x64x64xf32, #tpu.memory_space<hbm>>
    %dma_start3A_666 = tpu.memref_squeeze %dma_start3A_665 : memref<1x1x1x64x64xf32, #tpu.memory_space<hbm>> -> memref<64x64xf32, #tpu.memory_space<hbm>>
    tpu.enqueue_dma source(%dma_start3A_666 : memref<64x64xf32, #tpu.memory_space<hbm>>) target(%dma_start3A_662 : memref<64x64xf32, #tpu.memory_space<vmem>>) target_semaphore(%dma_start3A_658 : memref<!tpu.dma_semaphore, #tpu.memory_space<semaphore_mem>>)
    %add3A_667 = arith.constant 4 : i32
    %add3A_668 = arith.addi %mul3A_32, %add3A_667 : i32
    %dma_wait3A_669 = arith.constant 0 : i32
    %dma_wait3A_670 = arith.constant 4 : i32
    %dma_wait3A_671 = arith.constant 0 : i32
    %dma_wait3A_672 = arith.constant 4 : i32
    %dma_wait3A_673 = arith.constant 0 : i32
    %dma_wait3A_674 = arith.constant 0 : i32
    %dma_wait3A_675 = tpu.memref_slice %arg5[%dma_wait3A_670, %dma_wait3A_671, %dma_wait3A_673, %dma_wait3A_674] : memref<6x2x64x64xf32, #tpu.memory_space<vmem>> -> memref<1x1x64x64xf32, #tpu.memory_space<vmem>>
    %dma_wait3A_676 = tpu.memref_squeeze %dma_wait3A_675 : memref<1x1x64x64xf32, #tpu.memory_space<vmem>> -> memref<64x64xf32, #tpu.memory_space<vmem>>
    %dma_wait3A_677 = arith.constant 0 : i32
    %dma_wait3A_678 = arith.constant 0 : i32
    %dma_wait3A_679 = tpu.memref_slice %arg3[%select_n3A, %add3A_668, %dma_wait3A_669, %dma_wait3A_677, %dma_wait3A_678] : memref<8x96x2x64x64xf32, #tpu.memory_space<hbm>> -> memref<1x1x1x64x64xf32, #tpu.memory_space<hbm>>
    %dma_wait3A_680 = tpu.memref_squeeze %dma_wait3A_679 : memref<1x1x1x64x64xf32, #tpu.memory_space<hbm>> -> memref<64x64xf32, #tpu.memory_space<hbm>>
    %dma_wait3A_681 = tpu.memref_slice %arg6[%dma_wait3A_672] : memref<6x!tpu.dma_semaphore, #tpu.memory_space<semaphore_mem>> -> memref<1x!tpu.dma_semaphore, #tpu.memory_space<semaphore_mem>>
    %dma_wait3A_682 = tpu.memref_squeeze %dma_wait3A_681 : memref<1x!tpu.dma_semaphore, #tpu.memory_space<semaphore_mem>> -> memref<!tpu.dma_semaphore, #tpu.memory_space<semaphore_mem>>
    %dma_wait3A_683 = arith.constant 0 : i32
    %dma_wait3A_684 = arith.constant 0 : i32
    %dma_wait3A_685 = tpu.memref_slice %arg5[%dma_wait3A_670, %dma_wait3A_671, %dma_wait3A_683, %dma_wait3A_684] : memref<6x2x64x64xf32, #tpu.memory_space<vmem>> -> memref<1x1x64x64xf32, #tpu.memory_space<vmem>>
    %dma_wait3A_686 = tpu.memref_squeeze %dma_wait3A_685 : memref<1x1x64x64xf32, #tpu.memory_space<vmem>> -> memref<64x64xf32, #tpu.memory_space<vmem>>
    %dma_wait3A_687 = arith.constant 0 : i32
    %dma_wait3A_688 = arith.constant 0 : i32
    %dma_wait3A_689 = tpu.memref_slice %arg3[%select_n3A, %add3A_668, %dma_wait3A_669, %dma_wait3A_687, %dma_wait3A_688] : memref<8x96x2x64x64xf32, #tpu.memory_space<hbm>> -> memref<1x1x1x64x64xf32, #tpu.memory_space<hbm>>
    %dma_wait3A_690 = tpu.memref_squeeze %dma_wait3A_689 : memref<1x1x1x64x64xf32, #tpu.memory_space<hbm>> -> memref<64x64xf32, #tpu.memory_space<hbm>>
    tpu.wait_dma2 semaphore(%dma_wait3A_682 : memref<!tpu.dma_semaphore, #tpu.memory_space<semaphore_mem>>) src(%dma_wait3A_690 : memref<64x64xf32, #tpu.memory_space<hbm>>) dst(%dma_wait3A_686 : memref<64x64xf32, #tpu.memory_space<vmem>>)
    %dma_wait3A_691 = arith.constant 1 : i32
    %dma_wait3A_692 = arith.constant 4 : i32
    %dma_wait3A_693 = arith.constant 1 : i32
    %dma_wait3A_694 = arith.constant 4 : i32
    %dma_wait3A_695 = arith.constant 0 : i32
    %dma_wait3A_696 = arith.constant 0 : i32
    %dma_wait3A_697 = tpu.memref_slice %arg5[%dma_wait3A_692, %dma_wait3A_693, %dma_wait3A_695, %dma_wait3A_696] : memref<6x2x64x64xf32, #tpu.memory_space<vmem>> -> memref<1x1x64x64xf32, #tpu.memory_space<vmem>>
    %dma_wait3A_698 = tpu.memref_squeeze %dma_wait3A_697 : memref<1x1x64x64xf32, #tpu.memory_space<vmem>> -> memref<64x64xf32, #tpu.memory_space<vmem>>
    %dma_wait3A_699 = arith.constant 0 : i32
    %dma_wait3A_700 = arith.constant 0 : i32
    %dma_wait3A_701 = tpu.memref_slice %arg2[%select_n3A, %add3A_668, %dma_wait3A_691, %dma_wait3A_699, %dma_wait3A_700] : memref<8x96x2x64x64xf32, #tpu.memory_space<hbm>> -> memref<1x1x1x64x64xf32, #tpu.memory_space<hbm>>
    %dma_wait3A_702 = tpu.memref_squeeze %dma_wait3A_701 : memref<1x1x1x64x64xf32, #tpu.memory_space<hbm>> -> memref<64x64xf32, #tpu.memory_space<hbm>>
    %dma_wait3A_703 = tpu.memref_slice %arg6[%dma_wait3A_694] : memref<6x!tpu.dma_semaphore, #tpu.memory_space<semaphore_mem>> -> memref<1x!tpu.dma_semaphore, #tpu.memory_space<semaphore_mem>>
    %dma_wait3A_704 = tpu.memref_squeeze %dma_wait3A_703 : memref<1x!tpu.dma_semaphore, #tpu.memory_space<semaphore_mem>> -> memref<!tpu.dma_semaphore, #tpu.memory_space<semaphore_mem>>
    %dma_wait3A_705 = arith.constant 0 : i32
    %dma_wait3A_706 = arith.constant 0 : i32
    %dma_wait3A_707 = tpu.memref_slice %arg5[%dma_wait3A_692, %dma_wait3A_693, %dma_wait3A_705, %dma_wait3A_706] : memref<6x2x64x64xf32, #tpu.memory_space<vmem>> -> memref<1x1x64x64xf32, #tpu.memory_space<vmem>>
    %dma_wait3A_708 = tpu.memref_squeeze %dma_wait3A_707 : memref<1x1x64x64xf32, #tpu.memory_space<vmem>> -> memref<64x64xf32, #tpu.memory_space<vmem>>
    %dma_wait3A_709 = arith.constant 0 : i32
    %dma_wait3A_710 = arith.constant 0 : i32
    %dma_wait3A_711 = tpu.memref_slice %arg2[%select_n3A, %add3A_668, %dma_wait3A_691, %dma_wait3A_709, %dma_wait3A_710] : memref<8x96x2x64x64xf32, #tpu.memory_space<hbm>> -> memref<1x1x1x64x64xf32, #tpu.memory_space<hbm>>
    %dma_wait3A_712 = tpu.memref_squeeze %dma_wait3A_711 : memref<1x1x1x64x64xf32, #tpu.memory_space<hbm>> -> memref<64x64xf32, #tpu.memory_space<hbm>>
    tpu.wait_dma2 semaphore(%dma_wait3A_704 : memref<!tpu.dma_semaphore, #tpu.memory_space<semaphore_mem>>) src(%dma_wait3A_712 : memref<64x64xf32, #tpu.memory_space<hbm>>) dst(%dma_wait3A_708 : memref<64x64xf32, #tpu.memory_space<vmem>>)
    %add3A_713 = arith.constant 4 : i32
    %add3A_714 = arith.addi %mul3A_32, %add3A_713 : i32
    %mul3A_715 = arith.constant 2 : i32
    %mul3A_716 = arith.muli %mul3A_715, %add3A_714 : i32
    %dma_start3A_717 = arith.constant 4 : i32
    %dma_start3A_718 = arith.constant 4 : i32
    %dma_start3A_719 = arith.constant 0 : i32
    %dma_start3A_720 = arith.constant 0 : i32
    %dma_start3A_721 = arith.constant 0 : i32
    %dma_start3A_722 = tpu.memref_slice %arg5[%dma_start3A_717, %dma_start3A_719, %dma_start3A_720, %dma_start3A_721] : memref<6x2x64x64xf32, #tpu.memory_space<vmem>> -> memref<1x2x64x64xf32, #tpu.memory_space<vmem>>
    %dma_start3A_723 = tpu.memref_squeeze %dma_start3A_722 : memref<1x2x64x64xf32, #tpu.memory_space<vmem>> -> memref<2x64x64xf32, #tpu.memory_space<vmem>>
    %dma_start3A_724 = arith.constant 0 : i32
    %dma_start3A_725 = arith.constant 0 : i32
    %dma_start3A_726 = tpu.memref_slice %arg4[%select_n3A, %mul3A_716, %dma_start3A_724, %dma_start3A_725] : memref<8x192x64x64xf32, #tpu.memory_space<hbm>> -> memref<1x2x64x64xf32, #tpu.memory_space<hbm>>
    %dma_start3A_727 = tpu.memref_squeeze %dma_start3A_726 : memref<1x2x64x64xf32, #tpu.memory_space<hbm>> -> memref<2x64x64xf32, #tpu.memory_space<hbm>>
    %dma_start3A_728 = tpu.memref_slice %arg7[%dma_start3A_718] : memref<6x!tpu.dma_semaphore, #tpu.memory_space<semaphore_mem>> -> memref<1x!tpu.dma_semaphore, #tpu.memory_space<semaphore_mem>>
    %dma_start3A_729 = tpu.memref_squeeze %dma_start3A_728 : memref<1x!tpu.dma_semaphore, #tpu.memory_space<semaphore_mem>> -> memref<!tpu.dma_semaphore, #tpu.memory_space<semaphore_mem>>
    %dma_start3A_730 = arith.constant 0 : i32
    %dma_start3A_731 = arith.constant 0 : i32
    %dma_start3A_732 = tpu.memref_slice %arg4[%select_n3A, %mul3A_716, %dma_start3A_730, %dma_start3A_731] : memref<8x192x64x64xf32, #tpu.memory_space<hbm>> -> memref<1x2x64x64xf32, #tpu.memory_space<hbm>>
    %dma_start3A_733 = tpu.memref_squeeze %dma_start3A_732 : memref<1x2x64x64xf32, #tpu.memory_space<hbm>> -> memref<2x64x64xf32, #tpu.memory_space<hbm>>
    %dma_start3A_734 = arith.constant 0 : i32
    %dma_start3A_735 = arith.constant 0 : i32
    %dma_start3A_736 = arith.constant 0 : i32
    %dma_start3A_737 = tpu.memref_slice %arg5[%dma_start3A_717, %dma_start3A_734, %dma_start3A_735, %dma_start3A_736] : memref<6x2x64x64xf32, #tpu.memory_space<vmem>> -> memref<1x2x64x64xf32, #tpu.memory_space<vmem>>
    %dma_start3A_738 = tpu.memref_squeeze %dma_start3A_737 : memref<1x2x64x64xf32, #tpu.memory_space<vmem>> -> memref<2x64x64xf32, #tpu.memory_space<vmem>>
    tpu.enqueue_dma source(%dma_start3A_738 : memref<2x64x64xf32, #tpu.memory_space<vmem>>) target(%dma_start3A_733 : memref<2x64x64xf32, #tpu.memory_space<hbm>>) target_semaphore(%dma_start3A_729 : memref<!tpu.dma_semaphore, #tpu.memory_space<semaphore_mem>>)
    %add3A_739 = arith.constant 1 : i32
    %add3A_740 = arith.addi %mul3A_32, %add3A_739 : i32
    %mul3A_741 = arith.constant 2 : i32
    %mul3A_742 = arith.muli %mul3A_741, %add3A_740 : i32
    %dma_wait3A_743 = arith.constant 1 : i32
    %dma_wait3A_744 = arith.constant 1 : i32
    %dma_wait3A_745 = arith.constant 0 : i32
    %dma_wait3A_746 = arith.constant 0 : i32
    %dma_wait3A_747 = arith.constant 0 : i32
    %dma_wait3A_748 = tpu.memref_slice %arg5[%dma_wait3A_743, %dma_wait3A_745, %dma_wait3A_746, %dma_wait3A_747] : memref<6x2x64x64xf32, #tpu.memory_space<vmem>> -> memref<1x2x64x64xf32, #tpu.memory_space<vmem>>
    %dma_wait3A_749 = tpu.memref_squeeze %dma_wait3A_748 : memref<1x2x64x64xf32, #tpu.memory_space<vmem>> -> memref<2x64x64xf32, #tpu.memory_space<vmem>>
    %dma_wait3A_750 = arith.constant 0 : i32
    %dma_wait3A_751 = arith.constant 0 : i32
    %dma_wait3A_752 = tpu.memref_slice %arg4[%select_n3A, %mul3A_742, %dma_wait3A_750, %dma_wait3A_751] : memref<8x192x64x64xf32, #tpu.memory_space<hbm>> -> memref<1x2x64x64xf32, #tpu.memory_space<hbm>>
    %dma_wait3A_753 = tpu.memref_squeeze %dma_wait3A_752 : memref<1x2x64x64xf32, #tpu.memory_space<hbm>> -> memref<2x64x64xf32, #tpu.memory_space<hbm>>
    %dma_wait3A_754 = tpu.memref_slice %arg7[%dma_wait3A_744] : memref<6x!tpu.dma_semaphore, #tpu.memory_space<semaphore_mem>> -> memref<1x!tpu.dma_semaphore, #tpu.memory_space<semaphore_mem>>
    %dma_wait3A_755 = tpu.memref_squeeze %dma_wait3A_754 : memref<1x!tpu.dma_semaphore, #tpu.memory_space<semaphore_mem>> -> memref<!tpu.dma_semaphore, #tpu.memory_space<semaphore_mem>>
    %dma_wait3A_756 = arith.constant 0 : i32
    %dma_wait3A_757 = arith.constant 0 : i32
    %dma_wait3A_758 = tpu.memref_slice %arg4[%select_n3A, %mul3A_742, %dma_wait3A_756, %dma_wait3A_757] : memref<8x192x64x64xf32, #tpu.memory_space<hbm>> -> memref<1x2x64x64xf32, #tpu.memory_space<hbm>>
    %dma_wait3A_759 = tpu.memref_squeeze %dma_wait3A_758 : memref<1x2x64x64xf32, #tpu.memory_space<hbm>> -> memref<2x64x64xf32, #tpu.memory_space<hbm>>
    %dma_wait3A_760 = arith.constant 0 : i32
    %dma_wait3A_761 = arith.constant 0 : i32
    %dma_wait3A_762 = arith.constant 0 : i32
    %dma_wait3A_763 = tpu.memref_slice %arg5[%dma_wait3A_743, %dma_wait3A_760, %dma_wait3A_761, %dma_wait3A_762] : memref<6x2x64x64xf32, #tpu.memory_space<vmem>> -> memref<1x2x64x64xf32, #tpu.memory_space<vmem>>
    %dma_wait3A_764 = tpu.memref_squeeze %dma_wait3A_763 : memref<1x2x64x64xf32, #tpu.memory_space<vmem>> -> memref<2x64x64xf32, #tpu.memory_space<vmem>>
    tpu.wait_dma2 semaphore(%dma_wait3A_755 : memref<!tpu.dma_semaphore, #tpu.memory_space<semaphore_mem>>) src(%dma_wait3A_764 : memref<2x64x64xf32, #tpu.memory_space<vmem>>) dst(%dma_wait3A_759 : memref<2x64x64xf32, #tpu.memory_space<hbm>>)
    %add3A_765 = arith.constant 7 : i32
    %add3A_766 = arith.addi %mul3A_32, %add3A_765 : i32
    %dma_start3A_767 = arith.constant 0 : i32
    %dma_start3A_768 = arith.constant 1 : i32
    %dma_start3A_769 = arith.constant 0 : i32
    %dma_start3A_770 = arith.constant 1 : i32
    %dma_start3A_771 = arith.constant 0 : i32
    %dma_start3A_772 = arith.constant 0 : i32
    %dma_start3A_773 = tpu.memref_slice %arg5[%dma_start3A_768, %dma_start3A_769, %dma_start3A_771, %dma_start3A_772] : memref<6x2x64x64xf32, #tpu.memory_space<vmem>> -> memref<1x1x64x64xf32, #tpu.memory_space<vmem>>
    %dma_start3A_774 = tpu.memref_squeeze %dma_start3A_773 : memref<1x1x64x64xf32, #tpu.memory_space<vmem>> -> memref<64x64xf32, #tpu.memory_space<vmem>>
    %dma_start3A_775 = arith.constant 0 : i32
    %dma_start3A_776 = arith.constant 0 : i32
    %dma_start3A_777 = tpu.memref_slice %arg3[%select_n3A, %add3A_766, %dma_start3A_767, %dma_start3A_775, %dma_start3A_776] : memref<8x96x2x64x64xf32, #tpu.memory_space<hbm>> -> memref<1x1x1x64x64xf32, #tpu.memory_space<hbm>>
    %dma_start3A_778 = tpu.memref_squeeze %dma_start3A_777 : memref<1x1x1x64x64xf32, #tpu.memory_space<hbm>> -> memref<64x64xf32, #tpu.memory_space<hbm>>
    %dma_start3A_779 = tpu.memref_slice %arg6[%dma_start3A_770] : memref<6x!tpu.dma_semaphore, #tpu.memory_space<semaphore_mem>> -> memref<1x!tpu.dma_semaphore, #tpu.memory_space<semaphore_mem>>
    %dma_start3A_780 = tpu.memref_squeeze %dma_start3A_779 : memref<1x!tpu.dma_semaphore, #tpu.memory_space<semaphore_mem>> -> memref<!tpu.dma_semaphore, #tpu.memory_space<semaphore_mem>>
    %dma_start3A_781 = arith.constant 0 : i32
    %dma_start3A_782 = arith.constant 0 : i32
    %dma_start3A_783 = tpu.memref_slice %arg5[%dma_start3A_768, %dma_start3A_769, %dma_start3A_781, %dma_start3A_782] : memref<6x2x64x64xf32, #tpu.memory_space<vmem>> -> memref<1x1x64x64xf32, #tpu.memory_space<vmem>>
    %dma_start3A_784 = tpu.memref_squeeze %dma_start3A_783 : memref<1x1x64x64xf32, #tpu.memory_space<vmem>> -> memref<64x64xf32, #tpu.memory_space<vmem>>
    %dma_start3A_785 = arith.constant 0 : i32
    %dma_start3A_786 = arith.constant 0 : i32
    %dma_start3A_787 = tpu.memref_slice %arg3[%select_n3A, %add3A_766, %dma_start3A_767, %dma_start3A_785, %dma_start3A_786] : memref<8x96x2x64x64xf32, #tpu.memory_space<hbm>> -> memref<1x1x1x64x64xf32, #tpu.memory_space<hbm>>
    %dma_start3A_788 = tpu.memref_squeeze %dma_start3A_787 : memref<1x1x1x64x64xf32, #tpu.memory_space<hbm>> -> memref<64x64xf32, #tpu.memory_space<hbm>>
    tpu.enqueue_dma source(%dma_start3A_788 : memref<64x64xf32, #tpu.memory_space<hbm>>) target(%dma_start3A_784 : memref<64x64xf32, #tpu.memory_space<vmem>>) target_semaphore(%dma_start3A_780 : memref<!tpu.dma_semaphore, #tpu.memory_space<semaphore_mem>>)
    %dma_start3A_789 = arith.constant 1 : i32
    %dma_start3A_790 = arith.constant 1 : i32
    %dma_start3A_791 = arith.constant 1 : i32
    %dma_start3A_792 = arith.constant 1 : i32
    %dma_start3A_793 = arith.constant 0 : i32
    %dma_start3A_794 = arith.constant 0 : i32
    %dma_start3A_795 = tpu.memref_slice %arg5[%dma_start3A_790, %dma_start3A_791, %dma_start3A_793, %dma_start3A_794] : memref<6x2x64x64xf32, #tpu.memory_space<vmem>> -> memref<1x1x64x64xf32, #tpu.memory_space<vmem>>
    %dma_start3A_796 = tpu.memref_squeeze %dma_start3A_795 : memref<1x1x64x64xf32, #tpu.memory_space<vmem>> -> memref<64x64xf32, #tpu.memory_space<vmem>>
    %dma_start3A_797 = arith.constant 0 : i32
    %dma_start3A_798 = arith.constant 0 : i32
    %dma_start3A_799 = tpu.memref_slice %arg2[%select_n3A, %add3A_766, %dma_start3A_789, %dma_start3A_797, %dma_start3A_798] : memref<8x96x2x64x64xf32, #tpu.memory_space<hbm>> -> memref<1x1x1x64x64xf32, #tpu.memory_space<hbm>>
    %dma_start3A_800 = tpu.memref_squeeze %dma_start3A_799 : memref<1x1x1x64x64xf32, #tpu.memory_space<hbm>> -> memref<64x64xf32, #tpu.memory_space<hbm>>
    %dma_start3A_801 = tpu.memref_slice %arg6[%dma_start3A_792] : memref<6x!tpu.dma_semaphore, #tpu.memory_space<semaphore_mem>> -> memref<1x!tpu.dma_semaphore, #tpu.memory_space<semaphore_mem>>
    %dma_start3A_802 = tpu.memref_squeeze %dma_start3A_801 : memref<1x!tpu.dma_semaphore, #tpu.memory_space<semaphore_mem>> -> memref<!tpu.dma_semaphore, #tpu.memory_space<semaphore_mem>>
    %dma_start3A_803 = arith.constant 0 : i32
    %dma_start3A_804 = arith.constant 0 : i32
    %dma_start3A_805 = tpu.memref_slice %arg5[%dma_start3A_790, %dma_start3A_791, %dma_start3A_803, %dma_start3A_804] : memref<6x2x64x64xf32, #tpu.memory_space<vmem>> -> memref<1x1x64x64xf32, #tpu.memory_space<vmem>>
    %dma_start3A_806 = tpu.memref_squeeze %dma_start3A_805 : memref<1x1x64x64xf32, #tpu.memory_space<vmem>> -> memref<64x64xf32, #tpu.memory_space<vmem>>
    %dma_start3A_807 = arith.constant 0 : i32
    %dma_start3A_808 = arith.constant 0 : i32
    %dma_start3A_809 = tpu.memref_slice %arg2[%select_n3A, %add3A_766, %dma_start3A_789, %dma_start3A_807, %dma_start3A_808] : memref<8x96x2x64x64xf32, #tpu.memory_space<hbm>> -> memref<1x1x1x64x64xf32, #tpu.memory_space<hbm>>
    %dma_start3A_810 = tpu.memref_squeeze %dma_start3A_809 : memref<1x1x1x64x64xf32, #tpu.memory_space<hbm>> -> memref<64x64xf32, #tpu.memory_space<hbm>>
    tpu.enqueue_dma source(%dma_start3A_810 : memref<64x64xf32, #tpu.memory_space<hbm>>) target(%dma_start3A_806 : memref<64x64xf32, #tpu.memory_space<vmem>>) target_semaphore(%dma_start3A_802 : memref<!tpu.dma_semaphore, #tpu.memory_space<semaphore_mem>>)
    %add3A_811 = arith.constant 5 : i32
    %add3A_812 = arith.addi %mul3A_32, %add3A_811 : i32
    %dma_wait3A_813 = arith.constant 0 : i32
    %dma_wait3A_814 = arith.constant 5 : i32
    %dma_wait3A_815 = arith.constant 0 : i32
    %dma_wait3A_816 = arith.constant 5 : i32
    %dma_wait3A_817 = arith.constant 0 : i32
    %dma_wait3A_818 = arith.constant 0 : i32
    %dma_wait3A_819 = tpu.memref_slice %arg5[%dma_wait3A_814, %dma_wait3A_815, %dma_wait3A_817, %dma_wait3A_818] : memref<6x2x64x64xf32, #tpu.memory_space<vmem>> -> memref<1x1x64x64xf32, #tpu.memory_space<vmem>>
    %dma_wait3A_820 = tpu.memref_squeeze %dma_wait3A_819 : memref<1x1x64x64xf32, #tpu.memory_space<vmem>> -> memref<64x64xf32, #tpu.memory_space<vmem>>
    %dma_wait3A_821 = arith.constant 0 : i32
    %dma_wait3A_822 = arith.constant 0 : i32
    %dma_wait3A_823 = tpu.memref_slice %arg3[%select_n3A, %add3A_812, %dma_wait3A_813, %dma_wait3A_821, %dma_wait3A_822] : memref<8x96x2x64x64xf32, #tpu.memory_space<hbm>> -> memref<1x1x1x64x64xf32, #tpu.memory_space<hbm>>
    %dma_wait3A_824 = tpu.memref_squeeze %dma_wait3A_823 : memref<1x1x1x64x64xf32, #tpu.memory_space<hbm>> -> memref<64x64xf32, #tpu.memory_space<hbm>>
    %dma_wait3A_825 = tpu.memref_slice %arg6[%dma_wait3A_816] : memref<6x!tpu.dma_semaphore, #tpu.memory_space<semaphore_mem>> -> memref<1x!tpu.dma_semaphore, #tpu.memory_space<semaphore_mem>>
    %dma_wait3A_826 = tpu.memref_squeeze %dma_wait3A_825 : memref<1x!tpu.dma_semaphore, #tpu.memory_space<semaphore_mem>> -> memref<!tpu.dma_semaphore, #tpu.memory_space<semaphore_mem>>
    %dma_wait3A_827 = arith.constant 0 : i32
    %dma_wait3A_828 = arith.constant 0 : i32
    %dma_wait3A_829 = tpu.memref_slice %arg5[%dma_wait3A_814, %dma_wait3A_815, %dma_wait3A_827, %dma_wait3A_828] : memref<6x2x64x64xf32, #tpu.memory_space<vmem>> -> memref<1x1x64x64xf32, #tpu.memory_space<vmem>>
    %dma_wait3A_830 = tpu.memref_squeeze %dma_wait3A_829 : memref<1x1x64x64xf32, #tpu.memory_space<vmem>> -> memref<64x64xf32, #tpu.memory_space<vmem>>
    %dma_wait3A_831 = arith.constant 0 : i32
    %dma_wait3A_832 = arith.constant 0 : i32
    %dma_wait3A_833 = tpu.memref_slice %arg3[%select_n3A, %add3A_812, %dma_wait3A_813, %dma_wait3A_831, %dma_wait3A_832] : memref<8x96x2x64x64xf32, #tpu.memory_space<hbm>> -> memref<1x1x1x64x64xf32, #tpu.memory_space<hbm>>
    %dma_wait3A_834 = tpu.memref_squeeze %dma_wait3A_833 : memref<1x1x1x64x64xf32, #tpu.memory_space<hbm>> -> memref<64x64xf32, #tpu.memory_space<hbm>>
    tpu.wait_dma2 semaphore(%dma_wait3A_826 : memref<!tpu.dma_semaphore, #tpu.memory_space<semaphore_mem>>) src(%dma_wait3A_834 : memref<64x64xf32, #tpu.memory_space<hbm>>) dst(%dma_wait3A_830 : memref<64x64xf32, #tpu.memory_space<vmem>>)
    %dma_wait3A_835 = arith.constant 1 : i32
    %dma_wait3A_836 = arith.constant 5 : i32
    %dma_wait3A_837 = arith.constant 1 : i32
    %dma_wait3A_838 = arith.constant 5 : i32
    %dma_wait3A_839 = arith.constant 0 : i32
    %dma_wait3A_840 = arith.constant 0 : i32
    %dma_wait3A_841 = tpu.memref_slice %arg5[%dma_wait3A_836, %dma_wait3A_837, %dma_wait3A_839, %dma_wait3A_840] : memref<6x2x64x64xf32, #tpu.memory_space<vmem>> -> memref<1x1x64x64xf32, #tpu.memory_space<vmem>>
    %dma_wait3A_842 = tpu.memref_squeeze %dma_wait3A_841 : memref<1x1x64x64xf32, #tpu.memory_space<vmem>> -> memref<64x64xf32, #tpu.memory_space<vmem>>
    %dma_wait3A_843 = arith.constant 0 : i32
    %dma_wait3A_844 = arith.constant 0 : i32
    %dma_wait3A_845 = tpu.memref_slice %arg2[%select_n3A, %add3A_812, %dma_wait3A_835, %dma_wait3A_843, %dma_wait3A_844] : memref<8x96x2x64x64xf32, #tpu.memory_space<hbm>> -> memref<1x1x1x64x64xf32, #tpu.memory_space<hbm>>
    %dma_wait3A_846 = tpu.memref_squeeze %dma_wait3A_845 : memref<1x1x1x64x64xf32, #tpu.memory_space<hbm>> -> memref<64x64xf32, #tpu.memory_space<hbm>>
    %dma_wait3A_847 = tpu.memref_slice %arg6[%dma_wait3A_838] : memref<6x!tpu.dma_semaphore, #tpu.memory_space<semaphore_mem>> -> memref<1x!tpu.dma_semaphore, #tpu.memory_space<semaphore_mem>>
    %dma_wait3A_848 = tpu.memref_squeeze %dma_wait3A_847 : memref<1x!tpu.dma_semaphore, #tpu.memory_space<semaphore_mem>> -> memref<!tpu.dma_semaphore, #tpu.memory_space<semaphore_mem>>
    %dma_wait3A_849 = arith.constant 0 : i32
    %dma_wait3A_850 = arith.constant 0 : i32
    %dma_wait3A_851 = tpu.memref_slice %arg5[%dma_wait3A_836, %dma_wait3A_837, %dma_wait3A_849, %dma_wait3A_850] : memref<6x2x64x64xf32, #tpu.memory_space<vmem>> -> memref<1x1x64x64xf32, #tpu.memory_space<vmem>>
    %dma_wait3A_852 = tpu.memref_squeeze %dma_wait3A_851 : memref<1x1x64x64xf32, #tpu.memory_space<vmem>> -> memref<64x64xf32, #tpu.memory_space<vmem>>
    %dma_wait3A_853 = arith.constant 0 : i32
    %dma_wait3A_854 = arith.constant 0 : i32
    %dma_wait3A_855 = tpu.memref_slice %arg2[%select_n3A, %add3A_812, %dma_wait3A_835, %dma_wait3A_853, %dma_wait3A_854] : memref<8x96x2x64x64xf32, #tpu.memory_space<hbm>> -> memref<1x1x1x64x64xf32, #tpu.memory_space<hbm>>
    %dma_wait3A_856 = tpu.memref_squeeze %dma_wait3A_855 : memref<1x1x1x64x64xf32, #tpu.memory_space<hbm>> -> memref<64x64xf32, #tpu.memory_space<hbm>>
    tpu.wait_dma2 semaphore(%dma_wait3A_848 : memref<!tpu.dma_semaphore, #tpu.memory_space<semaphore_mem>>) src(%dma_wait3A_856 : memref<64x64xf32, #tpu.memory_space<hbm>>) dst(%dma_wait3A_852 : memref<64x64xf32, #tpu.memory_space<vmem>>)
    %add3A_857 = arith.constant 5 : i32
    %add3A_858 = arith.addi %mul3A_32, %add3A_857 : i32
    %mul3A_859 = arith.constant 2 : i32
    %mul3A_860 = arith.muli %mul3A_859, %add3A_858 : i32
    %dma_start3A_861 = arith.constant 5 : i32
    %dma_start3A_862 = arith.constant 5 : i32
    %dma_start3A_863 = arith.constant 0 : i32
    %dma_start3A_864 = arith.constant 0 : i32
    %dma_start3A_865 = arith.constant 0 : i32
    %dma_start3A_866 = tpu.memref_slice %arg5[%dma_start3A_861, %dma_start3A_863, %dma_start3A_864, %dma_start3A_865] : memref<6x2x64x64xf32, #tpu.memory_space<vmem>> -> memref<1x2x64x64xf32, #tpu.memory_space<vmem>>
    %dma_start3A_867 = tpu.memref_squeeze %dma_start3A_866 : memref<1x2x64x64xf32, #tpu.memory_space<vmem>> -> memref<2x64x64xf32, #tpu.memory_space<vmem>>
    %dma_start3A_868 = arith.constant 0 : i32
    %dma_start3A_869 = arith.constant 0 : i32
    %dma_start3A_870 = tpu.memref_slice %arg4[%select_n3A, %mul3A_860, %dma_start3A_868, %dma_start3A_869] : memref<8x192x64x64xf32, #tpu.memory_space<hbm>> -> memref<1x2x64x64xf32, #tpu.memory_space<hbm>>
    %dma_start3A_871 = tpu.memref_squeeze %dma_start3A_870 : memref<1x2x64x64xf32, #tpu.memory_space<hbm>> -> memref<2x64x64xf32, #tpu.memory_space<hbm>>
    %dma_start3A_872 = tpu.memref_slice %arg7[%dma_start3A_862] : memref<6x!tpu.dma_semaphore, #tpu.memory_space<semaphore_mem>> -> memref<1x!tpu.dma_semaphore, #tpu.memory_space<semaphore_mem>>
    %dma_start3A_873 = tpu.memref_squeeze %dma_start3A_872 : memref<1x!tpu.dma_semaphore, #tpu.memory_space<semaphore_mem>> -> memref<!tpu.dma_semaphore, #tpu.memory_space<semaphore_mem>>
    %dma_start3A_874 = arith.constant 0 : i32
    %dma_start3A_875 = arith.constant 0 : i32
    %dma_start3A_876 = tpu.memref_slice %arg4[%select_n3A, %mul3A_860, %dma_start3A_874, %dma_start3A_875] : memref<8x192x64x64xf32, #tpu.memory_space<hbm>> -> memref<1x2x64x64xf32, #tpu.memory_space<hbm>>
    %dma_start3A_877 = tpu.memref_squeeze %dma_start3A_876 : memref<1x2x64x64xf32, #tpu.memory_space<hbm>> -> memref<2x64x64xf32, #tpu.memory_space<hbm>>
    %dma_start3A_878 = arith.constant 0 : i32
    %dma_start3A_879 = arith.constant 0 : i32
    %dma_start3A_880 = arith.constant 0 : i32
    %dma_start3A_881 = tpu.memref_slice %arg5[%dma_start3A_861, %dma_start3A_878, %dma_start3A_879, %dma_start3A_880] : memref<6x2x64x64xf32, #tpu.memory_space<vmem>> -> memref<1x2x64x64xf32, #tpu.memory_space<vmem>>
    %dma_start3A_882 = tpu.memref_squeeze %dma_start3A_881 : memref<1x2x64x64xf32, #tpu.memory_space<vmem>> -> memref<2x64x64xf32, #tpu.memory_space<vmem>>
    tpu.enqueue_dma source(%dma_start3A_882 : memref<2x64x64xf32, #tpu.memory_space<vmem>>) target(%dma_start3A_877 : memref<2x64x64xf32, #tpu.memory_space<hbm>>) target_semaphore(%dma_start3A_873 : memref<!tpu.dma_semaphore, #tpu.memory_space<semaphore_mem>>)
    %add3A_883 = arith.constant 2 : i32
    %add3A_884 = arith.addi %mul3A_32, %add3A_883 : i32
    %mul3A_885 = arith.constant 2 : i32
    %mul3A_886 = arith.muli %mul3A_885, %add3A_884 : i32
    %dma_wait3A_887 = arith.constant 2 : i32
    %dma_wait3A_888 = arith.constant 2 : i32
    %dma_wait3A_889 = arith.constant 0 : i32
    %dma_wait3A_890 = arith.constant 0 : i32
    %dma_wait3A_891 = arith.constant 0 : i32
    %dma_wait3A_892 = tpu.memref_slice %arg5[%dma_wait3A_887, %dma_wait3A_889, %dma_wait3A_890, %dma_wait3A_891] : memref<6x2x64x64xf32, #tpu.memory_space<vmem>> -> memref<1x2x64x64xf32, #tpu.memory_space<vmem>>
    %dma_wait3A_893 = tpu.memref_squeeze %dma_wait3A_892 : memref<1x2x64x64xf32, #tpu.memory_space<vmem>> -> memref<2x64x64xf32, #tpu.memory_space<vmem>>
    %dma_wait3A_894 = arith.constant 0 : i32
    %dma_wait3A_895 = arith.constant 0 : i32
    %dma_wait3A_896 = tpu.memref_slice %arg4[%select_n3A, %mul3A_886, %dma_wait3A_894, %dma_wait3A_895] : memref<8x192x64x64xf32, #tpu.memory_space<hbm>> -> memref<1x2x64x64xf32, #tpu.memory_space<hbm>>
    %dma_wait3A_897 = tpu.memref_squeeze %dma_wait3A_896 : memref<1x2x64x64xf32, #tpu.memory_space<hbm>> -> memref<2x64x64xf32, #tpu.memory_space<hbm>>
    %dma_wait3A_898 = tpu.memref_slice %arg7[%dma_wait3A_888] : memref<6x!tpu.dma_semaphore, #tpu.memory_space<semaphore_mem>> -> memref<1x!tpu.dma_semaphore, #tpu.memory_space<semaphore_mem>>
    %dma_wait3A_899 = tpu.memref_squeeze %dma_wait3A_898 : memref<1x!tpu.dma_semaphore, #tpu.memory_space<semaphore_mem>> -> memref<!tpu.dma_semaphore, #tpu.memory_space<semaphore_mem>>
    %dma_wait3A_900 = arith.constant 0 : i32
    %dma_wait3A_901 = arith.constant 0 : i32
    %dma_wait3A_902 = tpu.memref_slice %arg4[%select_n3A, %mul3A_886, %dma_wait3A_900, %dma_wait3A_901] : memref<8x192x64x64xf32, #tpu.memory_space<hbm>> -> memref<1x2x64x64xf32, #tpu.memory_space<hbm>>
    %dma_wait3A_903 = tpu.memref_squeeze %dma_wait3A_902 : memref<1x2x64x64xf32, #tpu.memory_space<hbm>> -> memref<2x64x64xf32, #tpu.memory_space<hbm>>
    %dma_wait3A_904 = arith.constant 0 : i32
    %dma_wait3A_905 = arith.constant 0 : i32
    %dma_wait3A_906 = arith.constant 0 : i32
    %dma_wait3A_907 = tpu.memref_slice %arg5[%dma_wait3A_887, %dma_wait3A_904, %dma_wait3A_905, %dma_wait3A_906] : memref<6x2x64x64xf32, #tpu.memory_space<vmem>> -> memref<1x2x64x64xf32, #tpu.memory_space<vmem>>
    %dma_wait3A_908 = tpu.memref_squeeze %dma_wait3A_907 : memref<1x2x64x64xf32, #tpu.memory_space<vmem>> -> memref<2x64x64xf32, #tpu.memory_space<vmem>>
    tpu.wait_dma2 semaphore(%dma_wait3A_899 : memref<!tpu.dma_semaphore, #tpu.memory_space<semaphore_mem>>) src(%dma_wait3A_908 : memref<2x64x64xf32, #tpu.memory_space<vmem>>) dst(%dma_wait3A_903 : memref<2x64x64xf32, #tpu.memory_space<hbm>>)
    %add3A_909 = arith.constant 8 : i32
    %add3A_910 = arith.addi %mul3A_32, %add3A_909 : i32
    %dma_start3A_911 = arith.constant 0 : i32
    %dma_start3A_912 = arith.constant 2 : i32
    %dma_start3A_913 = arith.constant 0 : i32
    %dma_start3A_914 = arith.constant 2 : i32
    %dma_start3A_915 = arith.constant 0 : i32
    %dma_start3A_916 = arith.constant 0 : i32
    %dma_start3A_917 = tpu.memref_slice %arg5[%dma_start3A_912, %dma_start3A_913, %dma_start3A_915, %dma_start3A_916] : memref<6x2x64x64xf32, #tpu.memory_space<vmem>> -> memref<1x1x64x64xf32, #tpu.memory_space<vmem>>
    %dma_start3A_918 = tpu.memref_squeeze %dma_start3A_917 : memref<1x1x64x64xf32, #tpu.memory_space<vmem>> -> memref<64x64xf32, #tpu.memory_space<vmem>>
    %dma_start3A_919 = arith.constant 0 : i32
    %dma_start3A_920 = arith.constant 0 : i32
    %dma_start3A_921 = tpu.memref_slice %arg3[%select_n3A, %add3A_910, %dma_start3A_911, %dma_start3A_919, %dma_start3A_920] : memref<8x96x2x64x64xf32, #tpu.memory_space<hbm>> -> memref<1x1x1x64x64xf32, #tpu.memory_space<hbm>>
    %dma_start3A_922 = tpu.memref_squeeze %dma_start3A_921 : memref<1x1x1x64x64xf32, #tpu.memory_space<hbm>> -> memref<64x64xf32, #tpu.memory_space<hbm>>
    %dma_start3A_923 = tpu.memref_slice %arg6[%dma_start3A_914] : memref<6x!tpu.dma_semaphore, #tpu.memory_space<semaphore_mem>> -> memref<1x!tpu.dma_semaphore, #tpu.memory_space<semaphore_mem>>
    %dma_start3A_924 = tpu.memref_squeeze %dma_start3A_923 : memref<1x!tpu.dma_semaphore, #tpu.memory_space<semaphore_mem>> -> memref<!tpu.dma_semaphore, #tpu.memory_space<semaphore_mem>>
    %dma_start3A_925 = arith.constant 0 : i32
    %dma_start3A_926 = arith.constant 0 : i32
    %dma_start3A_927 = tpu.memref_slice %arg5[%dma_start3A_912, %dma_start3A_913, %dma_start3A_925, %dma_start3A_926] : memref<6x2x64x64xf32, #tpu.memory_space<vmem>> -> memref<1x1x64x64xf32, #tpu.memory_space<vmem>>
    %dma_start3A_928 = tpu.memref_squeeze %dma_start3A_927 : memref<1x1x64x64xf32, #tpu.memory_space<vmem>> -> memref<64x64xf32, #tpu.memory_space<vmem>>
    %dma_start3A_929 = arith.constant 0 : i32
    %dma_start3A_930 = arith.constant 0 : i32
    %dma_start3A_931 = tpu.memref_slice %arg3[%select_n3A, %add3A_910, %dma_start3A_911, %dma_start3A_929, %dma_start3A_930] : memref<8x96x2x64x64xf32, #tpu.memory_space<hbm>> -> memref<1x1x1x64x64xf32, #tpu.memory_space<hbm>>
    %dma_start3A_932 = tpu.memref_squeeze %dma_start3A_931 : memref<1x1x1x64x64xf32, #tpu.memory_space<hbm>> -> memref<64x64xf32, #tpu.memory_space<hbm>>
    tpu.enqueue_dma source(%dma_start3A_932 : memref<64x64xf32, #tpu.memory_space<hbm>>) target(%dma_start3A_928 : memref<64x64xf32, #tpu.memory_space<vmem>>) target_semaphore(%dma_start3A_924 : memref<!tpu.dma_semaphore, #tpu.memory_space<semaphore_mem>>)
    %dma_start3A_933 = arith.constant 1 : i32
    %dma_start3A_934 = arith.constant 2 : i32
    %dma_start3A_935 = arith.constant 1 : i32
    %dma_start3A_936 = arith.constant 2 : i32
    %dma_start3A_937 = arith.constant 0 : i32
    %dma_start3A_938 = arith.constant 0 : i32
    %dma_start3A_939 = tpu.memref_slice %arg5[%dma_start3A_934, %dma_start3A_935, %dma_start3A_937, %dma_start3A_938] : memref<6x2x64x64xf32, #tpu.memory_space<vmem>> -> memref<1x1x64x64xf32, #tpu.memory_space<vmem>>
    %dma_start3A_940 = tpu.memref_squeeze %dma_start3A_939 : memref<1x1x64x64xf32, #tpu.memory_space<vmem>> -> memref<64x64xf32, #tpu.memory_space<vmem>>
    %dma_start3A_941 = arith.constant 0 : i32
    %dma_start3A_942 = arith.constant 0 : i32
    %dma_start3A_943 = tpu.memref_slice %arg2[%select_n3A, %add3A_910, %dma_start3A_933, %dma_start3A_941, %dma_start3A_942] : memref<8x96x2x64x64xf32, #tpu.memory_space<hbm>> -> memref<1x1x1x64x64xf32, #tpu.memory_space<hbm>>
    %dma_start3A_944 = tpu.memref_squeeze %dma_start3A_943 : memref<1x1x1x64x64xf32, #tpu.memory_space<hbm>> -> memref<64x64xf32, #tpu.memory_space<hbm>>
    %dma_start3A_945 = tpu.memref_slice %arg6[%dma_start3A_936] : memref<6x!tpu.dma_semaphore, #tpu.memory_space<semaphore_mem>> -> memref<1x!tpu.dma_semaphore, #tpu.memory_space<semaphore_mem>>
    %dma_start3A_946 = tpu.memref_squeeze %dma_start3A_945 : memref<1x!tpu.dma_semaphore, #tpu.memory_space<semaphore_mem>> -> memref<!tpu.dma_semaphore, #tpu.memory_space<semaphore_mem>>
    %dma_start3A_947 = arith.constant 0 : i32
    %dma_start3A_948 = arith.constant 0 : i32
    %dma_start3A_949 = tpu.memref_slice %arg5[%dma_start3A_934, %dma_start3A_935, %dma_start3A_947, %dma_start3A_948] : memref<6x2x64x64xf32, #tpu.memory_space<vmem>> -> memref<1x1x64x64xf32, #tpu.memory_space<vmem>>
    %dma_start3A_950 = tpu.memref_squeeze %dma_start3A_949 : memref<1x1x64x64xf32, #tpu.memory_space<vmem>> -> memref<64x64xf32, #tpu.memory_space<vmem>>
    %dma_start3A_951 = arith.constant 0 : i32
    %dma_start3A_952 = arith.constant 0 : i32
    %dma_start3A_953 = tpu.memref_slice %arg2[%select_n3A, %add3A_910, %dma_start3A_933, %dma_start3A_951, %dma_start3A_952] : memref<8x96x2x64x64xf32, #tpu.memory_space<hbm>> -> memref<1x1x1x64x64xf32, #tpu.memory_space<hbm>>
    %dma_start3A_954 = tpu.memref_squeeze %dma_start3A_953 : memref<1x1x1x64x64xf32, #tpu.memory_space<hbm>> -> memref<64x64xf32, #tpu.memory_space<hbm>>
    tpu.enqueue_dma source(%dma_start3A_954 : memref<64x64xf32, #tpu.memory_space<hbm>>) target(%dma_start3A_950 : memref<64x64xf32, #tpu.memory_space<vmem>>) target_semaphore(%dma_start3A_946 : memref<!tpu.dma_semaphore, #tpu.memory_space<semaphore_mem>>)
    %add3A_955 = arith.constant 6 : i32
    %add3A_956 = arith.addi %mul3A_32, %add3A_955 : i32
    %dma_wait3A_957 = arith.constant 0 : i32
    %dma_wait3A_958 = arith.constant 0 : i32
    %dma_wait3A_959 = arith.constant 0 : i32
    %dma_wait3A_960 = arith.constant 0 : i32
    %dma_wait3A_961 = arith.constant 0 : i32
    %dma_wait3A_962 = arith.constant 0 : i32
    %dma_wait3A_963 = tpu.memref_slice %arg5[%dma_wait3A_958, %dma_wait3A_959, %dma_wait3A_961, %dma_wait3A_962] : memref<6x2x64x64xf32, #tpu.memory_space<vmem>> -> memref<1x1x64x64xf32, #tpu.memory_space<vmem>>
    %dma_wait3A_964 = tpu.memref_squeeze %dma_wait3A_963 : memref<1x1x64x64xf32, #tpu.memory_space<vmem>> -> memref<64x64xf32, #tpu.memory_space<vmem>>
    %dma_wait3A_965 = arith.constant 0 : i32
    %dma_wait3A_966 = arith.constant 0 : i32
    %dma_wait3A_967 = tpu.memref_slice %arg3[%select_n3A, %add3A_956, %dma_wait3A_957, %dma_wait3A_965, %dma_wait3A_966] : memref<8x96x2x64x64xf32, #tpu.memory_space<hbm>> -> memref<1x1x1x64x64xf32, #tpu.memory_space<hbm>>
    %dma_wait3A_968 = tpu.memref_squeeze %dma_wait3A_967 : memref<1x1x1x64x64xf32, #tpu.memory_space<hbm>> -> memref<64x64xf32, #tpu.memory_space<hbm>>
    %dma_wait3A_969 = tpu.memref_slice %arg6[%dma_wait3A_960] : memref<6x!tpu.dma_semaphore, #tpu.memory_space<semaphore_mem>> -> memref<1x!tpu.dma_semaphore, #tpu.memory_space<semaphore_mem>>
    %dma_wait3A_970 = tpu.memref_squeeze %dma_wait3A_969 : memref<1x!tpu.dma_semaphore, #tpu.memory_space<semaphore_mem>> -> memref<!tpu.dma_semaphore, #tpu.memory_space<semaphore_mem>>
    %dma_wait3A_971 = arith.constant 0 : i32
    %dma_wait3A_972 = arith.constant 0 : i32
    %dma_wait3A_973 = tpu.memref_slice %arg5[%dma_wait3A_958, %dma_wait3A_959, %dma_wait3A_971, %dma_wait3A_972] : memref<6x2x64x64xf32, #tpu.memory_space<vmem>> -> memref<1x1x64x64xf32, #tpu.memory_space<vmem>>
    %dma_wait3A_974 = tpu.memref_squeeze %dma_wait3A_973 : memref<1x1x64x64xf32, #tpu.memory_space<vmem>> -> memref<64x64xf32, #tpu.memory_space<vmem>>
    %dma_wait3A_975 = arith.constant 0 : i32
    %dma_wait3A_976 = arith.constant 0 : i32
    %dma_wait3A_977 = tpu.memref_slice %arg3[%select_n3A, %add3A_956, %dma_wait3A_957, %dma_wait3A_975, %dma_wait3A_976] : memref<8x96x2x64x64xf32, #tpu.memory_space<hbm>> -> memref<1x1x1x64x64xf32, #tpu.memory_space<hbm>>
    %dma_wait3A_978 = tpu.memref_squeeze %dma_wait3A_977 : memref<1x1x1x64x64xf32, #tpu.memory_space<hbm>> -> memref<64x64xf32, #tpu.memory_space<hbm>>
    tpu.wait_dma2 semaphore(%dma_wait3A_970 : memref<!tpu.dma_semaphore, #tpu.memory_space<semaphore_mem>>) src(%dma_wait3A_978 : memref<64x64xf32, #tpu.memory_space<hbm>>) dst(%dma_wait3A_974 : memref<64x64xf32, #tpu.memory_space<vmem>>)
    %dma_wait3A_979 = arith.constant 1 : i32
    %dma_wait3A_980 = arith.constant 0 : i32
    %dma_wait3A_981 = arith.constant 1 : i32
    %dma_wait3A_982 = arith.constant 0 : i32
    %dma_wait3A_983 = arith.constant 0 : i32
    %dma_wait3A_984 = arith.constant 0 : i32
    %dma_wait3A_985 = tpu.memref_slice %arg5[%dma_wait3A_980, %dma_wait3A_981, %dma_wait3A_983, %dma_wait3A_984] : memref<6x2x64x64xf32, #tpu.memory_space<vmem>> -> memref<1x1x64x64xf32, #tpu.memory_space<vmem>>
    %dma_wait3A_986 = tpu.memref_squeeze %dma_wait3A_985 : memref<1x1x64x64xf32, #tpu.memory_space<vmem>> -> memref<64x64xf32, #tpu.memory_space<vmem>>
    %dma_wait3A_987 = arith.constant 0 : i32
    %dma_wait3A_988 = arith.constant 0 : i32
    %dma_wait3A_989 = tpu.memref_slice %arg2[%select_n3A, %add3A_956, %dma_wait3A_979, %dma_wait3A_987, %dma_wait3A_988] : memref<8x96x2x64x64xf32, #tpu.memory_space<hbm>> -> memref<1x1x1x64x64xf32, #tpu.memory_space<hbm>>
    %dma_wait3A_990 = tpu.memref_squeeze %dma_wait3A_989 : memref<1x1x1x64x64xf32, #tpu.memory_space<hbm>> -> memref<64x64xf32, #tpu.memory_space<hbm>>
    %dma_wait3A_991 = tpu.memref_slice %arg6[%dma_wait3A_982] : memref<6x!tpu.dma_semaphore, #tpu.memory_space<semaphore_mem>> -> memref<1x!tpu.dma_semaphore, #tpu.memory_space<semaphore_mem>>
    %dma_wait3A_992 = tpu.memref_squeeze %dma_wait3A_991 : memref<1x!tpu.dma_semaphore, #tpu.memory_space<semaphore_mem>> -> memref<!tpu.dma_semaphore, #tpu.memory_space<semaphore_mem>>
    %dma_wait3A_993 = arith.constant 0 : i32
    %dma_wait3A_994 = arith.constant 0 : i32
    %dma_wait3A_995 = tpu.memref_slice %arg5[%dma_wait3A_980, %dma_wait3A_981, %dma_wait3A_993, %dma_wait3A_994] : memref<6x2x64x64xf32, #tpu.memory_space<vmem>> -> memref<1x1x64x64xf32, #tpu.memory_space<vmem>>
    %dma_wait3A_996 = tpu.memref_squeeze %dma_wait3A_995 : memref<1x1x64x64xf32, #tpu.memory_space<vmem>> -> memref<64x64xf32, #tpu.memory_space<vmem>>
    %dma_wait3A_997 = arith.constant 0 : i32
    %dma_wait3A_998 = arith.constant 0 : i32
    %dma_wait3A_999 = tpu.memref_slice %arg2[%select_n3A, %add3A_956, %dma_wait3A_979, %dma_wait3A_997, %dma_wait3A_998] : memref<8x96x2x64x64xf32, #tpu.memory_space<hbm>> -> memref<1x1x1x64x64xf32, #tpu.memory_space<hbm>>
    %dma_wait3A_1000 = tpu.memref_squeeze %dma_wait3A_999 : memref<1x1x1x64x64xf32, #tpu.memory_space<hbm>> -> memref<64x64xf32, #tpu.memory_space<hbm>>
    tpu.wait_dma2 semaphore(%dma_wait3A_992 : memref<!tpu.dma_semaphore, #tpu.memory_space<semaphore_mem>>) src(%dma_wait3A_1000 : memref<64x64xf32, #tpu.memory_space<hbm>>) dst(%dma_wait3A_996 : memref<64x64xf32, #tpu.memory_space<vmem>>)
    %add3A_1001 = arith.constant 6 : i32
    %add3A_1002 = arith.addi %mul3A_32, %add3A_1001 : i32
    %mul3A_1003 = arith.constant 2 : i32
    %mul3A_1004 = arith.muli %mul3A_1003, %add3A_1002 : i32
    %dma_start3A_1005 = arith.constant 0 : i32
    %dma_start3A_1006 = arith.constant 0 : i32
    %dma_start3A_1007 = arith.constant 0 : i32
    %dma_start3A_1008 = arith.constant 0 : i32
    %dma_start3A_1009 = arith.constant 0 : i32
    %dma_start3A_1010 = tpu.memref_slice %arg5[%dma_start3A_1005, %dma_start3A_1007, %dma_start3A_1008, %dma_start3A_1009] : memref<6x2x64x64xf32, #tpu.memory_space<vmem>> -> memref<1x2x64x64xf32, #tpu.memory_space<vmem>>
    %dma_start3A_1011 = tpu.memref_squeeze %dma_start3A_1010 : memref<1x2x64x64xf32, #tpu.memory_space<vmem>> -> memref<2x64x64xf32, #tpu.memory_space<vmem>>
    %dma_start3A_1012 = arith.constant 0 : i32
    %dma_start3A_1013 = arith.constant 0 : i32
    %dma_start3A_1014 = tpu.memref_slice %arg4[%select_n3A, %mul3A_1004, %dma_start3A_1012, %dma_start3A_1013] : memref<8x192x64x64xf32, #tpu.memory_space<hbm>> -> memref<1x2x64x64xf32, #tpu.memory_space<hbm>>
    %dma_start3A_1015 = tpu.memref_squeeze %dma_start3A_1014 : memref<1x2x64x64xf32, #tpu.memory_space<hbm>> -> memref<2x64x64xf32, #tpu.memory_space<hbm>>
    %dma_start3A_1016 = tpu.memref_slice %arg7[%dma_start3A_1006] : memref<6x!tpu.dma_semaphore, #tpu.memory_space<semaphore_mem>> -> memref<1x!tpu.dma_semaphore, #tpu.memory_space<semaphore_mem>>
    %dma_start3A_1017 = tpu.memref_squeeze %dma_start3A_1016 : memref<1x!tpu.dma_semaphore, #tpu.memory_space<semaphore_mem>> -> memref<!tpu.dma_semaphore, #tpu.memory_space<semaphore_mem>>
    %dma_start3A_1018 = arith.constant 0 : i32
    %dma_start3A_1019 = arith.constant 0 : i32
    %dma_start3A_1020 = tpu.memref_slice %arg4[%select_n3A, %mul3A_1004, %dma_start3A_1018, %dma_start3A_1019] : memref<8x192x64x64xf32, #tpu.memory_space<hbm>> -> memref<1x2x64x64xf32, #tpu.memory_space<hbm>>
    %dma_start3A_1021 = tpu.memref_squeeze %dma_start3A_1020 : memref<1x2x64x64xf32, #tpu.memory_space<hbm>> -> memref<2x64x64xf32, #tpu.memory_space<hbm>>
    %dma_start3A_1022 = arith.constant 0 : i32
    %dma_start3A_1023 = arith.constant 0 : i32
    %dma_start3A_1024 = arith.constant 0 : i32
    %dma_start3A_1025 = tpu.memref_slice %arg5[%dma_start3A_1005, %dma_start3A_1022, %dma_start3A_1023, %dma_start3A_1024] : memref<6x2x64x64xf32, #tpu.memory_space<vmem>> -> memref<1x2x64x64xf32, #tpu.memory_space<vmem>>
    %dma_start3A_1026 = tpu.memref_squeeze %dma_start3A_1025 : memref<1x2x64x64xf32, #tpu.memory_space<vmem>> -> memref<2x64x64xf32, #tpu.memory_space<vmem>>
    tpu.enqueue_dma source(%dma_start3A_1026 : memref<2x64x64xf32, #tpu.memory_space<vmem>>) target(%dma_start3A_1021 : memref<2x64x64xf32, #tpu.memory_space<hbm>>) target_semaphore(%dma_start3A_1017 : memref<!tpu.dma_semaphore, #tpu.memory_space<semaphore_mem>>)
    %add3A_1027 = arith.constant 3 : i32
    %add3A_1028 = arith.addi %mul3A_32, %add3A_1027 : i32
    %mul3A_1029 = arith.constant 2 : i32
    %mul3A_1030 = arith.muli %mul3A_1029, %add3A_1028 : i32
    %dma_wait3A_1031 = arith.constant 3 : i32
    %dma_wait3A_1032 = arith.constant 3 : i32
    %dma_wait3A_1033 = arith.constant 0 : i32
    %dma_wait3A_1034 = arith.constant 0 : i32
    %dma_wait3A_1035 = arith.constant 0 : i32
    %dma_wait3A_1036 = tpu.memref_slice %arg5[%dma_wait3A_1031, %dma_wait3A_1033, %dma_wait3A_1034, %dma_wait3A_1035] : memref<6x2x64x64xf32, #tpu.memory_space<vmem>> -> memref<1x2x64x64xf32, #tpu.memory_space<vmem>>
    %dma_wait3A_1037 = tpu.memref_squeeze %dma_wait3A_1036 : memref<1x2x64x64xf32, #tpu.memory_space<vmem>> -> memref<2x64x64xf32, #tpu.memory_space<vmem>>
    %dma_wait3A_1038 = arith.constant 0 : i32
    %dma_wait3A_1039 = arith.constant 0 : i32
    %dma_wait3A_1040 = tpu.memref_slice %arg4[%select_n3A, %mul3A_1030, %dma_wait3A_1038, %dma_wait3A_1039] : memref<8x192x64x64xf32, #tpu.memory_space<hbm>> -> memref<1x2x64x64xf32, #tpu.memory_space<hbm>>
    %dma_wait3A_1041 = tpu.memref_squeeze %dma_wait3A_1040 : memref<1x2x64x64xf32, #tpu.memory_space<hbm>> -> memref<2x64x64xf32, #tpu.memory_space<hbm>>
    %dma_wait3A_1042 = tpu.memref_slice %arg7[%dma_wait3A_1032] : memref<6x!tpu.dma_semaphore, #tpu.memory_space<semaphore_mem>> -> memref<1x!tpu.dma_semaphore, #tpu.memory_space<semaphore_mem>>
    %dma_wait3A_1043 = tpu.memref_squeeze %dma_wait3A_1042 : memref<1x!tpu.dma_semaphore, #tpu.memory_space<semaphore_mem>> -> memref<!tpu.dma_semaphore, #tpu.memory_space<semaphore_mem>>
    %dma_wait3A_1044 = arith.constant 0 : i32
    %dma_wait3A_1045 = arith.constant 0 : i32
    %dma_wait3A_1046 = tpu.memref_slice %arg4[%select_n3A, %mul3A_1030, %dma_wait3A_1044, %dma_wait3A_1045] : memref<8x192x64x64xf32, #tpu.memory_space<hbm>> -> memref<1x2x64x64xf32, #tpu.memory_space<hbm>>
    %dma_wait3A_1047 = tpu.memref_squeeze %dma_wait3A_1046 : memref<1x2x64x64xf32, #tpu.memory_space<hbm>> -> memref<2x64x64xf32, #tpu.memory_space<hbm>>
    %dma_wait3A_1048 = arith.constant 0 : i32
    %dma_wait3A_1049 = arith.constant 0 : i32
    %dma_wait3A_1050 = arith.constant 0 : i32
    %dma_wait3A_1051 = tpu.memref_slice %arg5[%dma_wait3A_1031, %dma_wait3A_1048, %dma_wait3A_1049, %dma_wait3A_1050] : memref<6x2x64x64xf32, #tpu.memory_space<vmem>> -> memref<1x2x64x64xf32, #tpu.memory_space<vmem>>
    %dma_wait3A_1052 = tpu.memref_squeeze %dma_wait3A_1051 : memref<1x2x64x64xf32, #tpu.memory_space<vmem>> -> memref<2x64x64xf32, #tpu.memory_space<vmem>>
    tpu.wait_dma2 semaphore(%dma_wait3A_1043 : memref<!tpu.dma_semaphore, #tpu.memory_space<semaphore_mem>>) src(%dma_wait3A_1052 : memref<2x64x64xf32, #tpu.memory_space<vmem>>) dst(%dma_wait3A_1047 : memref<2x64x64xf32, #tpu.memory_space<hbm>>)
    %add3A_1053 = arith.constant 9 : i32
    %add3A_1054 = arith.addi %mul3A_32, %add3A_1053 : i32
    %dma_start3A_1055 = arith.constant 0 : i32
    %dma_start3A_1056 = arith.constant 3 : i32
    %dma_start3A_1057 = arith.constant 0 : i32
    %dma_start3A_1058 = arith.constant 3 : i32
    %dma_start3A_1059 = arith.constant 0 : i32
    %dma_start3A_1060 = arith.constant 0 : i32
    %dma_start3A_1061 = tpu.memref_slice %arg5[%dma_start3A_1056, %dma_start3A_1057, %dma_start3A_1059, %dma_start3A_1060] : memref<6x2x64x64xf32, #tpu.memory_space<vmem>> -> memref<1x1x64x64xf32, #tpu.memory_space<vmem>>
    %dma_start3A_1062 = tpu.memref_squeeze %dma_start3A_1061 : memref<1x1x64x64xf32, #tpu.memory_space<vmem>> -> memref<64x64xf32, #tpu.memory_space<vmem>>
    %dma_start3A_1063 = arith.constant 0 : i32
    %dma_start3A_1064 = arith.constant 0 : i32
    %dma_start3A_1065 = tpu.memref_slice %arg3[%select_n3A, %add3A_1054, %dma_start3A_1055, %dma_start3A_1063, %dma_start3A_1064] : memref<8x96x2x64x64xf32, #tpu.memory_space<hbm>> -> memref<1x1x1x64x64xf32, #tpu.memory_space<hbm>>
    %dma_start3A_1066 = tpu.memref_squeeze %dma_start3A_1065 : memref<1x1x1x64x64xf32, #tpu.memory_space<hbm>> -> memref<64x64xf32, #tpu.memory_space<hbm>>
    %dma_start3A_1067 = tpu.memref_slice %arg6[%dma_start3A_1058] : memref<6x!tpu.dma_semaphore, #tpu.memory_space<semaphore_mem>> -> memref<1x!tpu.dma_semaphore, #tpu.memory_space<semaphore_mem>>
    %dma_start3A_1068 = tpu.memref_squeeze %dma_start3A_1067 : memref<1x!tpu.dma_semaphore, #tpu.memory_space<semaphore_mem>> -> memref<!tpu.dma_semaphore, #tpu.memory_space<semaphore_mem>>
    %dma_start3A_1069 = arith.constant 0 : i32
    %dma_start3A_1070 = arith.constant 0 : i32
    %dma_start3A_1071 = tpu.memref_slice %arg5[%dma_start3A_1056, %dma_start3A_1057, %dma_start3A_1069, %dma_start3A_1070] : memref<6x2x64x64xf32, #tpu.memory_space<vmem>> -> memref<1x1x64x64xf32, #tpu.memory_space<vmem>>
    %dma_start3A_1072 = tpu.memref_squeeze %dma_start3A_1071 : memref<1x1x64x64xf32, #tpu.memory_space<vmem>> -> memref<64x64xf32, #tpu.memory_space<vmem>>
    %dma_start3A_1073 = arith.constant 0 : i32
    %dma_start3A_1074 = arith.constant 0 : i32
    %dma_start3A_1075 = tpu.memref_slice %arg3[%select_n3A, %add3A_1054, %dma_start3A_1055, %dma_start3A_1073, %dma_start3A_1074] : memref<8x96x2x64x64xf32, #tpu.memory_space<hbm>> -> memref<1x1x1x64x64xf32, #tpu.memory_space<hbm>>
    %dma_start3A_1076 = tpu.memref_squeeze %dma_start3A_1075 : memref<1x1x1x64x64xf32, #tpu.memory_space<hbm>> -> memref<64x64xf32, #tpu.memory_space<hbm>>
    tpu.enqueue_dma source(%dma_start3A_1076 : memref<64x64xf32, #tpu.memory_space<hbm>>) target(%dma_start3A_1072 : memref<64x64xf32, #tpu.memory_space<vmem>>) target_semaphore(%dma_start3A_1068 : memref<!tpu.dma_semaphore, #tpu.memory_space<semaphore_mem>>)
    %dma_start3A_1077 = arith.constant 1 : i32
    %dma_start3A_1078 = arith.constant 3 : i32
    %dma_start3A_1079 = arith.constant 1 : i32
    %dma_start3A_1080 = arith.constant 3 : i32
    %dma_start3A_1081 = arith.constant 0 : i32
    %dma_start3A_1082 = arith.constant 0 : i32
    %dma_start3A_1083 = tpu.memref_slice %arg5[%dma_start3A_1078, %dma_start3A_1079, %dma_start3A_1081, %dma_start3A_1082] : memref<6x2x64x64xf32, #tpu.memory_space<vmem>> -> memref<1x1x64x64xf32, #tpu.memory_space<vmem>>
    %dma_start3A_1084 = tpu.memref_squeeze %dma_start3A_1083 : memref<1x1x64x64xf32, #tpu.memory_space<vmem>> -> memref<64x64xf32, #tpu.memory_space<vmem>>
    %dma_start3A_1085 = arith.constant 0 : i32
    %dma_start3A_1086 = arith.constant 0 : i32
    %dma_start3A_1087 = tpu.memref_slice %arg2[%select_n3A, %add3A_1054, %dma_start3A_1077, %dma_start3A_1085, %dma_start3A_1086] : memref<8x96x2x64x64xf32, #tpu.memory_space<hbm>> -> memref<1x1x1x64x64xf32, #tpu.memory_space<hbm>>
    %dma_start3A_1088 = tpu.memref_squeeze %dma_start3A_1087 : memref<1x1x1x64x64xf32, #tpu.memory_space<hbm>> -> memref<64x64xf32, #tpu.memory_space<hbm>>
    %dma_start3A_1089 = tpu.memref_slice %arg6[%dma_start3A_1080] : memref<6x!tpu.dma_semaphore, #tpu.memory_space<semaphore_mem>> -> memref<1x!tpu.dma_semaphore, #tpu.memory_space<semaphore_mem>>
    %dma_start3A_1090 = tpu.memref_squeeze %dma_start3A_1089 : memref<1x!tpu.dma_semaphore, #tpu.memory_space<semaphore_mem>> -> memref<!tpu.dma_semaphore, #tpu.memory_space<semaphore_mem>>
    %dma_start3A_1091 = arith.constant 0 : i32
    %dma_start3A_1092 = arith.constant 0 : i32
    %dma_start3A_1093 = tpu.memref_slice %arg5[%dma_start3A_1078, %dma_start3A_1079, %dma_start3A_1091, %dma_start3A_1092] : memref<6x2x64x64xf32, #tpu.memory_space<vmem>> -> memref<1x1x64x64xf32, #tpu.memory_space<vmem>>
    %dma_start3A_1094 = tpu.memref_squeeze %dma_start3A_1093 : memref<1x1x64x64xf32, #tpu.memory_space<vmem>> -> memref<64x64xf32, #tpu.memory_space<vmem>>
    %dma_start3A_1095 = arith.constant 0 : i32
    %dma_start3A_1096 = arith.constant 0 : i32
    %dma_start3A_1097 = tpu.memref_slice %arg2[%select_n3A, %add3A_1054, %dma_start3A_1077, %dma_start3A_1095, %dma_start3A_1096] : memref<8x96x2x64x64xf32, #tpu.memory_space<hbm>> -> memref<1x1x1x64x64xf32, #tpu.memory_space<hbm>>
    %dma_start3A_1098 = tpu.memref_squeeze %dma_start3A_1097 : memref<1x1x1x64x64xf32, #tpu.memory_space<hbm>> -> memref<64x64xf32, #tpu.memory_space<hbm>>
    tpu.enqueue_dma source(%dma_start3A_1098 : memref<64x64xf32, #tpu.memory_space<hbm>>) target(%dma_start3A_1094 : memref<64x64xf32, #tpu.memory_space<vmem>>) target_semaphore(%dma_start3A_1090 : memref<!tpu.dma_semaphore, #tpu.memory_space<semaphore_mem>>)
    %add3A_1099 = arith.constant 7 : i32
    %add3A_1100 = arith.addi %mul3A_32, %add3A_1099 : i32
    %dma_wait3A_1101 = arith.constant 0 : i32
    %dma_wait3A_1102 = arith.constant 1 : i32
    %dma_wait3A_1103 = arith.constant 0 : i32
    %dma_wait3A_1104 = arith.constant 1 : i32
    %dma_wait3A_1105 = arith.constant 0 : i32
    %dma_wait3A_1106 = arith.constant 0 : i32
    %dma_wait3A_1107 = tpu.memref_slice %arg5[%dma_wait3A_1102, %dma_wait3A_1103, %dma_wait3A_1105, %dma_wait3A_1106] : memref<6x2x64x64xf32, #tpu.memory_space<vmem>> -> memref<1x1x64x64xf32, #tpu.memory_space<vmem>>
    %dma_wait3A_1108 = tpu.memref_squeeze %dma_wait3A_1107 : memref<1x1x64x64xf32, #tpu.memory_space<vmem>> -> memref<64x64xf32, #tpu.memory_space<vmem>>
    %dma_wait3A_1109 = arith.constant 0 : i32
    %dma_wait3A_1110 = arith.constant 0 : i32
    %dma_wait3A_1111 = tpu.memref_slice %arg3[%select_n3A, %add3A_1100, %dma_wait3A_1101, %dma_wait3A_1109, %dma_wait3A_1110] : memref<8x96x2x64x64xf32, #tpu.memory_space<hbm>> -> memref<1x1x1x64x64xf32, #tpu.memory_space<hbm>>
    %dma_wait3A_1112 = tpu.memref_squeeze %dma_wait3A_1111 : memref<1x1x1x64x64xf32, #tpu.memory_space<hbm>> -> memref<64x64xf32, #tpu.memory_space<hbm>>
    %dma_wait3A_1113 = tpu.memref_slice %arg6[%dma_wait3A_1104] : memref<6x!tpu.dma_semaphore, #tpu.memory_space<semaphore_mem>> -> memref<1x!tpu.dma_semaphore, #tpu.memory_space<semaphore_mem>>
    %dma_wait3A_1114 = tpu.memref_squeeze %dma_wait3A_1113 : memref<1x!tpu.dma_semaphore, #tpu.memory_space<semaphore_mem>> -> memref<!tpu.dma_semaphore, #tpu.memory_space<semaphore_mem>>
    %dma_wait3A_1115 = arith.constant 0 : i32
    %dma_wait3A_1116 = arith.constant 0 : i32
    %dma_wait3A_1117 = tpu.memref_slice %arg5[%dma_wait3A_1102, %dma_wait3A_1103, %dma_wait3A_1115, %dma_wait3A_1116] : memref<6x2x64x64xf32, #tpu.memory_space<vmem>> -> memref<1x1x64x64xf32, #tpu.memory_space<vmem>>
    %dma_wait3A_1118 = tpu.memref_squeeze %dma_wait3A_1117 : memref<1x1x64x64xf32, #tpu.memory_space<vmem>> -> memref<64x64xf32, #tpu.memory_space<vmem>>
    %dma_wait3A_1119 = arith.constant 0 : i32
    %dma_wait3A_1120 = arith.constant 0 : i32
    %dma_wait3A_1121 = tpu.memref_slice %arg3[%select_n3A, %add3A_1100, %dma_wait3A_1101, %dma_wait3A_1119, %dma_wait3A_1120] : memref<8x96x2x64x64xf32, #tpu.memory_space<hbm>> -> memref<1x1x1x64x64xf32, #tpu.memory_space<hbm>>
    %dma_wait3A_1122 = tpu.memref_squeeze %dma_wait3A_1121 : memref<1x1x1x64x64xf32, #tpu.memory_space<hbm>> -> memref<64x64xf32, #tpu.memory_space<hbm>>
    tpu.wait_dma2 semaphore(%dma_wait3A_1114 : memref<!tpu.dma_semaphore, #tpu.memory_space<semaphore_mem>>) src(%dma_wait3A_1122 : memref<64x64xf32, #tpu.memory_space<hbm>>) dst(%dma_wait3A_1118 : memref<64x64xf32, #tpu.memory_space<vmem>>)
    %dma_wait3A_1123 = arith.constant 1 : i32
    %dma_wait3A_1124 = arith.constant 1 : i32
    %dma_wait3A_1125 = arith.constant 1 : i32
    %dma_wait3A_1126 = arith.constant 1 : i32
    %dma_wait3A_1127 = arith.constant 0 : i32
    %dma_wait3A_1128 = arith.constant 0 : i32
    %dma_wait3A_1129 = tpu.memref_slice %arg5[%dma_wait3A_1124, %dma_wait3A_1125, %dma_wait3A_1127, %dma_wait3A_1128] : memref<6x2x64x64xf32, #tpu.memory_space<vmem>> -> memref<1x1x64x64xf32, #tpu.memory_space<vmem>>
    %dma_wait3A_1130 = tpu.memref_squeeze %dma_wait3A_1129 : memref<1x1x64x64xf32, #tpu.memory_space<vmem>> -> memref<64x64xf32, #tpu.memory_space<vmem>>
    %dma_wait3A_1131 = arith.constant 0 : i32
    %dma_wait3A_1132 = arith.constant 0 : i32
    %dma_wait3A_1133 = tpu.memref_slice %arg2[%select_n3A, %add3A_1100, %dma_wait3A_1123, %dma_wait3A_1131, %dma_wait3A_1132] : memref<8x96x2x64x64xf32, #tpu.memory_space<hbm>> -> memref<1x1x1x64x64xf32, #tpu.memory_space<hbm>>
    %dma_wait3A_1134 = tpu.memref_squeeze %dma_wait3A_1133 : memref<1x1x1x64x64xf32, #tpu.memory_space<hbm>> -> memref<64x64xf32, #tpu.memory_space<hbm>>
    %dma_wait3A_1135 = tpu.memref_slice %arg6[%dma_wait3A_1126] : memref<6x!tpu.dma_semaphore, #tpu.memory_space<semaphore_mem>> -> memref<1x!tpu.dma_semaphore, #tpu.memory_space<semaphore_mem>>
    %dma_wait3A_1136 = tpu.memref_squeeze %dma_wait3A_1135 : memref<1x!tpu.dma_semaphore, #tpu.memory_space<semaphore_mem>> -> memref<!tpu.dma_semaphore, #tpu.memory_space<semaphore_mem>>
    %dma_wait3A_1137 = arith.constant 0 : i32
    %dma_wait3A_1138 = arith.constant 0 : i32
    %dma_wait3A_1139 = tpu.memref_slice %arg5[%dma_wait3A_1124, %dma_wait3A_1125, %dma_wait3A_1137, %dma_wait3A_1138] : memref<6x2x64x64xf32, #tpu.memory_space<vmem>> -> memref<1x1x64x64xf32, #tpu.memory_space<vmem>>
    %dma_wait3A_1140 = tpu.memref_squeeze %dma_wait3A_1139 : memref<1x1x64x64xf32, #tpu.memory_space<vmem>> -> memref<64x64xf32, #tpu.memory_space<vmem>>
    %dma_wait3A_1141 = arith.constant 0 : i32
    %dma_wait3A_1142 = arith.constant 0 : i32
    %dma_wait3A_1143 = tpu.memref_slice %arg2[%select_n3A, %add3A_1100, %dma_wait3A_1123, %dma_wait3A_1141, %dma_wait3A_1142] : memref<8x96x2x64x64xf32, #tpu.memory_space<hbm>> -> memref<1x1x1x64x64xf32, #tpu.memory_space<hbm>>
    %dma_wait3A_1144 = tpu.memref_squeeze %dma_wait3A_1143 : memref<1x1x1x64x64xf32, #tpu.memory_space<hbm>> -> memref<64x64xf32, #tpu.memory_space<hbm>>
    tpu.wait_dma2 semaphore(%dma_wait3A_1136 : memref<!tpu.dma_semaphore, #tpu.memory_space<semaphore_mem>>) src(%dma_wait3A_1144 : memref<64x64xf32, #tpu.memory_space<hbm>>) dst(%dma_wait3A_1140 : memref<64x64xf32, #tpu.memory_space<vmem>>)
    %add3A_1145 = arith.constant 7 : i32
    %add3A_1146 = arith.addi %mul3A_32, %add3A_1145 : i32
    %mul3A_1147 = arith.constant 2 : i32
    %mul3A_1148 = arith.muli %mul3A_1147, %add3A_1146 : i32
    %dma_start3A_1149 = arith.constant 1 : i32
    %dma_start3A_1150 = arith.constant 1 : i32
    %dma_start3A_1151 = arith.constant 0 : i32
    %dma_start3A_1152 = arith.constant 0 : i32
    %dma_start3A_1153 = arith.constant 0 : i32
    %dma_start3A_1154 = tpu.memref_slice %arg5[%dma_start3A_1149, %dma_start3A_1151, %dma_start3A_1152, %dma_start3A_1153] : memref<6x2x64x64xf32, #tpu.memory_space<vmem>> -> memref<1x2x64x64xf32, #tpu.memory_space<vmem>>
    %dma_start3A_1155 = tpu.memref_squeeze %dma_start3A_1154 : memref<1x2x64x64xf32, #tpu.memory_space<vmem>> -> memref<2x64x64xf32, #tpu.memory_space<vmem>>
    %dma_start3A_1156 = arith.constant 0 : i32
    %dma_start3A_1157 = arith.constant 0 : i32
    %dma_start3A_1158 = tpu.memref_slice %arg4[%select_n3A, %mul3A_1148, %dma_start3A_1156, %dma_start3A_1157] : memref<8x192x64x64xf32, #tpu.memory_space<hbm>> -> memref<1x2x64x64xf32, #tpu.memory_space<hbm>>
    %dma_start3A_1159 = tpu.memref_squeeze %dma_start3A_1158 : memref<1x2x64x64xf32, #tpu.memory_space<hbm>> -> memref<2x64x64xf32, #tpu.memory_space<hbm>>
    %dma_start3A_1160 = tpu.memref_slice %arg7[%dma_start3A_1150] : memref<6x!tpu.dma_semaphore, #tpu.memory_space<semaphore_mem>> -> memref<1x!tpu.dma_semaphore, #tpu.memory_space<semaphore_mem>>
    %dma_start3A_1161 = tpu.memref_squeeze %dma_start3A_1160 : memref<1x!tpu.dma_semaphore, #tpu.memory_space<semaphore_mem>> -> memref<!tpu.dma_semaphore, #tpu.memory_space<semaphore_mem>>
    %dma_start3A_1162 = arith.constant 0 : i32
    %dma_start3A_1163 = arith.constant 0 : i32
    %dma_start3A_1164 = tpu.memref_slice %arg4[%select_n3A, %mul3A_1148, %dma_start3A_1162, %dma_start3A_1163] : memref<8x192x64x64xf32, #tpu.memory_space<hbm>> -> memref<1x2x64x64xf32, #tpu.memory_space<hbm>>
    %dma_start3A_1165 = tpu.memref_squeeze %dma_start3A_1164 : memref<1x2x64x64xf32, #tpu.memory_space<hbm>> -> memref<2x64x64xf32, #tpu.memory_space<hbm>>
    %dma_start3A_1166 = arith.constant 0 : i32
    %dma_start3A_1167 = arith.constant 0 : i32
    %dma_start3A_1168 = arith.constant 0 : i32
    %dma_start3A_1169 = tpu.memref_slice %arg5[%dma_start3A_1149, %dma_start3A_1166, %dma_start3A_1167, %dma_start3A_1168] : memref<6x2x64x64xf32, #tpu.memory_space<vmem>> -> memref<1x2x64x64xf32, #tpu.memory_space<vmem>>
    %dma_start3A_1170 = tpu.memref_squeeze %dma_start3A_1169 : memref<1x2x64x64xf32, #tpu.memory_space<vmem>> -> memref<2x64x64xf32, #tpu.memory_space<vmem>>
    tpu.enqueue_dma source(%dma_start3A_1170 : memref<2x64x64xf32, #tpu.memory_space<vmem>>) target(%dma_start3A_1165 : memref<2x64x64xf32, #tpu.memory_space<hbm>>) target_semaphore(%dma_start3A_1161 : memref<!tpu.dma_semaphore, #tpu.memory_space<semaphore_mem>>)
    %add3A_1171 = arith.constant 4 : i32
    %add3A_1172 = arith.addi %mul3A_32, %add3A_1171 : i32
    %mul3A_1173 = arith.constant 2 : i32
    %mul3A_1174 = arith.muli %mul3A_1173, %add3A_1172 : i32
    %dma_wait3A_1175 = arith.constant 4 : i32
    %dma_wait3A_1176 = arith.constant 4 : i32
    %dma_wait3A_1177 = arith.constant 0 : i32
    %dma_wait3A_1178 = arith.constant 0 : i32
    %dma_wait3A_1179 = arith.constant 0 : i32
    %dma_wait3A_1180 = tpu.memref_slice %arg5[%dma_wait3A_1175, %dma_wait3A_1177, %dma_wait3A_1178, %dma_wait3A_1179] : memref<6x2x64x64xf32, #tpu.memory_space<vmem>> -> memref<1x2x64x64xf32, #tpu.memory_space<vmem>>
    %dma_wait3A_1181 = tpu.memref_squeeze %dma_wait3A_1180 : memref<1x2x64x64xf32, #tpu.memory_space<vmem>> -> memref<2x64x64xf32, #tpu.memory_space<vmem>>
    %dma_wait3A_1182 = arith.constant 0 : i32
    %dma_wait3A_1183 = arith.constant 0 : i32
    %dma_wait3A_1184 = tpu.memref_slice %arg4[%select_n3A, %mul3A_1174, %dma_wait3A_1182, %dma_wait3A_1183] : memref<8x192x64x64xf32, #tpu.memory_space<hbm>> -> memref<1x2x64x64xf32, #tpu.memory_space<hbm>>
    %dma_wait3A_1185 = tpu.memref_squeeze %dma_wait3A_1184 : memref<1x2x64x64xf32, #tpu.memory_space<hbm>> -> memref<2x64x64xf32, #tpu.memory_space<hbm>>
    %dma_wait3A_1186 = tpu.memref_slice %arg7[%dma_wait3A_1176] : memref<6x!tpu.dma_semaphore, #tpu.memory_space<semaphore_mem>> -> memref<1x!tpu.dma_semaphore, #tpu.memory_space<semaphore_mem>>
    %dma_wait3A_1187 = tpu.memref_squeeze %dma_wait3A_1186 : memref<1x!tpu.dma_semaphore, #tpu.memory_space<semaphore_mem>> -> memref<!tpu.dma_semaphore, #tpu.memory_space<semaphore_mem>>
    %dma_wait3A_1188 = arith.constant 0 : i32
    %dma_wait3A_1189 = arith.constant 0 : i32
    %dma_wait3A_1190 = tpu.memref_slice %arg4[%select_n3A, %mul3A_1174, %dma_wait3A_1188, %dma_wait3A_1189] : memref<8x192x64x64xf32, #tpu.memory_space<hbm>> -> memref<1x2x64x64xf32, #tpu.memory_space<hbm>>
    %dma_wait3A_1191 = tpu.memref_squeeze %dma_wait3A_1190 : memref<1x2x64x64xf32, #tpu.memory_space<hbm>> -> memref<2x64x64xf32, #tpu.memory_space<hbm>>
    %dma_wait3A_1192 = arith.constant 0 : i32
    %dma_wait3A_1193 = arith.constant 0 : i32
    %dma_wait3A_1194 = arith.constant 0 : i32
    %dma_wait3A_1195 = tpu.memref_slice %arg5[%dma_wait3A_1175, %dma_wait3A_1192, %dma_wait3A_1193, %dma_wait3A_1194] : memref<6x2x64x64xf32, #tpu.memory_space<vmem>> -> memref<1x2x64x64xf32, #tpu.memory_space<vmem>>
    %dma_wait3A_1196 = tpu.memref_squeeze %dma_wait3A_1195 : memref<1x2x64x64xf32, #tpu.memory_space<vmem>> -> memref<2x64x64xf32, #tpu.memory_space<vmem>>
    tpu.wait_dma2 semaphore(%dma_wait3A_1187 : memref<!tpu.dma_semaphore, #tpu.memory_space<semaphore_mem>>) src(%dma_wait3A_1196 : memref<2x64x64xf32, #tpu.memory_space<vmem>>) dst(%dma_wait3A_1191 : memref<2x64x64xf32, #tpu.memory_space<hbm>>)
    %add3A_1197 = arith.constant 10 : i32
    %add3A_1198 = arith.addi %mul3A_32, %add3A_1197 : i32
    %dma_start3A_1199 = arith.constant 0 : i32
    %dma_start3A_1200 = arith.constant 4 : i32
    %dma_start3A_1201 = arith.constant 0 : i32
    %dma_start3A_1202 = arith.constant 4 : i32
    %dma_start3A_1203 = arith.constant 0 : i32
    %dma_start3A_1204 = arith.constant 0 : i32
    %dma_start3A_1205 = tpu.memref_slice %arg5[%dma_start3A_1200, %dma_start3A_1201, %dma_start3A_1203, %dma_start3A_1204] : memref<6x2x64x64xf32, #tpu.memory_space<vmem>> -> memref<1x1x64x64xf32, #tpu.memory_space<vmem>>
    %dma_start3A_1206 = tpu.memref_squeeze %dma_start3A_1205 : memref<1x1x64x64xf32, #tpu.memory_space<vmem>> -> memref<64x64xf32, #tpu.memory_space<vmem>>
    %dma_start3A_1207 = arith.constant 0 : i32
    %dma_start3A_1208 = arith.constant 0 : i32
    %dma_start3A_1209 = tpu.memref_slice %arg3[%select_n3A, %add3A_1198, %dma_start3A_1199, %dma_start3A_1207, %dma_start3A_1208] : memref<8x96x2x64x64xf32, #tpu.memory_space<hbm>> -> memref<1x1x1x64x64xf32, #tpu.memory_space<hbm>>
    %dma_start3A_1210 = tpu.memref_squeeze %dma_start3A_1209 : memref<1x1x1x64x64xf32, #tpu.memory_space<hbm>> -> memref<64x64xf32, #tpu.memory_space<hbm>>
    %dma_start3A_1211 = tpu.memref_slice %arg6[%dma_start3A_1202] : memref<6x!tpu.dma_semaphore, #tpu.memory_space<semaphore_mem>> -> memref<1x!tpu.dma_semaphore, #tpu.memory_space<semaphore_mem>>
    %dma_start3A_1212 = tpu.memref_squeeze %dma_start3A_1211 : memref<1x!tpu.dma_semaphore, #tpu.memory_space<semaphore_mem>> -> memref<!tpu.dma_semaphore, #tpu.memory_space<semaphore_mem>>
    %dma_start3A_1213 = arith.constant 0 : i32
    %dma_start3A_1214 = arith.constant 0 : i32
    %dma_start3A_1215 = tpu.memref_slice %arg5[%dma_start3A_1200, %dma_start3A_1201, %dma_start3A_1213, %dma_start3A_1214] : memref<6x2x64x64xf32, #tpu.memory_space<vmem>> -> memref<1x1x64x64xf32, #tpu.memory_space<vmem>>
    %dma_start3A_1216 = tpu.memref_squeeze %dma_start3A_1215 : memref<1x1x64x64xf32, #tpu.memory_space<vmem>> -> memref<64x64xf32, #tpu.memory_space<vmem>>
    %dma_start3A_1217 = arith.constant 0 : i32
    %dma_start3A_1218 = arith.constant 0 : i32
    %dma_start3A_1219 = tpu.memref_slice %arg3[%select_n3A, %add3A_1198, %dma_start3A_1199, %dma_start3A_1217, %dma_start3A_1218] : memref<8x96x2x64x64xf32, #tpu.memory_space<hbm>> -> memref<1x1x1x64x64xf32, #tpu.memory_space<hbm>>
    %dma_start3A_1220 = tpu.memref_squeeze %dma_start3A_1219 : memref<1x1x1x64x64xf32, #tpu.memory_space<hbm>> -> memref<64x64xf32, #tpu.memory_space<hbm>>
    tpu.enqueue_dma source(%dma_start3A_1220 : memref<64x64xf32, #tpu.memory_space<hbm>>) target(%dma_start3A_1216 : memref<64x64xf32, #tpu.memory_space<vmem>>) target_semaphore(%dma_start3A_1212 : memref<!tpu.dma_semaphore, #tpu.memory_space<semaphore_mem>>)
    %dma_start3A_1221 = arith.constant 1 : i32
    %dma_start3A_1222 = arith.constant 4 : i32
    %dma_start3A_1223 = arith.constant 1 : i32
    %dma_start3A_1224 = arith.constant 4 : i32
    %dma_start3A_1225 = arith.constant 0 : i32
    %dma_start3A_1226 = arith.constant 0 : i32
    %dma_start3A_1227 = tpu.memref_slice %arg5[%dma_start3A_1222, %dma_start3A_1223, %dma_start3A_1225, %dma_start3A_1226] : memref<6x2x64x64xf32, #tpu.memory_space<vmem>> -> memref<1x1x64x64xf32, #tpu.memory_space<vmem>>
    %dma_start3A_1228 = tpu.memref_squeeze %dma_start3A_1227 : memref<1x1x64x64xf32, #tpu.memory_space<vmem>> -> memref<64x64xf32, #tpu.memory_space<vmem>>
    %dma_start3A_1229 = arith.constant 0 : i32
    %dma_start3A_1230 = arith.constant 0 : i32
    %dma_start3A_1231 = tpu.memref_slice %arg2[%select_n3A, %add3A_1198, %dma_start3A_1221, %dma_start3A_1229, %dma_start3A_1230] : memref<8x96x2x64x64xf32, #tpu.memory_space<hbm>> -> memref<1x1x1x64x64xf32, #tpu.memory_space<hbm>>
    %dma_start3A_1232 = tpu.memref_squeeze %dma_start3A_1231 : memref<1x1x1x64x64xf32, #tpu.memory_space<hbm>> -> memref<64x64xf32, #tpu.memory_space<hbm>>
    %dma_start3A_1233 = tpu.memref_slice %arg6[%dma_start3A_1224] : memref<6x!tpu.dma_semaphore, #tpu.memory_space<semaphore_mem>> -> memref<1x!tpu.dma_semaphore, #tpu.memory_space<semaphore_mem>>
    %dma_start3A_1234 = tpu.memref_squeeze %dma_start3A_1233 : memref<1x!tpu.dma_semaphore, #tpu.memory_space<semaphore_mem>> -> memref<!tpu.dma_semaphore, #tpu.memory_space<semaphore_mem>>
    %dma_start3A_1235 = arith.constant 0 : i32
    %dma_start3A_1236 = arith.constant 0 : i32
    %dma_start3A_1237 = tpu.memref_slice %arg5[%dma_start3A_1222, %dma_start3A_1223, %dma_start3A_1235, %dma_start3A_1236] : memref<6x2x64x64xf32, #tpu.memory_space<vmem>> -> memref<1x1x64x64xf32, #tpu.memory_space<vmem>>
    %dma_start3A_1238 = tpu.memref_squeeze %dma_start3A_1237 : memref<1x1x64x64xf32, #tpu.memory_space<vmem>> -> memref<64x64xf32, #tpu.memory_space<vmem>>
    %dma_start3A_1239 = arith.constant 0 : i32
    %dma_start3A_1240 = arith.constant 0 : i32
    %dma_start3A_1241 = tpu.memref_slice %arg2[%select_n3A, %add3A_1198, %dma_start3A_1221, %dma_start3A_1239, %dma_start3A_1240] : memref<8x96x2x64x64xf32, #tpu.memory_space<hbm>> -> memref<1x1x1x64x64xf32, #tpu.memory_space<hbm>>
    %dma_start3A_1242 = tpu.memref_squeeze %dma_start3A_1241 : memref<1x1x1x64x64xf32, #tpu.memory_space<hbm>> -> memref<64x64xf32, #tpu.memory_space<hbm>>
    tpu.enqueue_dma source(%dma_start3A_1242 : memref<64x64xf32, #tpu.memory_space<hbm>>) target(%dma_start3A_1238 : memref<64x64xf32, #tpu.memory_space<vmem>>) target_semaphore(%dma_start3A_1234 : memref<!tpu.dma_semaphore, #tpu.memory_space<semaphore_mem>>)
    %add3A_1243 = arith.constant 8 : i32
    %add3A_1244 = arith.addi %mul3A_32, %add3A_1243 : i32
    %dma_wait3A_1245 = arith.constant 0 : i32
    %dma_wait3A_1246 = arith.constant 2 : i32
    %dma_wait3A_1247 = arith.constant 0 : i32
    %dma_wait3A_1248 = arith.constant 2 : i32
    %dma_wait3A_1249 = arith.constant 0 : i32
    %dma_wait3A_1250 = arith.constant 0 : i32
    %dma_wait3A_1251 = tpu.memref_slice %arg5[%dma_wait3A_1246, %dma_wait3A_1247, %dma_wait3A_1249, %dma_wait3A_1250] : memref<6x2x64x64xf32, #tpu.memory_space<vmem>> -> memref<1x1x64x64xf32, #tpu.memory_space<vmem>>
    %dma_wait3A_1252 = tpu.memref_squeeze %dma_wait3A_1251 : memref<1x1x64x64xf32, #tpu.memory_space<vmem>> -> memref<64x64xf32, #tpu.memory_space<vmem>>
    %dma_wait3A_1253 = arith.constant 0 : i32
    %dma_wait3A_1254 = arith.constant 0 : i32
    %dma_wait3A_1255 = tpu.memref_slice %arg3[%select_n3A, %add3A_1244, %dma_wait3A_1245, %dma_wait3A_1253, %dma_wait3A_1254] : memref<8x96x2x64x64xf32, #tpu.memory_space<hbm>> -> memref<1x1x1x64x64xf32, #tpu.memory_space<hbm>>
    %dma_wait3A_1256 = tpu.memref_squeeze %dma_wait3A_1255 : memref<1x1x1x64x64xf32, #tpu.memory_space<hbm>> -> memref<64x64xf32, #tpu.memory_space<hbm>>
    %dma_wait3A_1257 = tpu.memref_slice %arg6[%dma_wait3A_1248] : memref<6x!tpu.dma_semaphore, #tpu.memory_space<semaphore_mem>> -> memref<1x!tpu.dma_semaphore, #tpu.memory_space<semaphore_mem>>
    %dma_wait3A_1258 = tpu.memref_squeeze %dma_wait3A_1257 : memref<1x!tpu.dma_semaphore, #tpu.memory_space<semaphore_mem>> -> memref<!tpu.dma_semaphore, #tpu.memory_space<semaphore_mem>>
    %dma_wait3A_1259 = arith.constant 0 : i32
    %dma_wait3A_1260 = arith.constant 0 : i32
    %dma_wait3A_1261 = tpu.memref_slice %arg5[%dma_wait3A_1246, %dma_wait3A_1247, %dma_wait3A_1259, %dma_wait3A_1260] : memref<6x2x64x64xf32, #tpu.memory_space<vmem>> -> memref<1x1x64x64xf32, #tpu.memory_space<vmem>>
    %dma_wait3A_1262 = tpu.memref_squeeze %dma_wait3A_1261 : memref<1x1x64x64xf32, #tpu.memory_space<vmem>> -> memref<64x64xf32, #tpu.memory_space<vmem>>
    %dma_wait3A_1263 = arith.constant 0 : i32
    %dma_wait3A_1264 = arith.constant 0 : i32
    %dma_wait3A_1265 = tpu.memref_slice %arg3[%select_n3A, %add3A_1244, %dma_wait3A_1245, %dma_wait3A_1263, %dma_wait3A_1264] : memref<8x96x2x64x64xf32, #tpu.memory_space<hbm>> -> memref<1x1x1x64x64xf32, #tpu.memory_space<hbm>>
    %dma_wait3A_1266 = tpu.memref_squeeze %dma_wait3A_1265 : memref<1x1x1x64x64xf32, #tpu.memory_space<hbm>> -> memref<64x64xf32, #tpu.memory_space<hbm>>
    tpu.wait_dma2 semaphore(%dma_wait3A_1258 : memref<!tpu.dma_semaphore, #tpu.memory_space<semaphore_mem>>) src(%dma_wait3A_1266 : memref<64x64xf32, #tpu.memory_space<hbm>>) dst(%dma_wait3A_1262 : memref<64x64xf32, #tpu.memory_space<vmem>>)
    %dma_wait3A_1267 = arith.constant 1 : i32
    %dma_wait3A_1268 = arith.constant 2 : i32
    %dma_wait3A_1269 = arith.constant 1 : i32
    %dma_wait3A_1270 = arith.constant 2 : i32
    %dma_wait3A_1271 = arith.constant 0 : i32
    %dma_wait3A_1272 = arith.constant 0 : i32
    %dma_wait3A_1273 = tpu.memref_slice %arg5[%dma_wait3A_1268, %dma_wait3A_1269, %dma_wait3A_1271, %dma_wait3A_1272] : memref<6x2x64x64xf32, #tpu.memory_space<vmem>> -> memref<1x1x64x64xf32, #tpu.memory_space<vmem>>
    %dma_wait3A_1274 = tpu.memref_squeeze %dma_wait3A_1273 : memref<1x1x64x64xf32, #tpu.memory_space<vmem>> -> memref<64x64xf32, #tpu.memory_space<vmem>>
    %dma_wait3A_1275 = arith.constant 0 : i32
    %dma_wait3A_1276 = arith.constant 0 : i32
    %dma_wait3A_1277 = tpu.memref_slice %arg2[%select_n3A, %add3A_1244, %dma_wait3A_1267, %dma_wait3A_1275, %dma_wait3A_1276] : memref<8x96x2x64x64xf32, #tpu.memory_space<hbm>> -> memref<1x1x1x64x64xf32, #tpu.memory_space<hbm>>
    %dma_wait3A_1278 = tpu.memref_squeeze %dma_wait3A_1277 : memref<1x1x1x64x64xf32, #tpu.memory_space<hbm>> -> memref<64x64xf32, #tpu.memory_space<hbm>>
    %dma_wait3A_1279 = tpu.memref_slice %arg6[%dma_wait3A_1270] : memref<6x!tpu.dma_semaphore, #tpu.memory_space<semaphore_mem>> -> memref<1x!tpu.dma_semaphore, #tpu.memory_space<semaphore_mem>>
    %dma_wait3A_1280 = tpu.memref_squeeze %dma_wait3A_1279 : memref<1x!tpu.dma_semaphore, #tpu.memory_space<semaphore_mem>> -> memref<!tpu.dma_semaphore, #tpu.memory_space<semaphore_mem>>
    %dma_wait3A_1281 = arith.constant 0 : i32
    %dma_wait3A_1282 = arith.constant 0 : i32
    %dma_wait3A_1283 = tpu.memref_slice %arg5[%dma_wait3A_1268, %dma_wait3A_1269, %dma_wait3A_1281, %dma_wait3A_1282] : memref<6x2x64x64xf32, #tpu.memory_space<vmem>> -> memref<1x1x64x64xf32, #tpu.memory_space<vmem>>
    %dma_wait3A_1284 = tpu.memref_squeeze %dma_wait3A_1283 : memref<1x1x64x64xf32, #tpu.memory_space<vmem>> -> memref<64x64xf32, #tpu.memory_space<vmem>>
    %dma_wait3A_1285 = arith.constant 0 : i32
    %dma_wait3A_1286 = arith.constant 0 : i32
    %dma_wait3A_1287 = tpu.memref_slice %arg2[%select_n3A, %add3A_1244, %dma_wait3A_1267, %dma_wait3A_1285, %dma_wait3A_1286] : memref<8x96x2x64x64xf32, #tpu.memory_space<hbm>> -> memref<1x1x1x64x64xf32, #tpu.memory_space<hbm>>
    %dma_wait3A_1288 = tpu.memref_squeeze %dma_wait3A_1287 : memref<1x1x1x64x64xf32, #tpu.memory_space<hbm>> -> memref<64x64xf32, #tpu.memory_space<hbm>>
    tpu.wait_dma2 semaphore(%dma_wait3A_1280 : memref<!tpu.dma_semaphore, #tpu.memory_space<semaphore_mem>>) src(%dma_wait3A_1288 : memref<64x64xf32, #tpu.memory_space<hbm>>) dst(%dma_wait3A_1284 : memref<64x64xf32, #tpu.memory_space<vmem>>)
    %add3A_1289 = arith.constant 8 : i32
    %add3A_1290 = arith.addi %mul3A_32, %add3A_1289 : i32
    %mul3A_1291 = arith.constant 2 : i32
    %mul3A_1292 = arith.muli %mul3A_1291, %add3A_1290 : i32
    %dma_start3A_1293 = arith.constant 2 : i32
    %dma_start3A_1294 = arith.constant 2 : i32
    %dma_start3A_1295 = arith.constant 0 : i32
    %dma_start3A_1296 = arith.constant 0 : i32
    %dma_start3A_1297 = arith.constant 0 : i32
    %dma_start3A_1298 = tpu.memref_slice %arg5[%dma_start3A_1293, %dma_start3A_1295, %dma_start3A_1296, %dma_start3A_1297] : memref<6x2x64x64xf32, #tpu.memory_space<vmem>> -> memref<1x2x64x64xf32, #tpu.memory_space<vmem>>
    %dma_start3A_1299 = tpu.memref_squeeze %dma_start3A_1298 : memref<1x2x64x64xf32, #tpu.memory_space<vmem>> -> memref<2x64x64xf32, #tpu.memory_space<vmem>>
    %dma_start3A_1300 = arith.constant 0 : i32
    %dma_start3A_1301 = arith.constant 0 : i32
    %dma_start3A_1302 = tpu.memref_slice %arg4[%select_n3A, %mul3A_1292, %dma_start3A_1300, %dma_start3A_1301] : memref<8x192x64x64xf32, #tpu.memory_space<hbm>> -> memref<1x2x64x64xf32, #tpu.memory_space<hbm>>
    %dma_start3A_1303 = tpu.memref_squeeze %dma_start3A_1302 : memref<1x2x64x64xf32, #tpu.memory_space<hbm>> -> memref<2x64x64xf32, #tpu.memory_space<hbm>>
    %dma_start3A_1304 = tpu.memref_slice %arg7[%dma_start3A_1294] : memref<6x!tpu.dma_semaphore, #tpu.memory_space<semaphore_mem>> -> memref<1x!tpu.dma_semaphore, #tpu.memory_space<semaphore_mem>>
    %dma_start3A_1305 = tpu.memref_squeeze %dma_start3A_1304 : memref<1x!tpu.dma_semaphore, #tpu.memory_space<semaphore_mem>> -> memref<!tpu.dma_semaphore, #tpu.memory_space<semaphore_mem>>
    %dma_start3A_1306 = arith.constant 0 : i32
    %dma_start3A_1307 = arith.constant 0 : i32
    %dma_start3A_1308 = tpu.memref_slice %arg4[%select_n3A, %mul3A_1292, %dma_start3A_1306, %dma_start3A_1307] : memref<8x192x64x64xf32, #tpu.memory_space<hbm>> -> memref<1x2x64x64xf32, #tpu.memory_space<hbm>>
    %dma_start3A_1309 = tpu.memref_squeeze %dma_start3A_1308 : memref<1x2x64x64xf32, #tpu.memory_space<hbm>> -> memref<2x64x64xf32, #tpu.memory_space<hbm>>
    %dma_start3A_1310 = arith.constant 0 : i32
    %dma_start3A_1311 = arith.constant 0 : i32
    %dma_start3A_1312 = arith.constant 0 : i32
    %dma_start3A_1313 = tpu.memref_slice %arg5[%dma_start3A_1293, %dma_start3A_1310, %dma_start3A_1311, %dma_start3A_1312] : memref<6x2x64x64xf32, #tpu.memory_space<vmem>> -> memref<1x2x64x64xf32, #tpu.memory_space<vmem>>
    %dma_start3A_1314 = tpu.memref_squeeze %dma_start3A_1313 : memref<1x2x64x64xf32, #tpu.memory_space<vmem>> -> memref<2x64x64xf32, #tpu.memory_space<vmem>>
    tpu.enqueue_dma source(%dma_start3A_1314 : memref<2x64x64xf32, #tpu.memory_space<vmem>>) target(%dma_start3A_1309 : memref<2x64x64xf32, #tpu.memory_space<hbm>>) target_semaphore(%dma_start3A_1305 : memref<!tpu.dma_semaphore, #tpu.memory_space<semaphore_mem>>)
    %add3A_1315 = arith.constant 5 : i32
    %add3A_1316 = arith.addi %mul3A_32, %add3A_1315 : i32
    %mul3A_1317 = arith.constant 2 : i32
    %mul3A_1318 = arith.muli %mul3A_1317, %add3A_1316 : i32
    %dma_wait3A_1319 = arith.constant 5 : i32
    %dma_wait3A_1320 = arith.constant 5 : i32
    %dma_wait3A_1321 = arith.constant 0 : i32
    %dma_wait3A_1322 = arith.constant 0 : i32
    %dma_wait3A_1323 = arith.constant 0 : i32
    %dma_wait3A_1324 = tpu.memref_slice %arg5[%dma_wait3A_1319, %dma_wait3A_1321, %dma_wait3A_1322, %dma_wait3A_1323] : memref<6x2x64x64xf32, #tpu.memory_space<vmem>> -> memref<1x2x64x64xf32, #tpu.memory_space<vmem>>
    %dma_wait3A_1325 = tpu.memref_squeeze %dma_wait3A_1324 : memref<1x2x64x64xf32, #tpu.memory_space<vmem>> -> memref<2x64x64xf32, #tpu.memory_space<vmem>>
    %dma_wait3A_1326 = arith.constant 0 : i32
    %dma_wait3A_1327 = arith.constant 0 : i32
    %dma_wait3A_1328 = tpu.memref_slice %arg4[%select_n3A, %mul3A_1318, %dma_wait3A_1326, %dma_wait3A_1327] : memref<8x192x64x64xf32, #tpu.memory_space<hbm>> -> memref<1x2x64x64xf32, #tpu.memory_space<hbm>>
    %dma_wait3A_1329 = tpu.memref_squeeze %dma_wait3A_1328 : memref<1x2x64x64xf32, #tpu.memory_space<hbm>> -> memref<2x64x64xf32, #tpu.memory_space<hbm>>
    %dma_wait3A_1330 = tpu.memref_slice %arg7[%dma_wait3A_1320] : memref<6x!tpu.dma_semaphore, #tpu.memory_space<semaphore_mem>> -> memref<1x!tpu.dma_semaphore, #tpu.memory_space<semaphore_mem>>
    %dma_wait3A_1331 = tpu.memref_squeeze %dma_wait3A_1330 : memref<1x!tpu.dma_semaphore, #tpu.memory_space<semaphore_mem>> -> memref<!tpu.dma_semaphore, #tpu.memory_space<semaphore_mem>>
    %dma_wait3A_1332 = arith.constant 0 : i32
    %dma_wait3A_1333 = arith.constant 0 : i32
    %dma_wait3A_1334 = tpu.memref_slice %arg4[%select_n3A, %mul3A_1318, %dma_wait3A_1332, %dma_wait3A_1333] : memref<8x192x64x64xf32, #tpu.memory_space<hbm>> -> memref<1x2x64x64xf32, #tpu.memory_space<hbm>>
    %dma_wait3A_1335 = tpu.memref_squeeze %dma_wait3A_1334 : memref<1x2x64x64xf32, #tpu.memory_space<hbm>> -> memref<2x64x64xf32, #tpu.memory_space<hbm>>
    %dma_wait3A_1336 = arith.constant 0 : i32
    %dma_wait3A_1337 = arith.constant 0 : i32
    %dma_wait3A_1338 = arith.constant 0 : i32
    %dma_wait3A_1339 = tpu.memref_slice %arg5[%dma_wait3A_1319, %dma_wait3A_1336, %dma_wait3A_1337, %dma_wait3A_1338] : memref<6x2x64x64xf32, #tpu.memory_space<vmem>> -> memref<1x2x64x64xf32, #tpu.memory_space<vmem>>
    %dma_wait3A_1340 = tpu.memref_squeeze %dma_wait3A_1339 : memref<1x2x64x64xf32, #tpu.memory_space<vmem>> -> memref<2x64x64xf32, #tpu.memory_space<vmem>>
    tpu.wait_dma2 semaphore(%dma_wait3A_1331 : memref<!tpu.dma_semaphore, #tpu.memory_space<semaphore_mem>>) src(%dma_wait3A_1340 : memref<2x64x64xf32, #tpu.memory_space<vmem>>) dst(%dma_wait3A_1335 : memref<2x64x64xf32, #tpu.memory_space<hbm>>)
    %add3A_1341 = arith.constant 11 : i32
    %add3A_1342 = arith.addi %mul3A_32, %add3A_1341 : i32
    %dma_start3A_1343 = arith.constant 0 : i32
    %dma_start3A_1344 = arith.constant 5 : i32
    %dma_start3A_1345 = arith.constant 0 : i32
    %dma_start3A_1346 = arith.constant 5 : i32
    %dma_start3A_1347 = arith.constant 0 : i32
    %dma_start3A_1348 = arith.constant 0 : i32
    %dma_start3A_1349 = tpu.memref_slice %arg5[%dma_start3A_1344, %dma_start3A_1345, %dma_start3A_1347, %dma_start3A_1348] : memref<6x2x64x64xf32, #tpu.memory_space<vmem>> -> memref<1x1x64x64xf32, #tpu.memory_space<vmem>>
    %dma_start3A_1350 = tpu.memref_squeeze %dma_start3A_1349 : memref<1x1x64x64xf32, #tpu.memory_space<vmem>> -> memref<64x64xf32, #tpu.memory_space<vmem>>
    %dma_start3A_1351 = arith.constant 0 : i32
    %dma_start3A_1352 = arith.constant 0 : i32
    %dma_start3A_1353 = tpu.memref_slice %arg3[%select_n3A, %add3A_1342, %dma_start3A_1343, %dma_start3A_1351, %dma_start3A_1352] : memref<8x96x2x64x64xf32, #tpu.memory_space<hbm>> -> memref<1x1x1x64x64xf32, #tpu.memory_space<hbm>>
    %dma_start3A_1354 = tpu.memref_squeeze %dma_start3A_1353 : memref<1x1x1x64x64xf32, #tpu.memory_space<hbm>> -> memref<64x64xf32, #tpu.memory_space<hbm>>
    %dma_start3A_1355 = tpu.memref_slice %arg6[%dma_start3A_1346] : memref<6x!tpu.dma_semaphore, #tpu.memory_space<semaphore_mem>> -> memref<1x!tpu.dma_semaphore, #tpu.memory_space<semaphore_mem>>
    %dma_start3A_1356 = tpu.memref_squeeze %dma_start3A_1355 : memref<1x!tpu.dma_semaphore, #tpu.memory_space<semaphore_mem>> -> memref<!tpu.dma_semaphore, #tpu.memory_space<semaphore_mem>>
    %dma_start3A_1357 = arith.constant 0 : i32
    %dma_start3A_1358 = arith.constant 0 : i32
    %dma_start3A_1359 = tpu.memref_slice %arg5[%dma_start3A_1344, %dma_start3A_1345, %dma_start3A_1357, %dma_start3A_1358] : memref<6x2x64x64xf32, #tpu.memory_space<vmem>> -> memref<1x1x64x64xf32, #tpu.memory_space<vmem>>
    %dma_start3A_1360 = tpu.memref_squeeze %dma_start3A_1359 : memref<1x1x64x64xf32, #tpu.memory_space<vmem>> -> memref<64x64xf32, #tpu.memory_space<vmem>>
    %dma_start3A_1361 = arith.constant 0 : i32
    %dma_start3A_1362 = arith.constant 0 : i32
    %dma_start3A_1363 = tpu.memref_slice %arg3[%select_n3A, %add3A_1342, %dma_start3A_1343, %dma_start3A_1361, %dma_start3A_1362] : memref<8x96x2x64x64xf32, #tpu.memory_space<hbm>> -> memref<1x1x1x64x64xf32, #tpu.memory_space<hbm>>
    %dma_start3A_1364 = tpu.memref_squeeze %dma_start3A_1363 : memref<1x1x1x64x64xf32, #tpu.memory_space<hbm>> -> memref<64x64xf32, #tpu.memory_space<hbm>>
    tpu.enqueue_dma source(%dma_start3A_1364 : memref<64x64xf32, #tpu.memory_space<hbm>>) target(%dma_start3A_1360 : memref<64x64xf32, #tpu.memory_space<vmem>>) target_semaphore(%dma_start3A_1356 : memref<!tpu.dma_semaphore, #tpu.memory_space<semaphore_mem>>)
    %dma_start3A_1365 = arith.constant 1 : i32
    %dma_start3A_1366 = arith.constant 5 : i32
    %dma_start3A_1367 = arith.constant 1 : i32
    %dma_start3A_1368 = arith.constant 5 : i32
    %dma_start3A_1369 = arith.constant 0 : i32
    %dma_start3A_1370 = arith.constant 0 : i32
    %dma_start3A_1371 = tpu.memref_slice %arg5[%dma_start3A_1366, %dma_start3A_1367, %dma_start3A_1369, %dma_start3A_1370] : memref<6x2x64x64xf32, #tpu.memory_space<vmem>> -> memref<1x1x64x64xf32, #tpu.memory_space<vmem>>
    %dma_start3A_1372 = tpu.memref_squeeze %dma_start3A_1371 : memref<1x1x64x64xf32, #tpu.memory_space<vmem>> -> memref<64x64xf32, #tpu.memory_space<vmem>>
    %dma_start3A_1373 = arith.constant 0 : i32
    %dma_start3A_1374 = arith.constant 0 : i32
    %dma_start3A_1375 = tpu.memref_slice %arg2[%select_n3A, %add3A_1342, %dma_start3A_1365, %dma_start3A_1373, %dma_start3A_1374] : memref<8x96x2x64x64xf32, #tpu.memory_space<hbm>> -> memref<1x1x1x64x64xf32, #tpu.memory_space<hbm>>
    %dma_start3A_1376 = tpu.memref_squeeze %dma_start3A_1375 : memref<1x1x1x64x64xf32, #tpu.memory_space<hbm>> -> memref<64x64xf32, #tpu.memory_space<hbm>>
    %dma_start3A_1377 = tpu.memref_slice %arg6[%dma_start3A_1368] : memref<6x!tpu.dma_semaphore, #tpu.memory_space<semaphore_mem>> -> memref<1x!tpu.dma_semaphore, #tpu.memory_space<semaphore_mem>>
    %dma_start3A_1378 = tpu.memref_squeeze %dma_start3A_1377 : memref<1x!tpu.dma_semaphore, #tpu.memory_space<semaphore_mem>> -> memref<!tpu.dma_semaphore, #tpu.memory_space<semaphore_mem>>
    %dma_start3A_1379 = arith.constant 0 : i32
    %dma_start3A_1380 = arith.constant 0 : i32
    %dma_start3A_1381 = tpu.memref_slice %arg5[%dma_start3A_1366, %dma_start3A_1367, %dma_start3A_1379, %dma_start3A_1380] : memref<6x2x64x64xf32, #tpu.memory_space<vmem>> -> memref<1x1x64x64xf32, #tpu.memory_space<vmem>>
    %dma_start3A_1382 = tpu.memref_squeeze %dma_start3A_1381 : memref<1x1x64x64xf32, #tpu.memory_space<vmem>> -> memref<64x64xf32, #tpu.memory_space<vmem>>
    %dma_start3A_1383 = arith.constant 0 : i32
    %dma_start3A_1384 = arith.constant 0 : i32
    %dma_start3A_1385 = tpu.memref_slice %arg2[%select_n3A, %add3A_1342, %dma_start3A_1365, %dma_start3A_1383, %dma_start3A_1384] : memref<8x96x2x64x64xf32, #tpu.memory_space<hbm>> -> memref<1x1x1x64x64xf32, #tpu.memory_space<hbm>>
    %dma_start3A_1386 = tpu.memref_squeeze %dma_start3A_1385 : memref<1x1x1x64x64xf32, #tpu.memory_space<hbm>> -> memref<64x64xf32, #tpu.memory_space<hbm>>
    tpu.enqueue_dma source(%dma_start3A_1386 : memref<64x64xf32, #tpu.memory_space<hbm>>) target(%dma_start3A_1382 : memref<64x64xf32, #tpu.memory_space<vmem>>) target_semaphore(%dma_start3A_1378 : memref<!tpu.dma_semaphore, #tpu.memory_space<semaphore_mem>>)
    %add3A_1387 = arith.constant 9 : i32
    %add3A_1388 = arith.addi %mul3A_32, %add3A_1387 : i32
    %dma_wait3A_1389 = arith.constant 0 : i32
    %dma_wait3A_1390 = arith.constant 3 : i32
    %dma_wait3A_1391 = arith.constant 0 : i32
    %dma_wait3A_1392 = arith.constant 3 : i32
    %dma_wait3A_1393 = arith.constant 0 : i32
    %dma_wait3A_1394 = arith.constant 0 : i32
    %dma_wait3A_1395 = tpu.memref_slice %arg5[%dma_wait3A_1390, %dma_wait3A_1391, %dma_wait3A_1393, %dma_wait3A_1394] : memref<6x2x64x64xf32, #tpu.memory_space<vmem>> -> memref<1x1x64x64xf32, #tpu.memory_space<vmem>>
    %dma_wait3A_1396 = tpu.memref_squeeze %dma_wait3A_1395 : memref<1x1x64x64xf32, #tpu.memory_space<vmem>> -> memref<64x64xf32, #tpu.memory_space<vmem>>
    %dma_wait3A_1397 = arith.constant 0 : i32
    %dma_wait3A_1398 = arith.constant 0 : i32
    %dma_wait3A_1399 = tpu.memref_slice %arg3[%select_n3A, %add3A_1388, %dma_wait3A_1389, %dma_wait3A_1397, %dma_wait3A_1398] : memref<8x96x2x64x64xf32, #tpu.memory_space<hbm>> -> memref<1x1x1x64x64xf32, #tpu.memory_space<hbm>>
    %dma_wait3A_1400 = tpu.memref_squeeze %dma_wait3A_1399 : memref<1x1x1x64x64xf32, #tpu.memory_space<hbm>> -> memref<64x64xf32, #tpu.memory_space<hbm>>
    %dma_wait3A_1401 = tpu.memref_slice %arg6[%dma_wait3A_1392] : memref<6x!tpu.dma_semaphore, #tpu.memory_space<semaphore_mem>> -> memref<1x!tpu.dma_semaphore, #tpu.memory_space<semaphore_mem>>
    %dma_wait3A_1402 = tpu.memref_squeeze %dma_wait3A_1401 : memref<1x!tpu.dma_semaphore, #tpu.memory_space<semaphore_mem>> -> memref<!tpu.dma_semaphore, #tpu.memory_space<semaphore_mem>>
    %dma_wait3A_1403 = arith.constant 0 : i32
    %dma_wait3A_1404 = arith.constant 0 : i32
    %dma_wait3A_1405 = tpu.memref_slice %arg5[%dma_wait3A_1390, %dma_wait3A_1391, %dma_wait3A_1403, %dma_wait3A_1404] : memref<6x2x64x64xf32, #tpu.memory_space<vmem>> -> memref<1x1x64x64xf32, #tpu.memory_space<vmem>>
    %dma_wait3A_1406 = tpu.memref_squeeze %dma_wait3A_1405 : memref<1x1x64x64xf32, #tpu.memory_space<vmem>> -> memref<64x64xf32, #tpu.memory_space<vmem>>
    %dma_wait3A_1407 = arith.constant 0 : i32
    %dma_wait3A_1408 = arith.constant 0 : i32
    %dma_wait3A_1409 = tpu.memref_slice %arg3[%select_n3A, %add3A_1388, %dma_wait3A_1389, %dma_wait3A_1407, %dma_wait3A_1408] : memref<8x96x2x64x64xf32, #tpu.memory_space<hbm>> -> memref<1x1x1x64x64xf32, #tpu.memory_space<hbm>>
    %dma_wait3A_1410 = tpu.memref_squeeze %dma_wait3A_1409 : memref<1x1x1x64x64xf32, #tpu.memory_space<hbm>> -> memref<64x64xf32, #tpu.memory_space<hbm>>
    tpu.wait_dma2 semaphore(%dma_wait3A_1402 : memref<!tpu.dma_semaphore, #tpu.memory_space<semaphore_mem>>) src(%dma_wait3A_1410 : memref<64x64xf32, #tpu.memory_space<hbm>>) dst(%dma_wait3A_1406 : memref<64x64xf32, #tpu.memory_space<vmem>>)
    %dma_wait3A_1411 = arith.constant 1 : i32
    %dma_wait3A_1412 = arith.constant 3 : i32
    %dma_wait3A_1413 = arith.constant 1 : i32
    %dma_wait3A_1414 = arith.constant 3 : i32
    %dma_wait3A_1415 = arith.constant 0 : i32
    %dma_wait3A_1416 = arith.constant 0 : i32
    %dma_wait3A_1417 = tpu.memref_slice %arg5[%dma_wait3A_1412, %dma_wait3A_1413, %dma_wait3A_1415, %dma_wait3A_1416] : memref<6x2x64x64xf32, #tpu.memory_space<vmem>> -> memref<1x1x64x64xf32, #tpu.memory_space<vmem>>
    %dma_wait3A_1418 = tpu.memref_squeeze %dma_wait3A_1417 : memref<1x1x64x64xf32, #tpu.memory_space<vmem>> -> memref<64x64xf32, #tpu.memory_space<vmem>>
    %dma_wait3A_1419 = arith.constant 0 : i32
    %dma_wait3A_1420 = arith.constant 0 : i32
    %dma_wait3A_1421 = tpu.memref_slice %arg2[%select_n3A, %add3A_1388, %dma_wait3A_1411, %dma_wait3A_1419, %dma_wait3A_1420] : memref<8x96x2x64x64xf32, #tpu.memory_space<hbm>> -> memref<1x1x1x64x64xf32, #tpu.memory_space<hbm>>
    %dma_wait3A_1422 = tpu.memref_squeeze %dma_wait3A_1421 : memref<1x1x1x64x64xf32, #tpu.memory_space<hbm>> -> memref<64x64xf32, #tpu.memory_space<hbm>>
    %dma_wait3A_1423 = tpu.memref_slice %arg6[%dma_wait3A_1414] : memref<6x!tpu.dma_semaphore, #tpu.memory_space<semaphore_mem>> -> memref<1x!tpu.dma_semaphore, #tpu.memory_space<semaphore_mem>>
    %dma_wait3A_1424 = tpu.memref_squeeze %dma_wait3A_1423 : memref<1x!tpu.dma_semaphore, #tpu.memory_space<semaphore_mem>> -> memref<!tpu.dma_semaphore, #tpu.memory_space<semaphore_mem>>
    %dma_wait3A_1425 = arith.constant 0 : i32
    %dma_wait3A_1426 = arith.constant 0 : i32
    %dma_wait3A_1427 = tpu.memref_slice %arg5[%dma_wait3A_1412, %dma_wait3A_1413, %dma_wait3A_1425, %dma_wait3A_1426] : memref<6x2x64x64xf32, #tpu.memory_space<vmem>> -> memref<1x1x64x64xf32, #tpu.memory_space<vmem>>
    %dma_wait3A_1428 = tpu.memref_squeeze %dma_wait3A_1427 : memref<1x1x64x64xf32, #tpu.memory_space<vmem>> -> memref<64x64xf32, #tpu.memory_space<vmem>>
    %dma_wait3A_1429 = arith.constant 0 : i32
    %dma_wait3A_1430 = arith.constant 0 : i32
    %dma_wait3A_1431 = tpu.memref_slice %arg2[%select_n3A, %add3A_1388, %dma_wait3A_1411, %dma_wait3A_1429, %dma_wait3A_1430] : memref<8x96x2x64x64xf32, #tpu.memory_space<hbm>> -> memref<1x1x1x64x64xf32, #tpu.memory_space<hbm>>
    %dma_wait3A_1432 = tpu.memref_squeeze %dma_wait3A_1431 : memref<1x1x1x64x64xf32, #tpu.memory_space<hbm>> -> memref<64x64xf32, #tpu.memory_space<hbm>>
    tpu.wait_dma2 semaphore(%dma_wait3A_1424 : memref<!tpu.dma_semaphore, #tpu.memory_space<semaphore_mem>>) src(%dma_wait3A_1432 : memref<64x64xf32, #tpu.memory_space<hbm>>) dst(%dma_wait3A_1428 : memref<64x64xf32, #tpu.memory_space<vmem>>)
    %add3A_1433 = arith.constant 9 : i32
    %add3A_1434 = arith.addi %mul3A_32, %add3A_1433 : i32
    %mul3A_1435 = arith.constant 2 : i32
    %mul3A_1436 = arith.muli %mul3A_1435, %add3A_1434 : i32
    %dma_start3A_1437 = arith.constant 3 : i32
    %dma_start3A_1438 = arith.constant 3 : i32
    %dma_start3A_1439 = arith.constant 0 : i32
    %dma_start3A_1440 = arith.constant 0 : i32
    %dma_start3A_1441 = arith.constant 0 : i32
    %dma_start3A_1442 = tpu.memref_slice %arg5[%dma_start3A_1437, %dma_start3A_1439, %dma_start3A_1440, %dma_start3A_1441] : memref<6x2x64x64xf32, #tpu.memory_space<vmem>> -> memref<1x2x64x64xf32, #tpu.memory_space<vmem>>
    %dma_start3A_1443 = tpu.memref_squeeze %dma_start3A_1442 : memref<1x2x64x64xf32, #tpu.memory_space<vmem>> -> memref<2x64x64xf32, #tpu.memory_space<vmem>>
    %dma_start3A_1444 = arith.constant 0 : i32
    %dma_start3A_1445 = arith.constant 0 : i32
    %dma_start3A_1446 = tpu.memref_slice %arg4[%select_n3A, %mul3A_1436, %dma_start3A_1444, %dma_start3A_1445] : memref<8x192x64x64xf32, #tpu.memory_space<hbm>> -> memref<1x2x64x64xf32, #tpu.memory_space<hbm>>
    %dma_start3A_1447 = tpu.memref_squeeze %dma_start3A_1446 : memref<1x2x64x64xf32, #tpu.memory_space<hbm>> -> memref<2x64x64xf32, #tpu.memory_space<hbm>>
    %dma_start3A_1448 = tpu.memref_slice %arg7[%dma_start3A_1438] : memref<6x!tpu.dma_semaphore, #tpu.memory_space<semaphore_mem>> -> memref<1x!tpu.dma_semaphore, #tpu.memory_space<semaphore_mem>>
    %dma_start3A_1449 = tpu.memref_squeeze %dma_start3A_1448 : memref<1x!tpu.dma_semaphore, #tpu.memory_space<semaphore_mem>> -> memref<!tpu.dma_semaphore, #tpu.memory_space<semaphore_mem>>
    %dma_start3A_1450 = arith.constant 0 : i32
    %dma_start3A_1451 = arith.constant 0 : i32
    %dma_start3A_1452 = tpu.memref_slice %arg4[%select_n3A, %mul3A_1436, %dma_start3A_1450, %dma_start3A_1451] : memref<8x192x64x64xf32, #tpu.memory_space<hbm>> -> memref<1x2x64x64xf32, #tpu.memory_space<hbm>>
    %dma_start3A_1453 = tpu.memref_squeeze %dma_start3A_1452 : memref<1x2x64x64xf32, #tpu.memory_space<hbm>> -> memref<2x64x64xf32, #tpu.memory_space<hbm>>
    %dma_start3A_1454 = arith.constant 0 : i32
    %dma_start3A_1455 = arith.constant 0 : i32
    %dma_start3A_1456 = arith.constant 0 : i32
    %dma_start3A_1457 = tpu.memref_slice %arg5[%dma_start3A_1437, %dma_start3A_1454, %dma_start3A_1455, %dma_start3A_1456] : memref<6x2x64x64xf32, #tpu.memory_space<vmem>> -> memref<1x2x64x64xf32, #tpu.memory_space<vmem>>
    %dma_start3A_1458 = tpu.memref_squeeze %dma_start3A_1457 : memref<1x2x64x64xf32, #tpu.memory_space<vmem>> -> memref<2x64x64xf32, #tpu.memory_space<vmem>>
    tpu.enqueue_dma source(%dma_start3A_1458 : memref<2x64x64xf32, #tpu.memory_space<vmem>>) target(%dma_start3A_1453 : memref<2x64x64xf32, #tpu.memory_space<hbm>>) target_semaphore(%dma_start3A_1449 : memref<!tpu.dma_semaphore, #tpu.memory_space<semaphore_mem>>)
    %add3A_1459 = arith.constant 6 : i32
    %add3A_1460 = arith.addi %mul3A_32, %add3A_1459 : i32
    %mul3A_1461 = arith.constant 2 : i32
    %mul3A_1462 = arith.muli %mul3A_1461, %add3A_1460 : i32
    %dma_wait3A_1463 = arith.constant 0 : i32
    %dma_wait3A_1464 = arith.constant 0 : i32
    %dma_wait3A_1465 = arith.constant 0 : i32
    %dma_wait3A_1466 = arith.constant 0 : i32
    %dma_wait3A_1467 = arith.constant 0 : i32
    %dma_wait3A_1468 = tpu.memref_slice %arg5[%dma_wait3A_1463, %dma_wait3A_1465, %dma_wait3A_1466, %dma_wait3A_1467] : memref<6x2x64x64xf32, #tpu.memory_space<vmem>> -> memref<1x2x64x64xf32, #tpu.memory_space<vmem>>
    %dma_wait3A_1469 = tpu.memref_squeeze %dma_wait3A_1468 : memref<1x2x64x64xf32, #tpu.memory_space<vmem>> -> memref<2x64x64xf32, #tpu.memory_space<vmem>>
    %dma_wait3A_1470 = arith.constant 0 : i32
    %dma_wait3A_1471 = arith.constant 0 : i32
    %dma_wait3A_1472 = tpu.memref_slice %arg4[%select_n3A, %mul3A_1462, %dma_wait3A_1470, %dma_wait3A_1471] : memref<8x192x64x64xf32, #tpu.memory_space<hbm>> -> memref<1x2x64x64xf32, #tpu.memory_space<hbm>>
    %dma_wait3A_1473 = tpu.memref_squeeze %dma_wait3A_1472 : memref<1x2x64x64xf32, #tpu.memory_space<hbm>> -> memref<2x64x64xf32, #tpu.memory_space<hbm>>
    %dma_wait3A_1474 = tpu.memref_slice %arg7[%dma_wait3A_1464] : memref<6x!tpu.dma_semaphore, #tpu.memory_space<semaphore_mem>> -> memref<1x!tpu.dma_semaphore, #tpu.memory_space<semaphore_mem>>
    %dma_wait3A_1475 = tpu.memref_squeeze %dma_wait3A_1474 : memref<1x!tpu.dma_semaphore, #tpu.memory_space<semaphore_mem>> -> memref<!tpu.dma_semaphore, #tpu.memory_space<semaphore_mem>>
    %dma_wait3A_1476 = arith.constant 0 : i32
    %dma_wait3A_1477 = arith.constant 0 : i32
    %dma_wait3A_1478 = tpu.memref_slice %arg4[%select_n3A, %mul3A_1462, %dma_wait3A_1476, %dma_wait3A_1477] : memref<8x192x64x64xf32, #tpu.memory_space<hbm>> -> memref<1x2x64x64xf32, #tpu.memory_space<hbm>>
    %dma_wait3A_1479 = tpu.memref_squeeze %dma_wait3A_1478 : memref<1x2x64x64xf32, #tpu.memory_space<hbm>> -> memref<2x64x64xf32, #tpu.memory_space<hbm>>
    %dma_wait3A_1480 = arith.constant 0 : i32
    %dma_wait3A_1481 = arith.constant 0 : i32
    %dma_wait3A_1482 = arith.constant 0 : i32
    %dma_wait3A_1483 = tpu.memref_slice %arg5[%dma_wait3A_1463, %dma_wait3A_1480, %dma_wait3A_1481, %dma_wait3A_1482] : memref<6x2x64x64xf32, #tpu.memory_space<vmem>> -> memref<1x2x64x64xf32, #tpu.memory_space<vmem>>
    %dma_wait3A_1484 = tpu.memref_squeeze %dma_wait3A_1483 : memref<1x2x64x64xf32, #tpu.memory_space<vmem>> -> memref<2x64x64xf32, #tpu.memory_space<vmem>>
    tpu.wait_dma2 semaphore(%dma_wait3A_1475 : memref<!tpu.dma_semaphore, #tpu.memory_space<semaphore_mem>>) src(%dma_wait3A_1484 : memref<2x64x64xf32, #tpu.memory_space<vmem>>) dst(%dma_wait3A_1479 : memref<2x64x64xf32, #tpu.memory_space<hbm>>)
    %add3A_1485 = arith.constant 12 : i32
    %add3A_1486 = arith.addi %mul3A_32, %add3A_1485 : i32
    %dma_start3A_1487 = arith.constant 0 : i32
    %dma_start3A_1488 = arith.constant 0 : i32
    %dma_start3A_1489 = arith.constant 0 : i32
    %dma_start3A_1490 = arith.constant 0 : i32
    %dma_start3A_1491 = arith.constant 0 : i32
    %dma_start3A_1492 = arith.constant 0 : i32
    %dma_start3A_1493 = tpu.memref_slice %arg5[%dma_start3A_1488, %dma_start3A_1489, %dma_start3A_1491, %dma_start3A_1492] : memref<6x2x64x64xf32, #tpu.memory_space<vmem>> -> memref<1x1x64x64xf32, #tpu.memory_space<vmem>>
    %dma_start3A_1494 = tpu.memref_squeeze %dma_start3A_1493 : memref<1x1x64x64xf32, #tpu.memory_space<vmem>> -> memref<64x64xf32, #tpu.memory_space<vmem>>
    %dma_start3A_1495 = arith.constant 0 : i32
    %dma_start3A_1496 = arith.constant 0 : i32
    %dma_start3A_1497 = tpu.memref_slice %arg3[%select_n3A, %add3A_1486, %dma_start3A_1487, %dma_start3A_1495, %dma_start3A_1496] : memref<8x96x2x64x64xf32, #tpu.memory_space<hbm>> -> memref<1x1x1x64x64xf32, #tpu.memory_space<hbm>>
    %dma_start3A_1498 = tpu.memref_squeeze %dma_start3A_1497 : memref<1x1x1x64x64xf32, #tpu.memory_space<hbm>> -> memref<64x64xf32, #tpu.memory_space<hbm>>
    %dma_start3A_1499 = tpu.memref_slice %arg6[%dma_start3A_1490] : memref<6x!tpu.dma_semaphore, #tpu.memory_space<semaphore_mem>> -> memref<1x!tpu.dma_semaphore, #tpu.memory_space<semaphore_mem>>
    %dma_start3A_1500 = tpu.memref_squeeze %dma_start3A_1499 : memref<1x!tpu.dma_semaphore, #tpu.memory_space<semaphore_mem>> -> memref<!tpu.dma_semaphore, #tpu.memory_space<semaphore_mem>>
    %dma_start3A_1501 = arith.constant 0 : i32
    %dma_start3A_1502 = arith.constant 0 : i32
    %dma_start3A_1503 = tpu.memref_slice %arg5[%dma_start3A_1488, %dma_start3A_1489, %dma_start3A_1501, %dma_start3A_1502] : memref<6x2x64x64xf32, #tpu.memory_space<vmem>> -> memref<1x1x64x64xf32, #tpu.memory_space<vmem>>
    %dma_start3A_1504 = tpu.memref_squeeze %dma_start3A_1503 : memref<1x1x64x64xf32, #tpu.memory_space<vmem>> -> memref<64x64xf32, #tpu.memory_space<vmem>>
    %dma_start3A_1505 = arith.constant 0 : i32
    %dma_start3A_1506 = arith.constant 0 : i32
    %dma_start3A_1507 = tpu.memref_slice %arg3[%select_n3A, %add3A_1486, %dma_start3A_1487, %dma_start3A_1505, %dma_start3A_1506] : memref<8x96x2x64x64xf32, #tpu.memory_space<hbm>> -> memref<1x1x1x64x64xf32, #tpu.memory_space<hbm>>
    %dma_start3A_1508 = tpu.memref_squeeze %dma_start3A_1507 : memref<1x1x1x64x64xf32, #tpu.memory_space<hbm>> -> memref<64x64xf32, #tpu.memory_space<hbm>>
    tpu.enqueue_dma source(%dma_start3A_1508 : memref<64x64xf32, #tpu.memory_space<hbm>>) target(%dma_start3A_1504 : memref<64x64xf32, #tpu.memory_space<vmem>>) target_semaphore(%dma_start3A_1500 : memref<!tpu.dma_semaphore, #tpu.memory_space<semaphore_mem>>)
    %dma_start3A_1509 = arith.constant 1 : i32
    %dma_start3A_1510 = arith.constant 0 : i32
    %dma_start3A_1511 = arith.constant 1 : i32
    %dma_start3A_1512 = arith.constant 0 : i32
    %dma_start3A_1513 = arith.constant 0 : i32
    %dma_start3A_1514 = arith.constant 0 : i32
    %dma_start3A_1515 = tpu.memref_slice %arg5[%dma_start3A_1510, %dma_start3A_1511, %dma_start3A_1513, %dma_start3A_1514] : memref<6x2x64x64xf32, #tpu.memory_space<vmem>> -> memref<1x1x64x64xf32, #tpu.memory_space<vmem>>
    %dma_start3A_1516 = tpu.memref_squeeze %dma_start3A_1515 : memref<1x1x64x64xf32, #tpu.memory_space<vmem>> -> memref<64x64xf32, #tpu.memory_space<vmem>>
    %dma_start3A_1517 = arith.constant 0 : i32
    %dma_start3A_1518 = arith.constant 0 : i32
    %dma_start3A_1519 = tpu.memref_slice %arg2[%select_n3A, %add3A_1486, %dma_start3A_1509, %dma_start3A_1517, %dma_start3A_1518] : memref<8x96x2x64x64xf32, #tpu.memory_space<hbm>> -> memref<1x1x1x64x64xf32, #tpu.memory_space<hbm>>
    %dma_start3A_1520 = tpu.memref_squeeze %dma_start3A_1519 : memref<1x1x1x64x64xf32, #tpu.memory_space<hbm>> -> memref<64x64xf32, #tpu.memory_space<hbm>>
    %dma_start3A_1521 = tpu.memref_slice %arg6[%dma_start3A_1512] : memref<6x!tpu.dma_semaphore, #tpu.memory_space<semaphore_mem>> -> memref<1x!tpu.dma_semaphore, #tpu.memory_space<semaphore_mem>>
    %dma_start3A_1522 = tpu.memref_squeeze %dma_start3A_1521 : memref<1x!tpu.dma_semaphore, #tpu.memory_space<semaphore_mem>> -> memref<!tpu.dma_semaphore, #tpu.memory_space<semaphore_mem>>
    %dma_start3A_1523 = arith.constant 0 : i32
    %dma_start3A_1524 = arith.constant 0 : i32
    %dma_start3A_1525 = tpu.memref_slice %arg5[%dma_start3A_1510, %dma_start3A_1511, %dma_start3A_1523, %dma_start3A_1524] : memref<6x2x64x64xf32, #tpu.memory_space<vmem>> -> memref<1x1x64x64xf32, #tpu.memory_space<vmem>>
    %dma_start3A_1526 = tpu.memref_squeeze %dma_start3A_1525 : memref<1x1x64x64xf32, #tpu.memory_space<vmem>> -> memref<64x64xf32, #tpu.memory_space<vmem>>
    %dma_start3A_1527 = arith.constant 0 : i32
    %dma_start3A_1528 = arith.constant 0 : i32
    %dma_start3A_1529 = tpu.memref_slice %arg2[%select_n3A, %add3A_1486, %dma_start3A_1509, %dma_start3A_1527, %dma_start3A_1528] : memref<8x96x2x64x64xf32, #tpu.memory_space<hbm>> -> memref<1x1x1x64x64xf32, #tpu.memory_space<hbm>>
    %dma_start3A_1530 = tpu.memref_squeeze %dma_start3A_1529 : memref<1x1x1x64x64xf32, #tpu.memory_space<hbm>> -> memref<64x64xf32, #tpu.memory_space<hbm>>
    tpu.enqueue_dma source(%dma_start3A_1530 : memref<64x64xf32, #tpu.memory_space<hbm>>) target(%dma_start3A_1526 : memref<64x64xf32, #tpu.memory_space<vmem>>) target_semaphore(%dma_start3A_1522 : memref<!tpu.dma_semaphore, #tpu.memory_space<semaphore_mem>>)
    %add3A_1531 = arith.constant 10 : i32
    %add3A_1532 = arith.addi %mul3A_32, %add3A_1531 : i32
    %dma_wait3A_1533 = arith.constant 0 : i32
    %dma_wait3A_1534 = arith.constant 4 : i32
    %dma_wait3A_1535 = arith.constant 0 : i32
    %dma_wait3A_1536 = arith.constant 4 : i32
    %dma_wait3A_1537 = arith.constant 0 : i32
    %dma_wait3A_1538 = arith.constant 0 : i32
    %dma_wait3A_1539 = tpu.memref_slice %arg5[%dma_wait3A_1534, %dma_wait3A_1535, %dma_wait3A_1537, %dma_wait3A_1538] : memref<6x2x64x64xf32, #tpu.memory_space<vmem>> -> memref<1x1x64x64xf32, #tpu.memory_space<vmem>>
    %dma_wait3A_1540 = tpu.memref_squeeze %dma_wait3A_1539 : memref<1x1x64x64xf32, #tpu.memory_space<vmem>> -> memref<64x64xf32, #tpu.memory_space<vmem>>
    %dma_wait3A_1541 = arith.constant 0 : i32
    %dma_wait3A_1542 = arith.constant 0 : i32
    %dma_wait3A_1543 = tpu.memref_slice %arg3[%select_n3A, %add3A_1532, %dma_wait3A_1533, %dma_wait3A_1541, %dma_wait3A_1542] : memref<8x96x2x64x64xf32, #tpu.memory_space<hbm>> -> memref<1x1x1x64x64xf32, #tpu.memory_space<hbm>>
    %dma_wait3A_1544 = tpu.memref_squeeze %dma_wait3A_1543 : memref<1x1x1x64x64xf32, #tpu.memory_space<hbm>> -> memref<64x64xf32, #tpu.memory_space<hbm>>
    %dma_wait3A_1545 = tpu.memref_slice %arg6[%dma_wait3A_1536] : memref<6x!tpu.dma_semaphore, #tpu.memory_space<semaphore_mem>> -> memref<1x!tpu.dma_semaphore, #tpu.memory_space<semaphore_mem>>
    %dma_wait3A_1546 = tpu.memref_squeeze %dma_wait3A_1545 : memref<1x!tpu.dma_semaphore, #tpu.memory_space<semaphore_mem>> -> memref<!tpu.dma_semaphore, #tpu.memory_space<semaphore_mem>>
    %dma_wait3A_1547 = arith.constant 0 : i32
    %dma_wait3A_1548 = arith.constant 0 : i32
    %dma_wait3A_1549 = tpu.memref_slice %arg5[%dma_wait3A_1534, %dma_wait3A_1535, %dma_wait3A_1547, %dma_wait3A_1548] : memref<6x2x64x64xf32, #tpu.memory_space<vmem>> -> memref<1x1x64x64xf32, #tpu.memory_space<vmem>>
    %dma_wait3A_1550 = tpu.memref_squeeze %dma_wait3A_1549 : memref<1x1x64x64xf32, #tpu.memory_space<vmem>> -> memref<64x64xf32, #tpu.memory_space<vmem>>
    %dma_wait3A_1551 = arith.constant 0 : i32
    %dma_wait3A_1552 = arith.constant 0 : i32
    %dma_wait3A_1553 = tpu.memref_slice %arg3[%select_n3A, %add3A_1532, %dma_wait3A_1533, %dma_wait3A_1551, %dma_wait3A_1552] : memref<8x96x2x64x64xf32, #tpu.memory_space<hbm>> -> memref<1x1x1x64x64xf32, #tpu.memory_space<hbm>>
    %dma_wait3A_1554 = tpu.memref_squeeze %dma_wait3A_1553 : memref<1x1x1x64x64xf32, #tpu.memory_space<hbm>> -> memref<64x64xf32, #tpu.memory_space<hbm>>
    tpu.wait_dma2 semaphore(%dma_wait3A_1546 : memref<!tpu.dma_semaphore, #tpu.memory_space<semaphore_mem>>) src(%dma_wait3A_1554 : memref<64x64xf32, #tpu.memory_space<hbm>>) dst(%dma_wait3A_1550 : memref<64x64xf32, #tpu.memory_space<vmem>>)
    %dma_wait3A_1555 = arith.constant 1 : i32
    %dma_wait3A_1556 = arith.constant 4 : i32
    %dma_wait3A_1557 = arith.constant 1 : i32
    %dma_wait3A_1558 = arith.constant 4 : i32
    %dma_wait3A_1559 = arith.constant 0 : i32
    %dma_wait3A_1560 = arith.constant 0 : i32
    %dma_wait3A_1561 = tpu.memref_slice %arg5[%dma_wait3A_1556, %dma_wait3A_1557, %dma_wait3A_1559, %dma_wait3A_1560] : memref<6x2x64x64xf32, #tpu.memory_space<vmem>> -> memref<1x1x64x64xf32, #tpu.memory_space<vmem>>
    %dma_wait3A_1562 = tpu.memref_squeeze %dma_wait3A_1561 : memref<1x1x64x64xf32, #tpu.memory_space<vmem>> -> memref<64x64xf32, #tpu.memory_space<vmem>>
    %dma_wait3A_1563 = arith.constant 0 : i32
    %dma_wait3A_1564 = arith.constant 0 : i32
    %dma_wait3A_1565 = tpu.memref_slice %arg2[%select_n3A, %add3A_1532, %dma_wait3A_1555, %dma_wait3A_1563, %dma_wait3A_1564] : memref<8x96x2x64x64xf32, #tpu.memory_space<hbm>> -> memref<1x1x1x64x64xf32, #tpu.memory_space<hbm>>
    %dma_wait3A_1566 = tpu.memref_squeeze %dma_wait3A_1565 : memref<1x1x1x64x64xf32, #tpu.memory_space<hbm>> -> memref<64x64xf32, #tpu.memory_space<hbm>>
    %dma_wait3A_1567 = tpu.memref_slice %arg6[%dma_wait3A_1558] : memref<6x!tpu.dma_semaphore, #tpu.memory_space<semaphore_mem>> -> memref<1x!tpu.dma_semaphore, #tpu.memory_space<semaphore_mem>>
    %dma_wait3A_1568 = tpu.memref_squeeze %dma_wait3A_1567 : memref<1x!tpu.dma_semaphore, #tpu.memory_space<semaphore_mem>> -> memref<!tpu.dma_semaphore, #tpu.memory_space<semaphore_mem>>
    %dma_wait3A_1569 = arith.constant 0 : i32
    %dma_wait3A_1570 = arith.constant 0 : i32
    %dma_wait3A_1571 = tpu.memref_slice %arg5[%dma_wait3A_1556, %dma_wait3A_1557, %dma_wait3A_1569, %dma_wait3A_1570] : memref<6x2x64x64xf32, #tpu.memory_space<vmem>> -> memref<1x1x64x64xf32, #tpu.memory_space<vmem>>
    %dma_wait3A_1572 = tpu.memref_squeeze %dma_wait3A_1571 : memref<1x1x64x64xf32, #tpu.memory_space<vmem>> -> memref<64x64xf32, #tpu.memory_space<vmem>>
    %dma_wait3A_1573 = arith.constant 0 : i32
    %dma_wait3A_1574 = arith.constant 0 : i32
    %dma_wait3A_1575 = tpu.memref_slice %arg2[%select_n3A, %add3A_1532, %dma_wait3A_1555, %dma_wait3A_1573, %dma_wait3A_1574] : memref<8x96x2x64x64xf32, #tpu.memory_space<hbm>> -> memref<1x1x1x64x64xf32, #tpu.memory_space<hbm>>
    %dma_wait3A_1576 = tpu.memref_squeeze %dma_wait3A_1575 : memref<1x1x1x64x64xf32, #tpu.memory_space<hbm>> -> memref<64x64xf32, #tpu.memory_space<hbm>>
    tpu.wait_dma2 semaphore(%dma_wait3A_1568 : memref<!tpu.dma_semaphore, #tpu.memory_space<semaphore_mem>>) src(%dma_wait3A_1576 : memref<64x64xf32, #tpu.memory_space<hbm>>) dst(%dma_wait3A_1572 : memref<64x64xf32, #tpu.memory_space<vmem>>)
    %add3A_1577 = arith.constant 10 : i32
    %add3A_1578 = arith.addi %mul3A_32, %add3A_1577 : i32
    %mul3A_1579 = arith.constant 2 : i32
    %mul3A_1580 = arith.muli %mul3A_1579, %add3A_1578 : i32
    %dma_start3A_1581 = arith.constant 4 : i32
    %dma_start3A_1582 = arith.constant 4 : i32
    %dma_start3A_1583 = arith.constant 0 : i32
    %dma_start3A_1584 = arith.constant 0 : i32
    %dma_start3A_1585 = arith.constant 0 : i32
    %dma_start3A_1586 = tpu.memref_slice %arg5[%dma_start3A_1581, %dma_start3A_1583, %dma_start3A_1584, %dma_start3A_1585] : memref<6x2x64x64xf32, #tpu.memory_space<vmem>> -> memref<1x2x64x64xf32, #tpu.memory_space<vmem>>
    %dma_start3A_1587 = tpu.memref_squeeze %dma_start3A_1586 : memref<1x2x64x64xf32, #tpu.memory_space<vmem>> -> memref<2x64x64xf32, #tpu.memory_space<vmem>>
    %dma_start3A_1588 = arith.constant 0 : i32
    %dma_start3A_1589 = arith.constant 0 : i32
    %dma_start3A_1590 = tpu.memref_slice %arg4[%select_n3A, %mul3A_1580, %dma_start3A_1588, %dma_start3A_1589] : memref<8x192x64x64xf32, #tpu.memory_space<hbm>> -> memref<1x2x64x64xf32, #tpu.memory_space<hbm>>
    %dma_start3A_1591 = tpu.memref_squeeze %dma_start3A_1590 : memref<1x2x64x64xf32, #tpu.memory_space<hbm>> -> memref<2x64x64xf32, #tpu.memory_space<hbm>>
    %dma_start3A_1592 = tpu.memref_slice %arg7[%dma_start3A_1582] : memref<6x!tpu.dma_semaphore, #tpu.memory_space<semaphore_mem>> -> memref<1x!tpu.dma_semaphore, #tpu.memory_space<semaphore_mem>>
    %dma_start3A_1593 = tpu.memref_squeeze %dma_start3A_1592 : memref<1x!tpu.dma_semaphore, #tpu.memory_space<semaphore_mem>> -> memref<!tpu.dma_semaphore, #tpu.memory_space<semaphore_mem>>
    %dma_start3A_1594 = arith.constant 0 : i32
    %dma_start3A_1595 = arith.constant 0 : i32
    %dma_start3A_1596 = tpu.memref_slice %arg4[%select_n3A, %mul3A_1580, %dma_start3A_1594, %dma_start3A_1595] : memref<8x192x64x64xf32, #tpu.memory_space<hbm>> -> memref<1x2x64x64xf32, #tpu.memory_space<hbm>>
    %dma_start3A_1597 = tpu.memref_squeeze %dma_start3A_1596 : memref<1x2x64x64xf32, #tpu.memory_space<hbm>> -> memref<2x64x64xf32, #tpu.memory_space<hbm>>
    %dma_start3A_1598 = arith.constant 0 : i32
    %dma_start3A_1599 = arith.constant 0 : i32
    %dma_start3A_1600 = arith.constant 0 : i32
    %dma_start3A_1601 = tpu.memref_slice %arg5[%dma_start3A_1581, %dma_start3A_1598, %dma_start3A_1599, %dma_start3A_1600] : memref<6x2x64x64xf32, #tpu.memory_space<vmem>> -> memref<1x2x64x64xf32, #tpu.memory_space<vmem>>
    %dma_start3A_1602 = tpu.memref_squeeze %dma_start3A_1601 : memref<1x2x64x64xf32, #tpu.memory_space<vmem>> -> memref<2x64x64xf32, #tpu.memory_space<vmem>>
    tpu.enqueue_dma source(%dma_start3A_1602 : memref<2x64x64xf32, #tpu.memory_space<vmem>>) target(%dma_start3A_1597 : memref<2x64x64xf32, #tpu.memory_space<hbm>>) target_semaphore(%dma_start3A_1593 : memref<!tpu.dma_semaphore, #tpu.memory_space<semaphore_mem>>)
    %add3A_1603 = arith.constant 7 : i32
    %add3A_1604 = arith.addi %mul3A_32, %add3A_1603 : i32
    %mul3A_1605 = arith.constant 2 : i32
    %mul3A_1606 = arith.muli %mul3A_1605, %add3A_1604 : i32
    %dma_wait3A_1607 = arith.constant 1 : i32
    %dma_wait3A_1608 = arith.constant 1 : i32
    %dma_wait3A_1609 = arith.constant 0 : i32
    %dma_wait3A_1610 = arith.constant 0 : i32
    %dma_wait3A_1611 = arith.constant 0 : i32
    %dma_wait3A_1612 = tpu.memref_slice %arg5[%dma_wait3A_1607, %dma_wait3A_1609, %dma_wait3A_1610, %dma_wait3A_1611] : memref<6x2x64x64xf32, #tpu.memory_space<vmem>> -> memref<1x2x64x64xf32, #tpu.memory_space<vmem>>
    %dma_wait3A_1613 = tpu.memref_squeeze %dma_wait3A_1612 : memref<1x2x64x64xf32, #tpu.memory_space<vmem>> -> memref<2x64x64xf32, #tpu.memory_space<vmem>>
    %dma_wait3A_1614 = arith.constant 0 : i32
    %dma_wait3A_1615 = arith.constant 0 : i32
    %dma_wait3A_1616 = tpu.memref_slice %arg4[%select_n3A, %mul3A_1606, %dma_wait3A_1614, %dma_wait3A_1615] : memref<8x192x64x64xf32, #tpu.memory_space<hbm>> -> memref<1x2x64x64xf32, #tpu.memory_space<hbm>>
    %dma_wait3A_1617 = tpu.memref_squeeze %dma_wait3A_1616 : memref<1x2x64x64xf32, #tpu.memory_space<hbm>> -> memref<2x64x64xf32, #tpu.memory_space<hbm>>
    %dma_wait3A_1618 = tpu.memref_slice %arg7[%dma_wait3A_1608] : memref<6x!tpu.dma_semaphore, #tpu.memory_space<semaphore_mem>> -> memref<1x!tpu.dma_semaphore, #tpu.memory_space<semaphore_mem>>
    %dma_wait3A_1619 = tpu.memref_squeeze %dma_wait3A_1618 : memref<1x!tpu.dma_semaphore, #tpu.memory_space<semaphore_mem>> -> memref<!tpu.dma_semaphore, #tpu.memory_space<semaphore_mem>>
    %dma_wait3A_1620 = arith.constant 0 : i32
    %dma_wait3A_1621 = arith.constant 0 : i32
    %dma_wait3A_1622 = tpu.memref_slice %arg4[%select_n3A, %mul3A_1606, %dma_wait3A_1620, %dma_wait3A_1621] : memref<8x192x64x64xf32, #tpu.memory_space<hbm>> -> memref<1x2x64x64xf32, #tpu.memory_space<hbm>>
    %dma_wait3A_1623 = tpu.memref_squeeze %dma_wait3A_1622 : memref<1x2x64x64xf32, #tpu.memory_space<hbm>> -> memref<2x64x64xf32, #tpu.memory_space<hbm>>
    %dma_wait3A_1624 = arith.constant 0 : i32
    %dma_wait3A_1625 = arith.constant 0 : i32
    %dma_wait3A_1626 = arith.constant 0 : i32
    %dma_wait3A_1627 = tpu.memref_slice %arg5[%dma_wait3A_1607, %dma_wait3A_1624, %dma_wait3A_1625, %dma_wait3A_1626] : memref<6x2x64x64xf32, #tpu.memory_space<vmem>> -> memref<1x2x64x64xf32, #tpu.memory_space<vmem>>
    %dma_wait3A_1628 = tpu.memref_squeeze %dma_wait3A_1627 : memref<1x2x64x64xf32, #tpu.memory_space<vmem>> -> memref<2x64x64xf32, #tpu.memory_space<vmem>>
    tpu.wait_dma2 semaphore(%dma_wait3A_1619 : memref<!tpu.dma_semaphore, #tpu.memory_space<semaphore_mem>>) src(%dma_wait3A_1628 : memref<2x64x64xf32, #tpu.memory_space<vmem>>) dst(%dma_wait3A_1623 : memref<2x64x64xf32, #tpu.memory_space<hbm>>)
    %add3A_1629 = arith.constant 13 : i32
    %add3A_1630 = arith.addi %mul3A_32, %add3A_1629 : i32
    %dma_start3A_1631 = arith.constant 0 : i32
    %dma_start3A_1632 = arith.constant 1 : i32
    %dma_start3A_1633 = arith.constant 0 : i32
    %dma_start3A_1634 = arith.constant 1 : i32
    %dma_start3A_1635 = arith.constant 0 : i32
    %dma_start3A_1636 = arith.constant 0 : i32
    %dma_start3A_1637 = tpu.memref_slice %arg5[%dma_start3A_1632, %dma_start3A_1633, %dma_start3A_1635, %dma_start3A_1636] : memref<6x2x64x64xf32, #tpu.memory_space<vmem>> -> memref<1x1x64x64xf32, #tpu.memory_space<vmem>>
    %dma_start3A_1638 = tpu.memref_squeeze %dma_start3A_1637 : memref<1x1x64x64xf32, #tpu.memory_space<vmem>> -> memref<64x64xf32, #tpu.memory_space<vmem>>
    %dma_start3A_1639 = arith.constant 0 : i32
    %dma_start3A_1640 = arith.constant 0 : i32
    %dma_start3A_1641 = tpu.memref_slice %arg3[%select_n3A, %add3A_1630, %dma_start3A_1631, %dma_start3A_1639, %dma_start3A_1640] : memref<8x96x2x64x64xf32, #tpu.memory_space<hbm>> -> memref<1x1x1x64x64xf32, #tpu.memory_space<hbm>>
    %dma_start3A_1642 = tpu.memref_squeeze %dma_start3A_1641 : memref<1x1x1x64x64xf32, #tpu.memory_space<hbm>> -> memref<64x64xf32, #tpu.memory_space<hbm>>
    %dma_start3A_1643 = tpu.memref_slice %arg6[%dma_start3A_1634] : memref<6x!tpu.dma_semaphore, #tpu.memory_space<semaphore_mem>> -> memref<1x!tpu.dma_semaphore, #tpu.memory_space<semaphore_mem>>
    %dma_start3A_1644 = tpu.memref_squeeze %dma_start3A_1643 : memref<1x!tpu.dma_semaphore, #tpu.memory_space<semaphore_mem>> -> memref<!tpu.dma_semaphore, #tpu.memory_space<semaphore_mem>>
    %dma_start3A_1645 = arith.constant 0 : i32
    %dma_start3A_1646 = arith.constant 0 : i32
    %dma_start3A_1647 = tpu.memref_slice %arg5[%dma_start3A_1632, %dma_start3A_1633, %dma_start3A_1645, %dma_start3A_1646] : memref<6x2x64x64xf32, #tpu.memory_space<vmem>> -> memref<1x1x64x64xf32, #tpu.memory_space<vmem>>
    %dma_start3A_1648 = tpu.memref_squeeze %dma_start3A_1647 : memref<1x1x64x64xf32, #tpu.memory_space<vmem>> -> memref<64x64xf32, #tpu.memory_space<vmem>>
    %dma_start3A_1649 = arith.constant 0 : i32
    %dma_start3A_1650 = arith.constant 0 : i32
    %dma_start3A_1651 = tpu.memref_slice %arg3[%select_n3A, %add3A_1630, %dma_start3A_1631, %dma_start3A_1649, %dma_start3A_1650] : memref<8x96x2x64x64xf32, #tpu.memory_space<hbm>> -> memref<1x1x1x64x64xf32, #tpu.memory_space<hbm>>
    %dma_start3A_1652 = tpu.memref_squeeze %dma_start3A_1651 : memref<1x1x1x64x64xf32, #tpu.memory_space<hbm>> -> memref<64x64xf32, #tpu.memory_space<hbm>>
    tpu.enqueue_dma source(%dma_start3A_1652 : memref<64x64xf32, #tpu.memory_space<hbm>>) target(%dma_start3A_1648 : memref<64x64xf32, #tpu.memory_space<vmem>>) target_semaphore(%dma_start3A_1644 : memref<!tpu.dma_semaphore, #tpu.memory_space<semaphore_mem>>)
    %dma_start3A_1653 = arith.constant 1 : i32
    %dma_start3A_1654 = arith.constant 1 : i32
    %dma_start3A_1655 = arith.constant 1 : i32
    %dma_start3A_1656 = arith.constant 1 : i32
    %dma_start3A_1657 = arith.constant 0 : i32
    %dma_start3A_1658 = arith.constant 0 : i32
    %dma_start3A_1659 = tpu.memref_slice %arg5[%dma_start3A_1654, %dma_start3A_1655, %dma_start3A_1657, %dma_start3A_1658] : memref<6x2x64x64xf32, #tpu.memory_space<vmem>> -> memref<1x1x64x64xf32, #tpu.memory_space<vmem>>
    %dma_start3A_1660 = tpu.memref_squeeze %dma_start3A_1659 : memref<1x1x64x64xf32, #tpu.memory_space<vmem>> -> memref<64x64xf32, #tpu.memory_space<vmem>>
    %dma_start3A_1661 = arith.constant 0 : i32
    %dma_start3A_1662 = arith.constant 0 : i32
    %dma_start3A_1663 = tpu.memref_slice %arg2[%select_n3A, %add3A_1630, %dma_start3A_1653, %dma_start3A_1661, %dma_start3A_1662] : memref<8x96x2x64x64xf32, #tpu.memory_space<hbm>> -> memref<1x1x1x64x64xf32, #tpu.memory_space<hbm>>
    %dma_start3A_1664 = tpu.memref_squeeze %dma_start3A_1663 : memref<1x1x1x64x64xf32, #tpu.memory_space<hbm>> -> memref<64x64xf32, #tpu.memory_space<hbm>>
    %dma_start3A_1665 = tpu.memref_slice %arg6[%dma_start3A_1656] : memref<6x!tpu.dma_semaphore, #tpu.memory_space<semaphore_mem>> -> memref<1x!tpu.dma_semaphore, #tpu.memory_space<semaphore_mem>>
    %dma_start3A_1666 = tpu.memref_squeeze %dma_start3A_1665 : memref<1x!tpu.dma_semaphore, #tpu.memory_space<semaphore_mem>> -> memref<!tpu.dma_semaphore, #tpu.memory_space<semaphore_mem>>
    %dma_start3A_1667 = arith.constant 0 : i32
    %dma_start3A_1668 = arith.constant 0 : i32
    %dma_start3A_1669 = tpu.memref_slice %arg5[%dma_start3A_1654, %dma_start3A_1655, %dma_start3A_1667, %dma_start3A_1668] : memref<6x2x64x64xf32, #tpu.memory_space<vmem>> -> memref<1x1x64x64xf32, #tpu.memory_space<vmem>>
    %dma_start3A_1670 = tpu.memref_squeeze %dma_start3A_1669 : memref<1x1x64x64xf32, #tpu.memory_space<vmem>> -> memref<64x64xf32, #tpu.memory_space<vmem>>
    %dma_start3A_1671 = arith.constant 0 : i32
    %dma_start3A_1672 = arith.constant 0 : i32
    %dma_start3A_1673 = tpu.memref_slice %arg2[%select_n3A, %add3A_1630, %dma_start3A_1653, %dma_start3A_1671, %dma_start3A_1672] : memref<8x96x2x64x64xf32, #tpu.memory_space<hbm>> -> memref<1x1x1x64x64xf32, #tpu.memory_space<hbm>>
    %dma_start3A_1674 = tpu.memref_squeeze %dma_start3A_1673 : memref<1x1x1x64x64xf32, #tpu.memory_space<hbm>> -> memref<64x64xf32, #tpu.memory_space<hbm>>
    tpu.enqueue_dma source(%dma_start3A_1674 : memref<64x64xf32, #tpu.memory_space<hbm>>) target(%dma_start3A_1670 : memref<64x64xf32, #tpu.memory_space<vmem>>) target_semaphore(%dma_start3A_1666 : memref<!tpu.dma_semaphore, #tpu.memory_space<semaphore_mem>>)
    %add3A_1675 = arith.constant 11 : i32
    %add3A_1676 = arith.addi %mul3A_32, %add3A_1675 : i32
    %dma_wait3A_1677 = arith.constant 0 : i32
    %dma_wait3A_1678 = arith.constant 5 : i32
    %dma_wait3A_1679 = arith.constant 0 : i32
    %dma_wait3A_1680 = arith.constant 5 : i32
    %dma_wait3A_1681 = arith.constant 0 : i32
    %dma_wait3A_1682 = arith.constant 0 : i32
    %dma_wait3A_1683 = tpu.memref_slice %arg5[%dma_wait3A_1678, %dma_wait3A_1679, %dma_wait3A_1681, %dma_wait3A_1682] : memref<6x2x64x64xf32, #tpu.memory_space<vmem>> -> memref<1x1x64x64xf32, #tpu.memory_space<vmem>>
    %dma_wait3A_1684 = tpu.memref_squeeze %dma_wait3A_1683 : memref<1x1x64x64xf32, #tpu.memory_space<vmem>> -> memref<64x64xf32, #tpu.memory_space<vmem>>
    %dma_wait3A_1685 = arith.constant 0 : i32
    %dma_wait3A_1686 = arith.constant 0 : i32
    %dma_wait3A_1687 = tpu.memref_slice %arg3[%select_n3A, %add3A_1676, %dma_wait3A_1677, %dma_wait3A_1685, %dma_wait3A_1686] : memref<8x96x2x64x64xf32, #tpu.memory_space<hbm>> -> memref<1x1x1x64x64xf32, #tpu.memory_space<hbm>>
    %dma_wait3A_1688 = tpu.memref_squeeze %dma_wait3A_1687 : memref<1x1x1x64x64xf32, #tpu.memory_space<hbm>> -> memref<64x64xf32, #tpu.memory_space<hbm>>
    %dma_wait3A_1689 = tpu.memref_slice %arg6[%dma_wait3A_1680] : memref<6x!tpu.dma_semaphore, #tpu.memory_space<semaphore_mem>> -> memref<1x!tpu.dma_semaphore, #tpu.memory_space<semaphore_mem>>
    %dma_wait3A_1690 = tpu.memref_squeeze %dma_wait3A_1689 : memref<1x!tpu.dma_semaphore, #tpu.memory_space<semaphore_mem>> -> memref<!tpu.dma_semaphore, #tpu.memory_space<semaphore_mem>>
    %dma_wait3A_1691 = arith.constant 0 : i32
    %dma_wait3A_1692 = arith.constant 0 : i32
    %dma_wait3A_1693 = tpu.memref_slice %arg5[%dma_wait3A_1678, %dma_wait3A_1679, %dma_wait3A_1691, %dma_wait3A_1692] : memref<6x2x64x64xf32, #tpu.memory_space<vmem>> -> memref<1x1x64x64xf32, #tpu.memory_space<vmem>>
    %dma_wait3A_1694 = tpu.memref_squeeze %dma_wait3A_1693 : memref<1x1x64x64xf32, #tpu.memory_space<vmem>> -> memref<64x64xf32, #tpu.memory_space<vmem>>
    %dma_wait3A_1695 = arith.constant 0 : i32
    %dma_wait3A_1696 = arith.constant 0 : i32
    %dma_wait3A_1697 = tpu.memref_slice %arg3[%select_n3A, %add3A_1676, %dma_wait3A_1677, %dma_wait3A_1695, %dma_wait3A_1696] : memref<8x96x2x64x64xf32, #tpu.memory_space<hbm>> -> memref<1x1x1x64x64xf32, #tpu.memory_space<hbm>>
    %dma_wait3A_1698 = tpu.memref_squeeze %dma_wait3A_1697 : memref<1x1x1x64x64xf32, #tpu.memory_space<hbm>> -> memref<64x64xf32, #tpu.memory_space<hbm>>
    tpu.wait_dma2 semaphore(%dma_wait3A_1690 : memref<!tpu.dma_semaphore, #tpu.memory_space<semaphore_mem>>) src(%dma_wait3A_1698 : memref<64x64xf32, #tpu.memory_space<hbm>>) dst(%dma_wait3A_1694 : memref<64x64xf32, #tpu.memory_space<vmem>>)
    %dma_wait3A_1699 = arith.constant 1 : i32
    %dma_wait3A_1700 = arith.constant 5 : i32
    %dma_wait3A_1701 = arith.constant 1 : i32
    %dma_wait3A_1702 = arith.constant 5 : i32
    %dma_wait3A_1703 = arith.constant 0 : i32
    %dma_wait3A_1704 = arith.constant 0 : i32
    %dma_wait3A_1705 = tpu.memref_slice %arg5[%dma_wait3A_1700, %dma_wait3A_1701, %dma_wait3A_1703, %dma_wait3A_1704] : memref<6x2x64x64xf32, #tpu.memory_space<vmem>> -> memref<1x1x64x64xf32, #tpu.memory_space<vmem>>
    %dma_wait3A_1706 = tpu.memref_squeeze %dma_wait3A_1705 : memref<1x1x64x64xf32, #tpu.memory_space<vmem>> -> memref<64x64xf32, #tpu.memory_space<vmem>>
    %dma_wait3A_1707 = arith.constant 0 : i32
    %dma_wait3A_1708 = arith.constant 0 : i32
    %dma_wait3A_1709 = tpu.memref_slice %arg2[%select_n3A, %add3A_1676, %dma_wait3A_1699, %dma_wait3A_1707, %dma_wait3A_1708] : memref<8x96x2x64x64xf32, #tpu.memory_space<hbm>> -> memref<1x1x1x64x64xf32, #tpu.memory_space<hbm>>
    %dma_wait3A_1710 = tpu.memref_squeeze %dma_wait3A_1709 : memref<1x1x1x64x64xf32, #tpu.memory_space<hbm>> -> memref<64x64xf32, #tpu.memory_space<hbm>>
    %dma_wait3A_1711 = tpu.memref_slice %arg6[%dma_wait3A_1702] : memref<6x!tpu.dma_semaphore, #tpu.memory_space<semaphore_mem>> -> memref<1x!tpu.dma_semaphore, #tpu.memory_space<semaphore_mem>>
    %dma_wait3A_1712 = tpu.memref_squeeze %dma_wait3A_1711 : memref<1x!tpu.dma_semaphore, #tpu.memory_space<semaphore_mem>> -> memref<!tpu.dma_semaphore, #tpu.memory_space<semaphore_mem>>
    %dma_wait3A_1713 = arith.constant 0 : i32
    %dma_wait3A_1714 = arith.constant 0 : i32
    %dma_wait3A_1715 = tpu.memref_slice %arg5[%dma_wait3A_1700, %dma_wait3A_1701, %dma_wait3A_1713, %dma_wait3A_1714] : memref<6x2x64x64xf32, #tpu.memory_space<vmem>> -> memref<1x1x64x64xf32, #tpu.memory_space<vmem>>
    %dma_wait3A_1716 = tpu.memref_squeeze %dma_wait3A_1715 : memref<1x1x64x64xf32, #tpu.memory_space<vmem>> -> memref<64x64xf32, #tpu.memory_space<vmem>>
    %dma_wait3A_1717 = arith.constant 0 : i32
    %dma_wait3A_1718 = arith.constant 0 : i32
    %dma_wait3A_1719 = tpu.memref_slice %arg2[%select_n3A, %add3A_1676, %dma_wait3A_1699, %dma_wait3A_1717, %dma_wait3A_1718] : memref<8x96x2x64x64xf32, #tpu.memory_space<hbm>> -> memref<1x1x1x64x64xf32, #tpu.memory_space<hbm>>
    %dma_wait3A_1720 = tpu.memref_squeeze %dma_wait3A_1719 : memref<1x1x1x64x64xf32, #tpu.memory_space<hbm>> -> memref<64x64xf32, #tpu.memory_space<hbm>>
    tpu.wait_dma2 semaphore(%dma_wait3A_1712 : memref<!tpu.dma_semaphore, #tpu.memory_space<semaphore_mem>>) src(%dma_wait3A_1720 : memref<64x64xf32, #tpu.memory_space<hbm>>) dst(%dma_wait3A_1716 : memref<64x64xf32, #tpu.memory_space<vmem>>)
    %add3A_1721 = arith.constant 11 : i32
    %add3A_1722 = arith.addi %mul3A_32, %add3A_1721 : i32
    %mul3A_1723 = arith.constant 2 : i32
    %mul3A_1724 = arith.muli %mul3A_1723, %add3A_1722 : i32
    %dma_start3A_1725 = arith.constant 5 : i32
    %dma_start3A_1726 = arith.constant 5 : i32
    %dma_start3A_1727 = arith.constant 0 : i32
    %dma_start3A_1728 = arith.constant 0 : i32
    %dma_start3A_1729 = arith.constant 0 : i32
    %dma_start3A_1730 = tpu.memref_slice %arg5[%dma_start3A_1725, %dma_start3A_1727, %dma_start3A_1728, %dma_start3A_1729] : memref<6x2x64x64xf32, #tpu.memory_space<vmem>> -> memref<1x2x64x64xf32, #tpu.memory_space<vmem>>
    %dma_start3A_1731 = tpu.memref_squeeze %dma_start3A_1730 : memref<1x2x64x64xf32, #tpu.memory_space<vmem>> -> memref<2x64x64xf32, #tpu.memory_space<vmem>>
    %dma_start3A_1732 = arith.constant 0 : i32
    %dma_start3A_1733 = arith.constant 0 : i32
    %dma_start3A_1734 = tpu.memref_slice %arg4[%select_n3A, %mul3A_1724, %dma_start3A_1732, %dma_start3A_1733] : memref<8x192x64x64xf32, #tpu.memory_space<hbm>> -> memref<1x2x64x64xf32, #tpu.memory_space<hbm>>
    %dma_start3A_1735 = tpu.memref_squeeze %dma_start3A_1734 : memref<1x2x64x64xf32, #tpu.memory_space<hbm>> -> memref<2x64x64xf32, #tpu.memory_space<hbm>>
    %dma_start3A_1736 = tpu.memref_slice %arg7[%dma_start3A_1726] : memref<6x!tpu.dma_semaphore, #tpu.memory_space<semaphore_mem>> -> memref<1x!tpu.dma_semaphore, #tpu.memory_space<semaphore_mem>>
    %dma_start3A_1737 = tpu.memref_squeeze %dma_start3A_1736 : memref<1x!tpu.dma_semaphore, #tpu.memory_space<semaphore_mem>> -> memref<!tpu.dma_semaphore, #tpu.memory_space<semaphore_mem>>
    %dma_start3A_1738 = arith.constant 0 : i32
    %dma_start3A_1739 = arith.constant 0 : i32
    %dma_start3A_1740 = tpu.memref_slice %arg4[%select_n3A, %mul3A_1724, %dma_start3A_1738, %dma_start3A_1739] : memref<8x192x64x64xf32, #tpu.memory_space<hbm>> -> memref<1x2x64x64xf32, #tpu.memory_space<hbm>>
    %dma_start3A_1741 = tpu.memref_squeeze %dma_start3A_1740 : memref<1x2x64x64xf32, #tpu.memory_space<hbm>> -> memref<2x64x64xf32, #tpu.memory_space<hbm>>
    %dma_start3A_1742 = arith.constant 0 : i32
    %dma_start3A_1743 = arith.constant 0 : i32
    %dma_start3A_1744 = arith.constant 0 : i32
    %dma_start3A_1745 = tpu.memref_slice %arg5[%dma_start3A_1725, %dma_start3A_1742, %dma_start3A_1743, %dma_start3A_1744] : memref<6x2x64x64xf32, #tpu.memory_space<vmem>> -> memref<1x2x64x64xf32, #tpu.memory_space<vmem>>
    %dma_start3A_1746 = tpu.memref_squeeze %dma_start3A_1745 : memref<1x2x64x64xf32, #tpu.memory_space<vmem>> -> memref<2x64x64xf32, #tpu.memory_space<vmem>>
    tpu.enqueue_dma source(%dma_start3A_1746 : memref<2x64x64xf32, #tpu.memory_space<vmem>>) target(%dma_start3A_1741 : memref<2x64x64xf32, #tpu.memory_space<hbm>>) target_semaphore(%dma_start3A_1737 : memref<!tpu.dma_semaphore, #tpu.memory_space<semaphore_mem>>)
    %add3A_1747 = arith.constant 8 : i32
    %add3A_1748 = arith.addi %mul3A_32, %add3A_1747 : i32
    %mul3A_1749 = arith.constant 2 : i32
    %mul3A_1750 = arith.muli %mul3A_1749, %add3A_1748 : i32
    %dma_wait3A_1751 = arith.constant 2 : i32
    %dma_wait3A_1752 = arith.constant 2 : i32
    %dma_wait3A_1753 = arith.constant 0 : i32
    %dma_wait3A_1754 = arith.constant 0 : i32
    %dma_wait3A_1755 = arith.constant 0 : i32
    %dma_wait3A_1756 = tpu.memref_slice %arg5[%dma_wait3A_1751, %dma_wait3A_1753, %dma_wait3A_1754, %dma_wait3A_1755] : memref<6x2x64x64xf32, #tpu.memory_space<vmem>> -> memref<1x2x64x64xf32, #tpu.memory_space<vmem>>
    %dma_wait3A_1757 = tpu.memref_squeeze %dma_wait3A_1756 : memref<1x2x64x64xf32, #tpu.memory_space<vmem>> -> memref<2x64x64xf32, #tpu.memory_space<vmem>>
    %dma_wait3A_1758 = arith.constant 0 : i32
    %dma_wait3A_1759 = arith.constant 0 : i32
    %dma_wait3A_1760 = tpu.memref_slice %arg4[%select_n3A, %mul3A_1750, %dma_wait3A_1758, %dma_wait3A_1759] : memref<8x192x64x64xf32, #tpu.memory_space<hbm>> -> memref<1x2x64x64xf32, #tpu.memory_space<hbm>>
    %dma_wait3A_1761 = tpu.memref_squeeze %dma_wait3A_1760 : memref<1x2x64x64xf32, #tpu.memory_space<hbm>> -> memref<2x64x64xf32, #tpu.memory_space<hbm>>
    %dma_wait3A_1762 = tpu.memref_slice %arg7[%dma_wait3A_1752] : memref<6x!tpu.dma_semaphore, #tpu.memory_space<semaphore_mem>> -> memref<1x!tpu.dma_semaphore, #tpu.memory_space<semaphore_mem>>
    %dma_wait3A_1763 = tpu.memref_squeeze %dma_wait3A_1762 : memref<1x!tpu.dma_semaphore, #tpu.memory_space<semaphore_mem>> -> memref<!tpu.dma_semaphore, #tpu.memory_space<semaphore_mem>>
    %dma_wait3A_1764 = arith.constant 0 : i32
    %dma_wait3A_1765 = arith.constant 0 : i32
    %dma_wait3A_1766 = tpu.memref_slice %arg4[%select_n3A, %mul3A_1750, %dma_wait3A_1764, %dma_wait3A_1765] : memref<8x192x64x64xf32, #tpu.memory_space<hbm>> -> memref<1x2x64x64xf32, #tpu.memory_space<hbm>>
    %dma_wait3A_1767 = tpu.memref_squeeze %dma_wait3A_1766 : memref<1x2x64x64xf32, #tpu.memory_space<hbm>> -> memref<2x64x64xf32, #tpu.memory_space<hbm>>
    %dma_wait3A_1768 = arith.constant 0 : i32
    %dma_wait3A_1769 = arith.constant 0 : i32
    %dma_wait3A_1770 = arith.constant 0 : i32
    %dma_wait3A_1771 = tpu.memref_slice %arg5[%dma_wait3A_1751, %dma_wait3A_1768, %dma_wait3A_1769, %dma_wait3A_1770] : memref<6x2x64x64xf32, #tpu.memory_space<vmem>> -> memref<1x2x64x64xf32, #tpu.memory_space<vmem>>
    %dma_wait3A_1772 = tpu.memref_squeeze %dma_wait3A_1771 : memref<1x2x64x64xf32, #tpu.memory_space<vmem>> -> memref<2x64x64xf32, #tpu.memory_space<vmem>>
    tpu.wait_dma2 semaphore(%dma_wait3A_1763 : memref<!tpu.dma_semaphore, #tpu.memory_space<semaphore_mem>>) src(%dma_wait3A_1772 : memref<2x64x64xf32, #tpu.memory_space<vmem>>) dst(%dma_wait3A_1767 : memref<2x64x64xf32, #tpu.memory_space<hbm>>)
    %add3A_1773 = arith.constant 14 : i32
    %add3A_1774 = arith.addi %mul3A_32, %add3A_1773 : i32
    %dma_start3A_1775 = arith.constant 0 : i32
    %dma_start3A_1776 = arith.constant 2 : i32
    %dma_start3A_1777 = arith.constant 0 : i32
    %dma_start3A_1778 = arith.constant 2 : i32
    %dma_start3A_1779 = arith.constant 0 : i32
    %dma_start3A_1780 = arith.constant 0 : i32
    %dma_start3A_1781 = tpu.memref_slice %arg5[%dma_start3A_1776, %dma_start3A_1777, %dma_start3A_1779, %dma_start3A_1780] : memref<6x2x64x64xf32, #tpu.memory_space<vmem>> -> memref<1x1x64x64xf32, #tpu.memory_space<vmem>>
    %dma_start3A_1782 = tpu.memref_squeeze %dma_start3A_1781 : memref<1x1x64x64xf32, #tpu.memory_space<vmem>> -> memref<64x64xf32, #tpu.memory_space<vmem>>
    %dma_start3A_1783 = arith.constant 0 : i32
    %dma_start3A_1784 = arith.constant 0 : i32
    %dma_start3A_1785 = tpu.memref_slice %arg3[%select_n3A, %add3A_1774, %dma_start3A_1775, %dma_start3A_1783, %dma_start3A_1784] : memref<8x96x2x64x64xf32, #tpu.memory_space<hbm>> -> memref<1x1x1x64x64xf32, #tpu.memory_space<hbm>>
    %dma_start3A_1786 = tpu.memref_squeeze %dma_start3A_1785 : memref<1x1x1x64x64xf32, #tpu.memory_space<hbm>> -> memref<64x64xf32, #tpu.memory_space<hbm>>
    %dma_start3A_1787 = tpu.memref_slice %arg6[%dma_start3A_1778] : memref<6x!tpu.dma_semaphore, #tpu.memory_space<semaphore_mem>> -> memref<1x!tpu.dma_semaphore, #tpu.memory_space<semaphore_mem>>
    %dma_start3A_1788 = tpu.memref_squeeze %dma_start3A_1787 : memref<1x!tpu.dma_semaphore, #tpu.memory_space<semaphore_mem>> -> memref<!tpu.dma_semaphore, #tpu.memory_space<semaphore_mem>>
    %dma_start3A_1789 = arith.constant 0 : i32
    %dma_start3A_1790 = arith.constant 0 : i32
    %dma_start3A_1791 = tpu.memref_slice %arg5[%dma_start3A_1776, %dma_start3A_1777, %dma_start3A_1789, %dma_start3A_1790] : memref<6x2x64x64xf32, #tpu.memory_space<vmem>> -> memref<1x1x64x64xf32, #tpu.memory_space<vmem>>
    %dma_start3A_1792 = tpu.memref_squeeze %dma_start3A_1791 : memref<1x1x64x64xf32, #tpu.memory_space<vmem>> -> memref<64x64xf32, #tpu.memory_space<vmem>>
    %dma_start3A_1793 = arith.constant 0 : i32
    %dma_start3A_1794 = arith.constant 0 : i32
    %dma_start3A_1795 = tpu.memref_slice %arg3[%select_n3A, %add3A_1774, %dma_start3A_1775, %dma_start3A_1793, %dma_start3A_1794] : memref<8x96x2x64x64xf32, #tpu.memory_space<hbm>> -> memref<1x1x1x64x64xf32, #tpu.memory_space<hbm>>
    %dma_start3A_1796 = tpu.memref_squeeze %dma_start3A_1795 : memref<1x1x1x64x64xf32, #tpu.memory_space<hbm>> -> memref<64x64xf32, #tpu.memory_space<hbm>>
    tpu.enqueue_dma source(%dma_start3A_1796 : memref<64x64xf32, #tpu.memory_space<hbm>>) target(%dma_start3A_1792 : memref<64x64xf32, #tpu.memory_space<vmem>>) target_semaphore(%dma_start3A_1788 : memref<!tpu.dma_semaphore, #tpu.memory_space<semaphore_mem>>)
    %dma_start3A_1797 = arith.constant 1 : i32
    %dma_start3A_1798 = arith.constant 2 : i32
    %dma_start3A_1799 = arith.constant 1 : i32
    %dma_start3A_1800 = arith.constant 2 : i32
    %dma_start3A_1801 = arith.constant 0 : i32
    %dma_start3A_1802 = arith.constant 0 : i32
    %dma_start3A_1803 = tpu.memref_slice %arg5[%dma_start3A_1798, %dma_start3A_1799, %dma_start3A_1801, %dma_start3A_1802] : memref<6x2x64x64xf32, #tpu.memory_space<vmem>> -> memref<1x1x64x64xf32, #tpu.memory_space<vmem>>
    %dma_start3A_1804 = tpu.memref_squeeze %dma_start3A_1803 : memref<1x1x64x64xf32, #tpu.memory_space<vmem>> -> memref<64x64xf32, #tpu.memory_space<vmem>>
    %dma_start3A_1805 = arith.constant 0 : i32
    %dma_start3A_1806 = arith.constant 0 : i32
    %dma_start3A_1807 = tpu.memref_slice %arg2[%select_n3A, %add3A_1774, %dma_start3A_1797, %dma_start3A_1805, %dma_start3A_1806] : memref<8x96x2x64x64xf32, #tpu.memory_space<hbm>> -> memref<1x1x1x64x64xf32, #tpu.memory_space<hbm>>
    %dma_start3A_1808 = tpu.memref_squeeze %dma_start3A_1807 : memref<1x1x1x64x64xf32, #tpu.memory_space<hbm>> -> memref<64x64xf32, #tpu.memory_space<hbm>>
    %dma_start3A_1809 = tpu.memref_slice %arg6[%dma_start3A_1800] : memref<6x!tpu.dma_semaphore, #tpu.memory_space<semaphore_mem>> -> memref<1x!tpu.dma_semaphore, #tpu.memory_space<semaphore_mem>>
    %dma_start3A_1810 = tpu.memref_squeeze %dma_start3A_1809 : memref<1x!tpu.dma_semaphore, #tpu.memory_space<semaphore_mem>> -> memref<!tpu.dma_semaphore, #tpu.memory_space<semaphore_mem>>
    %dma_start3A_1811 = arith.constant 0 : i32
    %dma_start3A_1812 = arith.constant 0 : i32
    %dma_start3A_1813 = tpu.memref_slice %arg5[%dma_start3A_1798, %dma_start3A_1799, %dma_start3A_1811, %dma_start3A_1812] : memref<6x2x64x64xf32, #tpu.memory_space<vmem>> -> memref<1x1x64x64xf32, #tpu.memory_space<vmem>>
    %dma_start3A_1814 = tpu.memref_squeeze %dma_start3A_1813 : memref<1x1x64x64xf32, #tpu.memory_space<vmem>> -> memref<64x64xf32, #tpu.memory_space<vmem>>
    %dma_start3A_1815 = arith.constant 0 : i32
    %dma_start3A_1816 = arith.constant 0 : i32
    %dma_start3A_1817 = tpu.memref_slice %arg2[%select_n3A, %add3A_1774, %dma_start3A_1797, %dma_start3A_1815, %dma_start3A_1816] : memref<8x96x2x64x64xf32, #tpu.memory_space<hbm>> -> memref<1x1x1x64x64xf32, #tpu.memory_space<hbm>>
    %dma_start3A_1818 = tpu.memref_squeeze %dma_start3A_1817 : memref<1x1x1x64x64xf32, #tpu.memory_space<hbm>> -> memref<64x64xf32, #tpu.memory_space<hbm>>
    tpu.enqueue_dma source(%dma_start3A_1818 : memref<64x64xf32, #tpu.memory_space<hbm>>) target(%dma_start3A_1814 : memref<64x64xf32, #tpu.memory_space<vmem>>) target_semaphore(%dma_start3A_1810 : memref<!tpu.dma_semaphore, #tpu.memory_space<semaphore_mem>>)
    %add3A_1819 = arith.constant 12 : i32
    %add3A_1820 = arith.addi %mul3A_32, %add3A_1819 : i32
    %dma_wait3A_1821 = arith.constant 0 : i32
    %dma_wait3A_1822 = arith.constant 0 : i32
    %dma_wait3A_1823 = arith.constant 0 : i32
    %dma_wait3A_1824 = arith.constant 0 : i32
    %dma_wait3A_1825 = arith.constant 0 : i32
    %dma_wait3A_1826 = arith.constant 0 : i32
    %dma_wait3A_1827 = tpu.memref_slice %arg5[%dma_wait3A_1822, %dma_wait3A_1823, %dma_wait3A_1825, %dma_wait3A_1826] : memref<6x2x64x64xf32, #tpu.memory_space<vmem>> -> memref<1x1x64x64xf32, #tpu.memory_space<vmem>>
    %dma_wait3A_1828 = tpu.memref_squeeze %dma_wait3A_1827 : memref<1x1x64x64xf32, #tpu.memory_space<vmem>> -> memref<64x64xf32, #tpu.memory_space<vmem>>
    %dma_wait3A_1829 = arith.constant 0 : i32
    %dma_wait3A_1830 = arith.constant 0 : i32
    %dma_wait3A_1831 = tpu.memref_slice %arg3[%select_n3A, %add3A_1820, %dma_wait3A_1821, %dma_wait3A_1829, %dma_wait3A_1830] : memref<8x96x2x64x64xf32, #tpu.memory_space<hbm>> -> memref<1x1x1x64x64xf32, #tpu.memory_space<hbm>>
    %dma_wait3A_1832 = tpu.memref_squeeze %dma_wait3A_1831 : memref<1x1x1x64x64xf32, #tpu.memory_space<hbm>> -> memref<64x64xf32, #tpu.memory_space<hbm>>
    %dma_wait3A_1833 = tpu.memref_slice %arg6[%dma_wait3A_1824] : memref<6x!tpu.dma_semaphore, #tpu.memory_space<semaphore_mem>> -> memref<1x!tpu.dma_semaphore, #tpu.memory_space<semaphore_mem>>
    %dma_wait3A_1834 = tpu.memref_squeeze %dma_wait3A_1833 : memref<1x!tpu.dma_semaphore, #tpu.memory_space<semaphore_mem>> -> memref<!tpu.dma_semaphore, #tpu.memory_space<semaphore_mem>>
    %dma_wait3A_1835 = arith.constant 0 : i32
    %dma_wait3A_1836 = arith.constant 0 : i32
    %dma_wait3A_1837 = tpu.memref_slice %arg5[%dma_wait3A_1822, %dma_wait3A_1823, %dma_wait3A_1835, %dma_wait3A_1836] : memref<6x2x64x64xf32, #tpu.memory_space<vmem>> -> memref<1x1x64x64xf32, #tpu.memory_space<vmem>>
    %dma_wait3A_1838 = tpu.memref_squeeze %dma_wait3A_1837 : memref<1x1x64x64xf32, #tpu.memory_space<vmem>> -> memref<64x64xf32, #tpu.memory_space<vmem>>
    %dma_wait3A_1839 = arith.constant 0 : i32
    %dma_wait3A_1840 = arith.constant 0 : i32
    %dma_wait3A_1841 = tpu.memref_slice %arg3[%select_n3A, %add3A_1820, %dma_wait3A_1821, %dma_wait3A_1839, %dma_wait3A_1840] : memref<8x96x2x64x64xf32, #tpu.memory_space<hbm>> -> memref<1x1x1x64x64xf32, #tpu.memory_space<hbm>>
    %dma_wait3A_1842 = tpu.memref_squeeze %dma_wait3A_1841 : memref<1x1x1x64x64xf32, #tpu.memory_space<hbm>> -> memref<64x64xf32, #tpu.memory_space<hbm>>
    tpu.wait_dma2 semaphore(%dma_wait3A_1834 : memref<!tpu.dma_semaphore, #tpu.memory_space<semaphore_mem>>) src(%dma_wait3A_1842 : memref<64x64xf32, #tpu.memory_space<hbm>>) dst(%dma_wait3A_1838 : memref<64x64xf32, #tpu.memory_space<vmem>>)
    %dma_wait3A_1843 = arith.constant 1 : i32
    %dma_wait3A_1844 = arith.constant 0 : i32
    %dma_wait3A_1845 = arith.constant 1 : i32
    %dma_wait3A_1846 = arith.constant 0 : i32
    %dma_wait3A_1847 = arith.constant 0 : i32
    %dma_wait3A_1848 = arith.constant 0 : i32
    %dma_wait3A_1849 = tpu.memref_slice %arg5[%dma_wait3A_1844, %dma_wait3A_1845, %dma_wait3A_1847, %dma_wait3A_1848] : memref<6x2x64x64xf32, #tpu.memory_space<vmem>> -> memref<1x1x64x64xf32, #tpu.memory_space<vmem>>
    %dma_wait3A_1850 = tpu.memref_squeeze %dma_wait3A_1849 : memref<1x1x64x64xf32, #tpu.memory_space<vmem>> -> memref<64x64xf32, #tpu.memory_space<vmem>>
    %dma_wait3A_1851 = arith.constant 0 : i32
    %dma_wait3A_1852 = arith.constant 0 : i32
    %dma_wait3A_1853 = tpu.memref_slice %arg2[%select_n3A, %add3A_1820, %dma_wait3A_1843, %dma_wait3A_1851, %dma_wait3A_1852] : memref<8x96x2x64x64xf32, #tpu.memory_space<hbm>> -> memref<1x1x1x64x64xf32, #tpu.memory_space<hbm>>
    %dma_wait3A_1854 = tpu.memref_squeeze %dma_wait3A_1853 : memref<1x1x1x64x64xf32, #tpu.memory_space<hbm>> -> memref<64x64xf32, #tpu.memory_space<hbm>>
    %dma_wait3A_1855 = tpu.memref_slice %arg6[%dma_wait3A_1846] : memref<6x!tpu.dma_semaphore, #tpu.memory_space<semaphore_mem>> -> memref<1x!tpu.dma_semaphore, #tpu.memory_space<semaphore_mem>>
    %dma_wait3A_1856 = tpu.memref_squeeze %dma_wait3A_1855 : memref<1x!tpu.dma_semaphore, #tpu.memory_space<semaphore_mem>> -> memref<!tpu.dma_semaphore, #tpu.memory_space<semaphore_mem>>
    %dma_wait3A_1857 = arith.constant 0 : i32
    %dma_wait3A_1858 = arith.constant 0 : i32
    %dma_wait3A_1859 = tpu.memref_slice %arg5[%dma_wait3A_1844, %dma_wait3A_1845, %dma_wait3A_1857, %dma_wait3A_1858] : memref<6x2x64x64xf32, #tpu.memory_space<vmem>> -> memref<1x1x64x64xf32, #tpu.memory_space<vmem>>
    %dma_wait3A_1860 = tpu.memref_squeeze %dma_wait3A_1859 : memref<1x1x64x64xf32, #tpu.memory_space<vmem>> -> memref<64x64xf32, #tpu.memory_space<vmem>>
    %dma_wait3A_1861 = arith.constant 0 : i32
    %dma_wait3A_1862 = arith.constant 0 : i32
    %dma_wait3A_1863 = tpu.memref_slice %arg2[%select_n3A, %add3A_1820, %dma_wait3A_1843, %dma_wait3A_1861, %dma_wait3A_1862] : memref<8x96x2x64x64xf32, #tpu.memory_space<hbm>> -> memref<1x1x1x64x64xf32, #tpu.memory_space<hbm>>
    %dma_wait3A_1864 = tpu.memref_squeeze %dma_wait3A_1863 : memref<1x1x1x64x64xf32, #tpu.memory_space<hbm>> -> memref<64x64xf32, #tpu.memory_space<hbm>>
    tpu.wait_dma2 semaphore(%dma_wait3A_1856 : memref<!tpu.dma_semaphore, #tpu.memory_space<semaphore_mem>>) src(%dma_wait3A_1864 : memref<64x64xf32, #tpu.memory_space<hbm>>) dst(%dma_wait3A_1860 : memref<64x64xf32, #tpu.memory_space<vmem>>)
    %add3A_1865 = arith.constant 12 : i32
    %add3A_1866 = arith.addi %mul3A_32, %add3A_1865 : i32
    %mul3A_1867 = arith.constant 2 : i32
    %mul3A_1868 = arith.muli %mul3A_1867, %add3A_1866 : i32
    %dma_start3A_1869 = arith.constant 0 : i32
    %dma_start3A_1870 = arith.constant 0 : i32
    %dma_start3A_1871 = arith.constant 0 : i32
    %dma_start3A_1872 = arith.constant 0 : i32
    %dma_start3A_1873 = arith.constant 0 : i32
    %dma_start3A_1874 = tpu.memref_slice %arg5[%dma_start3A_1869, %dma_start3A_1871, %dma_start3A_1872, %dma_start3A_1873] : memref<6x2x64x64xf32, #tpu.memory_space<vmem>> -> memref<1x2x64x64xf32, #tpu.memory_space<vmem>>
    %dma_start3A_1875 = tpu.memref_squeeze %dma_start3A_1874 : memref<1x2x64x64xf32, #tpu.memory_space<vmem>> -> memref<2x64x64xf32, #tpu.memory_space<vmem>>
    %dma_start3A_1876 = arith.constant 0 : i32
    %dma_start3A_1877 = arith.constant 0 : i32
    %dma_start3A_1878 = tpu.memref_slice %arg4[%select_n3A, %mul3A_1868, %dma_start3A_1876, %dma_start3A_1877] : memref<8x192x64x64xf32, #tpu.memory_space<hbm>> -> memref<1x2x64x64xf32, #tpu.memory_space<hbm>>
    %dma_start3A_1879 = tpu.memref_squeeze %dma_start3A_1878 : memref<1x2x64x64xf32, #tpu.memory_space<hbm>> -> memref<2x64x64xf32, #tpu.memory_space<hbm>>
    %dma_start3A_1880 = tpu.memref_slice %arg7[%dma_start3A_1870] : memref<6x!tpu.dma_semaphore, #tpu.memory_space<semaphore_mem>> -> memref<1x!tpu.dma_semaphore, #tpu.memory_space<semaphore_mem>>
    %dma_start3A_1881 = tpu.memref_squeeze %dma_start3A_1880 : memref<1x!tpu.dma_semaphore, #tpu.memory_space<semaphore_mem>> -> memref<!tpu.dma_semaphore, #tpu.memory_space<semaphore_mem>>
    %dma_start3A_1882 = arith.constant 0 : i32
    %dma_start3A_1883 = arith.constant 0 : i32
    %dma_start3A_1884 = tpu.memref_slice %arg4[%select_n3A, %mul3A_1868, %dma_start3A_1882, %dma_start3A_1883] : memref<8x192x64x64xf32, #tpu.memory_space<hbm>> -> memref<1x2x64x64xf32, #tpu.memory_space<hbm>>
    %dma_start3A_1885 = tpu.memref_squeeze %dma_start3A_1884 : memref<1x2x64x64xf32, #tpu.memory_space<hbm>> -> memref<2x64x64xf32, #tpu.memory_space<hbm>>
    %dma_start3A_1886 = arith.constant 0 : i32
    %dma_start3A_1887 = arith.constant 0 : i32
    %dma_start3A_1888 = arith.constant 0 : i32
    %dma_start3A_1889 = tpu.memref_slice %arg5[%dma_start3A_1869, %dma_start3A_1886, %dma_start3A_1887, %dma_start3A_1888] : memref<6x2x64x64xf32, #tpu.memory_space<vmem>> -> memref<1x2x64x64xf32, #tpu.memory_space<vmem>>
    %dma_start3A_1890 = tpu.memref_squeeze %dma_start3A_1889 : memref<1x2x64x64xf32, #tpu.memory_space<vmem>> -> memref<2x64x64xf32, #tpu.memory_space<vmem>>
    tpu.enqueue_dma source(%dma_start3A_1890 : memref<2x64x64xf32, #tpu.memory_space<vmem>>) target(%dma_start3A_1885 : memref<2x64x64xf32, #tpu.memory_space<hbm>>) target_semaphore(%dma_start3A_1881 : memref<!tpu.dma_semaphore, #tpu.memory_space<semaphore_mem>>)
    %add3A_1891 = arith.constant 9 : i32
    %add3A_1892 = arith.addi %mul3A_32, %add3A_1891 : i32
    %mul3A_1893 = arith.constant 2 : i32
    %mul3A_1894 = arith.muli %mul3A_1893, %add3A_1892 : i32
    %dma_wait3A_1895 = arith.constant 3 : i32
    %dma_wait3A_1896 = arith.constant 3 : i32
    %dma_wait3A_1897 = arith.constant 0 : i32
    %dma_wait3A_1898 = arith.constant 0 : i32
    %dma_wait3A_1899 = arith.constant 0 : i32
    %dma_wait3A_1900 = tpu.memref_slice %arg5[%dma_wait3A_1895, %dma_wait3A_1897, %dma_wait3A_1898, %dma_wait3A_1899] : memref<6x2x64x64xf32, #tpu.memory_space<vmem>> -> memref<1x2x64x64xf32, #tpu.memory_space<vmem>>
    %dma_wait3A_1901 = tpu.memref_squeeze %dma_wait3A_1900 : memref<1x2x64x64xf32, #tpu.memory_space<vmem>> -> memref<2x64x64xf32, #tpu.memory_space<vmem>>
    %dma_wait3A_1902 = arith.constant 0 : i32
    %dma_wait3A_1903 = arith.constant 0 : i32
    %dma_wait3A_1904 = tpu.memref_slice %arg4[%select_n3A, %mul3A_1894, %dma_wait3A_1902, %dma_wait3A_1903] : memref<8x192x64x64xf32, #tpu.memory_space<hbm>> -> memref<1x2x64x64xf32, #tpu.memory_space<hbm>>
    %dma_wait3A_1905 = tpu.memref_squeeze %dma_wait3A_1904 : memref<1x2x64x64xf32, #tpu.memory_space<hbm>> -> memref<2x64x64xf32, #tpu.memory_space<hbm>>
    %dma_wait3A_1906 = tpu.memref_slice %arg7[%dma_wait3A_1896] : memref<6x!tpu.dma_semaphore, #tpu.memory_space<semaphore_mem>> -> memref<1x!tpu.dma_semaphore, #tpu.memory_space<semaphore_mem>>
    %dma_wait3A_1907 = tpu.memref_squeeze %dma_wait3A_1906 : memref<1x!tpu.dma_semaphore, #tpu.memory_space<semaphore_mem>> -> memref<!tpu.dma_semaphore, #tpu.memory_space<semaphore_mem>>
    %dma_wait3A_1908 = arith.constant 0 : i32
    %dma_wait3A_1909 = arith.constant 0 : i32
    %dma_wait3A_1910 = tpu.memref_slice %arg4[%select_n3A, %mul3A_1894, %dma_wait3A_1908, %dma_wait3A_1909] : memref<8x192x64x64xf32, #tpu.memory_space<hbm>> -> memref<1x2x64x64xf32, #tpu.memory_space<hbm>>
    %dma_wait3A_1911 = tpu.memref_squeeze %dma_wait3A_1910 : memref<1x2x64x64xf32, #tpu.memory_space<hbm>> -> memref<2x64x64xf32, #tpu.memory_space<hbm>>
    %dma_wait3A_1912 = arith.constant 0 : i32
    %dma_wait3A_1913 = arith.constant 0 : i32
    %dma_wait3A_1914 = arith.constant 0 : i32
    %dma_wait3A_1915 = tpu.memref_slice %arg5[%dma_wait3A_1895, %dma_wait3A_1912, %dma_wait3A_1913, %dma_wait3A_1914] : memref<6x2x64x64xf32, #tpu.memory_space<vmem>> -> memref<1x2x64x64xf32, #tpu.memory_space<vmem>>
    %dma_wait3A_1916 = tpu.memref_squeeze %dma_wait3A_1915 : memref<1x2x64x64xf32, #tpu.memory_space<vmem>> -> memref<2x64x64xf32, #tpu.memory_space<vmem>>
    tpu.wait_dma2 semaphore(%dma_wait3A_1907 : memref<!tpu.dma_semaphore, #tpu.memory_space<semaphore_mem>>) src(%dma_wait3A_1916 : memref<2x64x64xf32, #tpu.memory_space<vmem>>) dst(%dma_wait3A_1911 : memref<2x64x64xf32, #tpu.memory_space<hbm>>)
    %add3A_1917 = arith.constant 15 : i32
    %add3A_1918 = arith.addi %mul3A_32, %add3A_1917 : i32
    %dma_start3A_1919 = arith.constant 0 : i32
    %dma_start3A_1920 = arith.constant 3 : i32
    %dma_start3A_1921 = arith.constant 0 : i32
    %dma_start3A_1922 = arith.constant 3 : i32
    %dma_start3A_1923 = arith.constant 0 : i32
    %dma_start3A_1924 = arith.constant 0 : i32
    %dma_start3A_1925 = tpu.memref_slice %arg5[%dma_start3A_1920, %dma_start3A_1921, %dma_start3A_1923, %dma_start3A_1924] : memref<6x2x64x64xf32, #tpu.memory_space<vmem>> -> memref<1x1x64x64xf32, #tpu.memory_space<vmem>>
    %dma_start3A_1926 = tpu.memref_squeeze %dma_start3A_1925 : memref<1x1x64x64xf32, #tpu.memory_space<vmem>> -> memref<64x64xf32, #tpu.memory_space<vmem>>
    %dma_start3A_1927 = arith.constant 0 : i32
    %dma_start3A_1928 = arith.constant 0 : i32
    %dma_start3A_1929 = tpu.memref_slice %arg3[%select_n3A, %add3A_1918, %dma_start3A_1919, %dma_start3A_1927, %dma_start3A_1928] : memref<8x96x2x64x64xf32, #tpu.memory_space<hbm>> -> memref<1x1x1x64x64xf32, #tpu.memory_space<hbm>>
    %dma_start3A_1930 = tpu.memref_squeeze %dma_start3A_1929 : memref<1x1x1x64x64xf32, #tpu.memory_space<hbm>> -> memref<64x64xf32, #tpu.memory_space<hbm>>
    %dma_start3A_1931 = tpu.memref_slice %arg6[%dma_start3A_1922] : memref<6x!tpu.dma_semaphore, #tpu.memory_space<semaphore_mem>> -> memref<1x!tpu.dma_semaphore, #tpu.memory_space<semaphore_mem>>
    %dma_start3A_1932 = tpu.memref_squeeze %dma_start3A_1931 : memref<1x!tpu.dma_semaphore, #tpu.memory_space<semaphore_mem>> -> memref<!tpu.dma_semaphore, #tpu.memory_space<semaphore_mem>>
    %dma_start3A_1933 = arith.constant 0 : i32
    %dma_start3A_1934 = arith.constant 0 : i32
    %dma_start3A_1935 = tpu.memref_slice %arg5[%dma_start3A_1920, %dma_start3A_1921, %dma_start3A_1933, %dma_start3A_1934] : memref<6x2x64x64xf32, #tpu.memory_space<vmem>> -> memref<1x1x64x64xf32, #tpu.memory_space<vmem>>
    %dma_start3A_1936 = tpu.memref_squeeze %dma_start3A_1935 : memref<1x1x64x64xf32, #tpu.memory_space<vmem>> -> memref<64x64xf32, #tpu.memory_space<vmem>>
    %dma_start3A_1937 = arith.constant 0 : i32
    %dma_start3A_1938 = arith.constant 0 : i32
    %dma_start3A_1939 = tpu.memref_slice %arg3[%select_n3A, %add3A_1918, %dma_start3A_1919, %dma_start3A_1937, %dma_start3A_1938] : memref<8x96x2x64x64xf32, #tpu.memory_space<hbm>> -> memref<1x1x1x64x64xf32, #tpu.memory_space<hbm>>
    %dma_start3A_1940 = tpu.memref_squeeze %dma_start3A_1939 : memref<1x1x1x64x64xf32, #tpu.memory_space<hbm>> -> memref<64x64xf32, #tpu.memory_space<hbm>>
    tpu.enqueue_dma source(%dma_start3A_1940 : memref<64x64xf32, #tpu.memory_space<hbm>>) target(%dma_start3A_1936 : memref<64x64xf32, #tpu.memory_space<vmem>>) target_semaphore(%dma_start3A_1932 : memref<!tpu.dma_semaphore, #tpu.memory_space<semaphore_mem>>)
    %dma_start3A_1941 = arith.constant 1 : i32
    %dma_start3A_1942 = arith.constant 3 : i32
    %dma_start3A_1943 = arith.constant 1 : i32
    %dma_start3A_1944 = arith.constant 3 : i32
    %dma_start3A_1945 = arith.constant 0 : i32
    %dma_start3A_1946 = arith.constant 0 : i32
    %dma_start3A_1947 = tpu.memref_slice %arg5[%dma_start3A_1942, %dma_start3A_1943, %dma_start3A_1945, %dma_start3A_1946] : memref<6x2x64x64xf32, #tpu.memory_space<vmem>> -> memref<1x1x64x64xf32, #tpu.memory_space<vmem>>
    %dma_start3A_1948 = tpu.memref_squeeze %dma_start3A_1947 : memref<1x1x64x64xf32, #tpu.memory_space<vmem>> -> memref<64x64xf32, #tpu.memory_space<vmem>>
    %dma_start3A_1949 = arith.constant 0 : i32
    %dma_start3A_1950 = arith.constant 0 : i32
    %dma_start3A_1951 = tpu.memref_slice %arg2[%select_n3A, %add3A_1918, %dma_start3A_1941, %dma_start3A_1949, %dma_start3A_1950] : memref<8x96x2x64x64xf32, #tpu.memory_space<hbm>> -> memref<1x1x1x64x64xf32, #tpu.memory_space<hbm>>
    %dma_start3A_1952 = tpu.memref_squeeze %dma_start3A_1951 : memref<1x1x1x64x64xf32, #tpu.memory_space<hbm>> -> memref<64x64xf32, #tpu.memory_space<hbm>>
    %dma_start3A_1953 = tpu.memref_slice %arg6[%dma_start3A_1944] : memref<6x!tpu.dma_semaphore, #tpu.memory_space<semaphore_mem>> -> memref<1x!tpu.dma_semaphore, #tpu.memory_space<semaphore_mem>>
    %dma_start3A_1954 = tpu.memref_squeeze %dma_start3A_1953 : memref<1x!tpu.dma_semaphore, #tpu.memory_space<semaphore_mem>> -> memref<!tpu.dma_semaphore, #tpu.memory_space<semaphore_mem>>
    %dma_start3A_1955 = arith.constant 0 : i32
    %dma_start3A_1956 = arith.constant 0 : i32
    %dma_start3A_1957 = tpu.memref_slice %arg5[%dma_start3A_1942, %dma_start3A_1943, %dma_start3A_1955, %dma_start3A_1956] : memref<6x2x64x64xf32, #tpu.memory_space<vmem>> -> memref<1x1x64x64xf32, #tpu.memory_space<vmem>>
    %dma_start3A_1958 = tpu.memref_squeeze %dma_start3A_1957 : memref<1x1x64x64xf32, #tpu.memory_space<vmem>> -> memref<64x64xf32, #tpu.memory_space<vmem>>
    %dma_start3A_1959 = arith.constant 0 : i32
    %dma_start3A_1960 = arith.constant 0 : i32
    %dma_start3A_1961 = tpu.memref_slice %arg2[%select_n3A, %add3A_1918, %dma_start3A_1941, %dma_start3A_1959, %dma_start3A_1960] : memref<8x96x2x64x64xf32, #tpu.memory_space<hbm>> -> memref<1x1x1x64x64xf32, #tpu.memory_space<hbm>>
    %dma_start3A_1962 = tpu.memref_squeeze %dma_start3A_1961 : memref<1x1x1x64x64xf32, #tpu.memory_space<hbm>> -> memref<64x64xf32, #tpu.memory_space<hbm>>
    tpu.enqueue_dma source(%dma_start3A_1962 : memref<64x64xf32, #tpu.memory_space<hbm>>) target(%dma_start3A_1958 : memref<64x64xf32, #tpu.memory_space<vmem>>) target_semaphore(%dma_start3A_1954 : memref<!tpu.dma_semaphore, #tpu.memory_space<semaphore_mem>>)
    %add3A_1963 = arith.constant 13 : i32
    %add3A_1964 = arith.addi %mul3A_32, %add3A_1963 : i32
    %dma_wait3A_1965 = arith.constant 0 : i32
    %dma_wait3A_1966 = arith.constant 1 : i32
    %dma_wait3A_1967 = arith.constant 0 : i32
    %dma_wait3A_1968 = arith.constant 1 : i32
    %dma_wait3A_1969 = arith.constant 0 : i32
    %dma_wait3A_1970 = arith.constant 0 : i32
    %dma_wait3A_1971 = tpu.memref_slice %arg5[%dma_wait3A_1966, %dma_wait3A_1967, %dma_wait3A_1969, %dma_wait3A_1970] : memref<6x2x64x64xf32, #tpu.memory_space<vmem>> -> memref<1x1x64x64xf32, #tpu.memory_space<vmem>>
    %dma_wait3A_1972 = tpu.memref_squeeze %dma_wait3A_1971 : memref<1x1x64x64xf32, #tpu.memory_space<vmem>> -> memref<64x64xf32, #tpu.memory_space<vmem>>
    %dma_wait3A_1973 = arith.constant 0 : i32
    %dma_wait3A_1974 = arith.constant 0 : i32
    %dma_wait3A_1975 = tpu.memref_slice %arg3[%select_n3A, %add3A_1964, %dma_wait3A_1965, %dma_wait3A_1973, %dma_wait3A_1974] : memref<8x96x2x64x64xf32, #tpu.memory_space<hbm>> -> memref<1x1x1x64x64xf32, #tpu.memory_space<hbm>>
    %dma_wait3A_1976 = tpu.memref_squeeze %dma_wait3A_1975 : memref<1x1x1x64x64xf32, #tpu.memory_space<hbm>> -> memref<64x64xf32, #tpu.memory_space<hbm>>
    %dma_wait3A_1977 = tpu.memref_slice %arg6[%dma_wait3A_1968] : memref<6x!tpu.dma_semaphore, #tpu.memory_space<semaphore_mem>> -> memref<1x!tpu.dma_semaphore, #tpu.memory_space<semaphore_mem>>
    %dma_wait3A_1978 = tpu.memref_squeeze %dma_wait3A_1977 : memref<1x!tpu.dma_semaphore, #tpu.memory_space<semaphore_mem>> -> memref<!tpu.dma_semaphore, #tpu.memory_space<semaphore_mem>>
    %dma_wait3A_1979 = arith.constant 0 : i32
    %dma_wait3A_1980 = arith.constant 0 : i32
    %dma_wait3A_1981 = tpu.memref_slice %arg5[%dma_wait3A_1966, %dma_wait3A_1967, %dma_wait3A_1979, %dma_wait3A_1980] : memref<6x2x64x64xf32, #tpu.memory_space<vmem>> -> memref<1x1x64x64xf32, #tpu.memory_space<vmem>>
    %dma_wait3A_1982 = tpu.memref_squeeze %dma_wait3A_1981 : memref<1x1x64x64xf32, #tpu.memory_space<vmem>> -> memref<64x64xf32, #tpu.memory_space<vmem>>
    %dma_wait3A_1983 = arith.constant 0 : i32
    %dma_wait3A_1984 = arith.constant 0 : i32
    %dma_wait3A_1985 = tpu.memref_slice %arg3[%select_n3A, %add3A_1964, %dma_wait3A_1965, %dma_wait3A_1983, %dma_wait3A_1984] : memref<8x96x2x64x64xf32, #tpu.memory_space<hbm>> -> memref<1x1x1x64x64xf32, #tpu.memory_space<hbm>>
    %dma_wait3A_1986 = tpu.memref_squeeze %dma_wait3A_1985 : memref<1x1x1x64x64xf32, #tpu.memory_space<hbm>> -> memref<64x64xf32, #tpu.memory_space<hbm>>
    tpu.wait_dma2 semaphore(%dma_wait3A_1978 : memref<!tpu.dma_semaphore, #tpu.memory_space<semaphore_mem>>) src(%dma_wait3A_1986 : memref<64x64xf32, #tpu.memory_space<hbm>>) dst(%dma_wait3A_1982 : memref<64x64xf32, #tpu.memory_space<vmem>>)
    %dma_wait3A_1987 = arith.constant 1 : i32
    %dma_wait3A_1988 = arith.constant 1 : i32
    %dma_wait3A_1989 = arith.constant 1 : i32
    %dma_wait3A_1990 = arith.constant 1 : i32
    %dma_wait3A_1991 = arith.constant 0 : i32
    %dma_wait3A_1992 = arith.constant 0 : i32
    %dma_wait3A_1993 = tpu.memref_slice %arg5[%dma_wait3A_1988, %dma_wait3A_1989, %dma_wait3A_1991, %dma_wait3A_1992] : memref<6x2x64x64xf32, #tpu.memory_space<vmem>> -> memref<1x1x64x64xf32, #tpu.memory_space<vmem>>
    %dma_wait3A_1994 = tpu.memref_squeeze %dma_wait3A_1993 : memref<1x1x64x64xf32, #tpu.memory_space<vmem>> -> memref<64x64xf32, #tpu.memory_space<vmem>>
    %dma_wait3A_1995 = arith.constant 0 : i32
    %dma_wait3A_1996 = arith.constant 0 : i32
    %dma_wait3A_1997 = tpu.memref_slice %arg2[%select_n3A, %add3A_1964, %dma_wait3A_1987, %dma_wait3A_1995, %dma_wait3A_1996] : memref<8x96x2x64x64xf32, #tpu.memory_space<hbm>> -> memref<1x1x1x64x64xf32, #tpu.memory_space<hbm>>
    %dma_wait3A_1998 = tpu.memref_squeeze %dma_wait3A_1997 : memref<1x1x1x64x64xf32, #tpu.memory_space<hbm>> -> memref<64x64xf32, #tpu.memory_space<hbm>>
    %dma_wait3A_1999 = tpu.memref_slice %arg6[%dma_wait3A_1990] : memref<6x!tpu.dma_semaphore, #tpu.memory_space<semaphore_mem>> -> memref<1x!tpu.dma_semaphore, #tpu.memory_space<semaphore_mem>>
    %dma_wait3A_2000 = tpu.memref_squeeze %dma_wait3A_1999 : memref<1x!tpu.dma_semaphore, #tpu.memory_space<semaphore_mem>> -> memref<!tpu.dma_semaphore, #tpu.memory_space<semaphore_mem>>
    %dma_wait3A_2001 = arith.constant 0 : i32
    %dma_wait3A_2002 = arith.constant 0 : i32
    %dma_wait3A_2003 = tpu.memref_slice %arg5[%dma_wait3A_1988, %dma_wait3A_1989, %dma_wait3A_2001, %dma_wait3A_2002] : memref<6x2x64x64xf32, #tpu.memory_space<vmem>> -> memref<1x1x64x64xf32, #tpu.memory_space<vmem>>
    %dma_wait3A_2004 = tpu.memref_squeeze %dma_wait3A_2003 : memref<1x1x64x64xf32, #tpu.memory_space<vmem>> -> memref<64x64xf32, #tpu.memory_space<vmem>>
    %dma_wait3A_2005 = arith.constant 0 : i32
    %dma_wait3A_2006 = arith.constant 0 : i32
    %dma_wait3A_2007 = tpu.memref_slice %arg2[%select_n3A, %add3A_1964, %dma_wait3A_1987, %dma_wait3A_2005, %dma_wait3A_2006] : memref<8x96x2x64x64xf32, #tpu.memory_space<hbm>> -> memref<1x1x1x64x64xf32, #tpu.memory_space<hbm>>
    %dma_wait3A_2008 = tpu.memref_squeeze %dma_wait3A_2007 : memref<1x1x1x64x64xf32, #tpu.memory_space<hbm>> -> memref<64x64xf32, #tpu.memory_space<hbm>>
    tpu.wait_dma2 semaphore(%dma_wait3A_2000 : memref<!tpu.dma_semaphore, #tpu.memory_space<semaphore_mem>>) src(%dma_wait3A_2008 : memref<64x64xf32, #tpu.memory_space<hbm>>) dst(%dma_wait3A_2004 : memref<64x64xf32, #tpu.memory_space<vmem>>)
    %add3A_2009 = arith.constant 13 : i32
    %add3A_2010 = arith.addi %mul3A_32, %add3A_2009 : i32
    %mul3A_2011 = arith.constant 2 : i32
    %mul3A_2012 = arith.muli %mul3A_2011, %add3A_2010 : i32
    %dma_start3A_2013 = arith.constant 1 : i32
    %dma_start3A_2014 = arith.constant 1 : i32
    %dma_start3A_2015 = arith.constant 0 : i32
    %dma_start3A_2016 = arith.constant 0 : i32
    %dma_start3A_2017 = arith.constant 0 : i32
    %dma_start3A_2018 = tpu.memref_slice %arg5[%dma_start3A_2013, %dma_start3A_2015, %dma_start3A_2016, %dma_start3A_2017] : memref<6x2x64x64xf32, #tpu.memory_space<vmem>> -> memref<1x2x64x64xf32, #tpu.memory_space<vmem>>
    %dma_start3A_2019 = tpu.memref_squeeze %dma_start3A_2018 : memref<1x2x64x64xf32, #tpu.memory_space<vmem>> -> memref<2x64x64xf32, #tpu.memory_space<vmem>>
    %dma_start3A_2020 = arith.constant 0 : i32
    %dma_start3A_2021 = arith.constant 0 : i32
    %dma_start3A_2022 = tpu.memref_slice %arg4[%select_n3A, %mul3A_2012, %dma_start3A_2020, %dma_start3A_2021] : memref<8x192x64x64xf32, #tpu.memory_space<hbm>> -> memref<1x2x64x64xf32, #tpu.memory_space<hbm>>
    %dma_start3A_2023 = tpu.memref_squeeze %dma_start3A_2022 : memref<1x2x64x64xf32, #tpu.memory_space<hbm>> -> memref<2x64x64xf32, #tpu.memory_space<hbm>>
    %dma_start3A_2024 = tpu.memref_slice %arg7[%dma_start3A_2014] : memref<6x!tpu.dma_semaphore, #tpu.memory_space<semaphore_mem>> -> memref<1x!tpu.dma_semaphore, #tpu.memory_space<semaphore_mem>>
    %dma_start3A_2025 = tpu.memref_squeeze %dma_start3A_2024 : memref<1x!tpu.dma_semaphore, #tpu.memory_space<semaphore_mem>> -> memref<!tpu.dma_semaphore, #tpu.memory_space<semaphore_mem>>
    %dma_start3A_2026 = arith.constant 0 : i32
    %dma_start3A_2027 = arith.constant 0 : i32
    %dma_start3A_2028 = tpu.memref_slice %arg4[%select_n3A, %mul3A_2012, %dma_start3A_2026, %dma_start3A_2027] : memref<8x192x64x64xf32, #tpu.memory_space<hbm>> -> memref<1x2x64x64xf32, #tpu.memory_space<hbm>>
    %dma_start3A_2029 = tpu.memref_squeeze %dma_start3A_2028 : memref<1x2x64x64xf32, #tpu.memory_space<hbm>> -> memref<2x64x64xf32, #tpu.memory_space<hbm>>
    %dma_start3A_2030 = arith.constant 0 : i32
    %dma_start3A_2031 = arith.constant 0 : i32
    %dma_start3A_2032 = arith.constant 0 : i32
    %dma_start3A_2033 = tpu.memref_slice %arg5[%dma_start3A_2013, %dma_start3A_2030, %dma_start3A_2031, %dma_start3A_2032] : memref<6x2x64x64xf32, #tpu.memory_space<vmem>> -> memref<1x2x64x64xf32, #tpu.memory_space<vmem>>
    %dma_start3A_2034 = tpu.memref_squeeze %dma_start3A_2033 : memref<1x2x64x64xf32, #tpu.memory_space<vmem>> -> memref<2x64x64xf32, #tpu.memory_space<vmem>>
    tpu.enqueue_dma source(%dma_start3A_2034 : memref<2x64x64xf32, #tpu.memory_space<vmem>>) target(%dma_start3A_2029 : memref<2x64x64xf32, #tpu.memory_space<hbm>>) target_semaphore(%dma_start3A_2025 : memref<!tpu.dma_semaphore, #tpu.memory_space<semaphore_mem>>)
    %add3A_2035 = arith.constant 10 : i32
    %add3A_2036 = arith.addi %mul3A_32, %add3A_2035 : i32
    %mul3A_2037 = arith.constant 2 : i32
    %mul3A_2038 = arith.muli %mul3A_2037, %add3A_2036 : i32
    %dma_wait3A_2039 = arith.constant 4 : i32
    %dma_wait3A_2040 = arith.constant 4 : i32
    %dma_wait3A_2041 = arith.constant 0 : i32
    %dma_wait3A_2042 = arith.constant 0 : i32
    %dma_wait3A_2043 = arith.constant 0 : i32
    %dma_wait3A_2044 = tpu.memref_slice %arg5[%dma_wait3A_2039, %dma_wait3A_2041, %dma_wait3A_2042, %dma_wait3A_2043] : memref<6x2x64x64xf32, #tpu.memory_space<vmem>> -> memref<1x2x64x64xf32, #tpu.memory_space<vmem>>
    %dma_wait3A_2045 = tpu.memref_squeeze %dma_wait3A_2044 : memref<1x2x64x64xf32, #tpu.memory_space<vmem>> -> memref<2x64x64xf32, #tpu.memory_space<vmem>>
    %dma_wait3A_2046 = arith.constant 0 : i32
    %dma_wait3A_2047 = arith.constant 0 : i32
    %dma_wait3A_2048 = tpu.memref_slice %arg4[%select_n3A, %mul3A_2038, %dma_wait3A_2046, %dma_wait3A_2047] : memref<8x192x64x64xf32, #tpu.memory_space<hbm>> -> memref<1x2x64x64xf32, #tpu.memory_space<hbm>>
    %dma_wait3A_2049 = tpu.memref_squeeze %dma_wait3A_2048 : memref<1x2x64x64xf32, #tpu.memory_space<hbm>> -> memref<2x64x64xf32, #tpu.memory_space<hbm>>
    %dma_wait3A_2050 = tpu.memref_slice %arg7[%dma_wait3A_2040] : memref<6x!tpu.dma_semaphore, #tpu.memory_space<semaphore_mem>> -> memref<1x!tpu.dma_semaphore, #tpu.memory_space<semaphore_mem>>
    %dma_wait3A_2051 = tpu.memref_squeeze %dma_wait3A_2050 : memref<1x!tpu.dma_semaphore, #tpu.memory_space<semaphore_mem>> -> memref<!tpu.dma_semaphore, #tpu.memory_space<semaphore_mem>>
    %dma_wait3A_2052 = arith.constant 0 : i32
    %dma_wait3A_2053 = arith.constant 0 : i32
    %dma_wait3A_2054 = tpu.memref_slice %arg4[%select_n3A, %mul3A_2038, %dma_wait3A_2052, %dma_wait3A_2053] : memref<8x192x64x64xf32, #tpu.memory_space<hbm>> -> memref<1x2x64x64xf32, #tpu.memory_space<hbm>>
    %dma_wait3A_2055 = tpu.memref_squeeze %dma_wait3A_2054 : memref<1x2x64x64xf32, #tpu.memory_space<hbm>> -> memref<2x64x64xf32, #tpu.memory_space<hbm>>
    %dma_wait3A_2056 = arith.constant 0 : i32
    %dma_wait3A_2057 = arith.constant 0 : i32
    %dma_wait3A_2058 = arith.constant 0 : i32
    %dma_wait3A_2059 = tpu.memref_slice %arg5[%dma_wait3A_2039, %dma_wait3A_2056, %dma_wait3A_2057, %dma_wait3A_2058] : memref<6x2x64x64xf32, #tpu.memory_space<vmem>> -> memref<1x2x64x64xf32, #tpu.memory_space<vmem>>
    %dma_wait3A_2060 = tpu.memref_squeeze %dma_wait3A_2059 : memref<1x2x64x64xf32, #tpu.memory_space<vmem>> -> memref<2x64x64xf32, #tpu.memory_space<vmem>>
    tpu.wait_dma2 semaphore(%dma_wait3A_2051 : memref<!tpu.dma_semaphore, #tpu.memory_space<semaphore_mem>>) src(%dma_wait3A_2060 : memref<2x64x64xf32, #tpu.memory_space<vmem>>) dst(%dma_wait3A_2055 : memref<2x64x64xf32, #tpu.memory_space<hbm>>)
    %add3A_2061 = arith.constant 16 : i32
    %add3A_2062 = arith.addi %mul3A_32, %add3A_2061 : i32
    %dma_start3A_2063 = arith.constant 0 : i32
    %dma_start3A_2064 = arith.constant 4 : i32
    %dma_start3A_2065 = arith.constant 0 : i32
    %dma_start3A_2066 = arith.constant 4 : i32
    %dma_start3A_2067 = arith.constant 0 : i32
    %dma_start3A_2068 = arith.constant 0 : i32
    %dma_start3A_2069 = tpu.memref_slice %arg5[%dma_start3A_2064, %dma_start3A_2065, %dma_start3A_2067, %dma_start3A_2068] : memref<6x2x64x64xf32, #tpu.memory_space<vmem>> -> memref<1x1x64x64xf32, #tpu.memory_space<vmem>>
    %dma_start3A_2070 = tpu.memref_squeeze %dma_start3A_2069 : memref<1x1x64x64xf32, #tpu.memory_space<vmem>> -> memref<64x64xf32, #tpu.memory_space<vmem>>
    %dma_start3A_2071 = arith.constant 0 : i32
    %dma_start3A_2072 = arith.constant 0 : i32
    %dma_start3A_2073 = tpu.memref_slice %arg3[%select_n3A, %add3A_2062, %dma_start3A_2063, %dma_start3A_2071, %dma_start3A_2072] : memref<8x96x2x64x64xf32, #tpu.memory_space<hbm>> -> memref<1x1x1x64x64xf32, #tpu.memory_space<hbm>>
    %dma_start3A_2074 = tpu.memref_squeeze %dma_start3A_2073 : memref<1x1x1x64x64xf32, #tpu.memory_space<hbm>> -> memref<64x64xf32, #tpu.memory_space<hbm>>
    %dma_start3A_2075 = tpu.memref_slice %arg6[%dma_start3A_2066] : memref<6x!tpu.dma_semaphore, #tpu.memory_space<semaphore_mem>> -> memref<1x!tpu.dma_semaphore, #tpu.memory_space<semaphore_mem>>
    %dma_start3A_2076 = tpu.memref_squeeze %dma_start3A_2075 : memref<1x!tpu.dma_semaphore, #tpu.memory_space<semaphore_mem>> -> memref<!tpu.dma_semaphore, #tpu.memory_space<semaphore_mem>>
    %dma_start3A_2077 = arith.constant 0 : i32
    %dma_start3A_2078 = arith.constant 0 : i32
    %dma_start3A_2079 = tpu.memref_slice %arg5[%dma_start3A_2064, %dma_start3A_2065, %dma_start3A_2077, %dma_start3A_2078] : memref<6x2x64x64xf32, #tpu.memory_space<vmem>> -> memref<1x1x64x64xf32, #tpu.memory_space<vmem>>
    %dma_start3A_2080 = tpu.memref_squeeze %dma_start3A_2079 : memref<1x1x64x64xf32, #tpu.memory_space<vmem>> -> memref<64x64xf32, #tpu.memory_space<vmem>>
    %dma_start3A_2081 = arith.constant 0 : i32
    %dma_start3A_2082 = arith.constant 0 : i32
    %dma_start3A_2083 = tpu.memref_slice %arg3[%select_n3A, %add3A_2062, %dma_start3A_2063, %dma_start3A_2081, %dma_start3A_2082] : memref<8x96x2x64x64xf32, #tpu.memory_space<hbm>> -> memref<1x1x1x64x64xf32, #tpu.memory_space<hbm>>
    %dma_start3A_2084 = tpu.memref_squeeze %dma_start3A_2083 : memref<1x1x1x64x64xf32, #tpu.memory_space<hbm>> -> memref<64x64xf32, #tpu.memory_space<hbm>>
    tpu.enqueue_dma source(%dma_start3A_2084 : memref<64x64xf32, #tpu.memory_space<hbm>>) target(%dma_start3A_2080 : memref<64x64xf32, #tpu.memory_space<vmem>>) target_semaphore(%dma_start3A_2076 : memref<!tpu.dma_semaphore, #tpu.memory_space<semaphore_mem>>)
    %dma_start3A_2085 = arith.constant 1 : i32
    %dma_start3A_2086 = arith.constant 4 : i32
    %dma_start3A_2087 = arith.constant 1 : i32
    %dma_start3A_2088 = arith.constant 4 : i32
    %dma_start3A_2089 = arith.constant 0 : i32
    %dma_start3A_2090 = arith.constant 0 : i32
    %dma_start3A_2091 = tpu.memref_slice %arg5[%dma_start3A_2086, %dma_start3A_2087, %dma_start3A_2089, %dma_start3A_2090] : memref<6x2x64x64xf32, #tpu.memory_space<vmem>> -> memref<1x1x64x64xf32, #tpu.memory_space<vmem>>
    %dma_start3A_2092 = tpu.memref_squeeze %dma_start3A_2091 : memref<1x1x64x64xf32, #tpu.memory_space<vmem>> -> memref<64x64xf32, #tpu.memory_space<vmem>>
    %dma_start3A_2093 = arith.constant 0 : i32
    %dma_start3A_2094 = arith.constant 0 : i32
    %dma_start3A_2095 = tpu.memref_slice %arg2[%select_n3A, %add3A_2062, %dma_start3A_2085, %dma_start3A_2093, %dma_start3A_2094] : memref<8x96x2x64x64xf32, #tpu.memory_space<hbm>> -> memref<1x1x1x64x64xf32, #tpu.memory_space<hbm>>
    %dma_start3A_2096 = tpu.memref_squeeze %dma_start3A_2095 : memref<1x1x1x64x64xf32, #tpu.memory_space<hbm>> -> memref<64x64xf32, #tpu.memory_space<hbm>>
    %dma_start3A_2097 = tpu.memref_slice %arg6[%dma_start3A_2088] : memref<6x!tpu.dma_semaphore, #tpu.memory_space<semaphore_mem>> -> memref<1x!tpu.dma_semaphore, #tpu.memory_space<semaphore_mem>>
    %dma_start3A_2098 = tpu.memref_squeeze %dma_start3A_2097 : memref<1x!tpu.dma_semaphore, #tpu.memory_space<semaphore_mem>> -> memref<!tpu.dma_semaphore, #tpu.memory_space<semaphore_mem>>
    %dma_start3A_2099 = arith.constant 0 : i32
    %dma_start3A_2100 = arith.constant 0 : i32
    %dma_start3A_2101 = tpu.memref_slice %arg5[%dma_start3A_2086, %dma_start3A_2087, %dma_start3A_2099, %dma_start3A_2100] : memref<6x2x64x64xf32, #tpu.memory_space<vmem>> -> memref<1x1x64x64xf32, #tpu.memory_space<vmem>>
    %dma_start3A_2102 = tpu.memref_squeeze %dma_start3A_2101 : memref<1x1x64x64xf32, #tpu.memory_space<vmem>> -> memref<64x64xf32, #tpu.memory_space<vmem>>
    %dma_start3A_2103 = arith.constant 0 : i32
    %dma_start3A_2104 = arith.constant 0 : i32
    %dma_start3A_2105 = tpu.memref_slice %arg2[%select_n3A, %add3A_2062, %dma_start3A_2085, %dma_start3A_2103, %dma_start3A_2104] : memref<8x96x2x64x64xf32, #tpu.memory_space<hbm>> -> memref<1x1x1x64x64xf32, #tpu.memory_space<hbm>>
    %dma_start3A_2106 = tpu.memref_squeeze %dma_start3A_2105 : memref<1x1x1x64x64xf32, #tpu.memory_space<hbm>> -> memref<64x64xf32, #tpu.memory_space<hbm>>
    tpu.enqueue_dma source(%dma_start3A_2106 : memref<64x64xf32, #tpu.memory_space<hbm>>) target(%dma_start3A_2102 : memref<64x64xf32, #tpu.memory_space<vmem>>) target_semaphore(%dma_start3A_2098 : memref<!tpu.dma_semaphore, #tpu.memory_space<semaphore_mem>>)
    %add3A_2107 = arith.constant 14 : i32
    %add3A_2108 = arith.addi %mul3A_32, %add3A_2107 : i32
    %dma_wait3A_2109 = arith.constant 0 : i32
    %dma_wait3A_2110 = arith.constant 2 : i32
    %dma_wait3A_2111 = arith.constant 0 : i32
    %dma_wait3A_2112 = arith.constant 2 : i32
    %dma_wait3A_2113 = arith.constant 0 : i32
    %dma_wait3A_2114 = arith.constant 0 : i32
    %dma_wait3A_2115 = tpu.memref_slice %arg5[%dma_wait3A_2110, %dma_wait3A_2111, %dma_wait3A_2113, %dma_wait3A_2114] : memref<6x2x64x64xf32, #tpu.memory_space<vmem>> -> memref<1x1x64x64xf32, #tpu.memory_space<vmem>>
    %dma_wait3A_2116 = tpu.memref_squeeze %dma_wait3A_2115 : memref<1x1x64x64xf32, #tpu.memory_space<vmem>> -> memref<64x64xf32, #tpu.memory_space<vmem>>
    %dma_wait3A_2117 = arith.constant 0 : i32
    %dma_wait3A_2118 = arith.constant 0 : i32
    %dma_wait3A_2119 = tpu.memref_slice %arg3[%select_n3A, %add3A_2108, %dma_wait3A_2109, %dma_wait3A_2117, %dma_wait3A_2118] : memref<8x96x2x64x64xf32, #tpu.memory_space<hbm>> -> memref<1x1x1x64x64xf32, #tpu.memory_space<hbm>>
    %dma_wait3A_2120 = tpu.memref_squeeze %dma_wait3A_2119 : memref<1x1x1x64x64xf32, #tpu.memory_space<hbm>> -> memref<64x64xf32, #tpu.memory_space<hbm>>
    %dma_wait3A_2121 = tpu.memref_slice %arg6[%dma_wait3A_2112] : memref<6x!tpu.dma_semaphore, #tpu.memory_space<semaphore_mem>> -> memref<1x!tpu.dma_semaphore, #tpu.memory_space<semaphore_mem>>
    %dma_wait3A_2122 = tpu.memref_squeeze %dma_wait3A_2121 : memref<1x!tpu.dma_semaphore, #tpu.memory_space<semaphore_mem>> -> memref<!tpu.dma_semaphore, #tpu.memory_space<semaphore_mem>>
    %dma_wait3A_2123 = arith.constant 0 : i32
    %dma_wait3A_2124 = arith.constant 0 : i32
    %dma_wait3A_2125 = tpu.memref_slice %arg5[%dma_wait3A_2110, %dma_wait3A_2111, %dma_wait3A_2123, %dma_wait3A_2124] : memref<6x2x64x64xf32, #tpu.memory_space<vmem>> -> memref<1x1x64x64xf32, #tpu.memory_space<vmem>>
    %dma_wait3A_2126 = tpu.memref_squeeze %dma_wait3A_2125 : memref<1x1x64x64xf32, #tpu.memory_space<vmem>> -> memref<64x64xf32, #tpu.memory_space<vmem>>
    %dma_wait3A_2127 = arith.constant 0 : i32
    %dma_wait3A_2128 = arith.constant 0 : i32
    %dma_wait3A_2129 = tpu.memref_slice %arg3[%select_n3A, %add3A_2108, %dma_wait3A_2109, %dma_wait3A_2127, %dma_wait3A_2128] : memref<8x96x2x64x64xf32, #tpu.memory_space<hbm>> -> memref<1x1x1x64x64xf32, #tpu.memory_space<hbm>>
    %dma_wait3A_2130 = tpu.memref_squeeze %dma_wait3A_2129 : memref<1x1x1x64x64xf32, #tpu.memory_space<hbm>> -> memref<64x64xf32, #tpu.memory_space<hbm>>
    tpu.wait_dma2 semaphore(%dma_wait3A_2122 : memref<!tpu.dma_semaphore, #tpu.memory_space<semaphore_mem>>) src(%dma_wait3A_2130 : memref<64x64xf32, #tpu.memory_space<hbm>>) dst(%dma_wait3A_2126 : memref<64x64xf32, #tpu.memory_space<vmem>>)
    %dma_wait3A_2131 = arith.constant 1 : i32
    %dma_wait3A_2132 = arith.constant 2 : i32
    %dma_wait3A_2133 = arith.constant 1 : i32
    %dma_wait3A_2134 = arith.constant 2 : i32
    %dma_wait3A_2135 = arith.constant 0 : i32
    %dma_wait3A_2136 = arith.constant 0 : i32
    %dma_wait3A_2137 = tpu.memref_slice %arg5[%dma_wait3A_2132, %dma_wait3A_2133, %dma_wait3A_2135, %dma_wait3A_2136] : memref<6x2x64x64xf32, #tpu.memory_space<vmem>> -> memref<1x1x64x64xf32, #tpu.memory_space<vmem>>
    %dma_wait3A_2138 = tpu.memref_squeeze %dma_wait3A_2137 : memref<1x1x64x64xf32, #tpu.memory_space<vmem>> -> memref<64x64xf32, #tpu.memory_space<vmem>>
    %dma_wait3A_2139 = arith.constant 0 : i32
    %dma_wait3A_2140 = arith.constant 0 : i32
    %dma_wait3A_2141 = tpu.memref_slice %arg2[%select_n3A, %add3A_2108, %dma_wait3A_2131, %dma_wait3A_2139, %dma_wait3A_2140] : memref<8x96x2x64x64xf32, #tpu.memory_space<hbm>> -> memref<1x1x1x64x64xf32, #tpu.memory_space<hbm>>
    %dma_wait3A_2142 = tpu.memref_squeeze %dma_wait3A_2141 : memref<1x1x1x64x64xf32, #tpu.memory_space<hbm>> -> memref<64x64xf32, #tpu.memory_space<hbm>>
    %dma_wait3A_2143 = tpu.memref_slice %arg6[%dma_wait3A_2134] : memref<6x!tpu.dma_semaphore, #tpu.memory_space<semaphore_mem>> -> memref<1x!tpu.dma_semaphore, #tpu.memory_space<semaphore_mem>>
    %dma_wait3A_2144 = tpu.memref_squeeze %dma_wait3A_2143 : memref<1x!tpu.dma_semaphore, #tpu.memory_space<semaphore_mem>> -> memref<!tpu.dma_semaphore, #tpu.memory_space<semaphore_mem>>
    %dma_wait3A_2145 = arith.constant 0 : i32
    %dma_wait3A_2146 = arith.constant 0 : i32
    %dma_wait3A_2147 = tpu.memref_slice %arg5[%dma_wait3A_2132, %dma_wait3A_2133, %dma_wait3A_2145, %dma_wait3A_2146] : memref<6x2x64x64xf32, #tpu.memory_space<vmem>> -> memref<1x1x64x64xf32, #tpu.memory_space<vmem>>
    %dma_wait3A_2148 = tpu.memref_squeeze %dma_wait3A_2147 : memref<1x1x64x64xf32, #tpu.memory_space<vmem>> -> memref<64x64xf32, #tpu.memory_space<vmem>>
    %dma_wait3A_2149 = arith.constant 0 : i32
    %dma_wait3A_2150 = arith.constant 0 : i32
    %dma_wait3A_2151 = tpu.memref_slice %arg2[%select_n3A, %add3A_2108, %dma_wait3A_2131, %dma_wait3A_2149, %dma_wait3A_2150] : memref<8x96x2x64x64xf32, #tpu.memory_space<hbm>> -> memref<1x1x1x64x64xf32, #tpu.memory_space<hbm>>
    %dma_wait3A_2152 = tpu.memref_squeeze %dma_wait3A_2151 : memref<1x1x1x64x64xf32, #tpu.memory_space<hbm>> -> memref<64x64xf32, #tpu.memory_space<hbm>>
    tpu.wait_dma2 semaphore(%dma_wait3A_2144 : memref<!tpu.dma_semaphore, #tpu.memory_space<semaphore_mem>>) src(%dma_wait3A_2152 : memref<64x64xf32, #tpu.memory_space<hbm>>) dst(%dma_wait3A_2148 : memref<64x64xf32, #tpu.memory_space<vmem>>)
    %add3A_2153 = arith.constant 14 : i32
    %add3A_2154 = arith.addi %mul3A_32, %add3A_2153 : i32
    %mul3A_2155 = arith.constant 2 : i32
    %mul3A_2156 = arith.muli %mul3A_2155, %add3A_2154 : i32
    %dma_start3A_2157 = arith.constant 2 : i32
    %dma_start3A_2158 = arith.constant 2 : i32
    %dma_start3A_2159 = arith.constant 0 : i32
    %dma_start3A_2160 = arith.constant 0 : i32
    %dma_start3A_2161 = arith.constant 0 : i32
    %dma_start3A_2162 = tpu.memref_slice %arg5[%dma_start3A_2157, %dma_start3A_2159, %dma_start3A_2160, %dma_start3A_2161] : memref<6x2x64x64xf32, #tpu.memory_space<vmem>> -> memref<1x2x64x64xf32, #tpu.memory_space<vmem>>
    %dma_start3A_2163 = tpu.memref_squeeze %dma_start3A_2162 : memref<1x2x64x64xf32, #tpu.memory_space<vmem>> -> memref<2x64x64xf32, #tpu.memory_space<vmem>>
    %dma_start3A_2164 = arith.constant 0 : i32
    %dma_start3A_2165 = arith.constant 0 : i32
    %dma_start3A_2166 = tpu.memref_slice %arg4[%select_n3A, %mul3A_2156, %dma_start3A_2164, %dma_start3A_2165] : memref<8x192x64x64xf32, #tpu.memory_space<hbm>> -> memref<1x2x64x64xf32, #tpu.memory_space<hbm>>
    %dma_start3A_2167 = tpu.memref_squeeze %dma_start3A_2166 : memref<1x2x64x64xf32, #tpu.memory_space<hbm>> -> memref<2x64x64xf32, #tpu.memory_space<hbm>>
    %dma_start3A_2168 = tpu.memref_slice %arg7[%dma_start3A_2158] : memref<6x!tpu.dma_semaphore, #tpu.memory_space<semaphore_mem>> -> memref<1x!tpu.dma_semaphore, #tpu.memory_space<semaphore_mem>>
    %dma_start3A_2169 = tpu.memref_squeeze %dma_start3A_2168 : memref<1x!tpu.dma_semaphore, #tpu.memory_space<semaphore_mem>> -> memref<!tpu.dma_semaphore, #tpu.memory_space<semaphore_mem>>
    %dma_start3A_2170 = arith.constant 0 : i32
    %dma_start3A_2171 = arith.constant 0 : i32
    %dma_start3A_2172 = tpu.memref_slice %arg4[%select_n3A, %mul3A_2156, %dma_start3A_2170, %dma_start3A_2171] : memref<8x192x64x64xf32, #tpu.memory_space<hbm>> -> memref<1x2x64x64xf32, #tpu.memory_space<hbm>>
    %dma_start3A_2173 = tpu.memref_squeeze %dma_start3A_2172 : memref<1x2x64x64xf32, #tpu.memory_space<hbm>> -> memref<2x64x64xf32, #tpu.memory_space<hbm>>
    %dma_start3A_2174 = arith.constant 0 : i32
    %dma_start3A_2175 = arith.constant 0 : i32
    %dma_start3A_2176 = arith.constant 0 : i32
    %dma_start3A_2177 = tpu.memref_slice %arg5[%dma_start3A_2157, %dma_start3A_2174, %dma_start3A_2175, %dma_start3A_2176] : memref<6x2x64x64xf32, #tpu.memory_space<vmem>> -> memref<1x2x64x64xf32, #tpu.memory_space<vmem>>
    %dma_start3A_2178 = tpu.memref_squeeze %dma_start3A_2177 : memref<1x2x64x64xf32, #tpu.memory_space<vmem>> -> memref<2x64x64xf32, #tpu.memory_space<vmem>>
    tpu.enqueue_dma source(%dma_start3A_2178 : memref<2x64x64xf32, #tpu.memory_space<vmem>>) target(%dma_start3A_2173 : memref<2x64x64xf32, #tpu.memory_space<hbm>>) target_semaphore(%dma_start3A_2169 : memref<!tpu.dma_semaphore, #tpu.memory_space<semaphore_mem>>)
    %add3A_2179 = arith.constant 11 : i32
    %add3A_2180 = arith.addi %mul3A_32, %add3A_2179 : i32
    %mul3A_2181 = arith.constant 2 : i32
    %mul3A_2182 = arith.muli %mul3A_2181, %add3A_2180 : i32
    %dma_wait3A_2183 = arith.constant 5 : i32
    %dma_wait3A_2184 = arith.constant 5 : i32
    %dma_wait3A_2185 = arith.constant 0 : i32
    %dma_wait3A_2186 = arith.constant 0 : i32
    %dma_wait3A_2187 = arith.constant 0 : i32
    %dma_wait3A_2188 = tpu.memref_slice %arg5[%dma_wait3A_2183, %dma_wait3A_2185, %dma_wait3A_2186, %dma_wait3A_2187] : memref<6x2x64x64xf32, #tpu.memory_space<vmem>> -> memref<1x2x64x64xf32, #tpu.memory_space<vmem>>
    %dma_wait3A_2189 = tpu.memref_squeeze %dma_wait3A_2188 : memref<1x2x64x64xf32, #tpu.memory_space<vmem>> -> memref<2x64x64xf32, #tpu.memory_space<vmem>>
    %dma_wait3A_2190 = arith.constant 0 : i32
    %dma_wait3A_2191 = arith.constant 0 : i32
    %dma_wait3A_2192 = tpu.memref_slice %arg4[%select_n3A, %mul3A_2182, %dma_wait3A_2190, %dma_wait3A_2191] : memref<8x192x64x64xf32, #tpu.memory_space<hbm>> -> memref<1x2x64x64xf32, #tpu.memory_space<hbm>>
    %dma_wait3A_2193 = tpu.memref_squeeze %dma_wait3A_2192 : memref<1x2x64x64xf32, #tpu.memory_space<hbm>> -> memref<2x64x64xf32, #tpu.memory_space<hbm>>
    %dma_wait3A_2194 = tpu.memref_slice %arg7[%dma_wait3A_2184] : memref<6x!tpu.dma_semaphore, #tpu.memory_space<semaphore_mem>> -> memref<1x!tpu.dma_semaphore, #tpu.memory_space<semaphore_mem>>
    %dma_wait3A_2195 = tpu.memref_squeeze %dma_wait3A_2194 : memref<1x!tpu.dma_semaphore, #tpu.memory_space<semaphore_mem>> -> memref<!tpu.dma_semaphore, #tpu.memory_space<semaphore_mem>>
    %dma_wait3A_2196 = arith.constant 0 : i32
    %dma_wait3A_2197 = arith.constant 0 : i32
    %dma_wait3A_2198 = tpu.memref_slice %arg4[%select_n3A, %mul3A_2182, %dma_wait3A_2196, %dma_wait3A_2197] : memref<8x192x64x64xf32, #tpu.memory_space<hbm>> -> memref<1x2x64x64xf32, #tpu.memory_space<hbm>>
    %dma_wait3A_2199 = tpu.memref_squeeze %dma_wait3A_2198 : memref<1x2x64x64xf32, #tpu.memory_space<hbm>> -> memref<2x64x64xf32, #tpu.memory_space<hbm>>
    %dma_wait3A_2200 = arith.constant 0 : i32
    %dma_wait3A_2201 = arith.constant 0 : i32
    %dma_wait3A_2202 = arith.constant 0 : i32
    %dma_wait3A_2203 = tpu.memref_slice %arg5[%dma_wait3A_2183, %dma_wait3A_2200, %dma_wait3A_2201, %dma_wait3A_2202] : memref<6x2x64x64xf32, #tpu.memory_space<vmem>> -> memref<1x2x64x64xf32, #tpu.memory_space<vmem>>
    %dma_wait3A_2204 = tpu.memref_squeeze %dma_wait3A_2203 : memref<1x2x64x64xf32, #tpu.memory_space<vmem>> -> memref<2x64x64xf32, #tpu.memory_space<vmem>>
    tpu.wait_dma2 semaphore(%dma_wait3A_2195 : memref<!tpu.dma_semaphore, #tpu.memory_space<semaphore_mem>>) src(%dma_wait3A_2204 : memref<2x64x64xf32, #tpu.memory_space<vmem>>) dst(%dma_wait3A_2199 : memref<2x64x64xf32, #tpu.memory_space<hbm>>)
    %add3A_2205 = arith.constant 17 : i32
    %add3A_2206 = arith.addi %mul3A_32, %add3A_2205 : i32
    %dma_start3A_2207 = arith.constant 0 : i32
    %dma_start3A_2208 = arith.constant 5 : i32
    %dma_start3A_2209 = arith.constant 0 : i32
    %dma_start3A_2210 = arith.constant 5 : i32
    %dma_start3A_2211 = arith.constant 0 : i32
    %dma_start3A_2212 = arith.constant 0 : i32
    %dma_start3A_2213 = tpu.memref_slice %arg5[%dma_start3A_2208, %dma_start3A_2209, %dma_start3A_2211, %dma_start3A_2212] : memref<6x2x64x64xf32, #tpu.memory_space<vmem>> -> memref<1x1x64x64xf32, #tpu.memory_space<vmem>>
    %dma_start3A_2214 = tpu.memref_squeeze %dma_start3A_2213 : memref<1x1x64x64xf32, #tpu.memory_space<vmem>> -> memref<64x64xf32, #tpu.memory_space<vmem>>
    %dma_start3A_2215 = arith.constant 0 : i32
    %dma_start3A_2216 = arith.constant 0 : i32
    %dma_start3A_2217 = tpu.memref_slice %arg3[%select_n3A, %add3A_2206, %dma_start3A_2207, %dma_start3A_2215, %dma_start3A_2216] : memref<8x96x2x64x64xf32, #tpu.memory_space<hbm>> -> memref<1x1x1x64x64xf32, #tpu.memory_space<hbm>>
    %dma_start3A_2218 = tpu.memref_squeeze %dma_start3A_2217 : memref<1x1x1x64x64xf32, #tpu.memory_space<hbm>> -> memref<64x64xf32, #tpu.memory_space<hbm>>
    %dma_start3A_2219 = tpu.memref_slice %arg6[%dma_start3A_2210] : memref<6x!tpu.dma_semaphore, #tpu.memory_space<semaphore_mem>> -> memref<1x!tpu.dma_semaphore, #tpu.memory_space<semaphore_mem>>
    %dma_start3A_2220 = tpu.memref_squeeze %dma_start3A_2219 : memref<1x!tpu.dma_semaphore, #tpu.memory_space<semaphore_mem>> -> memref<!tpu.dma_semaphore, #tpu.memory_space<semaphore_mem>>
    %dma_start3A_2221 = arith.constant 0 : i32
    %dma_start3A_2222 = arith.constant 0 : i32
    %dma_start3A_2223 = tpu.memref_slice %arg5[%dma_start3A_2208, %dma_start3A_2209, %dma_start3A_2221, %dma_start3A_2222] : memref<6x2x64x64xf32, #tpu.memory_space<vmem>> -> memref<1x1x64x64xf32, #tpu.memory_space<vmem>>
    %dma_start3A_2224 = tpu.memref_squeeze %dma_start3A_2223 : memref<1x1x64x64xf32, #tpu.memory_space<vmem>> -> memref<64x64xf32, #tpu.memory_space<vmem>>
    %dma_start3A_2225 = arith.constant 0 : i32
    %dma_start3A_2226 = arith.constant 0 : i32
    %dma_start3A_2227 = tpu.memref_slice %arg3[%select_n3A, %add3A_2206, %dma_start3A_2207, %dma_start3A_2225, %dma_start3A_2226] : memref<8x96x2x64x64xf32, #tpu.memory_space<hbm>> -> memref<1x1x1x64x64xf32, #tpu.memory_space<hbm>>
    %dma_start3A_2228 = tpu.memref_squeeze %dma_start3A_2227 : memref<1x1x1x64x64xf32, #tpu.memory_space<hbm>> -> memref<64x64xf32, #tpu.memory_space<hbm>>
    tpu.enqueue_dma source(%dma_start3A_2228 : memref<64x64xf32, #tpu.memory_space<hbm>>) target(%dma_start3A_2224 : memref<64x64xf32, #tpu.memory_space<vmem>>) target_semaphore(%dma_start3A_2220 : memref<!tpu.dma_semaphore, #tpu.memory_space<semaphore_mem>>)
    %dma_start3A_2229 = arith.constant 1 : i32
    %dma_start3A_2230 = arith.constant 5 : i32
    %dma_start3A_2231 = arith.constant 1 : i32
    %dma_start3A_2232 = arith.constant 5 : i32
    %dma_start3A_2233 = arith.constant 0 : i32
    %dma_start3A_2234 = arith.constant 0 : i32
    %dma_start3A_2235 = tpu.memref_slice %arg5[%dma_start3A_2230, %dma_start3A_2231, %dma_start3A_2233, %dma_start3A_2234] : memref<6x2x64x64xf32, #tpu.memory_space<vmem>> -> memref<1x1x64x64xf32, #tpu.memory_space<vmem>>
    %dma_start3A_2236 = tpu.memref_squeeze %dma_start3A_2235 : memref<1x1x64x64xf32, #tpu.memory_space<vmem>> -> memref<64x64xf32, #tpu.memory_space<vmem>>
    %dma_start3A_2237 = arith.constant 0 : i32
    %dma_start3A_2238 = arith.constant 0 : i32
    %dma_start3A_2239 = tpu.memref_slice %arg2[%select_n3A, %add3A_2206, %dma_start3A_2229, %dma_start3A_2237, %dma_start3A_2238] : memref<8x96x2x64x64xf32, #tpu.memory_space<hbm>> -> memref<1x1x1x64x64xf32, #tpu.memory_space<hbm>>
    %dma_start3A_2240 = tpu.memref_squeeze %dma_start3A_2239 : memref<1x1x1x64x64xf32, #tpu.memory_space<hbm>> -> memref<64x64xf32, #tpu.memory_space<hbm>>
    %dma_start3A_2241 = tpu.memref_slice %arg6[%dma_start3A_2232] : memref<6x!tpu.dma_semaphore, #tpu.memory_space<semaphore_mem>> -> memref<1x!tpu.dma_semaphore, #tpu.memory_space<semaphore_mem>>
    %dma_start3A_2242 = tpu.memref_squeeze %dma_start3A_2241 : memref<1x!tpu.dma_semaphore, #tpu.memory_space<semaphore_mem>> -> memref<!tpu.dma_semaphore, #tpu.memory_space<semaphore_mem>>
    %dma_start3A_2243 = arith.constant 0 : i32
    %dma_start3A_2244 = arith.constant 0 : i32
    %dma_start3A_2245 = tpu.memref_slice %arg5[%dma_start3A_2230, %dma_start3A_2231, %dma_start3A_2243, %dma_start3A_2244] : memref<6x2x64x64xf32, #tpu.memory_space<vmem>> -> memref<1x1x64x64xf32, #tpu.memory_space<vmem>>
    %dma_start3A_2246 = tpu.memref_squeeze %dma_start3A_2245 : memref<1x1x64x64xf32, #tpu.memory_space<vmem>> -> memref<64x64xf32, #tpu.memory_space<vmem>>
    %dma_start3A_2247 = arith.constant 0 : i32
    %dma_start3A_2248 = arith.constant 0 : i32
    %dma_start3A_2249 = tpu.memref_slice %arg2[%select_n3A, %add3A_2206, %dma_start3A_2229, %dma_start3A_2247, %dma_start3A_2248] : memref<8x96x2x64x64xf32, #tpu.memory_space<hbm>> -> memref<1x1x1x64x64xf32, #tpu.memory_space<hbm>>
    %dma_start3A_2250 = tpu.memref_squeeze %dma_start3A_2249 : memref<1x1x1x64x64xf32, #tpu.memory_space<hbm>> -> memref<64x64xf32, #tpu.memory_space<hbm>>
    tpu.enqueue_dma source(%dma_start3A_2250 : memref<64x64xf32, #tpu.memory_space<hbm>>) target(%dma_start3A_2246 : memref<64x64xf32, #tpu.memory_space<vmem>>) target_semaphore(%dma_start3A_2242 : memref<!tpu.dma_semaphore, #tpu.memory_space<semaphore_mem>>)
    %add3A_2251 = arith.constant 15 : i32
    %add3A_2252 = arith.addi %mul3A_32, %add3A_2251 : i32
    %dma_wait3A_2253 = arith.constant 0 : i32
    %dma_wait3A_2254 = arith.constant 3 : i32
    %dma_wait3A_2255 = arith.constant 0 : i32
    %dma_wait3A_2256 = arith.constant 3 : i32
    %dma_wait3A_2257 = arith.constant 0 : i32
    %dma_wait3A_2258 = arith.constant 0 : i32
    %dma_wait3A_2259 = tpu.memref_slice %arg5[%dma_wait3A_2254, %dma_wait3A_2255, %dma_wait3A_2257, %dma_wait3A_2258] : memref<6x2x64x64xf32, #tpu.memory_space<vmem>> -> memref<1x1x64x64xf32, #tpu.memory_space<vmem>>
    %dma_wait3A_2260 = tpu.memref_squeeze %dma_wait3A_2259 : memref<1x1x64x64xf32, #tpu.memory_space<vmem>> -> memref<64x64xf32, #tpu.memory_space<vmem>>
    %dma_wait3A_2261 = arith.constant 0 : i32
    %dma_wait3A_2262 = arith.constant 0 : i32
    %dma_wait3A_2263 = tpu.memref_slice %arg3[%select_n3A, %add3A_2252, %dma_wait3A_2253, %dma_wait3A_2261, %dma_wait3A_2262] : memref<8x96x2x64x64xf32, #tpu.memory_space<hbm>> -> memref<1x1x1x64x64xf32, #tpu.memory_space<hbm>>
    %dma_wait3A_2264 = tpu.memref_squeeze %dma_wait3A_2263 : memref<1x1x1x64x64xf32, #tpu.memory_space<hbm>> -> memref<64x64xf32, #tpu.memory_space<hbm>>
    %dma_wait3A_2265 = tpu.memref_slice %arg6[%dma_wait3A_2256] : memref<6x!tpu.dma_semaphore, #tpu.memory_space<semaphore_mem>> -> memref<1x!tpu.dma_semaphore, #tpu.memory_space<semaphore_mem>>
    %dma_wait3A_2266 = tpu.memref_squeeze %dma_wait3A_2265 : memref<1x!tpu.dma_semaphore, #tpu.memory_space<semaphore_mem>> -> memref<!tpu.dma_semaphore, #tpu.memory_space<semaphore_mem>>
    %dma_wait3A_2267 = arith.constant 0 : i32
    %dma_wait3A_2268 = arith.constant 0 : i32
    %dma_wait3A_2269 = tpu.memref_slice %arg5[%dma_wait3A_2254, %dma_wait3A_2255, %dma_wait3A_2267, %dma_wait3A_2268] : memref<6x2x64x64xf32, #tpu.memory_space<vmem>> -> memref<1x1x64x64xf32, #tpu.memory_space<vmem>>
    %dma_wait3A_2270 = tpu.memref_squeeze %dma_wait3A_2269 : memref<1x1x64x64xf32, #tpu.memory_space<vmem>> -> memref<64x64xf32, #tpu.memory_space<vmem>>
    %dma_wait3A_2271 = arith.constant 0 : i32
    %dma_wait3A_2272 = arith.constant 0 : i32
    %dma_wait3A_2273 = tpu.memref_slice %arg3[%select_n3A, %add3A_2252, %dma_wait3A_2253, %dma_wait3A_2271, %dma_wait3A_2272] : memref<8x96x2x64x64xf32, #tpu.memory_space<hbm>> -> memref<1x1x1x64x64xf32, #tpu.memory_space<hbm>>
    %dma_wait3A_2274 = tpu.memref_squeeze %dma_wait3A_2273 : memref<1x1x1x64x64xf32, #tpu.memory_space<hbm>> -> memref<64x64xf32, #tpu.memory_space<hbm>>
    tpu.wait_dma2 semaphore(%dma_wait3A_2266 : memref<!tpu.dma_semaphore, #tpu.memory_space<semaphore_mem>>) src(%dma_wait3A_2274 : memref<64x64xf32, #tpu.memory_space<hbm>>) dst(%dma_wait3A_2270 : memref<64x64xf32, #tpu.memory_space<vmem>>)
    %dma_wait3A_2275 = arith.constant 1 : i32
    %dma_wait3A_2276 = arith.constant 3 : i32
    %dma_wait3A_2277 = arith.constant 1 : i32
    %dma_wait3A_2278 = arith.constant 3 : i32
    %dma_wait3A_2279 = arith.constant 0 : i32
    %dma_wait3A_2280 = arith.constant 0 : i32
    %dma_wait3A_2281 = tpu.memref_slice %arg5[%dma_wait3A_2276, %dma_wait3A_2277, %dma_wait3A_2279, %dma_wait3A_2280] : memref<6x2x64x64xf32, #tpu.memory_space<vmem>> -> memref<1x1x64x64xf32, #tpu.memory_space<vmem>>
    %dma_wait3A_2282 = tpu.memref_squeeze %dma_wait3A_2281 : memref<1x1x64x64xf32, #tpu.memory_space<vmem>> -> memref<64x64xf32, #tpu.memory_space<vmem>>
    %dma_wait3A_2283 = arith.constant 0 : i32
    %dma_wait3A_2284 = arith.constant 0 : i32
    %dma_wait3A_2285 = tpu.memref_slice %arg2[%select_n3A, %add3A_2252, %dma_wait3A_2275, %dma_wait3A_2283, %dma_wait3A_2284] : memref<8x96x2x64x64xf32, #tpu.memory_space<hbm>> -> memref<1x1x1x64x64xf32, #tpu.memory_space<hbm>>
    %dma_wait3A_2286 = tpu.memref_squeeze %dma_wait3A_2285 : memref<1x1x1x64x64xf32, #tpu.memory_space<hbm>> -> memref<64x64xf32, #tpu.memory_space<hbm>>
    %dma_wait3A_2287 = tpu.memref_slice %arg6[%dma_wait3A_2278] : memref<6x!tpu.dma_semaphore, #tpu.memory_space<semaphore_mem>> -> memref<1x!tpu.dma_semaphore, #tpu.memory_space<semaphore_mem>>
    %dma_wait3A_2288 = tpu.memref_squeeze %dma_wait3A_2287 : memref<1x!tpu.dma_semaphore, #tpu.memory_space<semaphore_mem>> -> memref<!tpu.dma_semaphore, #tpu.memory_space<semaphore_mem>>
    %dma_wait3A_2289 = arith.constant 0 : i32
    %dma_wait3A_2290 = arith.constant 0 : i32
    %dma_wait3A_2291 = tpu.memref_slice %arg5[%dma_wait3A_2276, %dma_wait3A_2277, %dma_wait3A_2289, %dma_wait3A_2290] : memref<6x2x64x64xf32, #tpu.memory_space<vmem>> -> memref<1x1x64x64xf32, #tpu.memory_space<vmem>>
    %dma_wait3A_2292 = tpu.memref_squeeze %dma_wait3A_2291 : memref<1x1x64x64xf32, #tpu.memory_space<vmem>> -> memref<64x64xf32, #tpu.memory_space<vmem>>
    %dma_wait3A_2293 = arith.constant 0 : i32
    %dma_wait3A_2294 = arith.constant 0 : i32
    %dma_wait3A_2295 = tpu.memref_slice %arg2[%select_n3A, %add3A_2252, %dma_wait3A_2275, %dma_wait3A_2293, %dma_wait3A_2294] : memref<8x96x2x64x64xf32, #tpu.memory_space<hbm>> -> memref<1x1x1x64x64xf32, #tpu.memory_space<hbm>>
    %dma_wait3A_2296 = tpu.memref_squeeze %dma_wait3A_2295 : memref<1x1x1x64x64xf32, #tpu.memory_space<hbm>> -> memref<64x64xf32, #tpu.memory_space<hbm>>
    tpu.wait_dma2 semaphore(%dma_wait3A_2288 : memref<!tpu.dma_semaphore, #tpu.memory_space<semaphore_mem>>) src(%dma_wait3A_2296 : memref<64x64xf32, #tpu.memory_space<hbm>>) dst(%dma_wait3A_2292 : memref<64x64xf32, #tpu.memory_space<vmem>>)
    %add3A_2297 = arith.constant 15 : i32
    %add3A_2298 = arith.addi %mul3A_32, %add3A_2297 : i32
    %mul3A_2299 = arith.constant 2 : i32
    %mul3A_2300 = arith.muli %mul3A_2299, %add3A_2298 : i32
    %dma_start3A_2301 = arith.constant 3 : i32
    %dma_start3A_2302 = arith.constant 3 : i32
    %dma_start3A_2303 = arith.constant 0 : i32
    %dma_start3A_2304 = arith.constant 0 : i32
    %dma_start3A_2305 = arith.constant 0 : i32
    %dma_start3A_2306 = tpu.memref_slice %arg5[%dma_start3A_2301, %dma_start3A_2303, %dma_start3A_2304, %dma_start3A_2305] : memref<6x2x64x64xf32, #tpu.memory_space<vmem>> -> memref<1x2x64x64xf32, #tpu.memory_space<vmem>>
    %dma_start3A_2307 = tpu.memref_squeeze %dma_start3A_2306 : memref<1x2x64x64xf32, #tpu.memory_space<vmem>> -> memref<2x64x64xf32, #tpu.memory_space<vmem>>
    %dma_start3A_2308 = arith.constant 0 : i32
    %dma_start3A_2309 = arith.constant 0 : i32
    %dma_start3A_2310 = tpu.memref_slice %arg4[%select_n3A, %mul3A_2300, %dma_start3A_2308, %dma_start3A_2309] : memref<8x192x64x64xf32, #tpu.memory_space<hbm>> -> memref<1x2x64x64xf32, #tpu.memory_space<hbm>>
    %dma_start3A_2311 = tpu.memref_squeeze %dma_start3A_2310 : memref<1x2x64x64xf32, #tpu.memory_space<hbm>> -> memref<2x64x64xf32, #tpu.memory_space<hbm>>
    %dma_start3A_2312 = tpu.memref_slice %arg7[%dma_start3A_2302] : memref<6x!tpu.dma_semaphore, #tpu.memory_space<semaphore_mem>> -> memref<1x!tpu.dma_semaphore, #tpu.memory_space<semaphore_mem>>
    %dma_start3A_2313 = tpu.memref_squeeze %dma_start3A_2312 : memref<1x!tpu.dma_semaphore, #tpu.memory_space<semaphore_mem>> -> memref<!tpu.dma_semaphore, #tpu.memory_space<semaphore_mem>>
    %dma_start3A_2314 = arith.constant 0 : i32
    %dma_start3A_2315 = arith.constant 0 : i32
    %dma_start3A_2316 = tpu.memref_slice %arg4[%select_n3A, %mul3A_2300, %dma_start3A_2314, %dma_start3A_2315] : memref<8x192x64x64xf32, #tpu.memory_space<hbm>> -> memref<1x2x64x64xf32, #tpu.memory_space<hbm>>
    %dma_start3A_2317 = tpu.memref_squeeze %dma_start3A_2316 : memref<1x2x64x64xf32, #tpu.memory_space<hbm>> -> memref<2x64x64xf32, #tpu.memory_space<hbm>>
    %dma_start3A_2318 = arith.constant 0 : i32
    %dma_start3A_2319 = arith.constant 0 : i32
    %dma_start3A_2320 = arith.constant 0 : i32
    %dma_start3A_2321 = tpu.memref_slice %arg5[%dma_start3A_2301, %dma_start3A_2318, %dma_start3A_2319, %dma_start3A_2320] : memref<6x2x64x64xf32, #tpu.memory_space<vmem>> -> memref<1x2x64x64xf32, #tpu.memory_space<vmem>>
    %dma_start3A_2322 = tpu.memref_squeeze %dma_start3A_2321 : memref<1x2x64x64xf32, #tpu.memory_space<vmem>> -> memref<2x64x64xf32, #tpu.memory_space<vmem>>
    tpu.enqueue_dma source(%dma_start3A_2322 : memref<2x64x64xf32, #tpu.memory_space<vmem>>) target(%dma_start3A_2317 : memref<2x64x64xf32, #tpu.memory_space<hbm>>) target_semaphore(%dma_start3A_2313 : memref<!tpu.dma_semaphore, #tpu.memory_space<semaphore_mem>>)
    %add3A_2323 = arith.constant 12 : i32
    %add3A_2324 = arith.addi %mul3A_32, %add3A_2323 : i32
    %mul3A_2325 = arith.constant 2 : i32
    %mul3A_2326 = arith.muli %mul3A_2325, %add3A_2324 : i32
    %dma_wait3A_2327 = arith.constant 0 : i32
    %dma_wait3A_2328 = arith.constant 0 : i32
    %dma_wait3A_2329 = arith.constant 0 : i32
    %dma_wait3A_2330 = arith.constant 0 : i32
    %dma_wait3A_2331 = arith.constant 0 : i32
    %dma_wait3A_2332 = tpu.memref_slice %arg5[%dma_wait3A_2327, %dma_wait3A_2329, %dma_wait3A_2330, %dma_wait3A_2331] : memref<6x2x64x64xf32, #tpu.memory_space<vmem>> -> memref<1x2x64x64xf32, #tpu.memory_space<vmem>>
    %dma_wait3A_2333 = tpu.memref_squeeze %dma_wait3A_2332 : memref<1x2x64x64xf32, #tpu.memory_space<vmem>> -> memref<2x64x64xf32, #tpu.memory_space<vmem>>
    %dma_wait3A_2334 = arith.constant 0 : i32
    %dma_wait3A_2335 = arith.constant 0 : i32
    %dma_wait3A_2336 = tpu.memref_slice %arg4[%select_n3A, %mul3A_2326, %dma_wait3A_2334, %dma_wait3A_2335] : memref<8x192x64x64xf32, #tpu.memory_space<hbm>> -> memref<1x2x64x64xf32, #tpu.memory_space<hbm>>
    %dma_wait3A_2337 = tpu.memref_squeeze %dma_wait3A_2336 : memref<1x2x64x64xf32, #tpu.memory_space<hbm>> -> memref<2x64x64xf32, #tpu.memory_space<hbm>>
    %dma_wait3A_2338 = tpu.memref_slice %arg7[%dma_wait3A_2328] : memref<6x!tpu.dma_semaphore, #tpu.memory_space<semaphore_mem>> -> memref<1x!tpu.dma_semaphore, #tpu.memory_space<semaphore_mem>>
    %dma_wait3A_2339 = tpu.memref_squeeze %dma_wait3A_2338 : memref<1x!tpu.dma_semaphore, #tpu.memory_space<semaphore_mem>> -> memref<!tpu.dma_semaphore, #tpu.memory_space<semaphore_mem>>
    %dma_wait3A_2340 = arith.constant 0 : i32
    %dma_wait3A_2341 = arith.constant 0 : i32
    %dma_wait3A_2342 = tpu.memref_slice %arg4[%select_n3A, %mul3A_2326, %dma_wait3A_2340, %dma_wait3A_2341] : memref<8x192x64x64xf32, #tpu.memory_space<hbm>> -> memref<1x2x64x64xf32, #tpu.memory_space<hbm>>
    %dma_wait3A_2343 = tpu.memref_squeeze %dma_wait3A_2342 : memref<1x2x64x64xf32, #tpu.memory_space<hbm>> -> memref<2x64x64xf32, #tpu.memory_space<hbm>>
    %dma_wait3A_2344 = arith.constant 0 : i32
    %dma_wait3A_2345 = arith.constant 0 : i32
    %dma_wait3A_2346 = arith.constant 0 : i32
    %dma_wait3A_2347 = tpu.memref_slice %arg5[%dma_wait3A_2327, %dma_wait3A_2344, %dma_wait3A_2345, %dma_wait3A_2346] : memref<6x2x64x64xf32, #tpu.memory_space<vmem>> -> memref<1x2x64x64xf32, #tpu.memory_space<vmem>>
    %dma_wait3A_2348 = tpu.memref_squeeze %dma_wait3A_2347 : memref<1x2x64x64xf32, #tpu.memory_space<vmem>> -> memref<2x64x64xf32, #tpu.memory_space<vmem>>
    tpu.wait_dma2 semaphore(%dma_wait3A_2339 : memref<!tpu.dma_semaphore, #tpu.memory_space<semaphore_mem>>) src(%dma_wait3A_2348 : memref<2x64x64xf32, #tpu.memory_space<vmem>>) dst(%dma_wait3A_2343 : memref<2x64x64xf32, #tpu.memory_space<hbm>>)
    %add3A_2349 = arith.constant 18 : i32
    %add3A_2350 = arith.addi %mul3A_32, %add3A_2349 : i32
    %dma_start3A_2351 = arith.constant 0 : i32
    %dma_start3A_2352 = arith.constant 0 : i32
    %dma_start3A_2353 = arith.constant 0 : i32
    %dma_start3A_2354 = arith.constant 0 : i32
    %dma_start3A_2355 = arith.constant 0 : i32
    %dma_start3A_2356 = arith.constant 0 : i32
    %dma_start3A_2357 = tpu.memref_slice %arg5[%dma_start3A_2352, %dma_start3A_2353, %dma_start3A_2355, %dma_start3A_2356] : memref<6x2x64x64xf32, #tpu.memory_space<vmem>> -> memref<1x1x64x64xf32, #tpu.memory_space<vmem>>
    %dma_start3A_2358 = tpu.memref_squeeze %dma_start3A_2357 : memref<1x1x64x64xf32, #tpu.memory_space<vmem>> -> memref<64x64xf32, #tpu.memory_space<vmem>>
    %dma_start3A_2359 = arith.constant 0 : i32
    %dma_start3A_2360 = arith.constant 0 : i32
    %dma_start3A_2361 = tpu.memref_slice %arg3[%select_n3A, %add3A_2350, %dma_start3A_2351, %dma_start3A_2359, %dma_start3A_2360] : memref<8x96x2x64x64xf32, #tpu.memory_space<hbm>> -> memref<1x1x1x64x64xf32, #tpu.memory_space<hbm>>
    %dma_start3A_2362 = tpu.memref_squeeze %dma_start3A_2361 : memref<1x1x1x64x64xf32, #tpu.memory_space<hbm>> -> memref<64x64xf32, #tpu.memory_space<hbm>>
    %dma_start3A_2363 = tpu.memref_slice %arg6[%dma_start3A_2354] : memref<6x!tpu.dma_semaphore, #tpu.memory_space<semaphore_mem>> -> memref<1x!tpu.dma_semaphore, #tpu.memory_space<semaphore_mem>>
    %dma_start3A_2364 = tpu.memref_squeeze %dma_start3A_2363 : memref<1x!tpu.dma_semaphore, #tpu.memory_space<semaphore_mem>> -> memref<!tpu.dma_semaphore, #tpu.memory_space<semaphore_mem>>
    %dma_start3A_2365 = arith.constant 0 : i32
    %dma_start3A_2366 = arith.constant 0 : i32
    %dma_start3A_2367 = tpu.memref_slice %arg5[%dma_start3A_2352, %dma_start3A_2353, %dma_start3A_2365, %dma_start3A_2366] : memref<6x2x64x64xf32, #tpu.memory_space<vmem>> -> memref<1x1x64x64xf32, #tpu.memory_space<vmem>>
    %dma_start3A_2368 = tpu.memref_squeeze %dma_start3A_2367 : memref<1x1x64x64xf32, #tpu.memory_space<vmem>> -> memref<64x64xf32, #tpu.memory_space<vmem>>
    %dma_start3A_2369 = arith.constant 0 : i32
    %dma_start3A_2370 = arith.constant 0 : i32
    %dma_start3A_2371 = tpu.memref_slice %arg3[%select_n3A, %add3A_2350, %dma_start3A_2351, %dma_start3A_2369, %dma_start3A_2370] : memref<8x96x2x64x64xf32, #tpu.memory_space<hbm>> -> memref<1x1x1x64x64xf32, #tpu.memory_space<hbm>>
    %dma_start3A_2372 = tpu.memref_squeeze %dma_start3A_2371 : memref<1x1x1x64x64xf32, #tpu.memory_space<hbm>> -> memref<64x64xf32, #tpu.memory_space<hbm>>
    tpu.enqueue_dma source(%dma_start3A_2372 : memref<64x64xf32, #tpu.memory_space<hbm>>) target(%dma_start3A_2368 : memref<64x64xf32, #tpu.memory_space<vmem>>) target_semaphore(%dma_start3A_2364 : memref<!tpu.dma_semaphore, #tpu.memory_space<semaphore_mem>>)
    %dma_start3A_2373 = arith.constant 1 : i32
    %dma_start3A_2374 = arith.constant 0 : i32
    %dma_start3A_2375 = arith.constant 1 : i32
    %dma_start3A_2376 = arith.constant 0 : i32
    %dma_start3A_2377 = arith.constant 0 : i32
    %dma_start3A_2378 = arith.constant 0 : i32
    %dma_start3A_2379 = tpu.memref_slice %arg5[%dma_start3A_2374, %dma_start3A_2375, %dma_start3A_2377, %dma_start3A_2378] : memref<6x2x64x64xf32, #tpu.memory_space<vmem>> -> memref<1x1x64x64xf32, #tpu.memory_space<vmem>>
    %dma_start3A_2380 = tpu.memref_squeeze %dma_start3A_2379 : memref<1x1x64x64xf32, #tpu.memory_space<vmem>> -> memref<64x64xf32, #tpu.memory_space<vmem>>
    %dma_start3A_2381 = arith.constant 0 : i32
    %dma_start3A_2382 = arith.constant 0 : i32
    %dma_start3A_2383 = tpu.memref_slice %arg2[%select_n3A, %add3A_2350, %dma_start3A_2373, %dma_start3A_2381, %dma_start3A_2382] : memref<8x96x2x64x64xf32, #tpu.memory_space<hbm>> -> memref<1x1x1x64x64xf32, #tpu.memory_space<hbm>>
    %dma_start3A_2384 = tpu.memref_squeeze %dma_start3A_2383 : memref<1x1x1x64x64xf32, #tpu.memory_space<hbm>> -> memref<64x64xf32, #tpu.memory_space<hbm>>
    %dma_start3A_2385 = tpu.memref_slice %arg6[%dma_start3A_2376] : memref<6x!tpu.dma_semaphore, #tpu.memory_space<semaphore_mem>> -> memref<1x!tpu.dma_semaphore, #tpu.memory_space<semaphore_mem>>
    %dma_start3A_2386 = tpu.memref_squeeze %dma_start3A_2385 : memref<1x!tpu.dma_semaphore, #tpu.memory_space<semaphore_mem>> -> memref<!tpu.dma_semaphore, #tpu.memory_space<semaphore_mem>>
    %dma_start3A_2387 = arith.constant 0 : i32
    %dma_start3A_2388 = arith.constant 0 : i32
    %dma_start3A_2389 = tpu.memref_slice %arg5[%dma_start3A_2374, %dma_start3A_2375, %dma_start3A_2387, %dma_start3A_2388] : memref<6x2x64x64xf32, #tpu.memory_space<vmem>> -> memref<1x1x64x64xf32, #tpu.memory_space<vmem>>
    %dma_start3A_2390 = tpu.memref_squeeze %dma_start3A_2389 : memref<1x1x64x64xf32, #tpu.memory_space<vmem>> -> memref<64x64xf32, #tpu.memory_space<vmem>>
    %dma_start3A_2391 = arith.constant 0 : i32
    %dma_start3A_2392 = arith.constant 0 : i32
    %dma_start3A_2393 = tpu.memref_slice %arg2[%select_n3A, %add3A_2350, %dma_start3A_2373, %dma_start3A_2391, %dma_start3A_2392] : memref<8x96x2x64x64xf32, #tpu.memory_space<hbm>> -> memref<1x1x1x64x64xf32, #tpu.memory_space<hbm>>
    %dma_start3A_2394 = tpu.memref_squeeze %dma_start3A_2393 : memref<1x1x1x64x64xf32, #tpu.memory_space<hbm>> -> memref<64x64xf32, #tpu.memory_space<hbm>>
    tpu.enqueue_dma source(%dma_start3A_2394 : memref<64x64xf32, #tpu.memory_space<hbm>>) target(%dma_start3A_2390 : memref<64x64xf32, #tpu.memory_space<vmem>>) target_semaphore(%dma_start3A_2386 : memref<!tpu.dma_semaphore, #tpu.memory_space<semaphore_mem>>)
    %add3A_2395 = arith.constant 16 : i32
    %add3A_2396 = arith.addi %mul3A_32, %add3A_2395 : i32
    %dma_wait3A_2397 = arith.constant 0 : i32
    %dma_wait3A_2398 = arith.constant 4 : i32
    %dma_wait3A_2399 = arith.constant 0 : i32
    %dma_wait3A_2400 = arith.constant 4 : i32
    %dma_wait3A_2401 = arith.constant 0 : i32
    %dma_wait3A_2402 = arith.constant 0 : i32
    %dma_wait3A_2403 = tpu.memref_slice %arg5[%dma_wait3A_2398, %dma_wait3A_2399, %dma_wait3A_2401, %dma_wait3A_2402] : memref<6x2x64x64xf32, #tpu.memory_space<vmem>> -> memref<1x1x64x64xf32, #tpu.memory_space<vmem>>
    %dma_wait3A_2404 = tpu.memref_squeeze %dma_wait3A_2403 : memref<1x1x64x64xf32, #tpu.memory_space<vmem>> -> memref<64x64xf32, #tpu.memory_space<vmem>>
    %dma_wait3A_2405 = arith.constant 0 : i32
    %dma_wait3A_2406 = arith.constant 0 : i32
    %dma_wait3A_2407 = tpu.memref_slice %arg3[%select_n3A, %add3A_2396, %dma_wait3A_2397, %dma_wait3A_2405, %dma_wait3A_2406] : memref<8x96x2x64x64xf32, #tpu.memory_space<hbm>> -> memref<1x1x1x64x64xf32, #tpu.memory_space<hbm>>
    %dma_wait3A_2408 = tpu.memref_squeeze %dma_wait3A_2407 : memref<1x1x1x64x64xf32, #tpu.memory_space<hbm>> -> memref<64x64xf32, #tpu.memory_space<hbm>>
    %dma_wait3A_2409 = tpu.memref_slice %arg6[%dma_wait3A_2400] : memref<6x!tpu.dma_semaphore, #tpu.memory_space<semaphore_mem>> -> memref<1x!tpu.dma_semaphore, #tpu.memory_space<semaphore_mem>>
    %dma_wait3A_2410 = tpu.memref_squeeze %dma_wait3A_2409 : memref<1x!tpu.dma_semaphore, #tpu.memory_space<semaphore_mem>> -> memref<!tpu.dma_semaphore, #tpu.memory_space<semaphore_mem>>
    %dma_wait3A_2411 = arith.constant 0 : i32
    %dma_wait3A_2412 = arith.constant 0 : i32
    %dma_wait3A_2413 = tpu.memref_slice %arg5[%dma_wait3A_2398, %dma_wait3A_2399, %dma_wait3A_2411, %dma_wait3A_2412] : memref<6x2x64x64xf32, #tpu.memory_space<vmem>> -> memref<1x1x64x64xf32, #tpu.memory_space<vmem>>
    %dma_wait3A_2414 = tpu.memref_squeeze %dma_wait3A_2413 : memref<1x1x64x64xf32, #tpu.memory_space<vmem>> -> memref<64x64xf32, #tpu.memory_space<vmem>>
    %dma_wait3A_2415 = arith.constant 0 : i32
    %dma_wait3A_2416 = arith.constant 0 : i32
    %dma_wait3A_2417 = tpu.memref_slice %arg3[%select_n3A, %add3A_2396, %dma_wait3A_2397, %dma_wait3A_2415, %dma_wait3A_2416] : memref<8x96x2x64x64xf32, #tpu.memory_space<hbm>> -> memref<1x1x1x64x64xf32, #tpu.memory_space<hbm>>
    %dma_wait3A_2418 = tpu.memref_squeeze %dma_wait3A_2417 : memref<1x1x1x64x64xf32, #tpu.memory_space<hbm>> -> memref<64x64xf32, #tpu.memory_space<hbm>>
    tpu.wait_dma2 semaphore(%dma_wait3A_2410 : memref<!tpu.dma_semaphore, #tpu.memory_space<semaphore_mem>>) src(%dma_wait3A_2418 : memref<64x64xf32, #tpu.memory_space<hbm>>) dst(%dma_wait3A_2414 : memref<64x64xf32, #tpu.memory_space<vmem>>)
    %dma_wait3A_2419 = arith.constant 1 : i32
    %dma_wait3A_2420 = arith.constant 4 : i32
    %dma_wait3A_2421 = arith.constant 1 : i32
    %dma_wait3A_2422 = arith.constant 4 : i32
    %dma_wait3A_2423 = arith.constant 0 : i32
    %dma_wait3A_2424 = arith.constant 0 : i32
    %dma_wait3A_2425 = tpu.memref_slice %arg5[%dma_wait3A_2420, %dma_wait3A_2421, %dma_wait3A_2423, %dma_wait3A_2424] : memref<6x2x64x64xf32, #tpu.memory_space<vmem>> -> memref<1x1x64x64xf32, #tpu.memory_space<vmem>>
    %dma_wait3A_2426 = tpu.memref_squeeze %dma_wait3A_2425 : memref<1x1x64x64xf32, #tpu.memory_space<vmem>> -> memref<64x64xf32, #tpu.memory_space<vmem>>
    %dma_wait3A_2427 = arith.constant 0 : i32
    %dma_wait3A_2428 = arith.constant 0 : i32
    %dma_wait3A_2429 = tpu.memref_slice %arg2[%select_n3A, %add3A_2396, %dma_wait3A_2419, %dma_wait3A_2427, %dma_wait3A_2428] : memref<8x96x2x64x64xf32, #tpu.memory_space<hbm>> -> memref<1x1x1x64x64xf32, #tpu.memory_space<hbm>>
    %dma_wait3A_2430 = tpu.memref_squeeze %dma_wait3A_2429 : memref<1x1x1x64x64xf32, #tpu.memory_space<hbm>> -> memref<64x64xf32, #tpu.memory_space<hbm>>
    %dma_wait3A_2431 = tpu.memref_slice %arg6[%dma_wait3A_2422] : memref<6x!tpu.dma_semaphore, #tpu.memory_space<semaphore_mem>> -> memref<1x!tpu.dma_semaphore, #tpu.memory_space<semaphore_mem>>
    %dma_wait3A_2432 = tpu.memref_squeeze %dma_wait3A_2431 : memref<1x!tpu.dma_semaphore, #tpu.memory_space<semaphore_mem>> -> memref<!tpu.dma_semaphore, #tpu.memory_space<semaphore_mem>>
    %dma_wait3A_2433 = arith.constant 0 : i32
    %dma_wait3A_2434 = arith.constant 0 : i32
    %dma_wait3A_2435 = tpu.memref_slice %arg5[%dma_wait3A_2420, %dma_wait3A_2421, %dma_wait3A_2433, %dma_wait3A_2434] : memref<6x2x64x64xf32, #tpu.memory_space<vmem>> -> memref<1x1x64x64xf32, #tpu.memory_space<vmem>>
    %dma_wait3A_2436 = tpu.memref_squeeze %dma_wait3A_2435 : memref<1x1x64x64xf32, #tpu.memory_space<vmem>> -> memref<64x64xf32, #tpu.memory_space<vmem>>
    %dma_wait3A_2437 = arith.constant 0 : i32
    %dma_wait3A_2438 = arith.constant 0 : i32
    %dma_wait3A_2439 = tpu.memref_slice %arg2[%select_n3A, %add3A_2396, %dma_wait3A_2419, %dma_wait3A_2437, %dma_wait3A_2438] : memref<8x96x2x64x64xf32, #tpu.memory_space<hbm>> -> memref<1x1x1x64x64xf32, #tpu.memory_space<hbm>>
    %dma_wait3A_2440 = tpu.memref_squeeze %dma_wait3A_2439 : memref<1x1x1x64x64xf32, #tpu.memory_space<hbm>> -> memref<64x64xf32, #tpu.memory_space<hbm>>
    tpu.wait_dma2 semaphore(%dma_wait3A_2432 : memref<!tpu.dma_semaphore, #tpu.memory_space<semaphore_mem>>) src(%dma_wait3A_2440 : memref<64x64xf32, #tpu.memory_space<hbm>>) dst(%dma_wait3A_2436 : memref<64x64xf32, #tpu.memory_space<vmem>>)
    %add3A_2441 = arith.constant 16 : i32
    %add3A_2442 = arith.addi %mul3A_32, %add3A_2441 : i32
    %mul3A_2443 = arith.constant 2 : i32
    %mul3A_2444 = arith.muli %mul3A_2443, %add3A_2442 : i32
    %dma_start3A_2445 = arith.constant 4 : i32
    %dma_start3A_2446 = arith.constant 4 : i32
    %dma_start3A_2447 = arith.constant 0 : i32
    %dma_start3A_2448 = arith.constant 0 : i32
    %dma_start3A_2449 = arith.constant 0 : i32
    %dma_start3A_2450 = tpu.memref_slice %arg5[%dma_start3A_2445, %dma_start3A_2447, %dma_start3A_2448, %dma_start3A_2449] : memref<6x2x64x64xf32, #tpu.memory_space<vmem>> -> memref<1x2x64x64xf32, #tpu.memory_space<vmem>>
    %dma_start3A_2451 = tpu.memref_squeeze %dma_start3A_2450 : memref<1x2x64x64xf32, #tpu.memory_space<vmem>> -> memref<2x64x64xf32, #tpu.memory_space<vmem>>
    %dma_start3A_2452 = arith.constant 0 : i32
    %dma_start3A_2453 = arith.constant 0 : i32
    %dma_start3A_2454 = tpu.memref_slice %arg4[%select_n3A, %mul3A_2444, %dma_start3A_2452, %dma_start3A_2453] : memref<8x192x64x64xf32, #tpu.memory_space<hbm>> -> memref<1x2x64x64xf32, #tpu.memory_space<hbm>>
    %dma_start3A_2455 = tpu.memref_squeeze %dma_start3A_2454 : memref<1x2x64x64xf32, #tpu.memory_space<hbm>> -> memref<2x64x64xf32, #tpu.memory_space<hbm>>
    %dma_start3A_2456 = tpu.memref_slice %arg7[%dma_start3A_2446] : memref<6x!tpu.dma_semaphore, #tpu.memory_space<semaphore_mem>> -> memref<1x!tpu.dma_semaphore, #tpu.memory_space<semaphore_mem>>
    %dma_start3A_2457 = tpu.memref_squeeze %dma_start3A_2456 : memref<1x!tpu.dma_semaphore, #tpu.memory_space<semaphore_mem>> -> memref<!tpu.dma_semaphore, #tpu.memory_space<semaphore_mem>>
    %dma_start3A_2458 = arith.constant 0 : i32
    %dma_start3A_2459 = arith.constant 0 : i32
    %dma_start3A_2460 = tpu.memref_slice %arg4[%select_n3A, %mul3A_2444, %dma_start3A_2458, %dma_start3A_2459] : memref<8x192x64x64xf32, #tpu.memory_space<hbm>> -> memref<1x2x64x64xf32, #tpu.memory_space<hbm>>
    %dma_start3A_2461 = tpu.memref_squeeze %dma_start3A_2460 : memref<1x2x64x64xf32, #tpu.memory_space<hbm>> -> memref<2x64x64xf32, #tpu.memory_space<hbm>>
    %dma_start3A_2462 = arith.constant 0 : i32
    %dma_start3A_2463 = arith.constant 0 : i32
    %dma_start3A_2464 = arith.constant 0 : i32
    %dma_start3A_2465 = tpu.memref_slice %arg5[%dma_start3A_2445, %dma_start3A_2462, %dma_start3A_2463, %dma_start3A_2464] : memref<6x2x64x64xf32, #tpu.memory_space<vmem>> -> memref<1x2x64x64xf32, #tpu.memory_space<vmem>>
    %dma_start3A_2466 = tpu.memref_squeeze %dma_start3A_2465 : memref<1x2x64x64xf32, #tpu.memory_space<vmem>> -> memref<2x64x64xf32, #tpu.memory_space<vmem>>
    tpu.enqueue_dma source(%dma_start3A_2466 : memref<2x64x64xf32, #tpu.memory_space<vmem>>) target(%dma_start3A_2461 : memref<2x64x64xf32, #tpu.memory_space<hbm>>) target_semaphore(%dma_start3A_2457 : memref<!tpu.dma_semaphore, #tpu.memory_space<semaphore_mem>>)
    %add3A_2467 = arith.constant 13 : i32
    %add3A_2468 = arith.addi %mul3A_32, %add3A_2467 : i32
    %mul3A_2469 = arith.constant 2 : i32
    %mul3A_2470 = arith.muli %mul3A_2469, %add3A_2468 : i32
    %dma_wait3A_2471 = arith.constant 1 : i32
    %dma_wait3A_2472 = arith.constant 1 : i32
    %dma_wait3A_2473 = arith.constant 0 : i32
    %dma_wait3A_2474 = arith.constant 0 : i32
    %dma_wait3A_2475 = arith.constant 0 : i32
    %dma_wait3A_2476 = tpu.memref_slice %arg5[%dma_wait3A_2471, %dma_wait3A_2473, %dma_wait3A_2474, %dma_wait3A_2475] : memref<6x2x64x64xf32, #tpu.memory_space<vmem>> -> memref<1x2x64x64xf32, #tpu.memory_space<vmem>>
    %dma_wait3A_2477 = tpu.memref_squeeze %dma_wait3A_2476 : memref<1x2x64x64xf32, #tpu.memory_space<vmem>> -> memref<2x64x64xf32, #tpu.memory_space<vmem>>
    %dma_wait3A_2478 = arith.constant 0 : i32
    %dma_wait3A_2479 = arith.constant 0 : i32
    %dma_wait3A_2480 = tpu.memref_slice %arg4[%select_n3A, %mul3A_2470, %dma_wait3A_2478, %dma_wait3A_2479] : memref<8x192x64x64xf32, #tpu.memory_space<hbm>> -> memref<1x2x64x64xf32, #tpu.memory_space<hbm>>
    %dma_wait3A_2481 = tpu.memref_squeeze %dma_wait3A_2480 : memref<1x2x64x64xf32, #tpu.memory_space<hbm>> -> memref<2x64x64xf32, #tpu.memory_space<hbm>>
    %dma_wait3A_2482 = tpu.memref_slice %arg7[%dma_wait3A_2472] : memref<6x!tpu.dma_semaphore, #tpu.memory_space<semaphore_mem>> -> memref<1x!tpu.dma_semaphore, #tpu.memory_space<semaphore_mem>>
    %dma_wait3A_2483 = tpu.memref_squeeze %dma_wait3A_2482 : memref<1x!tpu.dma_semaphore, #tpu.memory_space<semaphore_mem>> -> memref<!tpu.dma_semaphore, #tpu.memory_space<semaphore_mem>>
    %dma_wait3A_2484 = arith.constant 0 : i32
    %dma_wait3A_2485 = arith.constant 0 : i32
    %dma_wait3A_2486 = tpu.memref_slice %arg4[%select_n3A, %mul3A_2470, %dma_wait3A_2484, %dma_wait3A_2485] : memref<8x192x64x64xf32, #tpu.memory_space<hbm>> -> memref<1x2x64x64xf32, #tpu.memory_space<hbm>>
    %dma_wait3A_2487 = tpu.memref_squeeze %dma_wait3A_2486 : memref<1x2x64x64xf32, #tpu.memory_space<hbm>> -> memref<2x64x64xf32, #tpu.memory_space<hbm>>
    %dma_wait3A_2488 = arith.constant 0 : i32
    %dma_wait3A_2489 = arith.constant 0 : i32
    %dma_wait3A_2490 = arith.constant 0 : i32
    %dma_wait3A_2491 = tpu.memref_slice %arg5[%dma_wait3A_2471, %dma_wait3A_2488, %dma_wait3A_2489, %dma_wait3A_2490] : memref<6x2x64x64xf32, #tpu.memory_space<vmem>> -> memref<1x2x64x64xf32, #tpu.memory_space<vmem>>
    %dma_wait3A_2492 = tpu.memref_squeeze %dma_wait3A_2491 : memref<1x2x64x64xf32, #tpu.memory_space<vmem>> -> memref<2x64x64xf32, #tpu.memory_space<vmem>>
    tpu.wait_dma2 semaphore(%dma_wait3A_2483 : memref<!tpu.dma_semaphore, #tpu.memory_space<semaphore_mem>>) src(%dma_wait3A_2492 : memref<2x64x64xf32, #tpu.memory_space<vmem>>) dst(%dma_wait3A_2487 : memref<2x64x64xf32, #tpu.memory_space<hbm>>)
    %add3A_2493 = arith.constant 19 : i32
    %add3A_2494 = arith.addi %mul3A_32, %add3A_2493 : i32
    %dma_start3A_2495 = arith.constant 0 : i32
    %dma_start3A_2496 = arith.constant 1 : i32
    %dma_start3A_2497 = arith.constant 0 : i32
    %dma_start3A_2498 = arith.constant 1 : i32
    %dma_start3A_2499 = arith.constant 0 : i32
    %dma_start3A_2500 = arith.constant 0 : i32
    %dma_start3A_2501 = tpu.memref_slice %arg5[%dma_start3A_2496, %dma_start3A_2497, %dma_start3A_2499, %dma_start3A_2500] : memref<6x2x64x64xf32, #tpu.memory_space<vmem>> -> memref<1x1x64x64xf32, #tpu.memory_space<vmem>>
    %dma_start3A_2502 = tpu.memref_squeeze %dma_start3A_2501 : memref<1x1x64x64xf32, #tpu.memory_space<vmem>> -> memref<64x64xf32, #tpu.memory_space<vmem>>
    %dma_start3A_2503 = arith.constant 0 : i32
    %dma_start3A_2504 = arith.constant 0 : i32
    %dma_start3A_2505 = tpu.memref_slice %arg3[%select_n3A, %add3A_2494, %dma_start3A_2495, %dma_start3A_2503, %dma_start3A_2504] : memref<8x96x2x64x64xf32, #tpu.memory_space<hbm>> -> memref<1x1x1x64x64xf32, #tpu.memory_space<hbm>>
    %dma_start3A_2506 = tpu.memref_squeeze %dma_start3A_2505 : memref<1x1x1x64x64xf32, #tpu.memory_space<hbm>> -> memref<64x64xf32, #tpu.memory_space<hbm>>
    %dma_start3A_2507 = tpu.memref_slice %arg6[%dma_start3A_2498] : memref<6x!tpu.dma_semaphore, #tpu.memory_space<semaphore_mem>> -> memref<1x!tpu.dma_semaphore, #tpu.memory_space<semaphore_mem>>
    %dma_start3A_2508 = tpu.memref_squeeze %dma_start3A_2507 : memref<1x!tpu.dma_semaphore, #tpu.memory_space<semaphore_mem>> -> memref<!tpu.dma_semaphore, #tpu.memory_space<semaphore_mem>>
    %dma_start3A_2509 = arith.constant 0 : i32
    %dma_start3A_2510 = arith.constant 0 : i32
    %dma_start3A_2511 = tpu.memref_slice %arg5[%dma_start3A_2496, %dma_start3A_2497, %dma_start3A_2509, %dma_start3A_2510] : memref<6x2x64x64xf32, #tpu.memory_space<vmem>> -> memref<1x1x64x64xf32, #tpu.memory_space<vmem>>
    %dma_start3A_2512 = tpu.memref_squeeze %dma_start3A_2511 : memref<1x1x64x64xf32, #tpu.memory_space<vmem>> -> memref<64x64xf32, #tpu.memory_space<vmem>>
    %dma_start3A_2513 = arith.constant 0 : i32
    %dma_start3A_2514 = arith.constant 0 : i32
    %dma_start3A_2515 = tpu.memref_slice %arg3[%select_n3A, %add3A_2494, %dma_start3A_2495, %dma_start3A_2513, %dma_start3A_2514] : memref<8x96x2x64x64xf32, #tpu.memory_space<hbm>> -> memref<1x1x1x64x64xf32, #tpu.memory_space<hbm>>
    %dma_start3A_2516 = tpu.memref_squeeze %dma_start3A_2515 : memref<1x1x1x64x64xf32, #tpu.memory_space<hbm>> -> memref<64x64xf32, #tpu.memory_space<hbm>>
    tpu.enqueue_dma source(%dma_start3A_2516 : memref<64x64xf32, #tpu.memory_space<hbm>>) target(%dma_start3A_2512 : memref<64x64xf32, #tpu.memory_space<vmem>>) target_semaphore(%dma_start3A_2508 : memref<!tpu.dma_semaphore, #tpu.memory_space<semaphore_mem>>)
    %dma_start3A_2517 = arith.constant 1 : i32
    %dma_start3A_2518 = arith.constant 1 : i32
    %dma_start3A_2519 = arith.constant 1 : i32
    %dma_start3A_2520 = arith.constant 1 : i32
    %dma_start3A_2521 = arith.constant 0 : i32
    %dma_start3A_2522 = arith.constant 0 : i32
    %dma_start3A_2523 = tpu.memref_slice %arg5[%dma_start3A_2518, %dma_start3A_2519, %dma_start3A_2521, %dma_start3A_2522] : memref<6x2x64x64xf32, #tpu.memory_space<vmem>> -> memref<1x1x64x64xf32, #tpu.memory_space<vmem>>
    %dma_start3A_2524 = tpu.memref_squeeze %dma_start3A_2523 : memref<1x1x64x64xf32, #tpu.memory_space<vmem>> -> memref<64x64xf32, #tpu.memory_space<vmem>>
    %dma_start3A_2525 = arith.constant 0 : i32
    %dma_start3A_2526 = arith.constant 0 : i32
    %dma_start3A_2527 = tpu.memref_slice %arg2[%select_n3A, %add3A_2494, %dma_start3A_2517, %dma_start3A_2525, %dma_start3A_2526] : memref<8x96x2x64x64xf32, #tpu.memory_space<hbm>> -> memref<1x1x1x64x64xf32, #tpu.memory_space<hbm>>
    %dma_start3A_2528 = tpu.memref_squeeze %dma_start3A_2527 : memref<1x1x1x64x64xf32, #tpu.memory_space<hbm>> -> memref<64x64xf32, #tpu.memory_space<hbm>>
    %dma_start3A_2529 = tpu.memref_slice %arg6[%dma_start3A_2520] : memref<6x!tpu.dma_semaphore, #tpu.memory_space<semaphore_mem>> -> memref<1x!tpu.dma_semaphore, #tpu.memory_space<semaphore_mem>>
    %dma_start3A_2530 = tpu.memref_squeeze %dma_start3A_2529 : memref<1x!tpu.dma_semaphore, #tpu.memory_space<semaphore_mem>> -> memref<!tpu.dma_semaphore, #tpu.memory_space<semaphore_mem>>
    %dma_start3A_2531 = arith.constant 0 : i32
    %dma_start3A_2532 = arith.constant 0 : i32
    %dma_start3A_2533 = tpu.memref_slice %arg5[%dma_start3A_2518, %dma_start3A_2519, %dma_start3A_2531, %dma_start3A_2532] : memref<6x2x64x64xf32, #tpu.memory_space<vmem>> -> memref<1x1x64x64xf32, #tpu.memory_space<vmem>>
    %dma_start3A_2534 = tpu.memref_squeeze %dma_start3A_2533 : memref<1x1x64x64xf32, #tpu.memory_space<vmem>> -> memref<64x64xf32, #tpu.memory_space<vmem>>
    %dma_start3A_2535 = arith.constant 0 : i32
    %dma_start3A_2536 = arith.constant 0 : i32
    %dma_start3A_2537 = tpu.memref_slice %arg2[%select_n3A, %add3A_2494, %dma_start3A_2517, %dma_start3A_2535, %dma_start3A_2536] : memref<8x96x2x64x64xf32, #tpu.memory_space<hbm>> -> memref<1x1x1x64x64xf32, #tpu.memory_space<hbm>>
    %dma_start3A_2538 = tpu.memref_squeeze %dma_start3A_2537 : memref<1x1x1x64x64xf32, #tpu.memory_space<hbm>> -> memref<64x64xf32, #tpu.memory_space<hbm>>
    tpu.enqueue_dma source(%dma_start3A_2538 : memref<64x64xf32, #tpu.memory_space<hbm>>) target(%dma_start3A_2534 : memref<64x64xf32, #tpu.memory_space<vmem>>) target_semaphore(%dma_start3A_2530 : memref<!tpu.dma_semaphore, #tpu.memory_space<semaphore_mem>>)
    %add3A_2539 = arith.constant 17 : i32
    %add3A_2540 = arith.addi %mul3A_32, %add3A_2539 : i32
    %dma_wait3A_2541 = arith.constant 0 : i32
    %dma_wait3A_2542 = arith.constant 5 : i32
    %dma_wait3A_2543 = arith.constant 0 : i32
    %dma_wait3A_2544 = arith.constant 5 : i32
    %dma_wait3A_2545 = arith.constant 0 : i32
    %dma_wait3A_2546 = arith.constant 0 : i32
    %dma_wait3A_2547 = tpu.memref_slice %arg5[%dma_wait3A_2542, %dma_wait3A_2543, %dma_wait3A_2545, %dma_wait3A_2546] : memref<6x2x64x64xf32, #tpu.memory_space<vmem>> -> memref<1x1x64x64xf32, #tpu.memory_space<vmem>>
    %dma_wait3A_2548 = tpu.memref_squeeze %dma_wait3A_2547 : memref<1x1x64x64xf32, #tpu.memory_space<vmem>> -> memref<64x64xf32, #tpu.memory_space<vmem>>
    %dma_wait3A_2549 = arith.constant 0 : i32
    %dma_wait3A_2550 = arith.constant 0 : i32
    %dma_wait3A_2551 = tpu.memref_slice %arg3[%select_n3A, %add3A_2540, %dma_wait3A_2541, %dma_wait3A_2549, %dma_wait3A_2550] : memref<8x96x2x64x64xf32, #tpu.memory_space<hbm>> -> memref<1x1x1x64x64xf32, #tpu.memory_space<hbm>>
    %dma_wait3A_2552 = tpu.memref_squeeze %dma_wait3A_2551 : memref<1x1x1x64x64xf32, #tpu.memory_space<hbm>> -> memref<64x64xf32, #tpu.memory_space<hbm>>
    %dma_wait3A_2553 = tpu.memref_slice %arg6[%dma_wait3A_2544] : memref<6x!tpu.dma_semaphore, #tpu.memory_space<semaphore_mem>> -> memref<1x!tpu.dma_semaphore, #tpu.memory_space<semaphore_mem>>
    %dma_wait3A_2554 = tpu.memref_squeeze %dma_wait3A_2553 : memref<1x!tpu.dma_semaphore, #tpu.memory_space<semaphore_mem>> -> memref<!tpu.dma_semaphore, #tpu.memory_space<semaphore_mem>>
    %dma_wait3A_2555 = arith.constant 0 : i32
    %dma_wait3A_2556 = arith.constant 0 : i32
    %dma_wait3A_2557 = tpu.memref_slice %arg5[%dma_wait3A_2542, %dma_wait3A_2543, %dma_wait3A_2555, %dma_wait3A_2556] : memref<6x2x64x64xf32, #tpu.memory_space<vmem>> -> memref<1x1x64x64xf32, #tpu.memory_space<vmem>>
    %dma_wait3A_2558 = tpu.memref_squeeze %dma_wait3A_2557 : memref<1x1x64x64xf32, #tpu.memory_space<vmem>> -> memref<64x64xf32, #tpu.memory_space<vmem>>
    %dma_wait3A_2559 = arith.constant 0 : i32
    %dma_wait3A_2560 = arith.constant 0 : i32
    %dma_wait3A_2561 = tpu.memref_slice %arg3[%select_n3A, %add3A_2540, %dma_wait3A_2541, %dma_wait3A_2559, %dma_wait3A_2560] : memref<8x96x2x64x64xf32, #tpu.memory_space<hbm>> -> memref<1x1x1x64x64xf32, #tpu.memory_space<hbm>>
    %dma_wait3A_2562 = tpu.memref_squeeze %dma_wait3A_2561 : memref<1x1x1x64x64xf32, #tpu.memory_space<hbm>> -> memref<64x64xf32, #tpu.memory_space<hbm>>
    tpu.wait_dma2 semaphore(%dma_wait3A_2554 : memref<!tpu.dma_semaphore, #tpu.memory_space<semaphore_mem>>) src(%dma_wait3A_2562 : memref<64x64xf32, #tpu.memory_space<hbm>>) dst(%dma_wait3A_2558 : memref<64x64xf32, #tpu.memory_space<vmem>>)
    %dma_wait3A_2563 = arith.constant 1 : i32
    %dma_wait3A_2564 = arith.constant 5 : i32
    %dma_wait3A_2565 = arith.constant 1 : i32
    %dma_wait3A_2566 = arith.constant 5 : i32
    %dma_wait3A_2567 = arith.constant 0 : i32
    %dma_wait3A_2568 = arith.constant 0 : i32
    %dma_wait3A_2569 = tpu.memref_slice %arg5[%dma_wait3A_2564, %dma_wait3A_2565, %dma_wait3A_2567, %dma_wait3A_2568] : memref<6x2x64x64xf32, #tpu.memory_space<vmem>> -> memref<1x1x64x64xf32, #tpu.memory_space<vmem>>
    %dma_wait3A_2570 = tpu.memref_squeeze %dma_wait3A_2569 : memref<1x1x64x64xf32, #tpu.memory_space<vmem>> -> memref<64x64xf32, #tpu.memory_space<vmem>>
    %dma_wait3A_2571 = arith.constant 0 : i32
    %dma_wait3A_2572 = arith.constant 0 : i32
    %dma_wait3A_2573 = tpu.memref_slice %arg2[%select_n3A, %add3A_2540, %dma_wait3A_2563, %dma_wait3A_2571, %dma_wait3A_2572] : memref<8x96x2x64x64xf32, #tpu.memory_space<hbm>> -> memref<1x1x1x64x64xf32, #tpu.memory_space<hbm>>
    %dma_wait3A_2574 = tpu.memref_squeeze %dma_wait3A_2573 : memref<1x1x1x64x64xf32, #tpu.memory_space<hbm>> -> memref<64x64xf32, #tpu.memory_space<hbm>>
    %dma_wait3A_2575 = tpu.memref_slice %arg6[%dma_wait3A_2566] : memref<6x!tpu.dma_semaphore, #tpu.memory_space<semaphore_mem>> -> memref<1x!tpu.dma_semaphore, #tpu.memory_space<semaphore_mem>>
    %dma_wait3A_2576 = tpu.memref_squeeze %dma_wait3A_2575 : memref<1x!tpu.dma_semaphore, #tpu.memory_space<semaphore_mem>> -> memref<!tpu.dma_semaphore, #tpu.memory_space<semaphore_mem>>
    %dma_wait3A_2577 = arith.constant 0 : i32
    %dma_wait3A_2578 = arith.constant 0 : i32
    %dma_wait3A_2579 = tpu.memref_slice %arg5[%dma_wait3A_2564, %dma_wait3A_2565, %dma_wait3A_2577, %dma_wait3A_2578] : memref<6x2x64x64xf32, #tpu.memory_space<vmem>> -> memref<1x1x64x64xf32, #tpu.memory_space<vmem>>
    %dma_wait3A_2580 = tpu.memref_squeeze %dma_wait3A_2579 : memref<1x1x64x64xf32, #tpu.memory_space<vmem>> -> memref<64x64xf32, #tpu.memory_space<vmem>>
    %dma_wait3A_2581 = arith.constant 0 : i32
    %dma_wait3A_2582 = arith.constant 0 : i32
    %dma_wait3A_2583 = tpu.memref_slice %arg2[%select_n3A, %add3A_2540, %dma_wait3A_2563, %dma_wait3A_2581, %dma_wait3A_2582] : memref<8x96x2x64x64xf32, #tpu.memory_space<hbm>> -> memref<1x1x1x64x64xf32, #tpu.memory_space<hbm>>
    %dma_wait3A_2584 = tpu.memref_squeeze %dma_wait3A_2583 : memref<1x1x1x64x64xf32, #tpu.memory_space<hbm>> -> memref<64x64xf32, #tpu.memory_space<hbm>>
    tpu.wait_dma2 semaphore(%dma_wait3A_2576 : memref<!tpu.dma_semaphore, #tpu.memory_space<semaphore_mem>>) src(%dma_wait3A_2584 : memref<64x64xf32, #tpu.memory_space<hbm>>) dst(%dma_wait3A_2580 : memref<64x64xf32, #tpu.memory_space<vmem>>)
    %add3A_2585 = arith.constant 17 : i32
    %add3A_2586 = arith.addi %mul3A_32, %add3A_2585 : i32
    %mul3A_2587 = arith.constant 2 : i32
    %mul3A_2588 = arith.muli %mul3A_2587, %add3A_2586 : i32
    %dma_start3A_2589 = arith.constant 5 : i32
    %dma_start3A_2590 = arith.constant 5 : i32
    %dma_start3A_2591 = arith.constant 0 : i32
    %dma_start3A_2592 = arith.constant 0 : i32
    %dma_start3A_2593 = arith.constant 0 : i32
    %dma_start3A_2594 = tpu.memref_slice %arg5[%dma_start3A_2589, %dma_start3A_2591, %dma_start3A_2592, %dma_start3A_2593] : memref<6x2x64x64xf32, #tpu.memory_space<vmem>> -> memref<1x2x64x64xf32, #tpu.memory_space<vmem>>
    %dma_start3A_2595 = tpu.memref_squeeze %dma_start3A_2594 : memref<1x2x64x64xf32, #tpu.memory_space<vmem>> -> memref<2x64x64xf32, #tpu.memory_space<vmem>>
    %dma_start3A_2596 = arith.constant 0 : i32
    %dma_start3A_2597 = arith.constant 0 : i32
    %dma_start3A_2598 = tpu.memref_slice %arg4[%select_n3A, %mul3A_2588, %dma_start3A_2596, %dma_start3A_2597] : memref<8x192x64x64xf32, #tpu.memory_space<hbm>> -> memref<1x2x64x64xf32, #tpu.memory_space<hbm>>
    %dma_start3A_2599 = tpu.memref_squeeze %dma_start3A_2598 : memref<1x2x64x64xf32, #tpu.memory_space<hbm>> -> memref<2x64x64xf32, #tpu.memory_space<hbm>>
    %dma_start3A_2600 = tpu.memref_slice %arg7[%dma_start3A_2590] : memref<6x!tpu.dma_semaphore, #tpu.memory_space<semaphore_mem>> -> memref<1x!tpu.dma_semaphore, #tpu.memory_space<semaphore_mem>>
    %dma_start3A_2601 = tpu.memref_squeeze %dma_start3A_2600 : memref<1x!tpu.dma_semaphore, #tpu.memory_space<semaphore_mem>> -> memref<!tpu.dma_semaphore, #tpu.memory_space<semaphore_mem>>
    %dma_start3A_2602 = arith.constant 0 : i32
    %dma_start3A_2603 = arith.constant 0 : i32
    %dma_start3A_2604 = tpu.memref_slice %arg4[%select_n3A, %mul3A_2588, %dma_start3A_2602, %dma_start3A_2603] : memref<8x192x64x64xf32, #tpu.memory_space<hbm>> -> memref<1x2x64x64xf32, #tpu.memory_space<hbm>>
    %dma_start3A_2605 = tpu.memref_squeeze %dma_start3A_2604 : memref<1x2x64x64xf32, #tpu.memory_space<hbm>> -> memref<2x64x64xf32, #tpu.memory_space<hbm>>
    %dma_start3A_2606 = arith.constant 0 : i32
    %dma_start3A_2607 = arith.constant 0 : i32
    %dma_start3A_2608 = arith.constant 0 : i32
    %dma_start3A_2609 = tpu.memref_slice %arg5[%dma_start3A_2589, %dma_start3A_2606, %dma_start3A_2607, %dma_start3A_2608] : memref<6x2x64x64xf32, #tpu.memory_space<vmem>> -> memref<1x2x64x64xf32, #tpu.memory_space<vmem>>
    %dma_start3A_2610 = tpu.memref_squeeze %dma_start3A_2609 : memref<1x2x64x64xf32, #tpu.memory_space<vmem>> -> memref<2x64x64xf32, #tpu.memory_space<vmem>>
    tpu.enqueue_dma source(%dma_start3A_2610 : memref<2x64x64xf32, #tpu.memory_space<vmem>>) target(%dma_start3A_2605 : memref<2x64x64xf32, #tpu.memory_space<hbm>>) target_semaphore(%dma_start3A_2601 : memref<!tpu.dma_semaphore, #tpu.memory_space<semaphore_mem>>)
    %add3A_2611 = arith.constant 14 : i32
    %add3A_2612 = arith.addi %mul3A_32, %add3A_2611 : i32
    %mul3A_2613 = arith.constant 2 : i32
    %mul3A_2614 = arith.muli %mul3A_2613, %add3A_2612 : i32
    %dma_wait3A_2615 = arith.constant 2 : i32
    %dma_wait3A_2616 = arith.constant 2 : i32
    %dma_wait3A_2617 = arith.constant 0 : i32
    %dma_wait3A_2618 = arith.constant 0 : i32
    %dma_wait3A_2619 = arith.constant 0 : i32
    %dma_wait3A_2620 = tpu.memref_slice %arg5[%dma_wait3A_2615, %dma_wait3A_2617, %dma_wait3A_2618, %dma_wait3A_2619] : memref<6x2x64x64xf32, #tpu.memory_space<vmem>> -> memref<1x2x64x64xf32, #tpu.memory_space<vmem>>
    %dma_wait3A_2621 = tpu.memref_squeeze %dma_wait3A_2620 : memref<1x2x64x64xf32, #tpu.memory_space<vmem>> -> memref<2x64x64xf32, #tpu.memory_space<vmem>>
    %dma_wait3A_2622 = arith.constant 0 : i32
    %dma_wait3A_2623 = arith.constant 0 : i32
    %dma_wait3A_2624 = tpu.memref_slice %arg4[%select_n3A, %mul3A_2614, %dma_wait3A_2622, %dma_wait3A_2623] : memref<8x192x64x64xf32, #tpu.memory_space<hbm>> -> memref<1x2x64x64xf32, #tpu.memory_space<hbm>>
    %dma_wait3A_2625 = tpu.memref_squeeze %dma_wait3A_2624 : memref<1x2x64x64xf32, #tpu.memory_space<hbm>> -> memref<2x64x64xf32, #tpu.memory_space<hbm>>
    %dma_wait3A_2626 = tpu.memref_slice %arg7[%dma_wait3A_2616] : memref<6x!tpu.dma_semaphore, #tpu.memory_space<semaphore_mem>> -> memref<1x!tpu.dma_semaphore, #tpu.memory_space<semaphore_mem>>
    %dma_wait3A_2627 = tpu.memref_squeeze %dma_wait3A_2626 : memref<1x!tpu.dma_semaphore, #tpu.memory_space<semaphore_mem>> -> memref<!tpu.dma_semaphore, #tpu.memory_space<semaphore_mem>>
    %dma_wait3A_2628 = arith.constant 0 : i32
    %dma_wait3A_2629 = arith.constant 0 : i32
    %dma_wait3A_2630 = tpu.memref_slice %arg4[%select_n3A, %mul3A_2614, %dma_wait3A_2628, %dma_wait3A_2629] : memref<8x192x64x64xf32, #tpu.memory_space<hbm>> -> memref<1x2x64x64xf32, #tpu.memory_space<hbm>>
    %dma_wait3A_2631 = tpu.memref_squeeze %dma_wait3A_2630 : memref<1x2x64x64xf32, #tpu.memory_space<hbm>> -> memref<2x64x64xf32, #tpu.memory_space<hbm>>
    %dma_wait3A_2632 = arith.constant 0 : i32
    %dma_wait3A_2633 = arith.constant 0 : i32
    %dma_wait3A_2634 = arith.constant 0 : i32
    %dma_wait3A_2635 = tpu.memref_slice %arg5[%dma_wait3A_2615, %dma_wait3A_2632, %dma_wait3A_2633, %dma_wait3A_2634] : memref<6x2x64x64xf32, #tpu.memory_space<vmem>> -> memref<1x2x64x64xf32, #tpu.memory_space<vmem>>
    %dma_wait3A_2636 = tpu.memref_squeeze %dma_wait3A_2635 : memref<1x2x64x64xf32, #tpu.memory_space<vmem>> -> memref<2x64x64xf32, #tpu.memory_space<vmem>>
    tpu.wait_dma2 semaphore(%dma_wait3A_2627 : memref<!tpu.dma_semaphore, #tpu.memory_space<semaphore_mem>>) src(%dma_wait3A_2636 : memref<2x64x64xf32, #tpu.memory_space<vmem>>) dst(%dma_wait3A_2631 : memref<2x64x64xf32, #tpu.memory_space<hbm>>)
    %add3A_2637 = arith.constant 20 : i32
    %add3A_2638 = arith.addi %mul3A_32, %add3A_2637 : i32
    %dma_start3A_2639 = arith.constant 0 : i32
    %dma_start3A_2640 = arith.constant 2 : i32
    %dma_start3A_2641 = arith.constant 0 : i32
    %dma_start3A_2642 = arith.constant 2 : i32
    %dma_start3A_2643 = arith.constant 0 : i32
    %dma_start3A_2644 = arith.constant 0 : i32
    %dma_start3A_2645 = tpu.memref_slice %arg5[%dma_start3A_2640, %dma_start3A_2641, %dma_start3A_2643, %dma_start3A_2644] : memref<6x2x64x64xf32, #tpu.memory_space<vmem>> -> memref<1x1x64x64xf32, #tpu.memory_space<vmem>>
    %dma_start3A_2646 = tpu.memref_squeeze %dma_start3A_2645 : memref<1x1x64x64xf32, #tpu.memory_space<vmem>> -> memref<64x64xf32, #tpu.memory_space<vmem>>
    %dma_start3A_2647 = arith.constant 0 : i32
    %dma_start3A_2648 = arith.constant 0 : i32
    %dma_start3A_2649 = tpu.memref_slice %arg3[%select_n3A, %add3A_2638, %dma_start3A_2639, %dma_start3A_2647, %dma_start3A_2648] : memref<8x96x2x64x64xf32, #tpu.memory_space<hbm>> -> memref<1x1x1x64x64xf32, #tpu.memory_space<hbm>>
    %dma_start3A_2650 = tpu.memref_squeeze %dma_start3A_2649 : memref<1x1x1x64x64xf32, #tpu.memory_space<hbm>> -> memref<64x64xf32, #tpu.memory_space<hbm>>
    %dma_start3A_2651 = tpu.memref_slice %arg6[%dma_start3A_2642] : memref<6x!tpu.dma_semaphore, #tpu.memory_space<semaphore_mem>> -> memref<1x!tpu.dma_semaphore, #tpu.memory_space<semaphore_mem>>
    %dma_start3A_2652 = tpu.memref_squeeze %dma_start3A_2651 : memref<1x!tpu.dma_semaphore, #tpu.memory_space<semaphore_mem>> -> memref<!tpu.dma_semaphore, #tpu.memory_space<semaphore_mem>>
    %dma_start3A_2653 = arith.constant 0 : i32
    %dma_start3A_2654 = arith.constant 0 : i32
    %dma_start3A_2655 = tpu.memref_slice %arg5[%dma_start3A_2640, %dma_start3A_2641, %dma_start3A_2653, %dma_start3A_2654] : memref<6x2x64x64xf32, #tpu.memory_space<vmem>> -> memref<1x1x64x64xf32, #tpu.memory_space<vmem>>
    %dma_start3A_2656 = tpu.memref_squeeze %dma_start3A_2655 : memref<1x1x64x64xf32, #tpu.memory_space<vmem>> -> memref<64x64xf32, #tpu.memory_space<vmem>>
    %dma_start3A_2657 = arith.constant 0 : i32
    %dma_start3A_2658 = arith.constant 0 : i32
    %dma_start3A_2659 = tpu.memref_slice %arg3[%select_n3A, %add3A_2638, %dma_start3A_2639, %dma_start3A_2657, %dma_start3A_2658] : memref<8x96x2x64x64xf32, #tpu.memory_space<hbm>> -> memref<1x1x1x64x64xf32, #tpu.memory_space<hbm>>
    %dma_start3A_2660 = tpu.memref_squeeze %dma_start3A_2659 : memref<1x1x1x64x64xf32, #tpu.memory_space<hbm>> -> memref<64x64xf32, #tpu.memory_space<hbm>>
    tpu.enqueue_dma source(%dma_start3A_2660 : memref<64x64xf32, #tpu.memory_space<hbm>>) target(%dma_start3A_2656 : memref<64x64xf32, #tpu.memory_space<vmem>>) target_semaphore(%dma_start3A_2652 : memref<!tpu.dma_semaphore, #tpu.memory_space<semaphore_mem>>)
    %dma_start3A_2661 = arith.constant 1 : i32
    %dma_start3A_2662 = arith.constant 2 : i32
    %dma_start3A_2663 = arith.constant 1 : i32
    %dma_start3A_2664 = arith.constant 2 : i32
    %dma_start3A_2665 = arith.constant 0 : i32
    %dma_start3A_2666 = arith.constant 0 : i32
    %dma_start3A_2667 = tpu.memref_slice %arg5[%dma_start3A_2662, %dma_start3A_2663, %dma_start3A_2665, %dma_start3A_2666] : memref<6x2x64x64xf32, #tpu.memory_space<vmem>> -> memref<1x1x64x64xf32, #tpu.memory_space<vmem>>
    %dma_start3A_2668 = tpu.memref_squeeze %dma_start3A_2667 : memref<1x1x64x64xf32, #tpu.memory_space<vmem>> -> memref<64x64xf32, #tpu.memory_space<vmem>>
    %dma_start3A_2669 = arith.constant 0 : i32
    %dma_start3A_2670 = arith.constant 0 : i32
    %dma_start3A_2671 = tpu.memref_slice %arg2[%select_n3A, %add3A_2638, %dma_start3A_2661, %dma_start3A_2669, %dma_start3A_2670] : memref<8x96x2x64x64xf32, #tpu.memory_space<hbm>> -> memref<1x1x1x64x64xf32, #tpu.memory_space<hbm>>
    %dma_start3A_2672 = tpu.memref_squeeze %dma_start3A_2671 : memref<1x1x1x64x64xf32, #tpu.memory_space<hbm>> -> memref<64x64xf32, #tpu.memory_space<hbm>>
    %dma_start3A_2673 = tpu.memref_slice %arg6[%dma_start3A_2664] : memref<6x!tpu.dma_semaphore, #tpu.memory_space<semaphore_mem>> -> memref<1x!tpu.dma_semaphore, #tpu.memory_space<semaphore_mem>>
    %dma_start3A_2674 = tpu.memref_squeeze %dma_start3A_2673 : memref<1x!tpu.dma_semaphore, #tpu.memory_space<semaphore_mem>> -> memref<!tpu.dma_semaphore, #tpu.memory_space<semaphore_mem>>
    %dma_start3A_2675 = arith.constant 0 : i32
    %dma_start3A_2676 = arith.constant 0 : i32
    %dma_start3A_2677 = tpu.memref_slice %arg5[%dma_start3A_2662, %dma_start3A_2663, %dma_start3A_2675, %dma_start3A_2676] : memref<6x2x64x64xf32, #tpu.memory_space<vmem>> -> memref<1x1x64x64xf32, #tpu.memory_space<vmem>>
    %dma_start3A_2678 = tpu.memref_squeeze %dma_start3A_2677 : memref<1x1x64x64xf32, #tpu.memory_space<vmem>> -> memref<64x64xf32, #tpu.memory_space<vmem>>
    %dma_start3A_2679 = arith.constant 0 : i32
    %dma_start3A_2680 = arith.constant 0 : i32
    %dma_start3A_2681 = tpu.memref_slice %arg2[%select_n3A, %add3A_2638, %dma_start3A_2661, %dma_start3A_2679, %dma_start3A_2680] : memref<8x96x2x64x64xf32, #tpu.memory_space<hbm>> -> memref<1x1x1x64x64xf32, #tpu.memory_space<hbm>>
    %dma_start3A_2682 = tpu.memref_squeeze %dma_start3A_2681 : memref<1x1x1x64x64xf32, #tpu.memory_space<hbm>> -> memref<64x64xf32, #tpu.memory_space<hbm>>
    tpu.enqueue_dma source(%dma_start3A_2682 : memref<64x64xf32, #tpu.memory_space<hbm>>) target(%dma_start3A_2678 : memref<64x64xf32, #tpu.memory_space<vmem>>) target_semaphore(%dma_start3A_2674 : memref<!tpu.dma_semaphore, #tpu.memory_space<semaphore_mem>>)
    %add3A_2683 = arith.constant 18 : i32
    %add3A_2684 = arith.addi %mul3A_32, %add3A_2683 : i32
    %dma_wait3A_2685 = arith.constant 0 : i32
    %dma_wait3A_2686 = arith.constant 0 : i32
    %dma_wait3A_2687 = arith.constant 0 : i32
    %dma_wait3A_2688 = arith.constant 0 : i32
    %dma_wait3A_2689 = arith.constant 0 : i32
    %dma_wait3A_2690 = arith.constant 0 : i32
    %dma_wait3A_2691 = tpu.memref_slice %arg5[%dma_wait3A_2686, %dma_wait3A_2687, %dma_wait3A_2689, %dma_wait3A_2690] : memref<6x2x64x64xf32, #tpu.memory_space<vmem>> -> memref<1x1x64x64xf32, #tpu.memory_space<vmem>>
    %dma_wait3A_2692 = tpu.memref_squeeze %dma_wait3A_2691 : memref<1x1x64x64xf32, #tpu.memory_space<vmem>> -> memref<64x64xf32, #tpu.memory_space<vmem>>
    %dma_wait3A_2693 = arith.constant 0 : i32
    %dma_wait3A_2694 = arith.constant 0 : i32
    %dma_wait3A_2695 = tpu.memref_slice %arg3[%select_n3A, %add3A_2684, %dma_wait3A_2685, %dma_wait3A_2693, %dma_wait3A_2694] : memref<8x96x2x64x64xf32, #tpu.memory_space<hbm>> -> memref<1x1x1x64x64xf32, #tpu.memory_space<hbm>>
    %dma_wait3A_2696 = tpu.memref_squeeze %dma_wait3A_2695 : memref<1x1x1x64x64xf32, #tpu.memory_space<hbm>> -> memref<64x64xf32, #tpu.memory_space<hbm>>
    %dma_wait3A_2697 = tpu.memref_slice %arg6[%dma_wait3A_2688] : memref<6x!tpu.dma_semaphore, #tpu.memory_space<semaphore_mem>> -> memref<1x!tpu.dma_semaphore, #tpu.memory_space<semaphore_mem>>
    %dma_wait3A_2698 = tpu.memref_squeeze %dma_wait3A_2697 : memref<1x!tpu.dma_semaphore, #tpu.memory_space<semaphore_mem>> -> memref<!tpu.dma_semaphore, #tpu.memory_space<semaphore_mem>>
    %dma_wait3A_2699 = arith.constant 0 : i32
    %dma_wait3A_2700 = arith.constant 0 : i32
    %dma_wait3A_2701 = tpu.memref_slice %arg5[%dma_wait3A_2686, %dma_wait3A_2687, %dma_wait3A_2699, %dma_wait3A_2700] : memref<6x2x64x64xf32, #tpu.memory_space<vmem>> -> memref<1x1x64x64xf32, #tpu.memory_space<vmem>>
    %dma_wait3A_2702 = tpu.memref_squeeze %dma_wait3A_2701 : memref<1x1x64x64xf32, #tpu.memory_space<vmem>> -> memref<64x64xf32, #tpu.memory_space<vmem>>
    %dma_wait3A_2703 = arith.constant 0 : i32
    %dma_wait3A_2704 = arith.constant 0 : i32
    %dma_wait3A_2705 = tpu.memref_slice %arg3[%select_n3A, %add3A_2684, %dma_wait3A_2685, %dma_wait3A_2703, %dma_wait3A_2704] : memref<8x96x2x64x64xf32, #tpu.memory_space<hbm>> -> memref<1x1x1x64x64xf32, #tpu.memory_space<hbm>>
    %dma_wait3A_2706 = tpu.memref_squeeze %dma_wait3A_2705 : memref<1x1x1x64x64xf32, #tpu.memory_space<hbm>> -> memref<64x64xf32, #tpu.memory_space<hbm>>
    tpu.wait_dma2 semaphore(%dma_wait3A_2698 : memref<!tpu.dma_semaphore, #tpu.memory_space<semaphore_mem>>) src(%dma_wait3A_2706 : memref<64x64xf32, #tpu.memory_space<hbm>>) dst(%dma_wait3A_2702 : memref<64x64xf32, #tpu.memory_space<vmem>>)
    %dma_wait3A_2707 = arith.constant 1 : i32
    %dma_wait3A_2708 = arith.constant 0 : i32
    %dma_wait3A_2709 = arith.constant 1 : i32
    %dma_wait3A_2710 = arith.constant 0 : i32
    %dma_wait3A_2711 = arith.constant 0 : i32
    %dma_wait3A_2712 = arith.constant 0 : i32
    %dma_wait3A_2713 = tpu.memref_slice %arg5[%dma_wait3A_2708, %dma_wait3A_2709, %dma_wait3A_2711, %dma_wait3A_2712] : memref<6x2x64x64xf32, #tpu.memory_space<vmem>> -> memref<1x1x64x64xf32, #tpu.memory_space<vmem>>
    %dma_wait3A_2714 = tpu.memref_squeeze %dma_wait3A_2713 : memref<1x1x64x64xf32, #tpu.memory_space<vmem>> -> memref<64x64xf32, #tpu.memory_space<vmem>>
    %dma_wait3A_2715 = arith.constant 0 : i32
    %dma_wait3A_2716 = arith.constant 0 : i32
    %dma_wait3A_2717 = tpu.memref_slice %arg2[%select_n3A, %add3A_2684, %dma_wait3A_2707, %dma_wait3A_2715, %dma_wait3A_2716] : memref<8x96x2x64x64xf32, #tpu.memory_space<hbm>> -> memref<1x1x1x64x64xf32, #tpu.memory_space<hbm>>
    %dma_wait3A_2718 = tpu.memref_squeeze %dma_wait3A_2717 : memref<1x1x1x64x64xf32, #tpu.memory_space<hbm>> -> memref<64x64xf32, #tpu.memory_space<hbm>>
    %dma_wait3A_2719 = tpu.memref_slice %arg6[%dma_wait3A_2710] : memref<6x!tpu.dma_semaphore, #tpu.memory_space<semaphore_mem>> -> memref<1x!tpu.dma_semaphore, #tpu.memory_space<semaphore_mem>>
    %dma_wait3A_2720 = tpu.memref_squeeze %dma_wait3A_2719 : memref<1x!tpu.dma_semaphore, #tpu.memory_space<semaphore_mem>> -> memref<!tpu.dma_semaphore, #tpu.memory_space<semaphore_mem>>
    %dma_wait3A_2721 = arith.constant 0 : i32
    %dma_wait3A_2722 = arith.constant 0 : i32
    %dma_wait3A_2723 = tpu.memref_slice %arg5[%dma_wait3A_2708, %dma_wait3A_2709, %dma_wait3A_2721, %dma_wait3A_2722] : memref<6x2x64x64xf32, #tpu.memory_space<vmem>> -> memref<1x1x64x64xf32, #tpu.memory_space<vmem>>
    %dma_wait3A_2724 = tpu.memref_squeeze %dma_wait3A_2723 : memref<1x1x64x64xf32, #tpu.memory_space<vmem>> -> memref<64x64xf32, #tpu.memory_space<vmem>>
    %dma_wait3A_2725 = arith.constant 0 : i32
    %dma_wait3A_2726 = arith.constant 0 : i32
    %dma_wait3A_2727 = tpu.memref_slice %arg2[%select_n3A, %add3A_2684, %dma_wait3A_2707, %dma_wait3A_2725, %dma_wait3A_2726] : memref<8x96x2x64x64xf32, #tpu.memory_space<hbm>> -> memref<1x1x1x64x64xf32, #tpu.memory_space<hbm>>
    %dma_wait3A_2728 = tpu.memref_squeeze %dma_wait3A_2727 : memref<1x1x1x64x64xf32, #tpu.memory_space<hbm>> -> memref<64x64xf32, #tpu.memory_space<hbm>>
    tpu.wait_dma2 semaphore(%dma_wait3A_2720 : memref<!tpu.dma_semaphore, #tpu.memory_space<semaphore_mem>>) src(%dma_wait3A_2728 : memref<64x64xf32, #tpu.memory_space<hbm>>) dst(%dma_wait3A_2724 : memref<64x64xf32, #tpu.memory_space<vmem>>)
    %add3A_2729 = arith.constant 18 : i32
    %add3A_2730 = arith.addi %mul3A_32, %add3A_2729 : i32
    %mul3A_2731 = arith.constant 2 : i32
    %mul3A_2732 = arith.muli %mul3A_2731, %add3A_2730 : i32
    %dma_start3A_2733 = arith.constant 0 : i32
    %dma_start3A_2734 = arith.constant 0 : i32
    %dma_start3A_2735 = arith.constant 0 : i32
    %dma_start3A_2736 = arith.constant 0 : i32
    %dma_start3A_2737 = arith.constant 0 : i32
    %dma_start3A_2738 = tpu.memref_slice %arg5[%dma_start3A_2733, %dma_start3A_2735, %dma_start3A_2736, %dma_start3A_2737] : memref<6x2x64x64xf32, #tpu.memory_space<vmem>> -> memref<1x2x64x64xf32, #tpu.memory_space<vmem>>
    %dma_start3A_2739 = tpu.memref_squeeze %dma_start3A_2738 : memref<1x2x64x64xf32, #tpu.memory_space<vmem>> -> memref<2x64x64xf32, #tpu.memory_space<vmem>>
    %dma_start3A_2740 = arith.constant 0 : i32
    %dma_start3A_2741 = arith.constant 0 : i32
    %dma_start3A_2742 = tpu.memref_slice %arg4[%select_n3A, %mul3A_2732, %dma_start3A_2740, %dma_start3A_2741] : memref<8x192x64x64xf32, #tpu.memory_space<hbm>> -> memref<1x2x64x64xf32, #tpu.memory_space<hbm>>
    %dma_start3A_2743 = tpu.memref_squeeze %dma_start3A_2742 : memref<1x2x64x64xf32, #tpu.memory_space<hbm>> -> memref<2x64x64xf32, #tpu.memory_space<hbm>>
    %dma_start3A_2744 = tpu.memref_slice %arg7[%dma_start3A_2734] : memref<6x!tpu.dma_semaphore, #tpu.memory_space<semaphore_mem>> -> memref<1x!tpu.dma_semaphore, #tpu.memory_space<semaphore_mem>>
    %dma_start3A_2745 = tpu.memref_squeeze %dma_start3A_2744 : memref<1x!tpu.dma_semaphore, #tpu.memory_space<semaphore_mem>> -> memref<!tpu.dma_semaphore, #tpu.memory_space<semaphore_mem>>
    %dma_start3A_2746 = arith.constant 0 : i32
    %dma_start3A_2747 = arith.constant 0 : i32
    %dma_start3A_2748 = tpu.memref_slice %arg4[%select_n3A, %mul3A_2732, %dma_start3A_2746, %dma_start3A_2747] : memref<8x192x64x64xf32, #tpu.memory_space<hbm>> -> memref<1x2x64x64xf32, #tpu.memory_space<hbm>>
    %dma_start3A_2749 = tpu.memref_squeeze %dma_start3A_2748 : memref<1x2x64x64xf32, #tpu.memory_space<hbm>> -> memref<2x64x64xf32, #tpu.memory_space<hbm>>
    %dma_start3A_2750 = arith.constant 0 : i32
    %dma_start3A_2751 = arith.constant 0 : i32
    %dma_start3A_2752 = arith.constant 0 : i32
    %dma_start3A_2753 = tpu.memref_slice %arg5[%dma_start3A_2733, %dma_start3A_2750, %dma_start3A_2751, %dma_start3A_2752] : memref<6x2x64x64xf32, #tpu.memory_space<vmem>> -> memref<1x2x64x64xf32, #tpu.memory_space<vmem>>
    %dma_start3A_2754 = tpu.memref_squeeze %dma_start3A_2753 : memref<1x2x64x64xf32, #tpu.memory_space<vmem>> -> memref<2x64x64xf32, #tpu.memory_space<vmem>>
    tpu.enqueue_dma source(%dma_start3A_2754 : memref<2x64x64xf32, #tpu.memory_space<vmem>>) target(%dma_start3A_2749 : memref<2x64x64xf32, #tpu.memory_space<hbm>>) target_semaphore(%dma_start3A_2745 : memref<!tpu.dma_semaphore, #tpu.memory_space<semaphore_mem>>)
    %add3A_2755 = arith.constant 15 : i32
    %add3A_2756 = arith.addi %mul3A_32, %add3A_2755 : i32
    %mul3A_2757 = arith.constant 2 : i32
    %mul3A_2758 = arith.muli %mul3A_2757, %add3A_2756 : i32
    %dma_wait3A_2759 = arith.constant 3 : i32
    %dma_wait3A_2760 = arith.constant 3 : i32
    %dma_wait3A_2761 = arith.constant 0 : i32
    %dma_wait3A_2762 = arith.constant 0 : i32
    %dma_wait3A_2763 = arith.constant 0 : i32
    %dma_wait3A_2764 = tpu.memref_slice %arg5[%dma_wait3A_2759, %dma_wait3A_2761, %dma_wait3A_2762, %dma_wait3A_2763] : memref<6x2x64x64xf32, #tpu.memory_space<vmem>> -> memref<1x2x64x64xf32, #tpu.memory_space<vmem>>
    %dma_wait3A_2765 = tpu.memref_squeeze %dma_wait3A_2764 : memref<1x2x64x64xf32, #tpu.memory_space<vmem>> -> memref<2x64x64xf32, #tpu.memory_space<vmem>>
    %dma_wait3A_2766 = arith.constant 0 : i32
    %dma_wait3A_2767 = arith.constant 0 : i32
    %dma_wait3A_2768 = tpu.memref_slice %arg4[%select_n3A, %mul3A_2758, %dma_wait3A_2766, %dma_wait3A_2767] : memref<8x192x64x64xf32, #tpu.memory_space<hbm>> -> memref<1x2x64x64xf32, #tpu.memory_space<hbm>>
    %dma_wait3A_2769 = tpu.memref_squeeze %dma_wait3A_2768 : memref<1x2x64x64xf32, #tpu.memory_space<hbm>> -> memref<2x64x64xf32, #tpu.memory_space<hbm>>
    %dma_wait3A_2770 = tpu.memref_slice %arg7[%dma_wait3A_2760] : memref<6x!tpu.dma_semaphore, #tpu.memory_space<semaphore_mem>> -> memref<1x!tpu.dma_semaphore, #tpu.memory_space<semaphore_mem>>
    %dma_wait3A_2771 = tpu.memref_squeeze %dma_wait3A_2770 : memref<1x!tpu.dma_semaphore, #tpu.memory_space<semaphore_mem>> -> memref<!tpu.dma_semaphore, #tpu.memory_space<semaphore_mem>>
    %dma_wait3A_2772 = arith.constant 0 : i32
    %dma_wait3A_2773 = arith.constant 0 : i32
    %dma_wait3A_2774 = tpu.memref_slice %arg4[%select_n3A, %mul3A_2758, %dma_wait3A_2772, %dma_wait3A_2773] : memref<8x192x64x64xf32, #tpu.memory_space<hbm>> -> memref<1x2x64x64xf32, #tpu.memory_space<hbm>>
    %dma_wait3A_2775 = tpu.memref_squeeze %dma_wait3A_2774 : memref<1x2x64x64xf32, #tpu.memory_space<hbm>> -> memref<2x64x64xf32, #tpu.memory_space<hbm>>
    %dma_wait3A_2776 = arith.constant 0 : i32
    %dma_wait3A_2777 = arith.constant 0 : i32
    %dma_wait3A_2778 = arith.constant 0 : i32
    %dma_wait3A_2779 = tpu.memref_slice %arg5[%dma_wait3A_2759, %dma_wait3A_2776, %dma_wait3A_2777, %dma_wait3A_2778] : memref<6x2x64x64xf32, #tpu.memory_space<vmem>> -> memref<1x2x64x64xf32, #tpu.memory_space<vmem>>
    %dma_wait3A_2780 = tpu.memref_squeeze %dma_wait3A_2779 : memref<1x2x64x64xf32, #tpu.memory_space<vmem>> -> memref<2x64x64xf32, #tpu.memory_space<vmem>>
    tpu.wait_dma2 semaphore(%dma_wait3A_2771 : memref<!tpu.dma_semaphore, #tpu.memory_space<semaphore_mem>>) src(%dma_wait3A_2780 : memref<2x64x64xf32, #tpu.memory_space<vmem>>) dst(%dma_wait3A_2775 : memref<2x64x64xf32, #tpu.memory_space<hbm>>)
    %add3A_2781 = arith.constant 21 : i32
    %add3A_2782 = arith.addi %mul3A_32, %add3A_2781 : i32
    %dma_start3A_2783 = arith.constant 0 : i32
    %dma_start3A_2784 = arith.constant 3 : i32
    %dma_start3A_2785 = arith.constant 0 : i32
    %dma_start3A_2786 = arith.constant 3 : i32
    %dma_start3A_2787 = arith.constant 0 : i32
    %dma_start3A_2788 = arith.constant 0 : i32
    %dma_start3A_2789 = tpu.memref_slice %arg5[%dma_start3A_2784, %dma_start3A_2785, %dma_start3A_2787, %dma_start3A_2788] : memref<6x2x64x64xf32, #tpu.memory_space<vmem>> -> memref<1x1x64x64xf32, #tpu.memory_space<vmem>>
    %dma_start3A_2790 = tpu.memref_squeeze %dma_start3A_2789 : memref<1x1x64x64xf32, #tpu.memory_space<vmem>> -> memref<64x64xf32, #tpu.memory_space<vmem>>
    %dma_start3A_2791 = arith.constant 0 : i32
    %dma_start3A_2792 = arith.constant 0 : i32
    %dma_start3A_2793 = tpu.memref_slice %arg3[%select_n3A, %add3A_2782, %dma_start3A_2783, %dma_start3A_2791, %dma_start3A_2792] : memref<8x96x2x64x64xf32, #tpu.memory_space<hbm>> -> memref<1x1x1x64x64xf32, #tpu.memory_space<hbm>>
    %dma_start3A_2794 = tpu.memref_squeeze %dma_start3A_2793 : memref<1x1x1x64x64xf32, #tpu.memory_space<hbm>> -> memref<64x64xf32, #tpu.memory_space<hbm>>
    %dma_start3A_2795 = tpu.memref_slice %arg6[%dma_start3A_2786] : memref<6x!tpu.dma_semaphore, #tpu.memory_space<semaphore_mem>> -> memref<1x!tpu.dma_semaphore, #tpu.memory_space<semaphore_mem>>
    %dma_start3A_2796 = tpu.memref_squeeze %dma_start3A_2795 : memref<1x!tpu.dma_semaphore, #tpu.memory_space<semaphore_mem>> -> memref<!tpu.dma_semaphore, #tpu.memory_space<semaphore_mem>>
    %dma_start3A_2797 = arith.constant 0 : i32
    %dma_start3A_2798 = arith.constant 0 : i32
    %dma_start3A_2799 = tpu.memref_slice %arg5[%dma_start3A_2784, %dma_start3A_2785, %dma_start3A_2797, %dma_start3A_2798] : memref<6x2x64x64xf32, #tpu.memory_space<vmem>> -> memref<1x1x64x64xf32, #tpu.memory_space<vmem>>
    %dma_start3A_2800 = tpu.memref_squeeze %dma_start3A_2799 : memref<1x1x64x64xf32, #tpu.memory_space<vmem>> -> memref<64x64xf32, #tpu.memory_space<vmem>>
    %dma_start3A_2801 = arith.constant 0 : i32
    %dma_start3A_2802 = arith.constant 0 : i32
    %dma_start3A_2803 = tpu.memref_slice %arg3[%select_n3A, %add3A_2782, %dma_start3A_2783, %dma_start3A_2801, %dma_start3A_2802] : memref<8x96x2x64x64xf32, #tpu.memory_space<hbm>> -> memref<1x1x1x64x64xf32, #tpu.memory_space<hbm>>
    %dma_start3A_2804 = tpu.memref_squeeze %dma_start3A_2803 : memref<1x1x1x64x64xf32, #tpu.memory_space<hbm>> -> memref<64x64xf32, #tpu.memory_space<hbm>>
    tpu.enqueue_dma source(%dma_start3A_2804 : memref<64x64xf32, #tpu.memory_space<hbm>>) target(%dma_start3A_2800 : memref<64x64xf32, #tpu.memory_space<vmem>>) target_semaphore(%dma_start3A_2796 : memref<!tpu.dma_semaphore, #tpu.memory_space<semaphore_mem>>)
    %dma_start3A_2805 = arith.constant 1 : i32
    %dma_start3A_2806 = arith.constant 3 : i32
    %dma_start3A_2807 = arith.constant 1 : i32
    %dma_start3A_2808 = arith.constant 3 : i32
    %dma_start3A_2809 = arith.constant 0 : i32
    %dma_start3A_2810 = arith.constant 0 : i32
    %dma_start3A_2811 = tpu.memref_slice %arg5[%dma_start3A_2806, %dma_start3A_2807, %dma_start3A_2809, %dma_start3A_2810] : memref<6x2x64x64xf32, #tpu.memory_space<vmem>> -> memref<1x1x64x64xf32, #tpu.memory_space<vmem>>
    %dma_start3A_2812 = tpu.memref_squeeze %dma_start3A_2811 : memref<1x1x64x64xf32, #tpu.memory_space<vmem>> -> memref<64x64xf32, #tpu.memory_space<vmem>>
    %dma_start3A_2813 = arith.constant 0 : i32
    %dma_start3A_2814 = arith.constant 0 : i32
    %dma_start3A_2815 = tpu.memref_slice %arg2[%select_n3A, %add3A_2782, %dma_start3A_2805, %dma_start3A_2813, %dma_start3A_2814] : memref<8x96x2x64x64xf32, #tpu.memory_space<hbm>> -> memref<1x1x1x64x64xf32, #tpu.memory_space<hbm>>
    %dma_start3A_2816 = tpu.memref_squeeze %dma_start3A_2815 : memref<1x1x1x64x64xf32, #tpu.memory_space<hbm>> -> memref<64x64xf32, #tpu.memory_space<hbm>>
    %dma_start3A_2817 = tpu.memref_slice %arg6[%dma_start3A_2808] : memref<6x!tpu.dma_semaphore, #tpu.memory_space<semaphore_mem>> -> memref<1x!tpu.dma_semaphore, #tpu.memory_space<semaphore_mem>>
    %dma_start3A_2818 = tpu.memref_squeeze %dma_start3A_2817 : memref<1x!tpu.dma_semaphore, #tpu.memory_space<semaphore_mem>> -> memref<!tpu.dma_semaphore, #tpu.memory_space<semaphore_mem>>
    %dma_start3A_2819 = arith.constant 0 : i32
    %dma_start3A_2820 = arith.constant 0 : i32
    %dma_start3A_2821 = tpu.memref_slice %arg5[%dma_start3A_2806, %dma_start3A_2807, %dma_start3A_2819, %dma_start3A_2820] : memref<6x2x64x64xf32, #tpu.memory_space<vmem>> -> memref<1x1x64x64xf32, #tpu.memory_space<vmem>>
    %dma_start3A_2822 = tpu.memref_squeeze %dma_start3A_2821 : memref<1x1x64x64xf32, #tpu.memory_space<vmem>> -> memref<64x64xf32, #tpu.memory_space<vmem>>
    %dma_start3A_2823 = arith.constant 0 : i32
    %dma_start3A_2824 = arith.constant 0 : i32
    %dma_start3A_2825 = tpu.memref_slice %arg2[%select_n3A, %add3A_2782, %dma_start3A_2805, %dma_start3A_2823, %dma_start3A_2824] : memref<8x96x2x64x64xf32, #tpu.memory_space<hbm>> -> memref<1x1x1x64x64xf32, #tpu.memory_space<hbm>>
    %dma_start3A_2826 = tpu.memref_squeeze %dma_start3A_2825 : memref<1x1x1x64x64xf32, #tpu.memory_space<hbm>> -> memref<64x64xf32, #tpu.memory_space<hbm>>
    tpu.enqueue_dma source(%dma_start3A_2826 : memref<64x64xf32, #tpu.memory_space<hbm>>) target(%dma_start3A_2822 : memref<64x64xf32, #tpu.memory_space<vmem>>) target_semaphore(%dma_start3A_2818 : memref<!tpu.dma_semaphore, #tpu.memory_space<semaphore_mem>>)
    %add3A_2827 = arith.constant 19 : i32
    %add3A_2828 = arith.addi %mul3A_32, %add3A_2827 : i32
    %dma_wait3A_2829 = arith.constant 0 : i32
    %dma_wait3A_2830 = arith.constant 1 : i32
    %dma_wait3A_2831 = arith.constant 0 : i32
    %dma_wait3A_2832 = arith.constant 1 : i32
    %dma_wait3A_2833 = arith.constant 0 : i32
    %dma_wait3A_2834 = arith.constant 0 : i32
    %dma_wait3A_2835 = tpu.memref_slice %arg5[%dma_wait3A_2830, %dma_wait3A_2831, %dma_wait3A_2833, %dma_wait3A_2834] : memref<6x2x64x64xf32, #tpu.memory_space<vmem>> -> memref<1x1x64x64xf32, #tpu.memory_space<vmem>>
    %dma_wait3A_2836 = tpu.memref_squeeze %dma_wait3A_2835 : memref<1x1x64x64xf32, #tpu.memory_space<vmem>> -> memref<64x64xf32, #tpu.memory_space<vmem>>
    %dma_wait3A_2837 = arith.constant 0 : i32
    %dma_wait3A_2838 = arith.constant 0 : i32
    %dma_wait3A_2839 = tpu.memref_slice %arg3[%select_n3A, %add3A_2828, %dma_wait3A_2829, %dma_wait3A_2837, %dma_wait3A_2838] : memref<8x96x2x64x64xf32, #tpu.memory_space<hbm>> -> memref<1x1x1x64x64xf32, #tpu.memory_space<hbm>>
    %dma_wait3A_2840 = tpu.memref_squeeze %dma_wait3A_2839 : memref<1x1x1x64x64xf32, #tpu.memory_space<hbm>> -> memref<64x64xf32, #tpu.memory_space<hbm>>
    %dma_wait3A_2841 = tpu.memref_slice %arg6[%dma_wait3A_2832] : memref<6x!tpu.dma_semaphore, #tpu.memory_space<semaphore_mem>> -> memref<1x!tpu.dma_semaphore, #tpu.memory_space<semaphore_mem>>
    %dma_wait3A_2842 = tpu.memref_squeeze %dma_wait3A_2841 : memref<1x!tpu.dma_semaphore, #tpu.memory_space<semaphore_mem>> -> memref<!tpu.dma_semaphore, #tpu.memory_space<semaphore_mem>>
    %dma_wait3A_2843 = arith.constant 0 : i32
    %dma_wait3A_2844 = arith.constant 0 : i32
    %dma_wait3A_2845 = tpu.memref_slice %arg5[%dma_wait3A_2830, %dma_wait3A_2831, %dma_wait3A_2843, %dma_wait3A_2844] : memref<6x2x64x64xf32, #tpu.memory_space<vmem>> -> memref<1x1x64x64xf32, #tpu.memory_space<vmem>>
    %dma_wait3A_2846 = tpu.memref_squeeze %dma_wait3A_2845 : memref<1x1x64x64xf32, #tpu.memory_space<vmem>> -> memref<64x64xf32, #tpu.memory_space<vmem>>
    %dma_wait3A_2847 = arith.constant 0 : i32
    %dma_wait3A_2848 = arith.constant 0 : i32
    %dma_wait3A_2849 = tpu.memref_slice %arg3[%select_n3A, %add3A_2828, %dma_wait3A_2829, %dma_wait3A_2847, %dma_wait3A_2848] : memref<8x96x2x64x64xf32, #tpu.memory_space<hbm>> -> memref<1x1x1x64x64xf32, #tpu.memory_space<hbm>>
    %dma_wait3A_2850 = tpu.memref_squeeze %dma_wait3A_2849 : memref<1x1x1x64x64xf32, #tpu.memory_space<hbm>> -> memref<64x64xf32, #tpu.memory_space<hbm>>
    tpu.wait_dma2 semaphore(%dma_wait3A_2842 : memref<!tpu.dma_semaphore, #tpu.memory_space<semaphore_mem>>) src(%dma_wait3A_2850 : memref<64x64xf32, #tpu.memory_space<hbm>>) dst(%dma_wait3A_2846 : memref<64x64xf32, #tpu.memory_space<vmem>>)
    %dma_wait3A_2851 = arith.constant 1 : i32
    %dma_wait3A_2852 = arith.constant 1 : i32
    %dma_wait3A_2853 = arith.constant 1 : i32
    %dma_wait3A_2854 = arith.constant 1 : i32
    %dma_wait3A_2855 = arith.constant 0 : i32
    %dma_wait3A_2856 = arith.constant 0 : i32
    %dma_wait3A_2857 = tpu.memref_slice %arg5[%dma_wait3A_2852, %dma_wait3A_2853, %dma_wait3A_2855, %dma_wait3A_2856] : memref<6x2x64x64xf32, #tpu.memory_space<vmem>> -> memref<1x1x64x64xf32, #tpu.memory_space<vmem>>
    %dma_wait3A_2858 = tpu.memref_squeeze %dma_wait3A_2857 : memref<1x1x64x64xf32, #tpu.memory_space<vmem>> -> memref<64x64xf32, #tpu.memory_space<vmem>>
    %dma_wait3A_2859 = arith.constant 0 : i32
    %dma_wait3A_2860 = arith.constant 0 : i32
    %dma_wait3A_2861 = tpu.memref_slice %arg2[%select_n3A, %add3A_2828, %dma_wait3A_2851, %dma_wait3A_2859, %dma_wait3A_2860] : memref<8x96x2x64x64xf32, #tpu.memory_space<hbm>> -> memref<1x1x1x64x64xf32, #tpu.memory_space<hbm>>
    %dma_wait3A_2862 = tpu.memref_squeeze %dma_wait3A_2861 : memref<1x1x1x64x64xf32, #tpu.memory_space<hbm>> -> memref<64x64xf32, #tpu.memory_space<hbm>>
    %dma_wait3A_2863 = tpu.memref_slice %arg6[%dma_wait3A_2854] : memref<6x!tpu.dma_semaphore, #tpu.memory_space<semaphore_mem>> -> memref<1x!tpu.dma_semaphore, #tpu.memory_space<semaphore_mem>>
    %dma_wait3A_2864 = tpu.memref_squeeze %dma_wait3A_2863 : memref<1x!tpu.dma_semaphore, #tpu.memory_space<semaphore_mem>> -> memref<!tpu.dma_semaphore, #tpu.memory_space<semaphore_mem>>
    %dma_wait3A_2865 = arith.constant 0 : i32
    %dma_wait3A_2866 = arith.constant 0 : i32
    %dma_wait3A_2867 = tpu.memref_slice %arg5[%dma_wait3A_2852, %dma_wait3A_2853, %dma_wait3A_2865, %dma_wait3A_2866] : memref<6x2x64x64xf32, #tpu.memory_space<vmem>> -> memref<1x1x64x64xf32, #tpu.memory_space<vmem>>
    %dma_wait3A_2868 = tpu.memref_squeeze %dma_wait3A_2867 : memref<1x1x64x64xf32, #tpu.memory_space<vmem>> -> memref<64x64xf32, #tpu.memory_space<vmem>>
    %dma_wait3A_2869 = arith.constant 0 : i32
    %dma_wait3A_2870 = arith.constant 0 : i32
    %dma_wait3A_2871 = tpu.memref_slice %arg2[%select_n3A, %add3A_2828, %dma_wait3A_2851, %dma_wait3A_2869, %dma_wait3A_2870] : memref<8x96x2x64x64xf32, #tpu.memory_space<hbm>> -> memref<1x1x1x64x64xf32, #tpu.memory_space<hbm>>
    %dma_wait3A_2872 = tpu.memref_squeeze %dma_wait3A_2871 : memref<1x1x1x64x64xf32, #tpu.memory_space<hbm>> -> memref<64x64xf32, #tpu.memory_space<hbm>>
    tpu.wait_dma2 semaphore(%dma_wait3A_2864 : memref<!tpu.dma_semaphore, #tpu.memory_space<semaphore_mem>>) src(%dma_wait3A_2872 : memref<64x64xf32, #tpu.memory_space<hbm>>) dst(%dma_wait3A_2868 : memref<64x64xf32, #tpu.memory_space<vmem>>)
    %add3A_2873 = arith.constant 19 : i32
    %add3A_2874 = arith.addi %mul3A_32, %add3A_2873 : i32
    %mul3A_2875 = arith.constant 2 : i32
    %mul3A_2876 = arith.muli %mul3A_2875, %add3A_2874 : i32
    %dma_start3A_2877 = arith.constant 1 : i32
    %dma_start3A_2878 = arith.constant 1 : i32
    %dma_start3A_2879 = arith.constant 0 : i32
    %dma_start3A_2880 = arith.constant 0 : i32
    %dma_start3A_2881 = arith.constant 0 : i32
    %dma_start3A_2882 = tpu.memref_slice %arg5[%dma_start3A_2877, %dma_start3A_2879, %dma_start3A_2880, %dma_start3A_2881] : memref<6x2x64x64xf32, #tpu.memory_space<vmem>> -> memref<1x2x64x64xf32, #tpu.memory_space<vmem>>
    %dma_start3A_2883 = tpu.memref_squeeze %dma_start3A_2882 : memref<1x2x64x64xf32, #tpu.memory_space<vmem>> -> memref<2x64x64xf32, #tpu.memory_space<vmem>>
    %dma_start3A_2884 = arith.constant 0 : i32
    %dma_start3A_2885 = arith.constant 0 : i32
    %dma_start3A_2886 = tpu.memref_slice %arg4[%select_n3A, %mul3A_2876, %dma_start3A_2884, %dma_start3A_2885] : memref<8x192x64x64xf32, #tpu.memory_space<hbm>> -> memref<1x2x64x64xf32, #tpu.memory_space<hbm>>
    %dma_start3A_2887 = tpu.memref_squeeze %dma_start3A_2886 : memref<1x2x64x64xf32, #tpu.memory_space<hbm>> -> memref<2x64x64xf32, #tpu.memory_space<hbm>>
    %dma_start3A_2888 = tpu.memref_slice %arg7[%dma_start3A_2878] : memref<6x!tpu.dma_semaphore, #tpu.memory_space<semaphore_mem>> -> memref<1x!tpu.dma_semaphore, #tpu.memory_space<semaphore_mem>>
    %dma_start3A_2889 = tpu.memref_squeeze %dma_start3A_2888 : memref<1x!tpu.dma_semaphore, #tpu.memory_space<semaphore_mem>> -> memref<!tpu.dma_semaphore, #tpu.memory_space<semaphore_mem>>
    %dma_start3A_2890 = arith.constant 0 : i32
    %dma_start3A_2891 = arith.constant 0 : i32
    %dma_start3A_2892 = tpu.memref_slice %arg4[%select_n3A, %mul3A_2876, %dma_start3A_2890, %dma_start3A_2891] : memref<8x192x64x64xf32, #tpu.memory_space<hbm>> -> memref<1x2x64x64xf32, #tpu.memory_space<hbm>>
    %dma_start3A_2893 = tpu.memref_squeeze %dma_start3A_2892 : memref<1x2x64x64xf32, #tpu.memory_space<hbm>> -> memref<2x64x64xf32, #tpu.memory_space<hbm>>
    %dma_start3A_2894 = arith.constant 0 : i32
    %dma_start3A_2895 = arith.constant 0 : i32
    %dma_start3A_2896 = arith.constant 0 : i32
    %dma_start3A_2897 = tpu.memref_slice %arg5[%dma_start3A_2877, %dma_start3A_2894, %dma_start3A_2895, %dma_start3A_2896] : memref<6x2x64x64xf32, #tpu.memory_space<vmem>> -> memref<1x2x64x64xf32, #tpu.memory_space<vmem>>
    %dma_start3A_2898 = tpu.memref_squeeze %dma_start3A_2897 : memref<1x2x64x64xf32, #tpu.memory_space<vmem>> -> memref<2x64x64xf32, #tpu.memory_space<vmem>>
    tpu.enqueue_dma source(%dma_start3A_2898 : memref<2x64x64xf32, #tpu.memory_space<vmem>>) target(%dma_start3A_2893 : memref<2x64x64xf32, #tpu.memory_space<hbm>>) target_semaphore(%dma_start3A_2889 : memref<!tpu.dma_semaphore, #tpu.memory_space<semaphore_mem>>)
    %add3A_2899 = arith.constant 16 : i32
    %add3A_2900 = arith.addi %mul3A_32, %add3A_2899 : i32
    %mul3A_2901 = arith.constant 2 : i32
    %mul3A_2902 = arith.muli %mul3A_2901, %add3A_2900 : i32
    %dma_wait3A_2903 = arith.constant 4 : i32
    %dma_wait3A_2904 = arith.constant 4 : i32
    %dma_wait3A_2905 = arith.constant 0 : i32
    %dma_wait3A_2906 = arith.constant 0 : i32
    %dma_wait3A_2907 = arith.constant 0 : i32
    %dma_wait3A_2908 = tpu.memref_slice %arg5[%dma_wait3A_2903, %dma_wait3A_2905, %dma_wait3A_2906, %dma_wait3A_2907] : memref<6x2x64x64xf32, #tpu.memory_space<vmem>> -> memref<1x2x64x64xf32, #tpu.memory_space<vmem>>
    %dma_wait3A_2909 = tpu.memref_squeeze %dma_wait3A_2908 : memref<1x2x64x64xf32, #tpu.memory_space<vmem>> -> memref<2x64x64xf32, #tpu.memory_space<vmem>>
    %dma_wait3A_2910 = arith.constant 0 : i32
    %dma_wait3A_2911 = arith.constant 0 : i32
    %dma_wait3A_2912 = tpu.memref_slice %arg4[%select_n3A, %mul3A_2902, %dma_wait3A_2910, %dma_wait3A_2911] : memref<8x192x64x64xf32, #tpu.memory_space<hbm>> -> memref<1x2x64x64xf32, #tpu.memory_space<hbm>>
    %dma_wait3A_2913 = tpu.memref_squeeze %dma_wait3A_2912 : memref<1x2x64x64xf32, #tpu.memory_space<hbm>> -> memref<2x64x64xf32, #tpu.memory_space<hbm>>
    %dma_wait3A_2914 = tpu.memref_slice %arg7[%dma_wait3A_2904] : memref<6x!tpu.dma_semaphore, #tpu.memory_space<semaphore_mem>> -> memref<1x!tpu.dma_semaphore, #tpu.memory_space<semaphore_mem>>
    %dma_wait3A_2915 = tpu.memref_squeeze %dma_wait3A_2914 : memref<1x!tpu.dma_semaphore, #tpu.memory_space<semaphore_mem>> -> memref<!tpu.dma_semaphore, #tpu.memory_space<semaphore_mem>>
    %dma_wait3A_2916 = arith.constant 0 : i32
    %dma_wait3A_2917 = arith.constant 0 : i32
    %dma_wait3A_2918 = tpu.memref_slice %arg4[%select_n3A, %mul3A_2902, %dma_wait3A_2916, %dma_wait3A_2917] : memref<8x192x64x64xf32, #tpu.memory_space<hbm>> -> memref<1x2x64x64xf32, #tpu.memory_space<hbm>>
    %dma_wait3A_2919 = tpu.memref_squeeze %dma_wait3A_2918 : memref<1x2x64x64xf32, #tpu.memory_space<hbm>> -> memref<2x64x64xf32, #tpu.memory_space<hbm>>
    %dma_wait3A_2920 = arith.constant 0 : i32
    %dma_wait3A_2921 = arith.constant 0 : i32
    %dma_wait3A_2922 = arith.constant 0 : i32
    %dma_wait3A_2923 = tpu.memref_slice %arg5[%dma_wait3A_2903, %dma_wait3A_2920, %dma_wait3A_2921, %dma_wait3A_2922] : memref<6x2x64x64xf32, #tpu.memory_space<vmem>> -> memref<1x2x64x64xf32, #tpu.memory_space<vmem>>
    %dma_wait3A_2924 = tpu.memref_squeeze %dma_wait3A_2923 : memref<1x2x64x64xf32, #tpu.memory_space<vmem>> -> memref<2x64x64xf32, #tpu.memory_space<vmem>>
    tpu.wait_dma2 semaphore(%dma_wait3A_2915 : memref<!tpu.dma_semaphore, #tpu.memory_space<semaphore_mem>>) src(%dma_wait3A_2924 : memref<2x64x64xf32, #tpu.memory_space<vmem>>) dst(%dma_wait3A_2919 : memref<2x64x64xf32, #tpu.memory_space<hbm>>)
    %add3A_2925 = arith.constant 22 : i32
    %add3A_2926 = arith.addi %mul3A_32, %add3A_2925 : i32
    %dma_start3A_2927 = arith.constant 0 : i32
    %dma_start3A_2928 = arith.constant 4 : i32
    %dma_start3A_2929 = arith.constant 0 : i32
    %dma_start3A_2930 = arith.constant 4 : i32
    %dma_start3A_2931 = arith.constant 0 : i32
    %dma_start3A_2932 = arith.constant 0 : i32
    %dma_start3A_2933 = tpu.memref_slice %arg5[%dma_start3A_2928, %dma_start3A_2929, %dma_start3A_2931, %dma_start3A_2932] : memref<6x2x64x64xf32, #tpu.memory_space<vmem>> -> memref<1x1x64x64xf32, #tpu.memory_space<vmem>>
    %dma_start3A_2934 = tpu.memref_squeeze %dma_start3A_2933 : memref<1x1x64x64xf32, #tpu.memory_space<vmem>> -> memref<64x64xf32, #tpu.memory_space<vmem>>
    %dma_start3A_2935 = arith.constant 0 : i32
    %dma_start3A_2936 = arith.constant 0 : i32
    %dma_start3A_2937 = tpu.memref_slice %arg3[%select_n3A, %add3A_2926, %dma_start3A_2927, %dma_start3A_2935, %dma_start3A_2936] : memref<8x96x2x64x64xf32, #tpu.memory_space<hbm>> -> memref<1x1x1x64x64xf32, #tpu.memory_space<hbm>>
    %dma_start3A_2938 = tpu.memref_squeeze %dma_start3A_2937 : memref<1x1x1x64x64xf32, #tpu.memory_space<hbm>> -> memref<64x64xf32, #tpu.memory_space<hbm>>
    %dma_start3A_2939 = tpu.memref_slice %arg6[%dma_start3A_2930] : memref<6x!tpu.dma_semaphore, #tpu.memory_space<semaphore_mem>> -> memref<1x!tpu.dma_semaphore, #tpu.memory_space<semaphore_mem>>
    %dma_start3A_2940 = tpu.memref_squeeze %dma_start3A_2939 : memref<1x!tpu.dma_semaphore, #tpu.memory_space<semaphore_mem>> -> memref<!tpu.dma_semaphore, #tpu.memory_space<semaphore_mem>>
    %dma_start3A_2941 = arith.constant 0 : i32
    %dma_start3A_2942 = arith.constant 0 : i32
    %dma_start3A_2943 = tpu.memref_slice %arg5[%dma_start3A_2928, %dma_start3A_2929, %dma_start3A_2941, %dma_start3A_2942] : memref<6x2x64x64xf32, #tpu.memory_space<vmem>> -> memref<1x1x64x64xf32, #tpu.memory_space<vmem>>
    %dma_start3A_2944 = tpu.memref_squeeze %dma_start3A_2943 : memref<1x1x64x64xf32, #tpu.memory_space<vmem>> -> memref<64x64xf32, #tpu.memory_space<vmem>>
    %dma_start3A_2945 = arith.constant 0 : i32
    %dma_start3A_2946 = arith.constant 0 : i32
    %dma_start3A_2947 = tpu.memref_slice %arg3[%select_n3A, %add3A_2926, %dma_start3A_2927, %dma_start3A_2945, %dma_start3A_2946] : memref<8x96x2x64x64xf32, #tpu.memory_space<hbm>> -> memref<1x1x1x64x64xf32, #tpu.memory_space<hbm>>
    %dma_start3A_2948 = tpu.memref_squeeze %dma_start3A_2947 : memref<1x1x1x64x64xf32, #tpu.memory_space<hbm>> -> memref<64x64xf32, #tpu.memory_space<hbm>>
    tpu.enqueue_dma source(%dma_start3A_2948 : memref<64x64xf32, #tpu.memory_space<hbm>>) target(%dma_start3A_2944 : memref<64x64xf32, #tpu.memory_space<vmem>>) target_semaphore(%dma_start3A_2940 : memref<!tpu.dma_semaphore, #tpu.memory_space<semaphore_mem>>)
    %dma_start3A_2949 = arith.constant 1 : i32
    %dma_start3A_2950 = arith.constant 4 : i32
    %dma_start3A_2951 = arith.constant 1 : i32
    %dma_start3A_2952 = arith.constant 4 : i32
    %dma_start3A_2953 = arith.constant 0 : i32
    %dma_start3A_2954 = arith.constant 0 : i32
    %dma_start3A_2955 = tpu.memref_slice %arg5[%dma_start3A_2950, %dma_start3A_2951, %dma_start3A_2953, %dma_start3A_2954] : memref<6x2x64x64xf32, #tpu.memory_space<vmem>> -> memref<1x1x64x64xf32, #tpu.memory_space<vmem>>
    %dma_start3A_2956 = tpu.memref_squeeze %dma_start3A_2955 : memref<1x1x64x64xf32, #tpu.memory_space<vmem>> -> memref<64x64xf32, #tpu.memory_space<vmem>>
    %dma_start3A_2957 = arith.constant 0 : i32
    %dma_start3A_2958 = arith.constant 0 : i32
    %dma_start3A_2959 = tpu.memref_slice %arg2[%select_n3A, %add3A_2926, %dma_start3A_2949, %dma_start3A_2957, %dma_start3A_2958] : memref<8x96x2x64x64xf32, #tpu.memory_space<hbm>> -> memref<1x1x1x64x64xf32, #tpu.memory_space<hbm>>
    %dma_start3A_2960 = tpu.memref_squeeze %dma_start3A_2959 : memref<1x1x1x64x64xf32, #tpu.memory_space<hbm>> -> memref<64x64xf32, #tpu.memory_space<hbm>>
    %dma_start3A_2961 = tpu.memref_slice %arg6[%dma_start3A_2952] : memref<6x!tpu.dma_semaphore, #tpu.memory_space<semaphore_mem>> -> memref<1x!tpu.dma_semaphore, #tpu.memory_space<semaphore_mem>>
    %dma_start3A_2962 = tpu.memref_squeeze %dma_start3A_2961 : memref<1x!tpu.dma_semaphore, #tpu.memory_space<semaphore_mem>> -> memref<!tpu.dma_semaphore, #tpu.memory_space<semaphore_mem>>
    %dma_start3A_2963 = arith.constant 0 : i32
    %dma_start3A_2964 = arith.constant 0 : i32
    %dma_start3A_2965 = tpu.memref_slice %arg5[%dma_start3A_2950, %dma_start3A_2951, %dma_start3A_2963, %dma_start3A_2964] : memref<6x2x64x64xf32, #tpu.memory_space<vmem>> -> memref<1x1x64x64xf32, #tpu.memory_space<vmem>>
    %dma_start3A_2966 = tpu.memref_squeeze %dma_start3A_2965 : memref<1x1x64x64xf32, #tpu.memory_space<vmem>> -> memref<64x64xf32, #tpu.memory_space<vmem>>
    %dma_start3A_2967 = arith.constant 0 : i32
    %dma_start3A_2968 = arith.constant 0 : i32
    %dma_start3A_2969 = tpu.memref_slice %arg2[%select_n3A, %add3A_2926, %dma_start3A_2949, %dma_start3A_2967, %dma_start3A_2968] : memref<8x96x2x64x64xf32, #tpu.memory_space<hbm>> -> memref<1x1x1x64x64xf32, #tpu.memory_space<hbm>>
    %dma_start3A_2970 = tpu.memref_squeeze %dma_start3A_2969 : memref<1x1x1x64x64xf32, #tpu.memory_space<hbm>> -> memref<64x64xf32, #tpu.memory_space<hbm>>
    tpu.enqueue_dma source(%dma_start3A_2970 : memref<64x64xf32, #tpu.memory_space<hbm>>) target(%dma_start3A_2966 : memref<64x64xf32, #tpu.memory_space<vmem>>) target_semaphore(%dma_start3A_2962 : memref<!tpu.dma_semaphore, #tpu.memory_space<semaphore_mem>>)
    %add3A_2971 = arith.constant 20 : i32
    %add3A_2972 = arith.addi %mul3A_32, %add3A_2971 : i32
    %dma_wait3A_2973 = arith.constant 0 : i32
    %dma_wait3A_2974 = arith.constant 2 : i32
    %dma_wait3A_2975 = arith.constant 0 : i32
    %dma_wait3A_2976 = arith.constant 2 : i32
    %dma_wait3A_2977 = arith.constant 0 : i32
    %dma_wait3A_2978 = arith.constant 0 : i32
    %dma_wait3A_2979 = tpu.memref_slice %arg5[%dma_wait3A_2974, %dma_wait3A_2975, %dma_wait3A_2977, %dma_wait3A_2978] : memref<6x2x64x64xf32, #tpu.memory_space<vmem>> -> memref<1x1x64x64xf32, #tpu.memory_space<vmem>>
    %dma_wait3A_2980 = tpu.memref_squeeze %dma_wait3A_2979 : memref<1x1x64x64xf32, #tpu.memory_space<vmem>> -> memref<64x64xf32, #tpu.memory_space<vmem>>
    %dma_wait3A_2981 = arith.constant 0 : i32
    %dma_wait3A_2982 = arith.constant 0 : i32
    %dma_wait3A_2983 = tpu.memref_slice %arg3[%select_n3A, %add3A_2972, %dma_wait3A_2973, %dma_wait3A_2981, %dma_wait3A_2982] : memref<8x96x2x64x64xf32, #tpu.memory_space<hbm>> -> memref<1x1x1x64x64xf32, #tpu.memory_space<hbm>>
    %dma_wait3A_2984 = tpu.memref_squeeze %dma_wait3A_2983 : memref<1x1x1x64x64xf32, #tpu.memory_space<hbm>> -> memref<64x64xf32, #tpu.memory_space<hbm>>
    %dma_wait3A_2985 = tpu.memref_slice %arg6[%dma_wait3A_2976] : memref<6x!tpu.dma_semaphore, #tpu.memory_space<semaphore_mem>> -> memref<1x!tpu.dma_semaphore, #tpu.memory_space<semaphore_mem>>
    %dma_wait3A_2986 = tpu.memref_squeeze %dma_wait3A_2985 : memref<1x!tpu.dma_semaphore, #tpu.memory_space<semaphore_mem>> -> memref<!tpu.dma_semaphore, #tpu.memory_space<semaphore_mem>>
    %dma_wait3A_2987 = arith.constant 0 : i32
    %dma_wait3A_2988 = arith.constant 0 : i32
    %dma_wait3A_2989 = tpu.memref_slice %arg5[%dma_wait3A_2974, %dma_wait3A_2975, %dma_wait3A_2987, %dma_wait3A_2988] : memref<6x2x64x64xf32, #tpu.memory_space<vmem>> -> memref<1x1x64x64xf32, #tpu.memory_space<vmem>>
    %dma_wait3A_2990 = tpu.memref_squeeze %dma_wait3A_2989 : memref<1x1x64x64xf32, #tpu.memory_space<vmem>> -> memref<64x64xf32, #tpu.memory_space<vmem>>
    %dma_wait3A_2991 = arith.constant 0 : i32
    %dma_wait3A_2992 = arith.constant 0 : i32
    %dma_wait3A_2993 = tpu.memref_slice %arg3[%select_n3A, %add3A_2972, %dma_wait3A_2973, %dma_wait3A_2991, %dma_wait3A_2992] : memref<8x96x2x64x64xf32, #tpu.memory_space<hbm>> -> memref<1x1x1x64x64xf32, #tpu.memory_space<hbm>>
    %dma_wait3A_2994 = tpu.memref_squeeze %dma_wait3A_2993 : memref<1x1x1x64x64xf32, #tpu.memory_space<hbm>> -> memref<64x64xf32, #tpu.memory_space<hbm>>
    tpu.wait_dma2 semaphore(%dma_wait3A_2986 : memref<!tpu.dma_semaphore, #tpu.memory_space<semaphore_mem>>) src(%dma_wait3A_2994 : memref<64x64xf32, #tpu.memory_space<hbm>>) dst(%dma_wait3A_2990 : memref<64x64xf32, #tpu.memory_space<vmem>>)
    %dma_wait3A_2995 = arith.constant 1 : i32
    %dma_wait3A_2996 = arith.constant 2 : i32
    %dma_wait3A_2997 = arith.constant 1 : i32
    %dma_wait3A_2998 = arith.constant 2 : i32
    %dma_wait3A_2999 = arith.constant 0 : i32
    %dma_wait3A_3000 = arith.constant 0 : i32
    %dma_wait3A_3001 = tpu.memref_slice %arg5[%dma_wait3A_2996, %dma_wait3A_2997, %dma_wait3A_2999, %dma_wait3A_3000] : memref<6x2x64x64xf32, #tpu.memory_space<vmem>> -> memref<1x1x64x64xf32, #tpu.memory_space<vmem>>
    %dma_wait3A_3002 = tpu.memref_squeeze %dma_wait3A_3001 : memref<1x1x64x64xf32, #tpu.memory_space<vmem>> -> memref<64x64xf32, #tpu.memory_space<vmem>>
    %dma_wait3A_3003 = arith.constant 0 : i32
    %dma_wait3A_3004 = arith.constant 0 : i32
    %dma_wait3A_3005 = tpu.memref_slice %arg2[%select_n3A, %add3A_2972, %dma_wait3A_2995, %dma_wait3A_3003, %dma_wait3A_3004] : memref<8x96x2x64x64xf32, #tpu.memory_space<hbm>> -> memref<1x1x1x64x64xf32, #tpu.memory_space<hbm>>
    %dma_wait3A_3006 = tpu.memref_squeeze %dma_wait3A_3005 : memref<1x1x1x64x64xf32, #tpu.memory_space<hbm>> -> memref<64x64xf32, #tpu.memory_space<hbm>>
    %dma_wait3A_3007 = tpu.memref_slice %arg6[%dma_wait3A_2998] : memref<6x!tpu.dma_semaphore, #tpu.memory_space<semaphore_mem>> -> memref<1x!tpu.dma_semaphore, #tpu.memory_space<semaphore_mem>>
    %dma_wait3A_3008 = tpu.memref_squeeze %dma_wait3A_3007 : memref<1x!tpu.dma_semaphore, #tpu.memory_space<semaphore_mem>> -> memref<!tpu.dma_semaphore, #tpu.memory_space<semaphore_mem>>
    %dma_wait3A_3009 = arith.constant 0 : i32
    %dma_wait3A_3010 = arith.constant 0 : i32
    %dma_wait3A_3011 = tpu.memref_slice %arg5[%dma_wait3A_2996, %dma_wait3A_2997, %dma_wait3A_3009, %dma_wait3A_3010] : memref<6x2x64x64xf32, #tpu.memory_space<vmem>> -> memref<1x1x64x64xf32, #tpu.memory_space<vmem>>
    %dma_wait3A_3012 = tpu.memref_squeeze %dma_wait3A_3011 : memref<1x1x64x64xf32, #tpu.memory_space<vmem>> -> memref<64x64xf32, #tpu.memory_space<vmem>>
    %dma_wait3A_3013 = arith.constant 0 : i32
    %dma_wait3A_3014 = arith.constant 0 : i32
    %dma_wait3A_3015 = tpu.memref_slice %arg2[%select_n3A, %add3A_2972, %dma_wait3A_2995, %dma_wait3A_3013, %dma_wait3A_3014] : memref<8x96x2x64x64xf32, #tpu.memory_space<hbm>> -> memref<1x1x1x64x64xf32, #tpu.memory_space<hbm>>
    %dma_wait3A_3016 = tpu.memref_squeeze %dma_wait3A_3015 : memref<1x1x1x64x64xf32, #tpu.memory_space<hbm>> -> memref<64x64xf32, #tpu.memory_space<hbm>>
    tpu.wait_dma2 semaphore(%dma_wait3A_3008 : memref<!tpu.dma_semaphore, #tpu.memory_space<semaphore_mem>>) src(%dma_wait3A_3016 : memref<64x64xf32, #tpu.memory_space<hbm>>) dst(%dma_wait3A_3012 : memref<64x64xf32, #tpu.memory_space<vmem>>)
    %add3A_3017 = arith.constant 20 : i32
    %add3A_3018 = arith.addi %mul3A_32, %add3A_3017 : i32
    %mul3A_3019 = arith.constant 2 : i32
    %mul3A_3020 = arith.muli %mul3A_3019, %add3A_3018 : i32
    %dma_start3A_3021 = arith.constant 2 : i32
    %dma_start3A_3022 = arith.constant 2 : i32
    %dma_start3A_3023 = arith.constant 0 : i32
    %dma_start3A_3024 = arith.constant 0 : i32
    %dma_start3A_3025 = arith.constant 0 : i32
    %dma_start3A_3026 = tpu.memref_slice %arg5[%dma_start3A_3021, %dma_start3A_3023, %dma_start3A_3024, %dma_start3A_3025] : memref<6x2x64x64xf32, #tpu.memory_space<vmem>> -> memref<1x2x64x64xf32, #tpu.memory_space<vmem>>
    %dma_start3A_3027 = tpu.memref_squeeze %dma_start3A_3026 : memref<1x2x64x64xf32, #tpu.memory_space<vmem>> -> memref<2x64x64xf32, #tpu.memory_space<vmem>>
    %dma_start3A_3028 = arith.constant 0 : i32
    %dma_start3A_3029 = arith.constant 0 : i32
    %dma_start3A_3030 = tpu.memref_slice %arg4[%select_n3A, %mul3A_3020, %dma_start3A_3028, %dma_start3A_3029] : memref<8x192x64x64xf32, #tpu.memory_space<hbm>> -> memref<1x2x64x64xf32, #tpu.memory_space<hbm>>
    %dma_start3A_3031 = tpu.memref_squeeze %dma_start3A_3030 : memref<1x2x64x64xf32, #tpu.memory_space<hbm>> -> memref<2x64x64xf32, #tpu.memory_space<hbm>>
    %dma_start3A_3032 = tpu.memref_slice %arg7[%dma_start3A_3022] : memref<6x!tpu.dma_semaphore, #tpu.memory_space<semaphore_mem>> -> memref<1x!tpu.dma_semaphore, #tpu.memory_space<semaphore_mem>>
    %dma_start3A_3033 = tpu.memref_squeeze %dma_start3A_3032 : memref<1x!tpu.dma_semaphore, #tpu.memory_space<semaphore_mem>> -> memref<!tpu.dma_semaphore, #tpu.memory_space<semaphore_mem>>
    %dma_start3A_3034 = arith.constant 0 : i32
    %dma_start3A_3035 = arith.constant 0 : i32
    %dma_start3A_3036 = tpu.memref_slice %arg4[%select_n3A, %mul3A_3020, %dma_start3A_3034, %dma_start3A_3035] : memref<8x192x64x64xf32, #tpu.memory_space<hbm>> -> memref<1x2x64x64xf32, #tpu.memory_space<hbm>>
    %dma_start3A_3037 = tpu.memref_squeeze %dma_start3A_3036 : memref<1x2x64x64xf32, #tpu.memory_space<hbm>> -> memref<2x64x64xf32, #tpu.memory_space<hbm>>
    %dma_start3A_3038 = arith.constant 0 : i32
    %dma_start3A_3039 = arith.constant 0 : i32
    %dma_start3A_3040 = arith.constant 0 : i32
    %dma_start3A_3041 = tpu.memref_slice %arg5[%dma_start3A_3021, %dma_start3A_3038, %dma_start3A_3039, %dma_start3A_3040] : memref<6x2x64x64xf32, #tpu.memory_space<vmem>> -> memref<1x2x64x64xf32, #tpu.memory_space<vmem>>
    %dma_start3A_3042 = tpu.memref_squeeze %dma_start3A_3041 : memref<1x2x64x64xf32, #tpu.memory_space<vmem>> -> memref<2x64x64xf32, #tpu.memory_space<vmem>>
    tpu.enqueue_dma source(%dma_start3A_3042 : memref<2x64x64xf32, #tpu.memory_space<vmem>>) target(%dma_start3A_3037 : memref<2x64x64xf32, #tpu.memory_space<hbm>>) target_semaphore(%dma_start3A_3033 : memref<!tpu.dma_semaphore, #tpu.memory_space<semaphore_mem>>)
    %add3A_3043 = arith.constant 17 : i32
    %add3A_3044 = arith.addi %mul3A_32, %add3A_3043 : i32
    %mul3A_3045 = arith.constant 2 : i32
    %mul3A_3046 = arith.muli %mul3A_3045, %add3A_3044 : i32
    %dma_wait3A_3047 = arith.constant 5 : i32
    %dma_wait3A_3048 = arith.constant 5 : i32
    %dma_wait3A_3049 = arith.constant 0 : i32
    %dma_wait3A_3050 = arith.constant 0 : i32
    %dma_wait3A_3051 = arith.constant 0 : i32
    %dma_wait3A_3052 = tpu.memref_slice %arg5[%dma_wait3A_3047, %dma_wait3A_3049, %dma_wait3A_3050, %dma_wait3A_3051] : memref<6x2x64x64xf32, #tpu.memory_space<vmem>> -> memref<1x2x64x64xf32, #tpu.memory_space<vmem>>
    %dma_wait3A_3053 = tpu.memref_squeeze %dma_wait3A_3052 : memref<1x2x64x64xf32, #tpu.memory_space<vmem>> -> memref<2x64x64xf32, #tpu.memory_space<vmem>>
    %dma_wait3A_3054 = arith.constant 0 : i32
    %dma_wait3A_3055 = arith.constant 0 : i32
    %dma_wait3A_3056 = tpu.memref_slice %arg4[%select_n3A, %mul3A_3046, %dma_wait3A_3054, %dma_wait3A_3055] : memref<8x192x64x64xf32, #tpu.memory_space<hbm>> -> memref<1x2x64x64xf32, #tpu.memory_space<hbm>>
    %dma_wait3A_3057 = tpu.memref_squeeze %dma_wait3A_3056 : memref<1x2x64x64xf32, #tpu.memory_space<hbm>> -> memref<2x64x64xf32, #tpu.memory_space<hbm>>
    %dma_wait3A_3058 = tpu.memref_slice %arg7[%dma_wait3A_3048] : memref<6x!tpu.dma_semaphore, #tpu.memory_space<semaphore_mem>> -> memref<1x!tpu.dma_semaphore, #tpu.memory_space<semaphore_mem>>
    %dma_wait3A_3059 = tpu.memref_squeeze %dma_wait3A_3058 : memref<1x!tpu.dma_semaphore, #tpu.memory_space<semaphore_mem>> -> memref<!tpu.dma_semaphore, #tpu.memory_space<semaphore_mem>>
    %dma_wait3A_3060 = arith.constant 0 : i32
    %dma_wait3A_3061 = arith.constant 0 : i32
    %dma_wait3A_3062 = tpu.memref_slice %arg4[%select_n3A, %mul3A_3046, %dma_wait3A_3060, %dma_wait3A_3061] : memref<8x192x64x64xf32, #tpu.memory_space<hbm>> -> memref<1x2x64x64xf32, #tpu.memory_space<hbm>>
    %dma_wait3A_3063 = tpu.memref_squeeze %dma_wait3A_3062 : memref<1x2x64x64xf32, #tpu.memory_space<hbm>> -> memref<2x64x64xf32, #tpu.memory_space<hbm>>
    %dma_wait3A_3064 = arith.constant 0 : i32
    %dma_wait3A_3065 = arith.constant 0 : i32
    %dma_wait3A_3066 = arith.constant 0 : i32
    %dma_wait3A_3067 = tpu.memref_slice %arg5[%dma_wait3A_3047, %dma_wait3A_3064, %dma_wait3A_3065, %dma_wait3A_3066] : memref<6x2x64x64xf32, #tpu.memory_space<vmem>> -> memref<1x2x64x64xf32, #tpu.memory_space<vmem>>
    %dma_wait3A_3068 = tpu.memref_squeeze %dma_wait3A_3067 : memref<1x2x64x64xf32, #tpu.memory_space<vmem>> -> memref<2x64x64xf32, #tpu.memory_space<vmem>>
    tpu.wait_dma2 semaphore(%dma_wait3A_3059 : memref<!tpu.dma_semaphore, #tpu.memory_space<semaphore_mem>>) src(%dma_wait3A_3068 : memref<2x64x64xf32, #tpu.memory_space<vmem>>) dst(%dma_wait3A_3063 : memref<2x64x64xf32, #tpu.memory_space<hbm>>)
    %add3A_3069 = arith.constant 23 : i32
    %add3A_3070 = arith.addi %mul3A_32, %add3A_3069 : i32
    %dma_start3A_3071 = arith.constant 0 : i32
    %dma_start3A_3072 = arith.constant 5 : i32
    %dma_start3A_3073 = arith.constant 0 : i32
    %dma_start3A_3074 = arith.constant 5 : i32
    %dma_start3A_3075 = arith.constant 0 : i32
    %dma_start3A_3076 = arith.constant 0 : i32
    %dma_start3A_3077 = tpu.memref_slice %arg5[%dma_start3A_3072, %dma_start3A_3073, %dma_start3A_3075, %dma_start3A_3076] : memref<6x2x64x64xf32, #tpu.memory_space<vmem>> -> memref<1x1x64x64xf32, #tpu.memory_space<vmem>>
    %dma_start3A_3078 = tpu.memref_squeeze %dma_start3A_3077 : memref<1x1x64x64xf32, #tpu.memory_space<vmem>> -> memref<64x64xf32, #tpu.memory_space<vmem>>
    %dma_start3A_3079 = arith.constant 0 : i32
    %dma_start3A_3080 = arith.constant 0 : i32
    %dma_start3A_3081 = tpu.memref_slice %arg3[%select_n3A, %add3A_3070, %dma_start3A_3071, %dma_start3A_3079, %dma_start3A_3080] : memref<8x96x2x64x64xf32, #tpu.memory_space<hbm>> -> memref<1x1x1x64x64xf32, #tpu.memory_space<hbm>>
    %dma_start3A_3082 = tpu.memref_squeeze %dma_start3A_3081 : memref<1x1x1x64x64xf32, #tpu.memory_space<hbm>> -> memref<64x64xf32, #tpu.memory_space<hbm>>
    %dma_start3A_3083 = tpu.memref_slice %arg6[%dma_start3A_3074] : memref<6x!tpu.dma_semaphore, #tpu.memory_space<semaphore_mem>> -> memref<1x!tpu.dma_semaphore, #tpu.memory_space<semaphore_mem>>
    %dma_start3A_3084 = tpu.memref_squeeze %dma_start3A_3083 : memref<1x!tpu.dma_semaphore, #tpu.memory_space<semaphore_mem>> -> memref<!tpu.dma_semaphore, #tpu.memory_space<semaphore_mem>>
    %dma_start3A_3085 = arith.constant 0 : i32
    %dma_start3A_3086 = arith.constant 0 : i32
    %dma_start3A_3087 = tpu.memref_slice %arg5[%dma_start3A_3072, %dma_start3A_3073, %dma_start3A_3085, %dma_start3A_3086] : memref<6x2x64x64xf32, #tpu.memory_space<vmem>> -> memref<1x1x64x64xf32, #tpu.memory_space<vmem>>
    %dma_start3A_3088 = tpu.memref_squeeze %dma_start3A_3087 : memref<1x1x64x64xf32, #tpu.memory_space<vmem>> -> memref<64x64xf32, #tpu.memory_space<vmem>>
    %dma_start3A_3089 = arith.constant 0 : i32
    %dma_start3A_3090 = arith.constant 0 : i32
    %dma_start3A_3091 = tpu.memref_slice %arg3[%select_n3A, %add3A_3070, %dma_start3A_3071, %dma_start3A_3089, %dma_start3A_3090] : memref<8x96x2x64x64xf32, #tpu.memory_space<hbm>> -> memref<1x1x1x64x64xf32, #tpu.memory_space<hbm>>
    %dma_start3A_3092 = tpu.memref_squeeze %dma_start3A_3091 : memref<1x1x1x64x64xf32, #tpu.memory_space<hbm>> -> memref<64x64xf32, #tpu.memory_space<hbm>>
    tpu.enqueue_dma source(%dma_start3A_3092 : memref<64x64xf32, #tpu.memory_space<hbm>>) target(%dma_start3A_3088 : memref<64x64xf32, #tpu.memory_space<vmem>>) target_semaphore(%dma_start3A_3084 : memref<!tpu.dma_semaphore, #tpu.memory_space<semaphore_mem>>)
    %dma_start3A_3093 = arith.constant 1 : i32
    %dma_start3A_3094 = arith.constant 5 : i32
    %dma_start3A_3095 = arith.constant 1 : i32
    %dma_start3A_3096 = arith.constant 5 : i32
    %dma_start3A_3097 = arith.constant 0 : i32
    %dma_start3A_3098 = arith.constant 0 : i32
    %dma_start3A_3099 = tpu.memref_slice %arg5[%dma_start3A_3094, %dma_start3A_3095, %dma_start3A_3097, %dma_start3A_3098] : memref<6x2x64x64xf32, #tpu.memory_space<vmem>> -> memref<1x1x64x64xf32, #tpu.memory_space<vmem>>
    %dma_start3A_3100 = tpu.memref_squeeze %dma_start3A_3099 : memref<1x1x64x64xf32, #tpu.memory_space<vmem>> -> memref<64x64xf32, #tpu.memory_space<vmem>>
    %dma_start3A_3101 = arith.constant 0 : i32
    %dma_start3A_3102 = arith.constant 0 : i32
    %dma_start3A_3103 = tpu.memref_slice %arg2[%select_n3A, %add3A_3070, %dma_start3A_3093, %dma_start3A_3101, %dma_start3A_3102] : memref<8x96x2x64x64xf32, #tpu.memory_space<hbm>> -> memref<1x1x1x64x64xf32, #tpu.memory_space<hbm>>
    %dma_start3A_3104 = tpu.memref_squeeze %dma_start3A_3103 : memref<1x1x1x64x64xf32, #tpu.memory_space<hbm>> -> memref<64x64xf32, #tpu.memory_space<hbm>>
    %dma_start3A_3105 = tpu.memref_slice %arg6[%dma_start3A_3096] : memref<6x!tpu.dma_semaphore, #tpu.memory_space<semaphore_mem>> -> memref<1x!tpu.dma_semaphore, #tpu.memory_space<semaphore_mem>>
    %dma_start3A_3106 = tpu.memref_squeeze %dma_start3A_3105 : memref<1x!tpu.dma_semaphore, #tpu.memory_space<semaphore_mem>> -> memref<!tpu.dma_semaphore, #tpu.memory_space<semaphore_mem>>
    %dma_start3A_3107 = arith.constant 0 : i32
    %dma_start3A_3108 = arith.constant 0 : i32
    %dma_start3A_3109 = tpu.memref_slice %arg5[%dma_start3A_3094, %dma_start3A_3095, %dma_start3A_3107, %dma_start3A_3108] : memref<6x2x64x64xf32, #tpu.memory_space<vmem>> -> memref<1x1x64x64xf32, #tpu.memory_space<vmem>>
    %dma_start3A_3110 = tpu.memref_squeeze %dma_start3A_3109 : memref<1x1x64x64xf32, #tpu.memory_space<vmem>> -> memref<64x64xf32, #tpu.memory_space<vmem>>
    %dma_start3A_3111 = arith.constant 0 : i32
    %dma_start3A_3112 = arith.constant 0 : i32
    %dma_start3A_3113 = tpu.memref_slice %arg2[%select_n3A, %add3A_3070, %dma_start3A_3093, %dma_start3A_3111, %dma_start3A_3112] : memref<8x96x2x64x64xf32, #tpu.memory_space<hbm>> -> memref<1x1x1x64x64xf32, #tpu.memory_space<hbm>>
    %dma_start3A_3114 = tpu.memref_squeeze %dma_start3A_3113 : memref<1x1x1x64x64xf32, #tpu.memory_space<hbm>> -> memref<64x64xf32, #tpu.memory_space<hbm>>
    tpu.enqueue_dma source(%dma_start3A_3114 : memref<64x64xf32, #tpu.memory_space<hbm>>) target(%dma_start3A_3110 : memref<64x64xf32, #tpu.memory_space<vmem>>) target_semaphore(%dma_start3A_3106 : memref<!tpu.dma_semaphore, #tpu.memory_space<semaphore_mem>>)
    %add3A_3115 = arith.constant 21 : i32
    %add3A_3116 = arith.addi %mul3A_32, %add3A_3115 : i32
    %dma_wait3A_3117 = arith.constant 0 : i32
    %dma_wait3A_3118 = arith.constant 3 : i32
    %dma_wait3A_3119 = arith.constant 0 : i32
    %dma_wait3A_3120 = arith.constant 3 : i32
    %dma_wait3A_3121 = arith.constant 0 : i32
    %dma_wait3A_3122 = arith.constant 0 : i32
    %dma_wait3A_3123 = tpu.memref_slice %arg5[%dma_wait3A_3118, %dma_wait3A_3119, %dma_wait3A_3121, %dma_wait3A_3122] : memref<6x2x64x64xf32, #tpu.memory_space<vmem>> -> memref<1x1x64x64xf32, #tpu.memory_space<vmem>>
    %dma_wait3A_3124 = tpu.memref_squeeze %dma_wait3A_3123 : memref<1x1x64x64xf32, #tpu.memory_space<vmem>> -> memref<64x64xf32, #tpu.memory_space<vmem>>
    %dma_wait3A_3125 = arith.constant 0 : i32
    %dma_wait3A_3126 = arith.constant 0 : i32
    %dma_wait3A_3127 = tpu.memref_slice %arg3[%select_n3A, %add3A_3116, %dma_wait3A_3117, %dma_wait3A_3125, %dma_wait3A_3126] : memref<8x96x2x64x64xf32, #tpu.memory_space<hbm>> -> memref<1x1x1x64x64xf32, #tpu.memory_space<hbm>>
    %dma_wait3A_3128 = tpu.memref_squeeze %dma_wait3A_3127 : memref<1x1x1x64x64xf32, #tpu.memory_space<hbm>> -> memref<64x64xf32, #tpu.memory_space<hbm>>
    %dma_wait3A_3129 = tpu.memref_slice %arg6[%dma_wait3A_3120] : memref<6x!tpu.dma_semaphore, #tpu.memory_space<semaphore_mem>> -> memref<1x!tpu.dma_semaphore, #tpu.memory_space<semaphore_mem>>
    %dma_wait3A_3130 = tpu.memref_squeeze %dma_wait3A_3129 : memref<1x!tpu.dma_semaphore, #tpu.memory_space<semaphore_mem>> -> memref<!tpu.dma_semaphore, #tpu.memory_space<semaphore_mem>>
    %dma_wait3A_3131 = arith.constant 0 : i32
    %dma_wait3A_3132 = arith.constant 0 : i32
    %dma_wait3A_3133 = tpu.memref_slice %arg5[%dma_wait3A_3118, %dma_wait3A_3119, %dma_wait3A_3131, %dma_wait3A_3132] : memref<6x2x64x64xf32, #tpu.memory_space<vmem>> -> memref<1x1x64x64xf32, #tpu.memory_space<vmem>>
    %dma_wait3A_3134 = tpu.memref_squeeze %dma_wait3A_3133 : memref<1x1x64x64xf32, #tpu.memory_space<vmem>> -> memref<64x64xf32, #tpu.memory_space<vmem>>
    %dma_wait3A_3135 = arith.constant 0 : i32
    %dma_wait3A_3136 = arith.constant 0 : i32
    %dma_wait3A_3137 = tpu.memref_slice %arg3[%select_n3A, %add3A_3116, %dma_wait3A_3117, %dma_wait3A_3135, %dma_wait3A_3136] : memref<8x96x2x64x64xf32, #tpu.memory_space<hbm>> -> memref<1x1x1x64x64xf32, #tpu.memory_space<hbm>>
    %dma_wait3A_3138 = tpu.memref_squeeze %dma_wait3A_3137 : memref<1x1x1x64x64xf32, #tpu.memory_space<hbm>> -> memref<64x64xf32, #tpu.memory_space<hbm>>
    tpu.wait_dma2 semaphore(%dma_wait3A_3130 : memref<!tpu.dma_semaphore, #tpu.memory_space<semaphore_mem>>) src(%dma_wait3A_3138 : memref<64x64xf32, #tpu.memory_space<hbm>>) dst(%dma_wait3A_3134 : memref<64x64xf32, #tpu.memory_space<vmem>>)
    %dma_wait3A_3139 = arith.constant 1 : i32
    %dma_wait3A_3140 = arith.constant 3 : i32
    %dma_wait3A_3141 = arith.constant 1 : i32
    %dma_wait3A_3142 = arith.constant 3 : i32
    %dma_wait3A_3143 = arith.constant 0 : i32
    %dma_wait3A_3144 = arith.constant 0 : i32
    %dma_wait3A_3145 = tpu.memref_slice %arg5[%dma_wait3A_3140, %dma_wait3A_3141, %dma_wait3A_3143, %dma_wait3A_3144] : memref<6x2x64x64xf32, #tpu.memory_space<vmem>> -> memref<1x1x64x64xf32, #tpu.memory_space<vmem>>
    %dma_wait3A_3146 = tpu.memref_squeeze %dma_wait3A_3145 : memref<1x1x64x64xf32, #tpu.memory_space<vmem>> -> memref<64x64xf32, #tpu.memory_space<vmem>>
    %dma_wait3A_3147 = arith.constant 0 : i32
    %dma_wait3A_3148 = arith.constant 0 : i32
    %dma_wait3A_3149 = tpu.memref_slice %arg2[%select_n3A, %add3A_3116, %dma_wait3A_3139, %dma_wait3A_3147, %dma_wait3A_3148] : memref<8x96x2x64x64xf32, #tpu.memory_space<hbm>> -> memref<1x1x1x64x64xf32, #tpu.memory_space<hbm>>
    %dma_wait3A_3150 = tpu.memref_squeeze %dma_wait3A_3149 : memref<1x1x1x64x64xf32, #tpu.memory_space<hbm>> -> memref<64x64xf32, #tpu.memory_space<hbm>>
    %dma_wait3A_3151 = tpu.memref_slice %arg6[%dma_wait3A_3142] : memref<6x!tpu.dma_semaphore, #tpu.memory_space<semaphore_mem>> -> memref<1x!tpu.dma_semaphore, #tpu.memory_space<semaphore_mem>>
    %dma_wait3A_3152 = tpu.memref_squeeze %dma_wait3A_3151 : memref<1x!tpu.dma_semaphore, #tpu.memory_space<semaphore_mem>> -> memref<!tpu.dma_semaphore, #tpu.memory_space<semaphore_mem>>
    %dma_wait3A_3153 = arith.constant 0 : i32
    %dma_wait3A_3154 = arith.constant 0 : i32
    %dma_wait3A_3155 = tpu.memref_slice %arg5[%dma_wait3A_3140, %dma_wait3A_3141, %dma_wait3A_3153, %dma_wait3A_3154] : memref<6x2x64x64xf32, #tpu.memory_space<vmem>> -> memref<1x1x64x64xf32, #tpu.memory_space<vmem>>
    %dma_wait3A_3156 = tpu.memref_squeeze %dma_wait3A_3155 : memref<1x1x64x64xf32, #tpu.memory_space<vmem>> -> memref<64x64xf32, #tpu.memory_space<vmem>>
    %dma_wait3A_3157 = arith.constant 0 : i32
    %dma_wait3A_3158 = arith.constant 0 : i32
    %dma_wait3A_3159 = tpu.memref_slice %arg2[%select_n3A, %add3A_3116, %dma_wait3A_3139, %dma_wait3A_3157, %dma_wait3A_3158] : memref<8x96x2x64x64xf32, #tpu.memory_space<hbm>> -> memref<1x1x1x64x64xf32, #tpu.memory_space<hbm>>
    %dma_wait3A_3160 = tpu.memref_squeeze %dma_wait3A_3159 : memref<1x1x1x64x64xf32, #tpu.memory_space<hbm>> -> memref<64x64xf32, #tpu.memory_space<hbm>>
    tpu.wait_dma2 semaphore(%dma_wait3A_3152 : memref<!tpu.dma_semaphore, #tpu.memory_space<semaphore_mem>>) src(%dma_wait3A_3160 : memref<64x64xf32, #tpu.memory_space<hbm>>) dst(%dma_wait3A_3156 : memref<64x64xf32, #tpu.memory_space<vmem>>)
    %add3A_3161 = arith.constant 21 : i32
    %add3A_3162 = arith.addi %mul3A_32, %add3A_3161 : i32
    %mul3A_3163 = arith.constant 2 : i32
    %mul3A_3164 = arith.muli %mul3A_3163, %add3A_3162 : i32
    %dma_start3A_3165 = arith.constant 3 : i32
    %dma_start3A_3166 = arith.constant 3 : i32
    %dma_start3A_3167 = arith.constant 0 : i32
    %dma_start3A_3168 = arith.constant 0 : i32
    %dma_start3A_3169 = arith.constant 0 : i32
    %dma_start3A_3170 = tpu.memref_slice %arg5[%dma_start3A_3165, %dma_start3A_3167, %dma_start3A_3168, %dma_start3A_3169] : memref<6x2x64x64xf32, #tpu.memory_space<vmem>> -> memref<1x2x64x64xf32, #tpu.memory_space<vmem>>
    %dma_start3A_3171 = tpu.memref_squeeze %dma_start3A_3170 : memref<1x2x64x64xf32, #tpu.memory_space<vmem>> -> memref<2x64x64xf32, #tpu.memory_space<vmem>>
    %dma_start3A_3172 = arith.constant 0 : i32
    %dma_start3A_3173 = arith.constant 0 : i32
    %dma_start3A_3174 = tpu.memref_slice %arg4[%select_n3A, %mul3A_3164, %dma_start3A_3172, %dma_start3A_3173] : memref<8x192x64x64xf32, #tpu.memory_space<hbm>> -> memref<1x2x64x64xf32, #tpu.memory_space<hbm>>
    %dma_start3A_3175 = tpu.memref_squeeze %dma_start3A_3174 : memref<1x2x64x64xf32, #tpu.memory_space<hbm>> -> memref<2x64x64xf32, #tpu.memory_space<hbm>>
    %dma_start3A_3176 = tpu.memref_slice %arg7[%dma_start3A_3166] : memref<6x!tpu.dma_semaphore, #tpu.memory_space<semaphore_mem>> -> memref<1x!tpu.dma_semaphore, #tpu.memory_space<semaphore_mem>>
    %dma_start3A_3177 = tpu.memref_squeeze %dma_start3A_3176 : memref<1x!tpu.dma_semaphore, #tpu.memory_space<semaphore_mem>> -> memref<!tpu.dma_semaphore, #tpu.memory_space<semaphore_mem>>
    %dma_start3A_3178 = arith.constant 0 : i32
    %dma_start3A_3179 = arith.constant 0 : i32
    %dma_start3A_3180 = tpu.memref_slice %arg4[%select_n3A, %mul3A_3164, %dma_start3A_3178, %dma_start3A_3179] : memref<8x192x64x64xf32, #tpu.memory_space<hbm>> -> memref<1x2x64x64xf32, #tpu.memory_space<hbm>>
    %dma_start3A_3181 = tpu.memref_squeeze %dma_start3A_3180 : memref<1x2x64x64xf32, #tpu.memory_space<hbm>> -> memref<2x64x64xf32, #tpu.memory_space<hbm>>
    %dma_start3A_3182 = arith.constant 0 : i32
    %dma_start3A_3183 = arith.constant 0 : i32
    %dma_start3A_3184 = arith.constant 0 : i32
    %dma_start3A_3185 = tpu.memref_slice %arg5[%dma_start3A_3165, %dma_start3A_3182, %dma_start3A_3183, %dma_start3A_3184] : memref<6x2x64x64xf32, #tpu.memory_space<vmem>> -> memref<1x2x64x64xf32, #tpu.memory_space<vmem>>
    %dma_start3A_3186 = tpu.memref_squeeze %dma_start3A_3185 : memref<1x2x64x64xf32, #tpu.memory_space<vmem>> -> memref<2x64x64xf32, #tpu.memory_space<vmem>>
    tpu.enqueue_dma source(%dma_start3A_3186 : memref<2x64x64xf32, #tpu.memory_space<vmem>>) target(%dma_start3A_3181 : memref<2x64x64xf32, #tpu.memory_space<hbm>>) target_semaphore(%dma_start3A_3177 : memref<!tpu.dma_semaphore, #tpu.memory_space<semaphore_mem>>)
    %add3A_3187 = arith.constant 22 : i32
    %add3A_3188 = arith.addi %mul3A_32, %add3A_3187 : i32
    %dma_wait3A_3189 = arith.constant 0 : i32
    %dma_wait3A_3190 = arith.constant 4 : i32
    %dma_wait3A_3191 = arith.constant 0 : i32
    %dma_wait3A_3192 = arith.constant 4 : i32
    %dma_wait3A_3193 = arith.constant 0 : i32
    %dma_wait3A_3194 = arith.constant 0 : i32
    %dma_wait3A_3195 = tpu.memref_slice %arg5[%dma_wait3A_3190, %dma_wait3A_3191, %dma_wait3A_3193, %dma_wait3A_3194] : memref<6x2x64x64xf32, #tpu.memory_space<vmem>> -> memref<1x1x64x64xf32, #tpu.memory_space<vmem>>
    %dma_wait3A_3196 = tpu.memref_squeeze %dma_wait3A_3195 : memref<1x1x64x64xf32, #tpu.memory_space<vmem>> -> memref<64x64xf32, #tpu.memory_space<vmem>>
    %dma_wait3A_3197 = arith.constant 0 : i32
    %dma_wait3A_3198 = arith.constant 0 : i32
    %dma_wait3A_3199 = tpu.memref_slice %arg3[%select_n3A, %add3A_3188, %dma_wait3A_3189, %dma_wait3A_3197, %dma_wait3A_3198] : memref<8x96x2x64x64xf32, #tpu.memory_space<hbm>> -> memref<1x1x1x64x64xf32, #tpu.memory_space<hbm>>
    %dma_wait3A_3200 = tpu.memref_squeeze %dma_wait3A_3199 : memref<1x1x1x64x64xf32, #tpu.memory_space<hbm>> -> memref<64x64xf32, #tpu.memory_space<hbm>>
    %dma_wait3A_3201 = tpu.memref_slice %arg6[%dma_wait3A_3192] : memref<6x!tpu.dma_semaphore, #tpu.memory_space<semaphore_mem>> -> memref<1x!tpu.dma_semaphore, #tpu.memory_space<semaphore_mem>>
    %dma_wait3A_3202 = tpu.memref_squeeze %dma_wait3A_3201 : memref<1x!tpu.dma_semaphore, #tpu.memory_space<semaphore_mem>> -> memref<!tpu.dma_semaphore, #tpu.memory_space<semaphore_mem>>
    %dma_wait3A_3203 = arith.constant 0 : i32
    %dma_wait3A_3204 = arith.constant 0 : i32
    %dma_wait3A_3205 = tpu.memref_slice %arg5[%dma_wait3A_3190, %dma_wait3A_3191, %dma_wait3A_3203, %dma_wait3A_3204] : memref<6x2x64x64xf32, #tpu.memory_space<vmem>> -> memref<1x1x64x64xf32, #tpu.memory_space<vmem>>
    %dma_wait3A_3206 = tpu.memref_squeeze %dma_wait3A_3205 : memref<1x1x64x64xf32, #tpu.memory_space<vmem>> -> memref<64x64xf32, #tpu.memory_space<vmem>>
    %dma_wait3A_3207 = arith.constant 0 : i32
    %dma_wait3A_3208 = arith.constant 0 : i32
    %dma_wait3A_3209 = tpu.memref_slice %arg3[%select_n3A, %add3A_3188, %dma_wait3A_3189, %dma_wait3A_3207, %dma_wait3A_3208] : memref<8x96x2x64x64xf32, #tpu.memory_space<hbm>> -> memref<1x1x1x64x64xf32, #tpu.memory_space<hbm>>
    %dma_wait3A_3210 = tpu.memref_squeeze %dma_wait3A_3209 : memref<1x1x1x64x64xf32, #tpu.memory_space<hbm>> -> memref<64x64xf32, #tpu.memory_space<hbm>>
    tpu.wait_dma2 semaphore(%dma_wait3A_3202 : memref<!tpu.dma_semaphore, #tpu.memory_space<semaphore_mem>>) src(%dma_wait3A_3210 : memref<64x64xf32, #tpu.memory_space<hbm>>) dst(%dma_wait3A_3206 : memref<64x64xf32, #tpu.memory_space<vmem>>)
    %dma_wait3A_3211 = arith.constant 1 : i32
    %dma_wait3A_3212 = arith.constant 4 : i32
    %dma_wait3A_3213 = arith.constant 1 : i32
    %dma_wait3A_3214 = arith.constant 4 : i32
    %dma_wait3A_3215 = arith.constant 0 : i32
    %dma_wait3A_3216 = arith.constant 0 : i32
    %dma_wait3A_3217 = tpu.memref_slice %arg5[%dma_wait3A_3212, %dma_wait3A_3213, %dma_wait3A_3215, %dma_wait3A_3216] : memref<6x2x64x64xf32, #tpu.memory_space<vmem>> -> memref<1x1x64x64xf32, #tpu.memory_space<vmem>>
    %dma_wait3A_3218 = tpu.memref_squeeze %dma_wait3A_3217 : memref<1x1x64x64xf32, #tpu.memory_space<vmem>> -> memref<64x64xf32, #tpu.memory_space<vmem>>
    %dma_wait3A_3219 = arith.constant 0 : i32
    %dma_wait3A_3220 = arith.constant 0 : i32
    %dma_wait3A_3221 = tpu.memref_slice %arg2[%select_n3A, %add3A_3188, %dma_wait3A_3211, %dma_wait3A_3219, %dma_wait3A_3220] : memref<8x96x2x64x64xf32, #tpu.memory_space<hbm>> -> memref<1x1x1x64x64xf32, #tpu.memory_space<hbm>>
    %dma_wait3A_3222 = tpu.memref_squeeze %dma_wait3A_3221 : memref<1x1x1x64x64xf32, #tpu.memory_space<hbm>> -> memref<64x64xf32, #tpu.memory_space<hbm>>
    %dma_wait3A_3223 = tpu.memref_slice %arg6[%dma_wait3A_3214] : memref<6x!tpu.dma_semaphore, #tpu.memory_space<semaphore_mem>> -> memref<1x!tpu.dma_semaphore, #tpu.memory_space<semaphore_mem>>
    %dma_wait3A_3224 = tpu.memref_squeeze %dma_wait3A_3223 : memref<1x!tpu.dma_semaphore, #tpu.memory_space<semaphore_mem>> -> memref<!tpu.dma_semaphore, #tpu.memory_space<semaphore_mem>>
    %dma_wait3A_3225 = arith.constant 0 : i32
    %dma_wait3A_3226 = arith.constant 0 : i32
    %dma_wait3A_3227 = tpu.memref_slice %arg5[%dma_wait3A_3212, %dma_wait3A_3213, %dma_wait3A_3225, %dma_wait3A_3226] : memref<6x2x64x64xf32, #tpu.memory_space<vmem>> -> memref<1x1x64x64xf32, #tpu.memory_space<vmem>>
    %dma_wait3A_3228 = tpu.memref_squeeze %dma_wait3A_3227 : memref<1x1x64x64xf32, #tpu.memory_space<vmem>> -> memref<64x64xf32, #tpu.memory_space<vmem>>
    %dma_wait3A_3229 = arith.constant 0 : i32
    %dma_wait3A_3230 = arith.constant 0 : i32
    %dma_wait3A_3231 = tpu.memref_slice %arg2[%select_n3A, %add3A_3188, %dma_wait3A_3211, %dma_wait3A_3229, %dma_wait3A_3230] : memref<8x96x2x64x64xf32, #tpu.memory_space<hbm>> -> memref<1x1x1x64x64xf32, #tpu.memory_space<hbm>>
    %dma_wait3A_3232 = tpu.memref_squeeze %dma_wait3A_3231 : memref<1x1x1x64x64xf32, #tpu.memory_space<hbm>> -> memref<64x64xf32, #tpu.memory_space<hbm>>
    tpu.wait_dma2 semaphore(%dma_wait3A_3224 : memref<!tpu.dma_semaphore, #tpu.memory_space<semaphore_mem>>) src(%dma_wait3A_3232 : memref<64x64xf32, #tpu.memory_space<hbm>>) dst(%dma_wait3A_3228 : memref<64x64xf32, #tpu.memory_space<vmem>>)
    %add3A_3233 = arith.constant 22 : i32
    %add3A_3234 = arith.addi %mul3A_32, %add3A_3233 : i32
    %mul3A_3235 = arith.constant 2 : i32
    %mul3A_3236 = arith.muli %mul3A_3235, %add3A_3234 : i32
    %dma_start3A_3237 = arith.constant 4 : i32
    %dma_start3A_3238 = arith.constant 4 : i32
    %dma_start3A_3239 = arith.constant 0 : i32
    %dma_start3A_3240 = arith.constant 0 : i32
    %dma_start3A_3241 = arith.constant 0 : i32
    %dma_start3A_3242 = tpu.memref_slice %arg5[%dma_start3A_3237, %dma_start3A_3239, %dma_start3A_3240, %dma_start3A_3241] : memref<6x2x64x64xf32, #tpu.memory_space<vmem>> -> memref<1x2x64x64xf32, #tpu.memory_space<vmem>>
    %dma_start3A_3243 = tpu.memref_squeeze %dma_start3A_3242 : memref<1x2x64x64xf32, #tpu.memory_space<vmem>> -> memref<2x64x64xf32, #tpu.memory_space<vmem>>
    %dma_start3A_3244 = arith.constant 0 : i32
    %dma_start3A_3245 = arith.constant 0 : i32
    %dma_start3A_3246 = tpu.memref_slice %arg4[%select_n3A, %mul3A_3236, %dma_start3A_3244, %dma_start3A_3245] : memref<8x192x64x64xf32, #tpu.memory_space<hbm>> -> memref<1x2x64x64xf32, #tpu.memory_space<hbm>>
    %dma_start3A_3247 = tpu.memref_squeeze %dma_start3A_3246 : memref<1x2x64x64xf32, #tpu.memory_space<hbm>> -> memref<2x64x64xf32, #tpu.memory_space<hbm>>
    %dma_start3A_3248 = tpu.memref_slice %arg7[%dma_start3A_3238] : memref<6x!tpu.dma_semaphore, #tpu.memory_space<semaphore_mem>> -> memref<1x!tpu.dma_semaphore, #tpu.memory_space<semaphore_mem>>
    %dma_start3A_3249 = tpu.memref_squeeze %dma_start3A_3248 : memref<1x!tpu.dma_semaphore, #tpu.memory_space<semaphore_mem>> -> memref<!tpu.dma_semaphore, #tpu.memory_space<semaphore_mem>>
    %dma_start3A_3250 = arith.constant 0 : i32
    %dma_start3A_3251 = arith.constant 0 : i32
    %dma_start3A_3252 = tpu.memref_slice %arg4[%select_n3A, %mul3A_3236, %dma_start3A_3250, %dma_start3A_3251] : memref<8x192x64x64xf32, #tpu.memory_space<hbm>> -> memref<1x2x64x64xf32, #tpu.memory_space<hbm>>
    %dma_start3A_3253 = tpu.memref_squeeze %dma_start3A_3252 : memref<1x2x64x64xf32, #tpu.memory_space<hbm>> -> memref<2x64x64xf32, #tpu.memory_space<hbm>>
    %dma_start3A_3254 = arith.constant 0 : i32
    %dma_start3A_3255 = arith.constant 0 : i32
    %dma_start3A_3256 = arith.constant 0 : i32
    %dma_start3A_3257 = tpu.memref_slice %arg5[%dma_start3A_3237, %dma_start3A_3254, %dma_start3A_3255, %dma_start3A_3256] : memref<6x2x64x64xf32, #tpu.memory_space<vmem>> -> memref<1x2x64x64xf32, #tpu.memory_space<vmem>>
    %dma_start3A_3258 = tpu.memref_squeeze %dma_start3A_3257 : memref<1x2x64x64xf32, #tpu.memory_space<vmem>> -> memref<2x64x64xf32, #tpu.memory_space<vmem>>
    tpu.enqueue_dma source(%dma_start3A_3258 : memref<2x64x64xf32, #tpu.memory_space<vmem>>) target(%dma_start3A_3253 : memref<2x64x64xf32, #tpu.memory_space<hbm>>) target_semaphore(%dma_start3A_3249 : memref<!tpu.dma_semaphore, #tpu.memory_space<semaphore_mem>>)
    %add3A_3259 = arith.constant 23 : i32
    %add3A_3260 = arith.addi %mul3A_32, %add3A_3259 : i32
    %dma_wait3A_3261 = arith.constant 0 : i32
    %dma_wait3A_3262 = arith.constant 5 : i32
    %dma_wait3A_3263 = arith.constant 0 : i32
    %dma_wait3A_3264 = arith.constant 5 : i32
    %dma_wait3A_3265 = arith.constant 0 : i32
    %dma_wait3A_3266 = arith.constant 0 : i32
    %dma_wait3A_3267 = tpu.memref_slice %arg5[%dma_wait3A_3262, %dma_wait3A_3263, %dma_wait3A_3265, %dma_wait3A_3266] : memref<6x2x64x64xf32, #tpu.memory_space<vmem>> -> memref<1x1x64x64xf32, #tpu.memory_space<vmem>>
    %dma_wait3A_3268 = tpu.memref_squeeze %dma_wait3A_3267 : memref<1x1x64x64xf32, #tpu.memory_space<vmem>> -> memref<64x64xf32, #tpu.memory_space<vmem>>
    %dma_wait3A_3269 = arith.constant 0 : i32
    %dma_wait3A_3270 = arith.constant 0 : i32
    %dma_wait3A_3271 = tpu.memref_slice %arg3[%select_n3A, %add3A_3260, %dma_wait3A_3261, %dma_wait3A_3269, %dma_wait3A_3270] : memref<8x96x2x64x64xf32, #tpu.memory_space<hbm>> -> memref<1x1x1x64x64xf32, #tpu.memory_space<hbm>>
    %dma_wait3A_3272 = tpu.memref_squeeze %dma_wait3A_3271 : memref<1x1x1x64x64xf32, #tpu.memory_space<hbm>> -> memref<64x64xf32, #tpu.memory_space<hbm>>
    %dma_wait3A_3273 = tpu.memref_slice %arg6[%dma_wait3A_3264] : memref<6x!tpu.dma_semaphore, #tpu.memory_space<semaphore_mem>> -> memref<1x!tpu.dma_semaphore, #tpu.memory_space<semaphore_mem>>
    %dma_wait3A_3274 = tpu.memref_squeeze %dma_wait3A_3273 : memref<1x!tpu.dma_semaphore, #tpu.memory_space<semaphore_mem>> -> memref<!tpu.dma_semaphore, #tpu.memory_space<semaphore_mem>>
    %dma_wait3A_3275 = arith.constant 0 : i32
    %dma_wait3A_3276 = arith.constant 0 : i32
    %dma_wait3A_3277 = tpu.memref_slice %arg5[%dma_wait3A_3262, %dma_wait3A_3263, %dma_wait3A_3275, %dma_wait3A_3276] : memref<6x2x64x64xf32, #tpu.memory_space<vmem>> -> memref<1x1x64x64xf32, #tpu.memory_space<vmem>>
    %dma_wait3A_3278 = tpu.memref_squeeze %dma_wait3A_3277 : memref<1x1x64x64xf32, #tpu.memory_space<vmem>> -> memref<64x64xf32, #tpu.memory_space<vmem>>
    %dma_wait3A_3279 = arith.constant 0 : i32
    %dma_wait3A_3280 = arith.constant 0 : i32
    %dma_wait3A_3281 = tpu.memref_slice %arg3[%select_n3A, %add3A_3260, %dma_wait3A_3261, %dma_wait3A_3279, %dma_wait3A_3280] : memref<8x96x2x64x64xf32, #tpu.memory_space<hbm>> -> memref<1x1x1x64x64xf32, #tpu.memory_space<hbm>>
    %dma_wait3A_3282 = tpu.memref_squeeze %dma_wait3A_3281 : memref<1x1x1x64x64xf32, #tpu.memory_space<hbm>> -> memref<64x64xf32, #tpu.memory_space<hbm>>
    tpu.wait_dma2 semaphore(%dma_wait3A_3274 : memref<!tpu.dma_semaphore, #tpu.memory_space<semaphore_mem>>) src(%dma_wait3A_3282 : memref<64x64xf32, #tpu.memory_space<hbm>>) dst(%dma_wait3A_3278 : memref<64x64xf32, #tpu.memory_space<vmem>>)
    %dma_wait3A_3283 = arith.constant 1 : i32
    %dma_wait3A_3284 = arith.constant 5 : i32
    %dma_wait3A_3285 = arith.constant 1 : i32
    %dma_wait3A_3286 = arith.constant 5 : i32
    %dma_wait3A_3287 = arith.constant 0 : i32
    %dma_wait3A_3288 = arith.constant 0 : i32
    %dma_wait3A_3289 = tpu.memref_slice %arg5[%dma_wait3A_3284, %dma_wait3A_3285, %dma_wait3A_3287, %dma_wait3A_3288] : memref<6x2x64x64xf32, #tpu.memory_space<vmem>> -> memref<1x1x64x64xf32, #tpu.memory_space<vmem>>
    %dma_wait3A_3290 = tpu.memref_squeeze %dma_wait3A_3289 : memref<1x1x64x64xf32, #tpu.memory_space<vmem>> -> memref<64x64xf32, #tpu.memory_space<vmem>>
    %dma_wait3A_3291 = arith.constant 0 : i32
    %dma_wait3A_3292 = arith.constant 0 : i32
    %dma_wait3A_3293 = tpu.memref_slice %arg2[%select_n3A, %add3A_3260, %dma_wait3A_3283, %dma_wait3A_3291, %dma_wait3A_3292] : memref<8x96x2x64x64xf32, #tpu.memory_space<hbm>> -> memref<1x1x1x64x64xf32, #tpu.memory_space<hbm>>
    %dma_wait3A_3294 = tpu.memref_squeeze %dma_wait3A_3293 : memref<1x1x1x64x64xf32, #tpu.memory_space<hbm>> -> memref<64x64xf32, #tpu.memory_space<hbm>>
    %dma_wait3A_3295 = tpu.memref_slice %arg6[%dma_wait3A_3286] : memref<6x!tpu.dma_semaphore, #tpu.memory_space<semaphore_mem>> -> memref<1x!tpu.dma_semaphore, #tpu.memory_space<semaphore_mem>>
    %dma_wait3A_3296 = tpu.memref_squeeze %dma_wait3A_3295 : memref<1x!tpu.dma_semaphore, #tpu.memory_space<semaphore_mem>> -> memref<!tpu.dma_semaphore, #tpu.memory_space<semaphore_mem>>
    %dma_wait3A_3297 = arith.constant 0 : i32
    %dma_wait3A_3298 = arith.constant 0 : i32
    %dma_wait3A_3299 = tpu.memref_slice %arg5[%dma_wait3A_3284, %dma_wait3A_3285, %dma_wait3A_3297, %dma_wait3A_3298] : memref<6x2x64x64xf32, #tpu.memory_space<vmem>> -> memref<1x1x64x64xf32, #tpu.memory_space<vmem>>
    %dma_wait3A_3300 = tpu.memref_squeeze %dma_wait3A_3299 : memref<1x1x64x64xf32, #tpu.memory_space<vmem>> -> memref<64x64xf32, #tpu.memory_space<vmem>>
    %dma_wait3A_3301 = arith.constant 0 : i32
    %dma_wait3A_3302 = arith.constant 0 : i32
    %dma_wait3A_3303 = tpu.memref_slice %arg2[%select_n3A, %add3A_3260, %dma_wait3A_3283, %dma_wait3A_3301, %dma_wait3A_3302] : memref<8x96x2x64x64xf32, #tpu.memory_space<hbm>> -> memref<1x1x1x64x64xf32, #tpu.memory_space<hbm>>
    %dma_wait3A_3304 = tpu.memref_squeeze %dma_wait3A_3303 : memref<1x1x1x64x64xf32, #tpu.memory_space<hbm>> -> memref<64x64xf32, #tpu.memory_space<hbm>>
    tpu.wait_dma2 semaphore(%dma_wait3A_3296 : memref<!tpu.dma_semaphore, #tpu.memory_space<semaphore_mem>>) src(%dma_wait3A_3304 : memref<64x64xf32, #tpu.memory_space<hbm>>) dst(%dma_wait3A_3300 : memref<64x64xf32, #tpu.memory_space<vmem>>)
    %add3A_3305 = arith.constant 23 : i32
    %add3A_3306 = arith.addi %mul3A_32, %add3A_3305 : i32
    %mul3A_3307 = arith.constant 2 : i32
    %mul3A_3308 = arith.muli %mul3A_3307, %add3A_3306 : i32
    %dma_start3A_3309 = arith.constant 5 : i32
    %dma_start3A_3310 = arith.constant 5 : i32
    %dma_start3A_3311 = arith.constant 0 : i32
    %dma_start3A_3312 = arith.constant 0 : i32
    %dma_start3A_3313 = arith.constant 0 : i32
    %dma_start3A_3314 = tpu.memref_slice %arg5[%dma_start3A_3309, %dma_start3A_3311, %dma_start3A_3312, %dma_start3A_3313] : memref<6x2x64x64xf32, #tpu.memory_space<vmem>> -> memref<1x2x64x64xf32, #tpu.memory_space<vmem>>
    %dma_start3A_3315 = tpu.memref_squeeze %dma_start3A_3314 : memref<1x2x64x64xf32, #tpu.memory_space<vmem>> -> memref<2x64x64xf32, #tpu.memory_space<vmem>>
    %dma_start3A_3316 = arith.constant 0 : i32
    %dma_start3A_3317 = arith.constant 0 : i32
    %dma_start3A_3318 = tpu.memref_slice %arg4[%select_n3A, %mul3A_3308, %dma_start3A_3316, %dma_start3A_3317] : memref<8x192x64x64xf32, #tpu.memory_space<hbm>> -> memref<1x2x64x64xf32, #tpu.memory_space<hbm>>
    %dma_start3A_3319 = tpu.memref_squeeze %dma_start3A_3318 : memref<1x2x64x64xf32, #tpu.memory_space<hbm>> -> memref<2x64x64xf32, #tpu.memory_space<hbm>>
    %dma_start3A_3320 = tpu.memref_slice %arg7[%dma_start3A_3310] : memref<6x!tpu.dma_semaphore, #tpu.memory_space<semaphore_mem>> -> memref<1x!tpu.dma_semaphore, #tpu.memory_space<semaphore_mem>>
    %dma_start3A_3321 = tpu.memref_squeeze %dma_start3A_3320 : memref<1x!tpu.dma_semaphore, #tpu.memory_space<semaphore_mem>> -> memref<!tpu.dma_semaphore, #tpu.memory_space<semaphore_mem>>
    %dma_start3A_3322 = arith.constant 0 : i32
    %dma_start3A_3323 = arith.constant 0 : i32
    %dma_start3A_3324 = tpu.memref_slice %arg4[%select_n3A, %mul3A_3308, %dma_start3A_3322, %dma_start3A_3323] : memref<8x192x64x64xf32, #tpu.memory_space<hbm>> -> memref<1x2x64x64xf32, #tpu.memory_space<hbm>>
    %dma_start3A_3325 = tpu.memref_squeeze %dma_start3A_3324 : memref<1x2x64x64xf32, #tpu.memory_space<hbm>> -> memref<2x64x64xf32, #tpu.memory_space<hbm>>
    %dma_start3A_3326 = arith.constant 0 : i32
    %dma_start3A_3327 = arith.constant 0 : i32
    %dma_start3A_3328 = arith.constant 0 : i32
    %dma_start3A_3329 = tpu.memref_slice %arg5[%dma_start3A_3309, %dma_start3A_3326, %dma_start3A_3327, %dma_start3A_3328] : memref<6x2x64x64xf32, #tpu.memory_space<vmem>> -> memref<1x2x64x64xf32, #tpu.memory_space<vmem>>
    %dma_start3A_3330 = tpu.memref_squeeze %dma_start3A_3329 : memref<1x2x64x64xf32, #tpu.memory_space<vmem>> -> memref<2x64x64xf32, #tpu.memory_space<vmem>>
    tpu.enqueue_dma source(%dma_start3A_3330 : memref<2x64x64xf32, #tpu.memory_space<vmem>>) target(%dma_start3A_3325 : memref<2x64x64xf32, #tpu.memory_space<hbm>>) target_semaphore(%dma_start3A_3321 : memref<!tpu.dma_semaphore, #tpu.memory_space<semaphore_mem>>)
    %add3A_3331 = arith.constant 18 : i32
    %add3A_3332 = arith.addi %mul3A_32, %add3A_3331 : i32
    %mul3A_3333 = arith.constant 2 : i32
    %mul3A_3334 = arith.muli %mul3A_3333, %add3A_3332 : i32
    %dma_wait3A_3335 = arith.constant 0 : i32
    %dma_wait3A_3336 = arith.constant 0 : i32
    %dma_wait3A_3337 = arith.constant 0 : i32
    %dma_wait3A_3338 = arith.constant 0 : i32
    %dma_wait3A_3339 = arith.constant 0 : i32
    %dma_wait3A_3340 = tpu.memref_slice %arg5[%dma_wait3A_3335, %dma_wait3A_3337, %dma_wait3A_3338, %dma_wait3A_3339] : memref<6x2x64x64xf32, #tpu.memory_space<vmem>> -> memref<1x2x64x64xf32, #tpu.memory_space<vmem>>
    %dma_wait3A_3341 = tpu.memref_squeeze %dma_wait3A_3340 : memref<1x2x64x64xf32, #tpu.memory_space<vmem>> -> memref<2x64x64xf32, #tpu.memory_space<vmem>>
    %dma_wait3A_3342 = arith.constant 0 : i32
    %dma_wait3A_3343 = arith.constant 0 : i32
    %dma_wait3A_3344 = tpu.memref_slice %arg4[%select_n3A, %mul3A_3334, %dma_wait3A_3342, %dma_wait3A_3343] : memref<8x192x64x64xf32, #tpu.memory_space<hbm>> -> memref<1x2x64x64xf32, #tpu.memory_space<hbm>>
    %dma_wait3A_3345 = tpu.memref_squeeze %dma_wait3A_3344 : memref<1x2x64x64xf32, #tpu.memory_space<hbm>> -> memref<2x64x64xf32, #tpu.memory_space<hbm>>
    %dma_wait3A_3346 = tpu.memref_slice %arg7[%dma_wait3A_3336] : memref<6x!tpu.dma_semaphore, #tpu.memory_space<semaphore_mem>> -> memref<1x!tpu.dma_semaphore, #tpu.memory_space<semaphore_mem>>
    %dma_wait3A_3347 = tpu.memref_squeeze %dma_wait3A_3346 : memref<1x!tpu.dma_semaphore, #tpu.memory_space<semaphore_mem>> -> memref<!tpu.dma_semaphore, #tpu.memory_space<semaphore_mem>>
    %dma_wait3A_3348 = arith.constant 0 : i32
    %dma_wait3A_3349 = arith.constant 0 : i32
    %dma_wait3A_3350 = tpu.memref_slice %arg4[%select_n3A, %mul3A_3334, %dma_wait3A_3348, %dma_wait3A_3349] : memref<8x192x64x64xf32, #tpu.memory_space<hbm>> -> memref<1x2x64x64xf32, #tpu.memory_space<hbm>>
    %dma_wait3A_3351 = tpu.memref_squeeze %dma_wait3A_3350 : memref<1x2x64x64xf32, #tpu.memory_space<hbm>> -> memref<2x64x64xf32, #tpu.memory_space<hbm>>
    %dma_wait3A_3352 = arith.constant 0 : i32
    %dma_wait3A_3353 = arith.constant 0 : i32
    %dma_wait3A_3354 = arith.constant 0 : i32
    %dma_wait3A_3355 = tpu.memref_slice %arg5[%dma_wait3A_3335, %dma_wait3A_3352, %dma_wait3A_3353, %dma_wait3A_3354] : memref<6x2x64x64xf32, #tpu.memory_space<vmem>> -> memref<1x2x64x64xf32, #tpu.memory_space<vmem>>
    %dma_wait3A_3356 = tpu.memref_squeeze %dma_wait3A_3355 : memref<1x2x64x64xf32, #tpu.memory_space<vmem>> -> memref<2x64x64xf32, #tpu.memory_space<vmem>>
    tpu.wait_dma2 semaphore(%dma_wait3A_3347 : memref<!tpu.dma_semaphore, #tpu.memory_space<semaphore_mem>>) src(%dma_wait3A_3356 : memref<2x64x64xf32, #tpu.memory_space<vmem>>) dst(%dma_wait3A_3351 : memref<2x64x64xf32, #tpu.memory_space<hbm>>)
    %add3A_3357 = arith.constant 19 : i32
    %add3A_3358 = arith.addi %mul3A_32, %add3A_3357 : i32
    %mul3A_3359 = arith.constant 2 : i32
    %mul3A_3360 = arith.muli %mul3A_3359, %add3A_3358 : i32
    %dma_wait3A_3361 = arith.constant 1 : i32
    %dma_wait3A_3362 = arith.constant 1 : i32
    %dma_wait3A_3363 = arith.constant 0 : i32
    %dma_wait3A_3364 = arith.constant 0 : i32
    %dma_wait3A_3365 = arith.constant 0 : i32
    %dma_wait3A_3366 = tpu.memref_slice %arg5[%dma_wait3A_3361, %dma_wait3A_3363, %dma_wait3A_3364, %dma_wait3A_3365] : memref<6x2x64x64xf32, #tpu.memory_space<vmem>> -> memref<1x2x64x64xf32, #tpu.memory_space<vmem>>
    %dma_wait3A_3367 = tpu.memref_squeeze %dma_wait3A_3366 : memref<1x2x64x64xf32, #tpu.memory_space<vmem>> -> memref<2x64x64xf32, #tpu.memory_space<vmem>>
    %dma_wait3A_3368 = arith.constant 0 : i32
    %dma_wait3A_3369 = arith.constant 0 : i32
    %dma_wait3A_3370 = tpu.memref_slice %arg4[%select_n3A, %mul3A_3360, %dma_wait3A_3368, %dma_wait3A_3369] : memref<8x192x64x64xf32, #tpu.memory_space<hbm>> -> memref<1x2x64x64xf32, #tpu.memory_space<hbm>>
    %dma_wait3A_3371 = tpu.memref_squeeze %dma_wait3A_3370 : memref<1x2x64x64xf32, #tpu.memory_space<hbm>> -> memref<2x64x64xf32, #tpu.memory_space<hbm>>
    %dma_wait3A_3372 = tpu.memref_slice %arg7[%dma_wait3A_3362] : memref<6x!tpu.dma_semaphore, #tpu.memory_space<semaphore_mem>> -> memref<1x!tpu.dma_semaphore, #tpu.memory_space<semaphore_mem>>
    %dma_wait3A_3373 = tpu.memref_squeeze %dma_wait3A_3372 : memref<1x!tpu.dma_semaphore, #tpu.memory_space<semaphore_mem>> -> memref<!tpu.dma_semaphore, #tpu.memory_space<semaphore_mem>>
    %dma_wait3A_3374 = arith.constant 0 : i32
    %dma_wait3A_3375 = arith.constant 0 : i32
    %dma_wait3A_3376 = tpu.memref_slice %arg4[%select_n3A, %mul3A_3360, %dma_wait3A_3374, %dma_wait3A_3375] : memref<8x192x64x64xf32, #tpu.memory_space<hbm>> -> memref<1x2x64x64xf32, #tpu.memory_space<hbm>>
    %dma_wait3A_3377 = tpu.memref_squeeze %dma_wait3A_3376 : memref<1x2x64x64xf32, #tpu.memory_space<hbm>> -> memref<2x64x64xf32, #tpu.memory_space<hbm>>
    %dma_wait3A_3378 = arith.constant 0 : i32
    %dma_wait3A_3379 = arith.constant 0 : i32
    %dma_wait3A_3380 = arith.constant 0 : i32
    %dma_wait3A_3381 = tpu.memref_slice %arg5[%dma_wait3A_3361, %dma_wait3A_3378, %dma_wait3A_3379, %dma_wait3A_3380] : memref<6x2x64x64xf32, #tpu.memory_space<vmem>> -> memref<1x2x64x64xf32, #tpu.memory_space<vmem>>
    %dma_wait3A_3382 = tpu.memref_squeeze %dma_wait3A_3381 : memref<1x2x64x64xf32, #tpu.memory_space<vmem>> -> memref<2x64x64xf32, #tpu.memory_space<vmem>>
    tpu.wait_dma2 semaphore(%dma_wait3A_3373 : memref<!tpu.dma_semaphore, #tpu.memory_space<semaphore_mem>>) src(%dma_wait3A_3382 : memref<2x64x64xf32, #tpu.memory_space<vmem>>) dst(%dma_wait3A_3377 : memref<2x64x64xf32, #tpu.memory_space<hbm>>)
    %add3A_3383 = arith.constant 20 : i32
    %add3A_3384 = arith.addi %mul3A_32, %add3A_3383 : i32
    %mul3A_3385 = arith.constant 2 : i32
    %mul3A_3386 = arith.muli %mul3A_3385, %add3A_3384 : i32
    %dma_wait3A_3387 = arith.constant 2 : i32
    %dma_wait3A_3388 = arith.constant 2 : i32
    %dma_wait3A_3389 = arith.constant 0 : i32
    %dma_wait3A_3390 = arith.constant 0 : i32
    %dma_wait3A_3391 = arith.constant 0 : i32
    %dma_wait3A_3392 = tpu.memref_slice %arg5[%dma_wait3A_3387, %dma_wait3A_3389, %dma_wait3A_3390, %dma_wait3A_3391] : memref<6x2x64x64xf32, #tpu.memory_space<vmem>> -> memref<1x2x64x64xf32, #tpu.memory_space<vmem>>
    %dma_wait3A_3393 = tpu.memref_squeeze %dma_wait3A_3392 : memref<1x2x64x64xf32, #tpu.memory_space<vmem>> -> memref<2x64x64xf32, #tpu.memory_space<vmem>>
    %dma_wait3A_3394 = arith.constant 0 : i32
    %dma_wait3A_3395 = arith.constant 0 : i32
    %dma_wait3A_3396 = tpu.memref_slice %arg4[%select_n3A, %mul3A_3386, %dma_wait3A_3394, %dma_wait3A_3395] : memref<8x192x64x64xf32, #tpu.memory_space<hbm>> -> memref<1x2x64x64xf32, #tpu.memory_space<hbm>>
    %dma_wait3A_3397 = tpu.memref_squeeze %dma_wait3A_3396 : memref<1x2x64x64xf32, #tpu.memory_space<hbm>> -> memref<2x64x64xf32, #tpu.memory_space<hbm>>
    %dma_wait3A_3398 = tpu.memref_slice %arg7[%dma_wait3A_3388] : memref<6x!tpu.dma_semaphore, #tpu.memory_space<semaphore_mem>> -> memref<1x!tpu.dma_semaphore, #tpu.memory_space<semaphore_mem>>
    %dma_wait3A_3399 = tpu.memref_squeeze %dma_wait3A_3398 : memref<1x!tpu.dma_semaphore, #tpu.memory_space<semaphore_mem>> -> memref<!tpu.dma_semaphore, #tpu.memory_space<semaphore_mem>>
    %dma_wait3A_3400 = arith.constant 0 : i32
    %dma_wait3A_3401 = arith.constant 0 : i32
    %dma_wait3A_3402 = tpu.memref_slice %arg4[%select_n3A, %mul3A_3386, %dma_wait3A_3400, %dma_wait3A_3401] : memref<8x192x64x64xf32, #tpu.memory_space<hbm>> -> memref<1x2x64x64xf32, #tpu.memory_space<hbm>>
    %dma_wait3A_3403 = tpu.memref_squeeze %dma_wait3A_3402 : memref<1x2x64x64xf32, #tpu.memory_space<hbm>> -> memref<2x64x64xf32, #tpu.memory_space<hbm>>
    %dma_wait3A_3404 = arith.constant 0 : i32
    %dma_wait3A_3405 = arith.constant 0 : i32
    %dma_wait3A_3406 = arith.constant 0 : i32
    %dma_wait3A_3407 = tpu.memref_slice %arg5[%dma_wait3A_3387, %dma_wait3A_3404, %dma_wait3A_3405, %dma_wait3A_3406] : memref<6x2x64x64xf32, #tpu.memory_space<vmem>> -> memref<1x2x64x64xf32, #tpu.memory_space<vmem>>
    %dma_wait3A_3408 = tpu.memref_squeeze %dma_wait3A_3407 : memref<1x2x64x64xf32, #tpu.memory_space<vmem>> -> memref<2x64x64xf32, #tpu.memory_space<vmem>>
    tpu.wait_dma2 semaphore(%dma_wait3A_3399 : memref<!tpu.dma_semaphore, #tpu.memory_space<semaphore_mem>>) src(%dma_wait3A_3408 : memref<2x64x64xf32, #tpu.memory_space<vmem>>) dst(%dma_wait3A_3403 : memref<2x64x64xf32, #tpu.memory_space<hbm>>)
    %add3A_3409 = arith.constant 21 : i32
    %add3A_3410 = arith.addi %mul3A_32, %add3A_3409 : i32
    %mul3A_3411 = arith.constant 2 : i32
    %mul3A_3412 = arith.muli %mul3A_3411, %add3A_3410 : i32
    %dma_wait3A_3413 = arith.constant 3 : i32
    %dma_wait3A_3414 = arith.constant 3 : i32
    %dma_wait3A_3415 = arith.constant 0 : i32
    %dma_wait3A_3416 = arith.constant 0 : i32
    %dma_wait3A_3417 = arith.constant 0 : i32
    %dma_wait3A_3418 = tpu.memref_slice %arg5[%dma_wait3A_3413, %dma_wait3A_3415, %dma_wait3A_3416, %dma_wait3A_3417] : memref<6x2x64x64xf32, #tpu.memory_space<vmem>> -> memref<1x2x64x64xf32, #tpu.memory_space<vmem>>
    %dma_wait3A_3419 = tpu.memref_squeeze %dma_wait3A_3418 : memref<1x2x64x64xf32, #tpu.memory_space<vmem>> -> memref<2x64x64xf32, #tpu.memory_space<vmem>>
    %dma_wait3A_3420 = arith.constant 0 : i32
    %dma_wait3A_3421 = arith.constant 0 : i32
    %dma_wait3A_3422 = tpu.memref_slice %arg4[%select_n3A, %mul3A_3412, %dma_wait3A_3420, %dma_wait3A_3421] : memref<8x192x64x64xf32, #tpu.memory_space<hbm>> -> memref<1x2x64x64xf32, #tpu.memory_space<hbm>>
    %dma_wait3A_3423 = tpu.memref_squeeze %dma_wait3A_3422 : memref<1x2x64x64xf32, #tpu.memory_space<hbm>> -> memref<2x64x64xf32, #tpu.memory_space<hbm>>
    %dma_wait3A_3424 = tpu.memref_slice %arg7[%dma_wait3A_3414] : memref<6x!tpu.dma_semaphore, #tpu.memory_space<semaphore_mem>> -> memref<1x!tpu.dma_semaphore, #tpu.memory_space<semaphore_mem>>
    %dma_wait3A_3425 = tpu.memref_squeeze %dma_wait3A_3424 : memref<1x!tpu.dma_semaphore, #tpu.memory_space<semaphore_mem>> -> memref<!tpu.dma_semaphore, #tpu.memory_space<semaphore_mem>>
    %dma_wait3A_3426 = arith.constant 0 : i32
    %dma_wait3A_3427 = arith.constant 0 : i32
    %dma_wait3A_3428 = tpu.memref_slice %arg4[%select_n3A, %mul3A_3412, %dma_wait3A_3426, %dma_wait3A_3427] : memref<8x192x64x64xf32, #tpu.memory_space<hbm>> -> memref<1x2x64x64xf32, #tpu.memory_space<hbm>>
    %dma_wait3A_3429 = tpu.memref_squeeze %dma_wait3A_3428 : memref<1x2x64x64xf32, #tpu.memory_space<hbm>> -> memref<2x64x64xf32, #tpu.memory_space<hbm>>
    %dma_wait3A_3430 = arith.constant 0 : i32
    %dma_wait3A_3431 = arith.constant 0 : i32
    %dma_wait3A_3432 = arith.constant 0 : i32
    %dma_wait3A_3433 = tpu.memref_slice %arg5[%dma_wait3A_3413, %dma_wait3A_3430, %dma_wait3A_3431, %dma_wait3A_3432] : memref<6x2x64x64xf32, #tpu.memory_space<vmem>> -> memref<1x2x64x64xf32, #tpu.memory_space<vmem>>
    %dma_wait3A_3434 = tpu.memref_squeeze %dma_wait3A_3433 : memref<1x2x64x64xf32, #tpu.memory_space<vmem>> -> memref<2x64x64xf32, #tpu.memory_space<vmem>>
    tpu.wait_dma2 semaphore(%dma_wait3A_3425 : memref<!tpu.dma_semaphore, #tpu.memory_space<semaphore_mem>>) src(%dma_wait3A_3434 : memref<2x64x64xf32, #tpu.memory_space<vmem>>) dst(%dma_wait3A_3429 : memref<2x64x64xf32, #tpu.memory_space<hbm>>)
    %add3A_3435 = arith.constant 22 : i32
    %add3A_3436 = arith.addi %mul3A_32, %add3A_3435 : i32
    %mul3A_3437 = arith.constant 2 : i32
    %mul3A_3438 = arith.muli %mul3A_3437, %add3A_3436 : i32
    %dma_wait3A_3439 = arith.constant 4 : i32
    %dma_wait3A_3440 = arith.constant 4 : i32
    %dma_wait3A_3441 = arith.constant 0 : i32
    %dma_wait3A_3442 = arith.constant 0 : i32
    %dma_wait3A_3443 = arith.constant 0 : i32
    %dma_wait3A_3444 = tpu.memref_slice %arg5[%dma_wait3A_3439, %dma_wait3A_3441, %dma_wait3A_3442, %dma_wait3A_3443] : memref<6x2x64x64xf32, #tpu.memory_space<vmem>> -> memref<1x2x64x64xf32, #tpu.memory_space<vmem>>
    %dma_wait3A_3445 = tpu.memref_squeeze %dma_wait3A_3444 : memref<1x2x64x64xf32, #tpu.memory_space<vmem>> -> memref<2x64x64xf32, #tpu.memory_space<vmem>>
    %dma_wait3A_3446 = arith.constant 0 : i32
    %dma_wait3A_3447 = arith.constant 0 : i32
    %dma_wait3A_3448 = tpu.memref_slice %arg4[%select_n3A, %mul3A_3438, %dma_wait3A_3446, %dma_wait3A_3447] : memref<8x192x64x64xf32, #tpu.memory_space<hbm>> -> memref<1x2x64x64xf32, #tpu.memory_space<hbm>>
    %dma_wait3A_3449 = tpu.memref_squeeze %dma_wait3A_3448 : memref<1x2x64x64xf32, #tpu.memory_space<hbm>> -> memref<2x64x64xf32, #tpu.memory_space<hbm>>
    %dma_wait3A_3450 = tpu.memref_slice %arg7[%dma_wait3A_3440] : memref<6x!tpu.dma_semaphore, #tpu.memory_space<semaphore_mem>> -> memref<1x!tpu.dma_semaphore, #tpu.memory_space<semaphore_mem>>
    %dma_wait3A_3451 = tpu.memref_squeeze %dma_wait3A_3450 : memref<1x!tpu.dma_semaphore, #tpu.memory_space<semaphore_mem>> -> memref<!tpu.dma_semaphore, #tpu.memory_space<semaphore_mem>>
    %dma_wait3A_3452 = arith.constant 0 : i32
    %dma_wait3A_3453 = arith.constant 0 : i32
    %dma_wait3A_3454 = tpu.memref_slice %arg4[%select_n3A, %mul3A_3438, %dma_wait3A_3452, %dma_wait3A_3453] : memref<8x192x64x64xf32, #tpu.memory_space<hbm>> -> memref<1x2x64x64xf32, #tpu.memory_space<hbm>>
    %dma_wait3A_3455 = tpu.memref_squeeze %dma_wait3A_3454 : memref<1x2x64x64xf32, #tpu.memory_space<hbm>> -> memref<2x64x64xf32, #tpu.memory_space<hbm>>
    %dma_wait3A_3456 = arith.constant 0 : i32
    %dma_wait3A_3457 = arith.constant 0 : i32
    %dma_wait3A_3458 = arith.constant 0 : i32
    %dma_wait3A_3459 = tpu.memref_slice %arg5[%dma_wait3A_3439, %dma_wait3A_3456, %dma_wait3A_3457, %dma_wait3A_3458] : memref<6x2x64x64xf32, #tpu.memory_space<vmem>> -> memref<1x2x64x64xf32, #tpu.memory_space<vmem>>
    %dma_wait3A_3460 = tpu.memref_squeeze %dma_wait3A_3459 : memref<1x2x64x64xf32, #tpu.memory_space<vmem>> -> memref<2x64x64xf32, #tpu.memory_space<vmem>>
    tpu.wait_dma2 semaphore(%dma_wait3A_3451 : memref<!tpu.dma_semaphore, #tpu.memory_space<semaphore_mem>>) src(%dma_wait3A_3460 : memref<2x64x64xf32, #tpu.memory_space<vmem>>) dst(%dma_wait3A_3455 : memref<2x64x64xf32, #tpu.memory_space<hbm>>)
    %add3A_3461 = arith.constant 23 : i32
    %add3A_3462 = arith.addi %mul3A_32, %add3A_3461 : i32
    %mul3A_3463 = arith.constant 2 : i32
    %mul3A_3464 = arith.muli %mul3A_3463, %add3A_3462 : i32
    %dma_wait3A_3465 = arith.constant 5 : i32
    %dma_wait3A_3466 = arith.constant 5 : i32
    %dma_wait3A_3467 = arith.constant 0 : i32
    %dma_wait3A_3468 = arith.constant 0 : i32
    %dma_wait3A_3469 = arith.constant 0 : i32
    %dma_wait3A_3470 = tpu.memref_slice %arg5[%dma_wait3A_3465, %dma_wait3A_3467, %dma_wait3A_3468, %dma_wait3A_3469] : memref<6x2x64x64xf32, #tpu.memory_space<vmem>> -> memref<1x2x64x64xf32, #tpu.memory_space<vmem>>
    %dma_wait3A_3471 = tpu.memref_squeeze %dma_wait3A_3470 : memref<1x2x64x64xf32, #tpu.memory_space<vmem>> -> memref<2x64x64xf32, #tpu.memory_space<vmem>>
    %dma_wait3A_3472 = arith.constant 0 : i32
    %dma_wait3A_3473 = arith.constant 0 : i32
    %dma_wait3A_3474 = tpu.memref_slice %arg4[%select_n3A, %mul3A_3464, %dma_wait3A_3472, %dma_wait3A_3473] : memref<8x192x64x64xf32, #tpu.memory_space<hbm>> -> memref<1x2x64x64xf32, #tpu.memory_space<hbm>>
    %dma_wait3A_3475 = tpu.memref_squeeze %dma_wait3A_3474 : memref<1x2x64x64xf32, #tpu.memory_space<hbm>> -> memref<2x64x64xf32, #tpu.memory_space<hbm>>
    %dma_wait3A_3476 = tpu.memref_slice %arg7[%dma_wait3A_3466] : memref<6x!tpu.dma_semaphore, #tpu.memory_space<semaphore_mem>> -> memref<1x!tpu.dma_semaphore, #tpu.memory_space<semaphore_mem>>
    %dma_wait3A_3477 = tpu.memref_squeeze %dma_wait3A_3476 : memref<1x!tpu.dma_semaphore, #tpu.memory_space<semaphore_mem>> -> memref<!tpu.dma_semaphore, #tpu.memory_space<semaphore_mem>>
    %dma_wait3A_3478 = arith.constant 0 : i32
    %dma_wait3A_3479 = arith.constant 0 : i32
    %dma_wait3A_3480 = tpu.memref_slice %arg4[%select_n3A, %mul3A_3464, %dma_wait3A_3478, %dma_wait3A_3479] : memref<8x192x64x64xf32, #tpu.memory_space<hbm>> -> memref<1x2x64x64xf32, #tpu.memory_space<hbm>>
    %dma_wait3A_3481 = tpu.memref_squeeze %dma_wait3A_3480 : memref<1x2x64x64xf32, #tpu.memory_space<hbm>> -> memref<2x64x64xf32, #tpu.memory_space<hbm>>
    %dma_wait3A_3482 = arith.constant 0 : i32
    %dma_wait3A_3483 = arith.constant 0 : i32
    %dma_wait3A_3484 = arith.constant 0 : i32
    %dma_wait3A_3485 = tpu.memref_slice %arg5[%dma_wait3A_3465, %dma_wait3A_3482, %dma_wait3A_3483, %dma_wait3A_3484] : memref<6x2x64x64xf32, #tpu.memory_space<vmem>> -> memref<1x2x64x64xf32, #tpu.memory_space<vmem>>
    %dma_wait3A_3486 = tpu.memref_squeeze %dma_wait3A_3485 : memref<1x2x64x64xf32, #tpu.memory_space<vmem>> -> memref<2x64x64xf32, #tpu.memory_space<vmem>>
    tpu.wait_dma2 semaphore(%dma_wait3A_3477 : memref<!tpu.dma_semaphore, #tpu.memory_space<semaphore_mem>>) src(%dma_wait3A_3486 : memref<2x64x64xf32, #tpu.memory_space<vmem>>) dst(%dma_wait3A_3481 : memref<2x64x64xf32, #tpu.memory_space<hbm>>)
    return
  }
}

module attributes {stable_mosaic.version = 14 : i64} {
  func.func @_tc_out2_body(%arg0: i32, %arg1: i32, %arg2: memref<1x16x1x64x64xf32, #tpu.memory_space<vmem>>, %arg3: memref<1x16x1x64x64xf32, #tpu.memory_space<vmem>>, %arg4: memref<1x32x64x64xf32, #tpu.memory_space<vmem>>) attributes {dimension_semantics = [#tpu.dimension_semantics<arbitrary>, #tpu.dimension_semantics<arbitrary>], iteration_bounds = array<i64: 8, 6>, scalar_prefetch = 0 : i64, scratch_operands = 0 : i64, tpu.core_type = #tpu.core_type<tc>, window_params = [{transform_indices = @transform_0, window_bounds = array<i64: 1, 16, 1, 64, 64>}, {transform_indices = @transform_1, window_bounds = array<i64: 1, 16, 1, 64, 64>}, {transform_indices = @transform_2, window_bounds = array<i64: 1, 32, 64, 64>}]} {
    %get3A = arith.constant 0 : index
    %get3A_0 = arith.constant 0 : index
    %get3A_1 = arith.constant 0 : index
    %get3A_2 = arith.constant 0 : index
    %get3A_3 = arith.constant 0 : index
    %get3A_4 = vector.load %arg2[%get3A, %get3A_0, %get3A_1, %get3A_2, %get3A_3] : memref<1x16x1x64x64xf32, #tpu.memory_space<vmem>>, vector<1x16x1x64x64xf32>
    %get3A_5 = arith.constant 0 : index
    %get3A_6 = arith.constant 0 : index
    %get3A_7 = arith.constant 0 : index
    %get3A_8 = arith.constant 0 : index
    %get3A_9 = arith.constant 0 : index
    %get3A_10 = vector.load %arg3[%get3A_5, %get3A_6, %get3A_7, %get3A_8, %get3A_9] : memref<1x16x1x64x64xf32, #tpu.memory_space<vmem>>, vector<1x16x1x64x64xf32>
    %concatenate3A = tpu.concatenate %get3A_4, %get3A_10 in 2 : vector<1x16x1x64x64xf32>, vector<1x16x1x64x64xf32> -> vector<1x16x2x64x64xf32>
    %reshape3A = vector.shape_cast %concatenate3A : vector<1x16x2x64x64xf32> to vector<1x32x64x64xf32>
    %swap3A = arith.constant 0 : index
    %swap3A_11 = arith.constant 0 : index
    %swap3A_12 = arith.constant 0 : index
    %swap3A_13 = arith.constant 0 : index
    %swap3A_14 = vector.load %arg4[%swap3A, %swap3A_11, %swap3A_12, %swap3A_13] : memref<1x32x64x64xf32, #tpu.memory_space<vmem>>, vector<1x32x64x64xf32>
    tpu.vector_store %arg4[%swap3A, %swap3A_11, %swap3A_12, %swap3A_13], %reshape3A {strides = array<i32>} : memref<1x32x64x64xf32, #tpu.memory_space<vmem>>, vector<1x32x64x64xf32>,
    return
  }
  func.func @transform_0(%arg0: i32, %arg1: i32) -> (i32, i32, i32, i32, i32) {
    %c0_i32 = arith.constant 0 : i32
    %c0_i32_0 = arith.constant 0 : i32
    %c0_i32_1 = arith.constant 0 : i32
    %c0_i32_2 = arith.constant 0 : i32
    return %arg0, %arg1, %c0_i32, %c0_i32_0, %c0_i32_1 : i32, i32, i32, i32, i32
  }
  func.func @transform_1(%arg0: i32, %arg1: i32) -> (i32, i32, i32, i32, i32) {
    %c1_i32 = arith.constant 1 : i32
    %c0_i32 = arith.constant 0 : i32
    %c0_i32_0 = arith.constant 0 : i32
    %c0_i32_1 = arith.constant 0 : i32
    return %arg0, %arg1, %c1_i32, %c0_i32, %c0_i32_0 : i32, i32, i32, i32, i32
  }
  func.func @transform_2(%arg0: i32, %arg1: i32) -> (i32, i32, i32, i32) {
    %c0_i32 = arith.constant 0 : i32
    %c0_i32_0 = arith.constant 0 : i32
    %c0_i32_1 = arith.constant 0 : i32
    return %arg0, %arg1, %c0_i32, %c0_i32_0 : i32, i32, i32, i32
  }
}

</mosaic_0001>

<sc_bundles>
// kernel: kernel.4.cloned.1.call-start
scs
__scs_entry_jumppad:
0x0: {  	(pc) =	sbr.rel $0x88, $3  }
0x1: {  	(tag) =	ssettag $0x0;
	lr =	simm.s32 $0x1  }
0x2: {  	[smem:$0x3F9F] =	sst lr;
	_ =	strace $0xD0000000  }
0x3: {  	_ = 	snop  }
0x4: {  	_ = 	snop  }
0x5: {  	_ = 	snop  }
0x6: {  	_ = 	snop  }
0x7: {  	_ = 	snop  }
__scs_overlays_trampoline_lowered:
0x8: {  	[smem:$0x3FAE] =	sst s0  }
0x9: {  	[smem:$0x3FAF] =	sst s1  }
0xa: {  	[smem:$0x3FB0] =	sst s2  }
0xb: {  	[smem:$0x3FB1] =	sst s3  }
0xc: {  	[smem:$0x3FB2] =	sst s4  }
0xd: {  	[smem:$0x3FB3] =	sst s5  }
0xe: {  	[smem:$0x3FB4] =	sst s6  }
0xf: {  	[smem:$0x3FB5] =	sst s7  }
0x10: {  	[smem:$0x3FB6] =	sst s8  }
0x11: {  	[smem:$0x3FB7] =	sst s9;
	s0 =	simm.s32 @!p0 $0x0  }
0x12: {  	s1 =	sld [smem:$0x3F9D];
	s0 =	simm.s32 @p0 $0x1  }
0x13: {  	[smem:$0x3FB8] =	sst s0;
	s0 =	simm.s32 @!p1 $0x0  }
0x14: {  	s2 =	sld [smem:$0x3F9C];
	s0 =	simm.s32 @p1 $0x1  }
0x15: {  	[smem:$0x3FB9] =	sst s0;
	s0 =	simm.s32 @!p2 $0x0  }
0x16: {  	s3 =	sld [smem:$0x3FDB];
	s0 =	simm.s32 @p2 $0x1  }
0x17: {  	s4 =	simm.s32 $0x1BF5;
	[smem:$0x3FBB] =	sst s0  }
0x18: {  	s0 =	sld [smem:$0x3F9E];
	_ =	swait.ge [sflag:s4], $0x0  }
0x19: {  	s7 =	sld [smem:$0x3F9F]  }
0x1a: {  	s8 =	sadd.s32 $0xFFFFE003, lr  }
0x1b: {  	s9 =	sadd.s32 $0xFFFFFEF7, lr;
	s5 =	simm.s32 $0xFFFFFFFF;
	p2 =	slt.u32 s8, $0xFFFFF086  }
0x1c: {  	p1 =	slt.u32 s9, $0xF7A;
	s5 =	simm.s32 @!p2 $0x0  }
0x1d: {  	s5 =	simm.s32 @p1 $0x1;
	p0 =	seq.s32 s7, s2  }
0x1e: {  	s7 =	smul.u32 @!p0 $0xF7A, s2;
	p2 =	seq.s32 @!p0 s5, $0x0  }
0x1f: {  	s9 =	smul.u32 $0xF7A, s1;
	s8 =	simm.s32 @!p0 $0x1BF5;
	p2 =	por !p2, p0  }
0x20: {  	[sflag:s8] =	ssyncset.s32 @!p0 $0xFFFFF086;
	s6 =	sadd.s32 @!p0 s3, s7;
	s7 =	simm.s32 @!p0 $0x108  }
0x21: {  	s3 =	sadd.s32 s3, s9;
	s6 =	sadd.s32 @!p0 $0x88, s6;
	s7 =	simm.s32 @p2 $0x1082  }
0x22: {  	[simem:s7], [sflag:s8] =	dma.local @!p0 [hbm:s6], $0xF7A  }
0x23: {  	s9 =	sor.u32 $0xD0000000, s2;
	s6 =	simm.s32 $0x108;
	_ =	swait.ge @!p0 [sflag:s8], $0x0  }
0x24: {  	s3 =	sadd.s32 $0x88, s3;
	s6 =	simm.s32 @!p1 $0x1082;
	[sflag:s4] =	ssyncset.s32 $0xFFFFF086  }
0x25: {  	[simem:s6], [sflag:s4] =	dma.local [hbm:s3], $0xF7A  }
0x26: {  	[smem:$0x3F9F] =	sst s1;
	(tag) =	ssettag s2;
	_ =	strace s9  }
0x27: {  	s1 =	sld [smem:$0x3FAF]  }
0x28: {  	s2 =	sld [smem:$0x3FB0]  }
0x29: {  	s4 =	sld [smem:$0x3FB2]  }
0x2a: {  	p0 =	seq.s32 s5, $0x0;
	s5 =	sld [smem:$0x3FB3]  }
0x2b: {  	s6 =	sld [smem:$0x3FB4]  }
0x2c: {  	s7 =	sld [smem:$0x3FB5]  }
0x2d: {  	s3 =	simm.s32 $0x108;
	s8 =	sld [smem:$0x3FB6]  }
0x2e: {  	s3 =	simm.s32 @!p0 $0x1082;
	s9 =	sld [smem:$0x3FB7]  }
0x2f: {  	lr =	sadd.s32 s0, s3;
	s0 =	sld [smem:$0x3FAE]  }
0x30: {  	s3 =	sld [smem:$0x3FB1]  }
0x31: {  	[smem:$0x3FBA] =	sst s10  }
0x32: {  	s10 =	sld [smem:$0x3FB8];
	_ =	sdelay $0x3  }
0x33: {  	p0 =	seq.s32 s10, $0x1;
	s10 =	sld [smem:$0x3FBA];
	_ =	sdelay $0x3  }
0x34: {  	[smem:$0x3FBA] =	sst s10  }
0x35: {  	s10 =	sld [smem:$0x3FB9];
	_ =	sdelay $0x3  }
0x36: {  	p1 =	seq.s32 s10, $0x1;
	s10 =	sld [smem:$0x3FBA];
	_ =	sdelay $0x3  }
0x37: {  	[smem:$0x3FBA] =	sst s10  }
0x38: {  	s10 =	sld [smem:$0x3FBB]  }
0x39: {  	_ = 	snop;
	(pc) =	sbr.ind lr, $3  }
0x3a: {  	_ = 	snop  }
0x3b: {  	_ = 	snop  }
0x3c: {  	p2 =	seq.s32 s10, $0x1;
	s10 =	sld [smem:$0x3FBA]  }
0x3d: {  	_ =	shalt  }
0x3e: {  	_ =	shalt  }
0x3f: {  	_ =	shalt  }
0x40: {  	_ =	shalt  }
0x41: {  	_ =	shalt  }
0x42: {  	_ =	shalt  }
0x43: {  	_ =	shalt  }
0x44: {  	_ =	shalt  }
0x45: {  	_ =	shalt  }
0x46: {  	_ =	shalt  }
0x47: {  	_ =	shalt  }
0x48: {  	_ =	shalt  }
0x49: {  	_ =	shalt  }
0x4a: {  	_ =	shalt  }
0x4b: {  	_ =	shalt  }
0x4c: {  	_ =	shalt  }
0x4d: {  	_ =	shalt  }
0x4e: {  	_ =	shalt  }
0x4f: {  	_ =	shalt  }
0x50: {  	_ =	shalt  }
0x51: {  	_ =	shalt  }
0x52: {  	_ =	shalt  }
0x53: {  	_ =	shalt  }
0x54: {  	_ =	shalt  }
0x55: {  	_ =	shalt  }
0x56: {  	_ =	shalt  }
0x57: {  	_ =	shalt  }
0x58: {  	_ =	shalt  }
0x59: {  	_ =	shalt  }
0x5a: {  	_ =	shalt  }
0x5b: {  	_ =	shalt  }
0x5c: {  	_ =	shalt  }
0x5d: {  	_ =	shalt  }
0x5e: {  	_ =	shalt  }
0x5f: {  	_ =	shalt  }
0x60: {  	_ =	shalt  }
0x61: {  	_ =	shalt  }
0x62: {  	_ =	shalt  }
0x63: {  	_ =	shalt  }
0x64: {  	_ =	shalt  }
0x65: {  	_ =	shalt  }
0x66: {  	_ =	shalt  }
0x67: {  	_ =	shalt  }
0x68: {  	_ =	shalt  }
0x69: {  	_ =	shalt  }
0x6a: {  	_ =	shalt  }
0x6b: {  	_ =	shalt  }
0x6c: {  	_ =	shalt  }
0x6d: {  	_ =	shalt  }
0x6e: {  	_ =	shalt  }
0x6f: {  	_ =	shalt  }
0x70: {  	_ =	shalt  }
0x71: {  	_ =	shalt  }
0x72: {  	_ =	shalt  }
0x73: {  	_ =	shalt  }
0x74: {  	_ =	shalt  }
0x75: {  	_ =	shalt  }
0x76: {  	_ =	shalt  }
0x77: {  	_ =	shalt  }
0x78: {  	_ =	shalt  }
0x79: {  	_ =	shalt  }
0x7a: {  	_ =	shalt  }
0x7b: {  	_ =	shalt  }
0x7c: {  	_ =	shalt  }
0x7d: {  	_ =	shalt  }
0x7e: {  	_ =	shalt  }
0x7f: {  	_ =	shalt  }
0x80: {  	_ =	shalt  }
0x81: {  	_ =	shalt  }
0x82: {  	_ =	shalt  }
0x83: {  	_ =	shalt  }
0x84: {  	_ =	shalt  }
0x85: {  	_ =	shalt  }
0x86: {  	_ =	shalt  }
0x87: {  	_ =	shalt  }
.Lfunc_end0:
.L_simem_size_0:
called_computation_lowered:
.L_overlay_start_0:
0x88: {  	s2 =	sld [smem:$0x3FD9]  }
0x89: {  	s3 =	sld [smem:$0x3FFE];
	_ =	sdelay $0x1  }
0x8a: {  	s1 =	srdreg.scid  }
0x8b: {  	s0 =	sand.u32 $0x1, s1  }
0x8c: {  	s16 =	sshll.u32 s0, $0xA;
	s2 =	sadd.s32 s3, s2  }
0x8d: {  	s2 =	sadd.s32 s2, s16  }
0x8e: {  	[smem:$0x3FC6] =	sst s2  }
0x8f: {  	_ = 	snop  }
0x90: {  	(tm) =	ssettm $0x1  }
0x91: {  	s17 =	sld [smem:$0x3FFB];
	_ =	sdelay $0x3  }
0x92: {  	_ =	strace s17  }
0x93: {  	s2 =	sld [smem:$0x3FFC];
	_ =	sdelay $0x3  }
0x94: {  	_ =	strace s2  }
0x95: {  	s2 =	sld [smem:$0x3FFD];
	_ =	sdelay $0x3  }
0x96: {  	_ =	strace s2  }
0x97: {  	_ =	strace $0x8FFFFFFF  }
0x98: {  	s18 =	sld [smem:$0x3FDB];
	_ =	sdelay $0x1  }
0x99: {  	s19 =	simm.s32 $_scs_section_size  }
0x9a: {  	s4 =	simm.s32 $_size__tile_overlayer_lowered;
	s5 =	simm.s32 $_tile_overlayer_lowered  }
0x9b: {  	s22 =	simm.s32 $0x1BFF;
	s21 =	sshll.u32 s5, $0x1;
	s2 =	sadd.s32 s19, s18  }
0x9c: {  	s6 =	simm.s32 $0x0;
	s20 =	sshll.u32 s4, $0x1;
	s4 =	sadd.s32 s21, s2  }
0x9d: {  	[timem:s6], [sflag:s22] =	dma.local [hbm:s4], s20  }
0x9e: {  	_ =	swait.ge [sflag:s22], s20  }
0x9f: {  	s3 =	ssub.s32 $0x0, s20;
	[sflag:s22] =	ssyncset.done $0x0  }
0xa0: {  	[sflag:s22] =	ssyncadd.s32 s3;
	_ =	sdelay $0x1  }
0xa1: {  	s23 =	simm.s32 $0x1B8B  }
0xa2: {  	_ =	swait.ge [sflag:s23], $0x1  }
0xa3: {  	[sflag:s23] =	ssyncset.done $0x0  }
0xa4: {  	s25 =	simm.s32 $0x1B8E;
	s24 =	sld [smem:$0x3FFE];
	[sflag:s23] =	ssyncadd.s32 $0xFFFFFFFF  }
0xa5: {  	s26 =	simm.s32 $execute0_lowered;
	[smem:$0x3FD2] =	sst s25  }
0xa6: {  	s4 =	sshll.u32 s26, $0x1;
	_ =	strace $0x80000046;
	[dreg:$0x1] =	wrdreg $0xFFFFFFFF  }
0xa7: {  	s28 =	simm.s32 $_size_execute0_lowered;
	s2 =	sadd.s32 s2, s4;
	[dreg:$0x0] =	wrdreg $0x0  }
0xa8: {  	s4 =	sshll.u32 s28, $0x1;
	[dreg:$0x2] =	wrdreg s2  }
0xa9: {  	[dreg:$0x3] =	wrdreg s4  }
0xaa: {  	[dreg:$0x4] =	wrdreg $0xC0  }
0xab: {  	_ =	task [dreg:s6], $0x5FFFF  }
0xac: {  	[dreg:$0x1] =	wrdreg $0xFFFFFFFF  }
0xad: {  	[dreg:$0x0] =	wrdreg $0x60  }
0xae: {  	[dreg:$0x2] =	wrdreg s24  }
0xaf: {  	[dreg:$0x3] =	wrdreg $0x9  }
0xb0: {  	_ =	task.clear_ibuf [dreg:s6], $0x4FFFF;
	_ =	strace $0x90000046  }
0xb1: {  	s29 =	simm.s32 $0x9;
	_ =	strace $0x80000048  }
0xb2: {  	_ =	swait.ge [sflag:s29], $0x1  }
0xb3: {  	[sflag:s29] =	ssyncadd.s32 $0xFFFFFFFF  }
0xb4: {  	_ =	strace $0x90000048  }
0xb5: {  	_ =	sfence  }
0xb6: {  	s30 =	sld [smem:$0x0];
	_ =	sdelay $0x2  }
0xb7: {  	s31 =	sshll.u32 s1, $0xD;
	s1 =	sshrl.u32 s1, $0x2  }
0xb8: {  	s3 =	sand.u32 $0x4000, s31;
	s1 =	sadd.s32 s1, s30  }
0xb9: {  	s0 =	sor.u32 s3, s0;
	s1 =	sshll.u32 s1, $0x11  }
0xba: {  	s0 =	sor.u32 s1, s0  }
0xbb: {  	s0 =	sadd.s32 $0x8F2B, s0  }
0xbc: {  	[sflag:s0] =	ssyncadd.remote.s32 $0x1  }
0xbd: {  	_ =	sfence.sel $0xFFFF  }
0xbe: {  	[dreg:$0x0] =	wrdreg $0xFFFFFFFF;
	(pc) =	sbr.abs _section_cstart, $3  }
0xbf: {  	[dreg:$0x1] =	wrdreg $0xFFFFFFFF  }
0xc0: {  	_ =	task.clear_ibuf [dreg:s6], $0x2FFFF;
	_ =	strace $0x9FFFFFFF  }
0xc1: {  	(tm) =	ssettm $0x7FFFFFFF  }
tec
execute0_lowered:
.L_overlay_start_1:
0x0: {  	(tag) =	ssettag $0x1  }
0x1: {  	s2 =	stileid.u32  }
0x2: {  	s0 =	srdreg.scid;
	s1 =	sshll.u32 s2, $0x1  }
0x3: {  	s3 =	sand.u32 $0x1, s0;
	s15 =	sshrl.u32 s2, $0x1;
	s1 =	sand.u32 $0x2, s1  }
0x4: {  	s0 =	smul.u32 $0x180000, s15;
	s1 =	sor.u32 s3, s1  }
0x5: {  	s1 =	smul.u32 $0x60000, s1  }
0x6: {  	s6 =	rddreg [dreg:$0x0]  }
0x7: {  	s2 =	simm.s32 $0x0;
	s5 =	sadd.s32 $0x800, s6;
	s4 =	sadd.s32 s0, s1  }
0x8: {  	[smem:$0x7FF] =	sst s2;
	s1 =	sadd.s32 $0x180400, s6;
	s0 =	sshrl.u32 s4, $0x3  }
0x9: {  	_ =	strace $0x80000047;
	s6 =	sadd.s32 $0x300400, s6;
	s7 =	sadd.s32 s1, s0  }
0xa: {  	s8 =	sor.u32 $0x4000, s4;
	s16 =	sadd.s32 s0, s5;
	[dreg:$0x2] =	wrdreg s7  }
0xb: {  	s8 =	sshrl.u32 s8, $0x3;
	s0 =	sadd.s32 s6, s0;
	[dreg:$0x3] =	wrdreg s16  }
0xc: {  	s9 =	sor.u32 $0x8000, s4;
	s17 =	sadd.s32 s1, s8;
	[dreg:$0xe] =	wrdreg s0  }
0xd: {  	s9 =	sshrl.u32 s9, $0x3;
	s18 =	sadd.s32 s8, s5;
	[dreg:$0x4] =	wrdreg s17  }
0xe: {  	s10 =	sor.u32 $0xC000, s4;
	s19 =	sadd.s32 s1, s9;
	[dreg:$0x5] =	wrdreg s18  }
0xf: {  	s10 =	sshrl.u32 s10, $0x3;
	s20 =	sadd.s32 s9, s5;
	[dreg:$0x6] =	wrdreg s19  }
0x10: {  	s11 =	sor.u32 $0x10000, s4;
	s21 =	sadd.s32 s1, s10;
	[dreg:$0x7] =	wrdreg s20  }
0x11: {  	s11 =	sshrl.u32 s11, $0x3;
	s22 =	sadd.s32 s10, s5;
	[dreg:$0x8] =	wrdreg s21  }
0x12: {  	s12 =	sor.u32 $0x14000, s4;
	s23 =	sadd.s32 s1, s11;
	[dreg:$0x9] =	wrdreg s22  }
0x13: {  	s12 =	sshrl.u32 s12, $0x3;
	s24 =	sadd.s32 s11, s5;
	[dreg:$0xa] =	wrdreg s23  }
0x14: {  	s25 =	sadd.s32 s1, s12;
	[dreg:$0xb] =	wrdreg s24  }
0x15: {  	s26 =	sadd.s32 s12, s5;
	[dreg:$0xc] =	wrdreg s25  }
0x16: {  	s7 =	sadd.s32 s6, s8;
	[dreg:$0xd] =	wrdreg s26  }
0x17: {  	s8 =	sadd.s32 s6, s9;
	[dreg:$0xf] =	wrdreg s7  }
0x18: {  	s13 =	sadd.s32 s6, s10;
	[dreg:$0x10] =	wrdreg s8  }
0x19: {  	[dreg:$0x11] =	wrdreg s13  }
0x1a: {  	s9 =	sor.u32 $0x18000, s4;
	s17 =	sadd.s32 s6, s11;
	s0 =	rddreg [dreg:$0x2]  }
0x1b: {  	s7 =	sshrl.u32 s9, $0x3;
	s21 =	sadd.s32 s6, s12;
	[dreg:$0x14] =	wrdreg s17  }
0x1c: {  	s16 =	sor.u32 $0x1C000, s4;
	s14 =	sadd.s32 s1, s7;
	[dreg:$0x17] =	wrdreg s21  }
0x1d: {  	s8 =	sshrl.u32 s16, $0x3;
	s15 =	sadd.s32 s7, s5;
	[dreg:$0x12] =	wrdreg s14  }
0x1e: {  	s18 =	sadd.s32 s1, s8;
	[dreg:$0x13] =	wrdreg s15  }
0x1f: {  	s20 =	sadd.s32 $0x20000, s4;
	s19 =	sadd.s32 s8, s5;
	[dreg:$0x15] =	wrdreg s18  }
0x20: {  	s9 =	sshrl.u32 s20, $0x3;
	s25 =	sadd.s32 s6, s7;
	[dreg:$0x16] =	wrdreg s19  }
0x21: {  	s24 =	sadd.s32 $0x24000, s4;
	s22 =	sadd.s32 s1, s9;
	[dreg:$0x1a] =	wrdreg s25  }
0x22: {  	s26 =	sshrl.u32 s24, $0x3;
	s23 =	sadd.s32 s9, s5;
	[dreg:$0x18] =	wrdreg s22  }
0x23: {  	s11 =	sadd.s32 s1, s26;
	[dreg:$0x19] =	wrdreg s23  }
0x24: {  	s31 =	simm.s32 $0x2000;
	s12 =	sadd.s32 s26, s5;
	[dreg:$0x1b] =	wrdreg s11  }
0x25: {  	s30 =	simm.s32 $0x6000;
	s14 =	sadd.s32 s6, s8;
	[dreg:$0x1c] =	wrdreg s12  }
0x26: {  	s13 =	sadd.s32 $0x28000, s4;
	s19 =	sadd.s32 s6, s9;
	[dreg:$0x1d] =	wrdreg s14  }
0x27: {  	s15 =	sshrl.u32 s13, $0x3;
	s24 =	sadd.s32 s6, s26;
	[smem:$0x7D9] =	sst s19  }
0x28: {  	s28 =	simm.s32 $0xA000;
	s16 =	sadd.s32 s1, s15;
	[smem:$0x7DC] =	sst s24  }
0x29: {  	s18 =	sadd.s32 $0x2C000, s4;
	s17 =	sadd.s32 s15, s5;
	[dreg:$0x1e] =	wrdreg s16  }
0x2a: {  	s20 =	sshrl.u32 s18, $0x3;
	s12 =	sadd.s32 s6, s15;
	[dreg:$0x1f] =	wrdreg s17  }
0x2b: {  	s29 =	simm.s32 $0x1;
	s21 =	sadd.s32 s1, s20;
	[smem:$0x7DF] =	sst s12  }
0x2c: {  	s23 =	sadd.s32 $0x30000, s4;
	s22 =	sadd.s32 s20, s5;
	[smem:$0x7DA] =	sst s21  }
0x2d: {  	s25 =	sshrl.u32 s23, $0x3;
	s17 =	sadd.s32 s6, s20;
	[smem:$0x7DB] =	sst s22  }
0x2e: {  	s11 =	sadd.s32 $0x34000, s4;
	s26 =	sadd.s32 s1, s25;
	[smem:$0x7E2] =	sst s17  }
0x2f: {  	s13 =	sshrl.u32 s11, $0x3;
	s10 =	sadd.s32 s25, s5;
	[smem:$0x7DD] =	sst s26  }
0x30: {  	p0 =	por $0x0, $0x0;
	s14 =	sadd.s32 s1, s13;
	[smem:$0x7DE] =	sst s10  }
0x31: {  	s3 =	ssub.s32 $0x2, s3;
	s15 =	sadd.s32 s13, s5;
	[smem:$0x7E0] =	sst s14  }
0x32: {  	s16 =	sadd.s32 $0x38000, s4;
	s22 =	sadd.s32 s6, s25;
	[smem:$0x7E1] =	sst s15  }
0x33: {  	s18 =	sshrl.u32 s16, $0x3;
	s8 =	sadd.s32 s6, s13;
	[smem:$0x7E5] =	sst s22  }
0x34: {  	s7 =	simm.s32 $0xB;
	s19 =	sadd.s32 s1, s18;
	[smem:$0x7E8] =	sst s8  }
0x35: {  	s21 =	sadd.s32 $0x3C000, s4;
	s20 =	sadd.s32 s18, s5;
	[smem:$0x7E3] =	sst s19  }
0x36: {  	s23 =	sshrl.u32 s21, $0x3;
	s15 =	sadd.s32 s6, s18;
	[smem:$0x7E4] =	sst s20  }
0x37: {  	s9 =	simm.s32 $0xA;
	s24 =	sadd.s32 s1, s23;
	[smem:$0x7EB] =	sst s15  }
0x38: {  	s26 =	sadd.s32 $0x40000, s4;
	s25 =	sadd.s32 s23, s5;
	[smem:$0x7E6] =	sst s24  }
0x39: {  	s11 =	sshrl.u32 s26, $0x3;
	s20 =	sadd.s32 s6, s23;
	[smem:$0x7E7] =	sst s25  }
0x3a: {  	s14 =	sadd.s32 $0x44000, s4;
	s12 =	sadd.s32 s1, s11;
	[smem:$0x7EE] =	sst s20  }
0x3b: {  	s16 =	sshrl.u32 s14, $0x3;
	s13 =	sadd.s32 s11, s5;
	[smem:$0x7E9] =	sst s12  }
0x3c: {  	s19 =	sadd.s32 $0x48000, s4;
	s17 =	sadd.s32 s1, s16;
	[smem:$0x7EA] =	sst s13  }
0x3d: {  	s18 =	sadd.s32 s16, s5;
	s21 =	sshrl.u32 s19, $0x3;
	[smem:$0x7EC] =	sst s17  }
0x3e: {  	s24 =	sadd.s32 $0x4C000, s4;
	s25 =	sadd.s32 s6, s11;
	[smem:$0x7ED] =	sst s18  }
0x3f: {  	s14 =	sadd.s32 s6, s16;
	s22 =	sadd.s32 s1, s21;
	[smem:$0x7F1] =	sst s25  }
0x40: {  	s23 =	sadd.s32 s21, s5;
	s26 =	sshrl.u32 s24, $0x3;
	[smem:$0x7F4] =	sst s14  }
0x41: {  	s13 =	sadd.s32 $0x50000, s4;
	s18 =	sadd.s32 $0x54000, s4;
	[smem:$0x7EF] =	sst s22  }
0x42: {  	s19 =	sadd.s32 s6, s21;
	[smem:$0x7F0] =	sst s23;
	s11 =	sadd.s32 s1, s26  }
0x43: {  	s12 =	sadd.s32 s26, s5;
	s15 =	sshrl.u32 s13, $0x3;
	s20 =	sshrl.u32 s18, $0x3  }
0x44: {  	[smem:$0x7F7] =	sst s19;
	s23 =	sadd.s32 $0x58000, s4;
	s24 =	sadd.s32 s6, s26  }
0x45: {  	s26 =	sshrl.u32 s3, $0x1;
	s4 =	sadd.s32 $0x5C000, s4;
	[smem:$0x7F2] =	sst s11  }
0x46: {  	s19 =	simm.s32 $0x8000;
	s18 =	simm.s32 $0x5;
	[smem:$0x7F3] =	sst s12  }
0x47: {  	s16 =	sadd.s32 s1, s15;
	s17 =	sadd.s32 s15, s5;
	s21 =	sadd.s32 s1, s20  }
0x48: {  	s22 =	sadd.s32 s20, s5;
	s10 =	sshrl.u32 s23, $0x3;
	[smem:$0x7FA] =	sst s24  }
0x49: {  	s12 =	sadd.s32 s6, s15;
	s13 =	ssub.s32 s3, s26;
	[smem:$0x7F5] =	sst s16  }
0x4a: {  	s8 =	sadd.s32 s6, s20;
	s23 =	simm.s32 $0x4000;
	[smem:$0x7F6] =	sst s17  }
0x4b: {  	s26 =	simm.s32 $0xE000;
	s24 =	simm.s32 $0x12000;
	[smem:$0x7F8] =	sst s21  }
0x4c: {  	s20 =	simm.s32 $0x4;
	[smem:$0x7F9] =	sst s22;
	s25 =	sadd.s32 s1, s10  }
0x4d: {  	s11 =	sadd.s32 s10, s5;
	[smem:$0x7FD] =	sst s12;
	s16 =	sshrl.u32 s4, $0x3  }
0x4e: {  	s4 =	sadd.s32 s6, s10;
	s17 =	smax.u32 s13, $0x1;
	s12 =	simm.s32 $0x10000  }
0x4f: {  	s21 =	simm.s32 $0x16000;
	s22 =	simm.s32 $0x3;
	p1 =	sne.s32 s17, $0x1  }
.Ltmp0:
0x50: {  	s10 =	simm.s32 $0x7;
	[smem:$0x7FB] =	sst s25;
	(pc) =	sbr.rel @!p1 .LBB2_3-.Ltmp0, $4  }
0x51: {  	s13 =	simm.s32 $0x8;
	[smem:$0x7FC] =	sst s11;
	s14 =	sadd.s32 s1, s16  }
0x52: {  	s15 =	sadd.s32 s16, s5;
	s3 =	sadd.s32 s6, s16;
	s16 =	simm.s32 $0xC000  }
0x53: {  	s6 =	simm.s32 $0x14000;
	s25 =	simm.s32 $0x2;
	s1 =	sadd.s32 $0xFFFFFFFF, s17  }
0x54: {  	s17 =	simm.s32 $0x6;
	s11 =	simm.s32 $0x9;
	s5 =	simm.s32 $0xC  }
0x55: {  	[smem:$0x7D8] =	sst s1  }
0x56: {  	[tilespmem:s2], [sflag:$0x1] =	stream.linear.gather [hbm4b:s0+s2], $0x2000, $0x38;
	[tilespmem:$0x18000] =	vst v63  }
0x57: {  	s1 =	rddreg [dreg:$0x3]  }
0x58: {  	[tilespmem:s31], [sflag:$0x1] =	stream.linear.gather [hbm4b:s1+s2], $0x2000, $0x38;
	[tilespmem:$0x18000] =	vst v63  }
0x59: {  	s0 =	rddreg [dreg:$0x4]  }
0x5a: {  	[tilespmem:s23], [sflag:$0x2] =	stream.linear.gather [hbm4b:s0+s2], $0x2000, $0x38;
	[tilespmem:$0x18000] =	vst v63  }
0x5b: {  	s1 =	rddreg [dreg:$0x5]  }
0x5c: {  	[tilespmem:s30], [sflag:$0x2] =	stream.linear.gather [hbm4b:s1+s2], $0x2000, $0x38;
	[tilespmem:$0x18000] =	vst v63  }
0x5d: {  	s0 =	rddreg [dreg:$0x6]  }
0x5e: {  	[tilespmem:s19], [sflag:$0x3] =	stream.linear.gather [hbm4b:s0+s2], $0x2000, $0x38;
	[tilespmem:$0x18000] =	vst v63  }
0x5f: {  	s1 =	rddreg [dreg:$0x7]  }
0x60: {  	[tilespmem:s28], [sflag:$0x3] =	stream.linear.gather [hbm4b:s1+s2], $0x2000, $0x38;
	[tilespmem:$0x18000] =	vst v63  }
0x61: {  	s0 =	rddreg [dreg:$0x8]  }
0x62: {  	[tilespmem:s16], [sflag:$0x4] =	stream.linear.gather [hbm4b:s0+s2], $0x2000, $0x38;
	[tilespmem:$0x18000] =	vst v63  }
0x63: {  	s1 =	rddreg [dreg:$0x9]  }
0x64: {  	[tilespmem:s26], [sflag:$0x4] =	stream.linear.gather [hbm4b:s1+s2], $0x2000, $0x38;
	[tilespmem:$0x18000] =	vst v63  }
0x65: {  	s0 =	rddreg [dreg:$0xa]  }
0x66: {  	[tilespmem:s12], [sflag:$0x5] =	stream.linear.gather [hbm4b:s0+s2], $0x2000, $0x38;
	[tilespmem:$0x18000] =	vst v63  }
0x67: {  	s1 =	rddreg [dreg:$0xb]  }
0x68: {  	[tilespmem:s24], [sflag:$0x5] =	stream.linear.gather [hbm4b:s1+s2], $0x2000, $0x38;
	[tilespmem:$0x18000] =	vst v63  }
0x69: {  	s0 =	rddreg [dreg:$0xc]  }
0x6a: {  	[tilespmem:s6], [sflag:$0x6] =	stream.linear.gather [hbm4b:s0+s2], $0x2000, $0x38;
	[tilespmem:$0x18000] =	vst v63  }
0x6b: {  	s1 =	rddreg [dreg:$0xd]  }
0x6c: {  	[tilespmem:s21], [sflag:$0x6] =	stream.linear.gather [hbm4b:s1+s2], $0x2000, $0x38;
	[tilespmem:$0x18000] =	vst v63  }
0x6d: {  	_ =	swait.ge [sflag:s29], $0x2000  }
0x6e: {  	[sflag:s29] =	ssyncset.done $0x0  }
0x6f: {  	[sflag:s29] =	ssyncadd.s32 $0xFFFFE000  }
0x70: {  	_ =	swait.ge [sflag:s29], $0x2000  }
0x71: {  	[sflag:s29] =	ssyncset.done $0x0  }
0x72: {  	s1 =	rddreg [dreg:$0xe];
	[sflag:s29] =	ssyncadd.s32 $0xFFFFE000  }
0x73: {  	[hbm4b:s1+s2] =	stream.linear.scatter [tilespmem:s2], [sflag:$0x7], $0x4000, $0x38;
	[tilespmem:$0x18000] =	vst v63  }
0x74: {  	_ =	swait.ge [sflag:s25], $0x2000  }
0x75: {  	[sflag:s25] =	ssyncset.done $0x0  }
0x76: {  	[sflag:s25] =	ssyncadd.s32 $0xFFFFE000  }
0x77: {  	_ =	swait.ge [sflag:s25], $0x2000  }
0x78: {  	[sflag:s25] =	ssyncset.done $0x0  }
0x79: {  	s1 =	rddreg [dreg:$0xf];
	[sflag:s25] =	ssyncadd.s32 $0xFFFFE000  }
0x7a: {  	[hbm4b:s1+s2] =	stream.linear.scatter [tilespmem:s23], [sflag:$0x8], $0x4000, $0x38;
	[tilespmem:$0x18000] =	vst v63  }
0x7b: {  	_ =	swait.ge [sflag:s22], $0x2000  }
0x7c: {  	[sflag:s22] =	ssyncset.done $0x0  }
0x7d: {  	[sflag:s22] =	ssyncadd.s32 $0xFFFFE000  }
0x7e: {  	_ =	swait.ge [sflag:s22], $0x2000  }
0x7f: {  	[sflag:s22] =	ssyncset.done $0x0  }
0x80: {  	s1 =	rddreg [dreg:$0x10];
	[sflag:s22] =	ssyncadd.s32 $0xFFFFE000  }
0x81: {  	[hbm4b:s1+s2] =	stream.linear.scatter [tilespmem:s19], [sflag:$0x9], $0x4000, $0x38;
	[tilespmem:$0x18000] =	vst v63  }
0x82: {  	_ =	swait.ge [sflag:s20], $0x2000  }
0x83: {  	[sflag:s20] =	ssyncset.done $0x0  }
0x84: {  	[sflag:s20] =	ssyncadd.s32 $0xFFFFE000  }
0x85: {  	_ =	swait.ge [sflag:s20], $0x2000  }
0x86: {  	[sflag:s20] =	ssyncset.done $0x0  }
0x87: {  	s1 =	rddreg [dreg:$0x11];
	[sflag:s20] =	ssyncadd.s32 $0xFFFFE000  }
0x88: {  	[hbm4b:s1+s2] =	stream.linear.scatter [tilespmem:s16], [sflag:$0xA], $0x4000, $0x38;
	[tilespmem:$0x18000] =	vst v63  }
0x89: {  	_ =	swait.ge [sflag:s10], $0x4000  }
0x8a: {  	[sflag:s10] =	ssyncset.done $0x0  }
0x8b: {  	s0 =	rddreg [dreg:$0x12];
	[sflag:s10] =	ssyncadd.s32 $0xFFFFC000  }
0x8c: {  	[tilespmem:s2], [sflag:$0x1] =	stream.linear.gather [hbm4b:s0+s2], $0x2000, $0x38;
	[tilespmem:$0x18000] =	vst v63  }
0x8d: {  	s1 =	rddreg [dreg:$0x13]  }
0x8e: {  	[tilespmem:s31], [sflag:$0x1] =	stream.linear.gather [hbm4b:s1+s2], $0x2000, $0x38;
	[tilespmem:$0x18000] =	vst v63  }
0x8f: {  	_ =	swait.ge [sflag:s18], $0x2000  }
0x90: {  	[sflag:s18] =	ssyncset.done $0x0  }
0x91: {  	[sflag:s18] =	ssyncadd.s32 $0xFFFFE000  }
0x92: {  	_ =	swait.ge [sflag:s18], $0x2000  }
0x93: {  	[sflag:s18] =	ssyncset.done $0x0  }
0x94: {  	s1 =	rddreg [dreg:$0x14];
	[sflag:s18] =	ssyncadd.s32 $0xFFFFE000  }
0x95: {  	[hbm4b:s1+s2] =	stream.linear.scatter [tilespmem:s12], [sflag:$0xB], $0x4000, $0x38;
	[tilespmem:$0x18000] =	vst v63  }
0x96: {  	_ =	swait.ge [sflag:s13], $0x4000  }
0x97: {  	[sflag:s13] =	ssyncset.done $0x0  }
0x98: {  	s0 =	rddreg [dreg:$0x15];
	[sflag:s13] =	ssyncadd.s32 $0xFFFFC000  }
0x99: {  	[tilespmem:s23], [sflag:$0x2] =	stream.linear.gather [hbm4b:s0+s2], $0x2000, $0x38;
	[tilespmem:$0x18000] =	vst v63  }
0x9a: {  	s1 =	rddreg [dreg:$0x16]  }
0x9b: {  	[tilespmem:s30], [sflag:$0x2] =	stream.linear.gather [hbm4b:s1+s2], $0x2000, $0x38;
	[tilespmem:$0x18000] =	vst v63  }
0x9c: {  	_ =	swait.ge [sflag:s17], $0x2000  }
0x9d: {  	[sflag:s17] =	ssyncset.done $0x0  }
0x9e: {  	[sflag:s17] =	ssyncadd.s32 $0xFFFFE000  }
0x9f: {  	_ =	swait.ge [sflag:s17], $0x2000  }
0xa0: {  	[sflag:s17] =	ssyncset.done $0x0  }
0xa1: {  	s1 =	rddreg [dreg:$0x17];
	[sflag:s17] =	ssyncadd.s32 $0xFFFFE000  }
0xa2: {  	[hbm4b:s1+s2] =	stream.linear.scatter [tilespmem:s6], [sflag:$0xC], $0x4000, $0x38;
	[tilespmem:$0x18000] =	vst v63  }
0xa3: {  	_ =	swait.ge [sflag:s11], $0x4000  }
0xa4: {  	[sflag:s11] =	ssyncset.done $0x0  }
0xa5: {  	s0 =	rddreg [dreg:$0x18];
	[sflag:s11] =	ssyncadd.s32 $0xFFFFC000  }
0xa6: {  	[tilespmem:s19], [sflag:$0x3] =	stream.linear.gather [hbm4b:s0+s2], $0x2000, $0x38;
	[tilespmem:$0x18000] =	vst v63  }
0xa7: {  	s1 =	rddreg [dreg:$0x19]  }
0xa8: {  	[tilespmem:s28], [sflag:$0x3] =	stream.linear.gather [hbm4b:s1+s2], $0x2000, $0x38;
	[tilespmem:$0x18000] =	vst v63  }
0xa9: {  	_ =	swait.ge [sflag:s29], $0x2000  }
0xaa: {  	[sflag:s29] =	ssyncset.done $0x0  }
0xab: {  	[sflag:s29] =	ssyncadd.s32 $0xFFFFE000  }
0xac: {  	_ =	swait.ge [sflag:s29], $0x2000  }
0xad: {  	[sflag:s29] =	ssyncset.done $0x0  }
0xae: {  	s1 =	rddreg [dreg:$0x1a];
	[sflag:s29] =	ssyncadd.s32 $0xFFFFE000  }
0xaf: {  	[hbm4b:s1+s2] =	stream.linear.scatter [tilespmem:s2], [sflag:$0x7], $0x4000, $0x38;
	[tilespmem:$0x18000] =	vst v63  }
0xb0: {  	_ =	swait.ge [sflag:s9], $0x4000  }
0xb1: {  	[sflag:s9] =	ssyncset.done $0x0  }
0xb2: {  	s0 =	rddreg [dreg:$0x1b];
	[sflag:s9] =	ssyncadd.s32 $0xFFFFC000  }
0xb3: {  	[tilespmem:s16], [sflag:$0x4] =	stream.linear.gather [hbm4b:s0+s2], $0x2000, $0x38;
	[tilespmem:$0x18000] =	vst v63  }
0xb4: {  	s1 =	rddreg [dreg:$0x1c]  }
0xb5: {  	[tilespmem:s26], [sflag:$0x4] =	stream.linear.gather [hbm4b:s1+s2], $0x2000, $0x38;
	[tilespmem:$0x18000] =	vst v63  }
0xb6: {  	_ =	swait.ge [sflag:s25], $0x2000  }
0xb7: {  	[sflag:s25] =	ssyncset.done $0x0  }
0xb8: {  	[sflag:s25] =	ssyncadd.s32 $0xFFFFE000  }
0xb9: {  	_ =	swait.ge [sflag:s25], $0x2000  }
0xba: {  	[sflag:s25] =	ssyncset.done $0x0  }
0xbb: {  	s1 =	rddreg [dreg:$0x1d];
	[sflag:s25] =	ssyncadd.s32 $0xFFFFE000  }
0xbc: {  	[hbm4b:s1+s2] =	stream.linear.scatter [tilespmem:s23], [sflag:$0x8], $0x4000, $0x38;
	[tilespmem:$0x18000] =	vst v63  }
0xbd: {  	_ =	swait.ge [sflag:s7], $0x4000  }
0xbe: {  	[sflag:s7] =	ssyncset.done $0x0  }
0xbf: {  	s0 =	rddreg [dreg:$0x1e];
	[sflag:s7] =	ssyncadd.s32 $0xFFFFC000  }
0xc0: {  	[tilespmem:s12], [sflag:$0x5] =	stream.linear.gather [hbm4b:s0+s2], $0x2000, $0x38;
	[tilespmem:$0x18000] =	vst v63  }
0xc1: {  	s1 =	rddreg [dreg:$0x1f]  }
0xc2: {  	[tilespmem:s24], [sflag:$0x5] =	stream.linear.gather [hbm4b:s1+s2], $0x2000, $0x38;
	[tilespmem:$0x18000] =	vst v63  }
0xc3: {  	_ =	swait.ge [sflag:s22], $0x2000  }
0xc4: {  	[sflag:s22] =	ssyncset.done $0x0  }
0xc5: {  	[sflag:s22] =	ssyncadd.s32 $0xFFFFE000  }
0xc6: {  	_ =	swait.ge [sflag:s22], $0x2000  }
0xc7: {  	s1 =	sld [smem:$0x7D9]  }
0xc8: {  	[sflag:s22] =	ssyncset.done $0x0  }
0xc9: {  	[sflag:s22] =	ssyncadd.s32 $0xFFFFE000  }
0xca: {  	[hbm4b:s1+s2] =	stream.linear.scatter [tilespmem:s19], [sflag:$0x9], $0x4000, $0x38;
	[tilespmem:$0x18000] =	vst v63  }
0xcb: {  	_ =	swait.ge [sflag:s5], $0x4000  }
0xcc: {  	s0 =	sld [smem:$0x7DA]  }
0xcd: {  	[sflag:s5] =	ssyncset.done $0x0  }
0xce: {  	s1 =	sld [smem:$0x7DB];
	[sflag:s5] =	ssyncadd.s32 $0xFFFFC000  }
0xcf: {  	[tilespmem:s6], [sflag:$0x6] =	stream.linear.gather [hbm4b:s0+s2], $0x2000, $0x38;
	[tilespmem:$0x18000] =	vst v63  }
0xd0: {  	_ = 	snop  }
0xd1: {  	[tilespmem:s21], [sflag:$0x6] =	stream.linear.gather [hbm4b:s1+s2], $0x2000, $0x38;
	[tilespmem:$0x18000] =	vst v63  }
0xd2: {  	_ =	swait.ge [sflag:s20], $0x2000  }
0xd3: {  	[sflag:s20] =	ssyncset.done $0x0  }
0xd4: {  	[sflag:s20] =	ssyncadd.s32 $0xFFFFE000  }
0xd5: {  	_ =	swait.ge [sflag:s20], $0x2000  }
0xd6: {  	s1 =	sld [smem:$0x7DC]  }
0xd7: {  	[sflag:s20] =	ssyncset.done $0x0  }
0xd8: {  	[sflag:s20] =	ssyncadd.s32 $0xFFFFE000  }
0xd9: {  	[hbm4b:s1+s2] =	stream.linear.scatter [tilespmem:s16], [sflag:$0xA], $0x4000, $0x38;
	[tilespmem:$0x18000] =	vst v63  }
0xda: {  	_ =	swait.ge [sflag:s10], $0x4000  }
0xdb: {  	s0 =	sld [smem:$0x7DD]  }
0xdc: {  	[sflag:s10] =	ssyncset.done $0x0  }
0xdd: {  	s1 =	sld [smem:$0x7DE];
	[sflag:s10] =	ssyncadd.s32 $0xFFFFC000  }
0xde: {  	[tilespmem:s2], [sflag:$0x1] =	stream.linear.gather [hbm4b:s0+s2], $0x2000, $0x38;
	[tilespmem:$0x18000] =	vst v63  }
0xdf: {  	_ = 	snop  }
0xe0: {  	[tilespmem:s31], [sflag:$0x1] =	stream.linear.gather [hbm4b:s1+s2], $0x2000, $0x38;
	[tilespmem:$0x18000] =	vst v63  }
0xe1: {  	_ =	swait.ge [sflag:s18], $0x2000  }
0xe2: {  	[sflag:s18] =	ssyncset.done $0x0  }
0xe3: {  	[sflag:s18] =	ssyncadd.s32 $0xFFFFE000  }
0xe4: {  	_ =	swait.ge [sflag:s18], $0x2000  }
0xe5: {  	s1 =	sld [smem:$0x7DF]  }
0xe6: {  	[sflag:s18] =	ssyncset.done $0x0  }
0xe7: {  	[sflag:s18] =	ssyncadd.s32 $0xFFFFE000  }
0xe8: {  	[hbm4b:s1+s2] =	stream.linear.scatter [tilespmem:s12], [sflag:$0xB], $0x4000, $0x38;
	[tilespmem:$0x18000] =	vst v63  }
0xe9: {  	_ =	swait.ge [sflag:s13], $0x4000  }
0xea: {  	s0 =	sld [smem:$0x7E0]  }
0xeb: {  	[sflag:s13] =	ssyncset.done $0x0  }
0xec: {  	s1 =	sld [smem:$0x7E1];
	[sflag:s13] =	ssyncadd.s32 $0xFFFFC000  }
0xed: {  	[tilespmem:s23], [sflag:$0x2] =	stream.linear.gather [hbm4b:s0+s2], $0x2000, $0x38;
	[tilespmem:$0x18000] =	vst v63  }
0xee: {  	_ = 	snop  }
0xef: {  	[tilespmem:s30], [sflag:$0x2] =	stream.linear.gather [hbm4b:s1+s2], $0x2000, $0x38;
	[tilespmem:$0x18000] =	vst v63  }
0xf0: {  	_ =	swait.ge [sflag:s17], $0x2000  }
0xf1: {  	[sflag:s17] =	ssyncset.done $0x0  }
0xf2: {  	[sflag:s17] =	ssyncadd.s32 $0xFFFFE000  }
0xf3: {  	_ =	swait.ge [sflag:s17], $0x2000  }
0xf4: {  	s1 =	sld [smem:$0x7E2]  }
0xf5: {  	[sflag:s17] =	ssyncset.done $0x0  }
0xf6: {  	[sflag:s17] =	ssyncadd.s32 $0xFFFFE000  }
0xf7: {  	[hbm4b:s1+s2] =	stream.linear.scatter [tilespmem:s6], [sflag:$0xC], $0x4000, $0x38;
	[tilespmem:$0x18000] =	vst v63  }
0xf8: {  	_ =	swait.ge [sflag:s11], $0x4000  }
0xf9: {  	s0 =	sld [smem:$0x7E3]  }
0xfa: {  	[sflag:s11] =	ssyncset.done $0x0  }
0xfb: {  	s1 =	sld [smem:$0x7E4];
	[sflag:s11] =	ssyncadd.s32 $0xFFFFC000  }
0xfc: {  	[tilespmem:s19], [sflag:$0x3] =	stream.linear.gather [hbm4b:s0+s2], $0x2000, $0x38;
	[tilespmem:$0x18000] =	vst v63  }
0xfd: {  	_ = 	snop  }
0xfe: {  	[tilespmem:s28], [sflag:$0x3] =	stream.linear.gather [hbm4b:s1+s2], $0x2000, $0x38;
	[tilespmem:$0x18000] =	vst v63  }
0xff: {  	_ =	swait.ge [sflag:s29], $0x2000  }
0x100: {  	[sflag:s29] =	ssyncset.done $0x0  }
0x101: {  	[sflag:s29] =	ssyncadd.s32 $0xFFFFE000  }
0x102: {  	_ =	swait.ge [sflag:s29], $0x2000  }
0x103: {  	s1 =	sld [smem:$0x7E5]  }
0x104: {  	[sflag:s29] =	ssyncset.done $0x0  }
0x105: {  	[sflag:s29] =	ssyncadd.s32 $0xFFFFE000  }
0x106: {  	[hbm4b:s1+s2] =	stream.linear.scatter [tilespmem:s2], [sflag:$0x7], $0x4000, $0x38;
	[tilespmem:$0x18000] =	vst v63  }
0x107: {  	_ =	swait.ge [sflag:s9], $0x4000  }
0x108: {  	s0 =	sld [smem:$0x7E6]  }
0x109: {  	[sflag:s9] =	ssyncset.done $0x0  }
0x10a: {  	s1 =	sld [smem:$0x7E7];
	[sflag:s9] =	ssyncadd.s32 $0xFFFFC000  }
0x10b: {  	[tilespmem:s16], [sflag:$0x4] =	stream.linear.gather [hbm4b:s0+s2], $0x2000, $0x38;
	[tilespmem:$0x18000] =	vst v63  }
0x10c: {  	_ = 	snop  }
0x10d: {  	[tilespmem:s26], [sflag:$0x4] =	stream.linear.gather [hbm4b:s1+s2], $0x2000, $0x38;
	[tilespmem:$0x18000] =	vst v63  }
0x10e: {  	_ =	swait.ge [sflag:s25], $0x2000  }
0x10f: {  	[sflag:s25] =	ssyncset.done $0x0  }
0x110: {  	[sflag:s25] =	ssyncadd.s32 $0xFFFFE000  }
0x111: {  	_ =	swait.ge [sflag:s25], $0x2000  }
0x112: {  	s1 =	sld [smem:$0x7E8]  }
0x113: {  	[sflag:s25] =	ssyncset.done $0x0  }
0x114: {  	[sflag:s25] =	ssyncadd.s32 $0xFFFFE000  }
0x115: {  	[hbm4b:s1+s2] =	stream.linear.scatter [tilespmem:s23], [sflag:$0x8], $0x4000, $0x38;
	[tilespmem:$0x18000] =	vst v63  }
0x116: {  	_ =	swait.ge [sflag:s7], $0x4000  }
0x117: {  	s0 =	sld [smem:$0x7E9]  }
0x118: {  	[sflag:s7] =	ssyncset.done $0x0  }
0x119: {  	s1 =	sld [smem:$0x7EA];
	[sflag:s7] =	ssyncadd.s32 $0xFFFFC000  }
0x11a: {  	[tilespmem:s12], [sflag:$0x5] =	stream.linear.gather [hbm4b:s0+s2], $0x2000, $0x38;
	[tilespmem:$0x18000] =	vst v63  }
0x11b: {  	_ = 	snop  }
0x11c: {  	[tilespmem:s24], [sflag:$0x5] =	stream.linear.gather [hbm4b:s1+s2], $0x2000, $0x38;
	[tilespmem:$0x18000] =	vst v63  }
0x11d: {  	_ =	swait.ge [sflag:s22], $0x2000  }
0x11e: {  	[sflag:s22] =	ssyncset.done $0x0  }
0x11f: {  	[sflag:s22] =	ssyncadd.s32 $0xFFFFE000  }
0x120: {  	_ =	swait.ge [sflag:s22], $0x2000  }
0x121: {  	s1 =	sld [smem:$0x7EB]  }
0x122: {  	[sflag:s22] =	ssyncset.done $0x0  }
0x123: {  	[sflag:s22] =	ssyncadd.s32 $0xFFFFE000  }
0x124: {  	[hbm4b:s1+s2] =	stream.linear.scatter [tilespmem:s19], [sflag:$0x9], $0x4000, $0x38;
	[tilespmem:$0x18000] =	vst v63  }
0x125: {  	_ =	swait.ge [sflag:s5], $0x4000  }
0x126: {  	s0 =	sld [smem:$0x7EC]  }
0x127: {  	[sflag:s5] =	ssyncset.done $0x0  }
0x128: {  	s1 =	sld [smem:$0x7ED];
	[sflag:s5] =	ssyncadd.s32 $0xFFFFC000  }
0x129: {  	[tilespmem:s6], [sflag:$0x6] =	stream.linear.gather [hbm4b:s0+s2], $0x2000, $0x38;
	[tilespmem:$0x18000] =	vst v63  }
0x12a: {  	_ = 	snop  }
0x12b: {  	[tilespmem:s21], [sflag:$0x6] =	stream.linear.gather [hbm4b:s1+s2], $0x2000, $0x38;
	[tilespmem:$0x18000] =	vst v63  }
0x12c: {  	_ =	swait.ge [sflag:s20], $0x2000  }
0x12d: {  	[sflag:s20] =	ssyncset.done $0x0  }
0x12e: {  	[sflag:s20] =	ssyncadd.s32 $0xFFFFE000  }
0x12f: {  	_ =	swait.ge [sflag:s20], $0x2000  }
0x130: {  	s1 =	sld [smem:$0x7EE]  }
0x131: {  	[sflag:s20] =	ssyncset.done $0x0  }
0x132: {  	[sflag:s20] =	ssyncadd.s32 $0xFFFFE000  }
0x133: {  	[hbm4b:s1+s2] =	stream.linear.scatter [tilespmem:s16], [sflag:$0xA], $0x4000, $0x38;
	[tilespmem:$0x18000] =	vst v63  }
0x134: {  	_ =	swait.ge [sflag:s10], $0x4000  }
0x135: {  	s0 =	sld [smem:$0x7EF]  }
0x136: {  	[sflag:s10] =	ssyncset.done $0x0  }
0x137: {  	s1 =	sld [smem:$0x7F0];
	[sflag:s10] =	ssyncadd.s32 $0xFFFFC000  }
0x138: {  	[tilespmem:s2], [sflag:$0x1] =	stream.linear.gather [hbm4b:s0+s2], $0x2000, $0x38;
	[tilespmem:$0x18000] =	vst v63  }
0x139: {  	_ = 	snop  }
0x13a: {  	[tilespmem:s31], [sflag:$0x1] =	stream.linear.gather [hbm4b:s1+s2], $0x2000, $0x38;
	[tilespmem:$0x18000] =	vst v63  }
0x13b: {  	_ =	swait.ge [sflag:s18], $0x2000  }
0x13c: {  	[sflag:s18] =	ssyncset.done $0x0  }
0x13d: {  	[sflag:s18] =	ssyncadd.s32 $0xFFFFE000  }
0x13e: {  	_ =	swait.ge [sflag:s18], $0x2000  }
0x13f: {  	s1 =	sld [smem:$0x7F1]  }
0x140: {  	[sflag:s18] =	ssyncset.done $0x0  }
0x141: {  	[sflag:s18] =	ssyncadd.s32 $0xFFFFE000  }
0x142: {  	[hbm4b:s1+s2] =	stream.linear.scatter [tilespmem:s12], [sflag:$0xB], $0x4000, $0x38;
	[tilespmem:$0x18000] =	vst v63  }
0x143: {  	_ =	swait.ge [sflag:s13], $0x4000  }
0x144: {  	s0 =	sld [smem:$0x7F2]  }
0x145: {  	[sflag:s13] =	ssyncset.done $0x0  }
0x146: {  	s1 =	sld [smem:$0x7F3];
	[sflag:s13] =	ssyncadd.s32 $0xFFFFC000  }
0x147: {  	[tilespmem:s23], [sflag:$0x2] =	stream.linear.gather [hbm4b:s0+s2], $0x2000, $0x38;
	[tilespmem:$0x18000] =	vst v63  }
0x148: {  	_ = 	snop  }
0x149: {  	[tilespmem:s30], [sflag:$0x2] =	stream.linear.gather [hbm4b:s1+s2], $0x2000, $0x38;
	[tilespmem:$0x18000] =	vst v63  }
0x14a: {  	_ =	swait.ge [sflag:s17], $0x2000  }
0x14b: {  	[sflag:s17] =	ssyncset.done $0x0  }
0x14c: {  	[sflag:s17] =	ssyncadd.s32 $0xFFFFE000  }
0x14d: {  	_ =	swait.ge [sflag:s17], $0x2000  }
0x14e: {  	s1 =	sld [smem:$0x7F4]  }
0x14f: {  	[sflag:s17] =	ssyncset.done $0x0  }
0x150: {  	[sflag:s17] =	ssyncadd.s32 $0xFFFFE000  }
0x151: {  	[hbm4b:s1+s2] =	stream.linear.scatter [tilespmem:s6], [sflag:$0xC], $0x4000, $0x38;
	[tilespmem:$0x18000] =	vst v63  }
0x152: {  	_ =	swait.ge [sflag:s11], $0x4000  }
0x153: {  	s0 =	sld [smem:$0x7F5]  }
0x154: {  	[sflag:s11] =	ssyncset.done $0x0  }
0x155: {  	s1 =	sld [smem:$0x7F6];
	[sflag:s11] =	ssyncadd.s32 $0xFFFFC000  }
0x156: {  	[tilespmem:s19], [sflag:$0x3] =	stream.linear.gather [hbm4b:s0+s2], $0x2000, $0x38;
	[tilespmem:$0x18000] =	vst v63  }
0x157: {  	_ = 	snop  }
0x158: {  	[tilespmem:s28], [sflag:$0x3] =	stream.linear.gather [hbm4b:s1+s2], $0x2000, $0x38;
	[tilespmem:$0x18000] =	vst v63  }
0x159: {  	_ =	swait.ge [sflag:s29], $0x2000  }
0x15a: {  	[sflag:s29] =	ssyncset.done $0x0  }
0x15b: {  	[sflag:s29] =	ssyncadd.s32 $0xFFFFE000  }
0x15c: {  	_ =	swait.ge [sflag:s29], $0x2000  }
0x15d: {  	s1 =	sld [smem:$0x7F7]  }
0x15e: {  	[sflag:s29] =	ssyncset.done $0x0  }
0x15f: {  	[sflag:s29] =	ssyncadd.s32 $0xFFFFE000  }
0x160: {  	[hbm4b:s1+s2] =	stream.linear.scatter [tilespmem:s2], [sflag:$0x7], $0x4000, $0x38;
	[tilespmem:$0x18000] =	vst v63  }
0x161: {  	_ =	swait.ge [sflag:s9], $0x4000  }
0x162: {  	s0 =	sld [smem:$0x7F8]  }
0x163: {  	[sflag:s9] =	ssyncset.done $0x0  }
0x164: {  	s1 =	sld [smem:$0x7F9];
	[sflag:s9] =	ssyncadd.s32 $0xFFFFC000  }
0x165: {  	[tilespmem:s16], [sflag:$0x4] =	stream.linear.gather [hbm4b:s0+s2], $0x2000, $0x38;
	[tilespmem:$0x18000] =	vst v63  }
0x166: {  	_ = 	snop  }
0x167: {  	[tilespmem:s26], [sflag:$0x4] =	stream.linear.gather [hbm4b:s1+s2], $0x2000, $0x38;
	[tilespmem:$0x18000] =	vst v63  }
0x168: {  	_ =	swait.ge [sflag:s25], $0x2000  }
0x169: {  	[sflag:s25] =	ssyncset.done $0x0  }
0x16a: {  	[sflag:s25] =	ssyncadd.s32 $0xFFFFE000  }
0x16b: {  	_ =	swait.ge [sflag:s25], $0x2000  }
0x16c: {  	s1 =	sld [smem:$0x7FA]  }
0x16d: {  	[sflag:s25] =	ssyncset.done $0x0  }
0x16e: {  	[sflag:s25] =	ssyncadd.s32 $0xFFFFE000  }
0x16f: {  	[hbm4b:s1+s2] =	stream.linear.scatter [tilespmem:s23], [sflag:$0x8], $0x4000, $0x38;
	[tilespmem:$0x18000] =	vst v63  }
0x170: {  	_ =	swait.ge [sflag:s7], $0x4000  }
0x171: {  	s0 =	sld [smem:$0x7FB]  }
0x172: {  	[sflag:s7] =	ssyncset.done $0x0  }
0x173: {  	s1 =	sld [smem:$0x7FC];
	[sflag:s7] =	ssyncadd.s32 $0xFFFFC000  }
0x174: {  	[tilespmem:s12], [sflag:$0x5] =	stream.linear.gather [hbm4b:s0+s2], $0x2000, $0x38;
	[tilespmem:$0x18000] =	vst v63  }
0x175: {  	_ = 	snop  }
0x176: {  	[tilespmem:s24], [sflag:$0x5] =	stream.linear.gather [hbm4b:s1+s2], $0x2000, $0x38;
	[tilespmem:$0x18000] =	vst v63  }
0x177: {  	_ =	swait.ge [sflag:s22], $0x2000  }
0x178: {  	[sflag:s22] =	ssyncset.done $0x0  }
0x179: {  	[sflag:s22] =	ssyncadd.s32 $0xFFFFE000  }
0x17a: {  	_ =	swait.ge [sflag:s22], $0x2000  }
0x17b: {  	s1 =	sld [smem:$0x7FD]  }
0x17c: {  	[sflag:s22] =	ssyncset.done $0x0  }
0x17d: {  	[sflag:s22] =	ssyncadd.s32 $0xFFFFE000  }
0x17e: {  	[hbm4b:s1+s2] =	stream.linear.scatter [tilespmem:s19], [sflag:$0x9], $0x4000, $0x38;
	[tilespmem:$0x18000] =	vst v63  }
0x17f: {  	_ =	swait.ge [sflag:s5], $0x4000  }
0x180: {  	[sflag:s5] =	ssyncset.done $0x0  }
0x181: {  	[sflag:s5] =	ssyncadd.s32 $0xFFFFC000  }
0x182: {  	[tilespmem:s6], [sflag:$0x6] =	stream.linear.gather [hbm4b:s14+s2], $0x2000, $0x38;
	[tilespmem:$0x18000] =	vst v63  }
0x183: {  	_ = 	snop  }
0x184: {  	[tilespmem:s21], [sflag:$0x6] =	stream.linear.gather [hbm4b:s15+s2], $0x2000, $0x38;
	[tilespmem:$0x18000] =	vst v63  }
0x185: {  	_ =	swait.ge [sflag:s20], $0x2000  }
0x186: {  	[sflag:s20] =	ssyncset.done $0x0  }
0x187: {  	[sflag:s20] =	ssyncadd.s32 $0xFFFFE000  }
0x188: {  	_ =	swait.ge [sflag:s20], $0x2000  }
0x189: {  	[sflag:s20] =	ssyncset.done $0x0  }
0x18a: {  	[sflag:s20] =	ssyncadd.s32 $0xFFFFE000  }
0x18b: {  	[hbm4b:s8+s2] =	stream.linear.scatter [tilespmem:s16], [sflag:$0xA], $0x4000, $0x38;
	[tilespmem:$0x18000] =	vst v63  }
0x18c: {  	_ =	swait.ge [sflag:s18], $0x2000  }
0x18d: {  	[sflag:s18] =	ssyncset.done $0x0  }
0x18e: {  	[sflag:s18] =	ssyncadd.s32 $0xFFFFE000  }
0x18f: {  	_ =	swait.ge [sflag:s18], $0x2000  }
0x190: {  	[sflag:s18] =	ssyncset.done $0x0  }
0x191: {  	[sflag:s18] =	ssyncadd.s32 $0xFFFFE000  }
0x192: {  	[hbm4b:s4+s2] =	stream.linear.scatter [tilespmem:s12], [sflag:$0xB], $0x4000, $0x38;
	[tilespmem:$0x18000] =	vst v63  }
0x193: {  	_ =	swait.ge [sflag:s17], $0x2000  }
0x194: {  	[sflag:s17] =	ssyncset.done $0x0  }
0x195: {  	[sflag:s17] =	ssyncadd.s32 $0xFFFFE000  }
0x196: {  	_ =	swait.ge [sflag:s17], $0x2000  }
0x197: {  	[sflag:s17] =	ssyncset.done $0x0  }
0x198: {  	[sflag:s17] =	ssyncadd.s32 $0xFFFFE000  }
0x199: {  	[hbm4b:s3+s2] =	stream.linear.scatter [tilespmem:s6], [sflag:$0xC], $0x4000, $0x38;
	[tilespmem:$0x18000] =	vst v63  }
0x19a: {  	_ =	swait.ge [sflag:s10], $0x4000  }
0x19b: {  	[sflag:s10] =	ssyncset.done $0x0  }
0x19c: {  	[sflag:s10] =	ssyncadd.s32 $0xFFFFC000  }
0x19d: {  	_ =	swait.ge [sflag:s13], $0x4000  }
0x19e: {  	[sflag:s13] =	ssyncset.done $0x0  }
0x19f: {  	[sflag:s13] =	ssyncadd.s32 $0xFFFFC000  }
0x1a0: {  	_ =	swait.ge [sflag:s11], $0x4000  }
0x1a1: {  	[sflag:s11] =	ssyncset.done $0x0  }
0x1a2: {  	[sflag:s11] =	ssyncadd.s32 $0xFFFFC000  }
0x1a3: {  	_ =	swait.ge [sflag:s9], $0x4000  }
0x1a4: {  	[sflag:s9] =	ssyncset.done $0x0  }
0x1a5: {  	[sflag:s9] =	ssyncadd.s32 $0xFFFFC000  }
0x1a6: {  	_ =	swait.ge [sflag:s7], $0x4000  }
0x1a7: {  	s1 =	sld [smem:$0x7D8];
	_ =	sdelay $0x2  }
0x1a8: {  	p1 =	sne.s32 s1, $0x1  }
.Ltmp1:
0x1a9: {  	_ = 	snop;
	(pc) =	sbr.rel @!p1 .LBB2_3-.Ltmp1, $4  }
0x1aa: {  	[sflag:s7] =	ssyncset.done $0x0  }
0x1ab: {  	[sflag:s7] =	ssyncadd.s32 $0xFFFFC000  }
0x1ac: {  	p0 =	por $0x1, $0x1;
	_ =	swait.ge [sflag:s5], $0x4000  }
0x1ad: {  	s1 =	sadd.s32 $0xFFFFFFFF, s1;
	s0 =	rddreg [dreg:$0x2];
	[sflag:s5] =	ssyncset.done $0x0  }
.LBB2_2:
0x1ae: {  	[sflag:s5] =	ssyncadd.s32 $0xFFFFC000;
	s6 =	simm.s32 $0x2000  }
0x1af: {  	s21 =	smov.u32 s15;
	s15 =	smov.u32 s14;
	s14 =	smov.u32 s8  }
0x1b0: {  	[tilespmem:s2], [sflag:$0x1] =	stream.linear.gather [hbm4b:s0+s2], $0x2000, $0x38;
	[tilespmem:$0x18000] =	vst v63  }
0x1b1: {  	s8 =	smov.u32 s4;
	s4 =	smov.u32 s3;
	s3 =	rddreg [dreg:$0x3]  }
0x1b2: {  	[tilespmem:s6], [sflag:$0x1] =	stream.linear.gather [hbm4b:s3+s2], $0x2000, $0x38;
	[tilespmem:$0x18000] =	vst v63  }
0x1b3: {  	s5 =	simm.s32 $0x4000;
	s0 =	rddreg [dreg:$0x4]  }
0x1b4: {  	[tilespmem:s5], [sflag:$0x2] =	stream.linear.gather [hbm4b:s0+s2], $0x2000, $0x38;
	[tilespmem:$0x18000] =	vst v63  }
0x1b5: {  	s31 =	simm.s32 $0x6000;
	s3 =	rddreg [dreg:$0x5]  }
0x1b6: {  	[tilespmem:s31], [sflag:$0x2] =	stream.linear.gather [hbm4b:s3+s2], $0x2000, $0x38;
	[tilespmem:$0x18000] =	vst v63  }
0x1b7: {  	s23 =	simm.s32 $0x8000;
	s0 =	rddreg [dreg:$0x6]  }
0x1b8: {  	[tilespmem:s23], [sflag:$0x3] =	stream.linear.gather [hbm4b:s0+s2], $0x2000, $0x38;
	[tilespmem:$0x18000] =	vst v63  }
0x1b9: {  	s30 =	simm.s32 $0xA000;
	s3 =	rddreg [dreg:$0x7]  }
0x1ba: {  	[tilespmem:s30], [sflag:$0x3] =	stream.linear.gather [hbm4b:s3+s2], $0x2000, $0x38;
	[tilespmem:$0x18000] =	vst v63  }
0x1bb: {  	s19 =	simm.s32 $0xC000;
	s0 =	rddreg [dreg:$0x8]  }
0x1bc: {  	[tilespmem:s19], [sflag:$0x4] =	stream.linear.gather [hbm4b:s0+s2], $0x2000, $0x38;
	[tilespmem:$0x18000] =	vst v63  }
0x1bd: {  	s28 =	simm.s32 $0xE000;
	s3 =	rddreg [dreg:$0x9]  }
0x1be: {  	[tilespmem:s28], [sflag:$0x4] =	stream.linear.gather [hbm4b:s3+s2], $0x2000, $0x38;
	[tilespmem:$0x18000] =	vst v63  }
0x1bf: {  	s16 =	simm.s32 $0x10000;
	s0 =	rddreg [dreg:$0xa]  }
0x1c0: {  	[tilespmem:s16], [sflag:$0x5] =	stream.linear.gather [hbm4b:s0+s2], $0x2000, $0x38;
	[tilespmem:$0x18000] =	vst v63  }
0x1c1: {  	s26 =	simm.s32 $0x12000;
	s3 =	rddreg [dreg:$0xb]  }
0x1c2: {  	[tilespmem:s26], [sflag:$0x5] =	stream.linear.gather [hbm4b:s3+s2], $0x2000, $0x38;
	[tilespmem:$0x18000] =	vst v63  }
0x1c3: {  	s12 =	simm.s32 $0x14000;
	s0 =	rddreg [dreg:$0xc]  }
0x1c4: {  	[tilespmem:s12], [sflag:$0x6] =	stream.linear.gather [hbm4b:s0+s2], $0x2000, $0x38;
	[tilespmem:$0x18000] =	vst v63  }
0x1c5: {  	s24 =	simm.s32 $0x16000;
	s3 =	rddreg [dreg:$0xd]  }
0x1c6: {  	[tilespmem:s24], [sflag:$0x6] =	stream.linear.gather [hbm4b:s3+s2], $0x2000, $0x38;
	[tilespmem:$0x18000] =	vst v63  }
0x1c7: {  	_ =	swait.ge [sflag:s29], $0x2000  }
0x1c8: {  	[sflag:s29] =	ssyncset.done $0x0  }
0x1c9: {  	[sflag:s29] =	ssyncadd.s32 $0xFFFFE000  }
0x1ca: {  	_ =	swait.ge [sflag:s29], $0x2000  }
0x1cb: {  	[sflag:s29] =	ssyncset.done $0x0  }
0x1cc: {  	s3 =	rddreg [dreg:$0xe];
	[sflag:s29] =	ssyncadd.s32 $0xFFFFE000  }
0x1cd: {  	[hbm4b:s3+s2] =	stream.linear.scatter [tilespmem:s2], [sflag:$0x7], $0x4000, $0x38;
	[tilespmem:$0x18000] =	vst v63  }
0x1ce: {  	_ =	swait.ge [sflag:s25], $0x2000  }
0x1cf: {  	[sflag:s25] =	ssyncset.done $0x0  }
0x1d0: {  	[sflag:s25] =	ssyncadd.s32 $0xFFFFE000  }
0x1d1: {  	_ =	swait.ge [sflag:s25], $0x2000  }
0x1d2: {  	[sflag:s25] =	ssyncset.done $0x0  }
0x1d3: {  	s3 =	rddreg [dreg:$0xf];
	[sflag:s25] =	ssyncadd.s32 $0xFFFFE000  }
0x1d4: {  	[hbm4b:s3+s2] =	stream.linear.scatter [tilespmem:s5], [sflag:$0x8], $0x4000, $0x38;
	[tilespmem:$0x18000] =	vst v63  }
0x1d5: {  	_ =	swait.ge [sflag:s22], $0x2000  }
0x1d6: {  	[sflag:s22] =	ssyncset.done $0x0  }
0x1d7: {  	[sflag:s22] =	ssyncadd.s32 $0xFFFFE000  }
0x1d8: {  	_ =	swait.ge [sflag:s22], $0x2000  }
0x1d9: {  	[sflag:s22] =	ssyncset.done $0x0  }
0x1da: {  	s3 =	rddreg [dreg:$0x10];
	[sflag:s22] =	ssyncadd.s32 $0xFFFFE000  }
0x1db: {  	[hbm4b:s3+s2] =	stream.linear.scatter [tilespmem:s23], [sflag:$0x9], $0x4000, $0x38;
	[tilespmem:$0x18000] =	vst v63  }
0x1dc: {  	_ =	swait.ge [sflag:s20], $0x2000  }
0x1dd: {  	[sflag:s20] =	ssyncset.done $0x0  }
0x1de: {  	[sflag:s20] =	ssyncadd.s32 $0xFFFFE000  }
0x1df: {  	_ =	swait.ge [sflag:s20], $0x2000  }
0x1e0: {  	[sflag:s20] =	ssyncset.done $0x0  }
0x1e1: {  	s3 =	rddreg [dreg:$0x11];
	[sflag:s20] =	ssyncadd.s32 $0xFFFFE000  }
0x1e2: {  	[hbm4b:s3+s2] =	stream.linear.scatter [tilespmem:s19], [sflag:$0xA], $0x4000, $0x38;
	[tilespmem:$0x18000] =	vst v63  }
0x1e3: {  	_ =	swait.ge [sflag:s10], $0x4000  }
0x1e4: {  	[sflag:s10] =	ssyncset.done $0x0  }
0x1e5: {  	s0 =	rddreg [dreg:$0x12];
	[sflag:s10] =	ssyncadd.s32 $0xFFFFC000  }
0x1e6: {  	[tilespmem:s2], [sflag:$0x1] =	stream.linear.gather [hbm4b:s0+s2], $0x2000, $0x38;
	[tilespmem:$0x18000] =	vst v63  }
0x1e7: {  	s3 =	rddreg [dreg:$0x13]  }
0x1e8: {  	[tilespmem:s6], [sflag:$0x1] =	stream.linear.gather [hbm4b:s3+s2], $0x2000, $0x38;
	[tilespmem:$0x18000] =	vst v63  }
0x1e9: {  	_ =	swait.ge [sflag:s18], $0x2000  }
0x1ea: {  	[sflag:s18] =	ssyncset.done $0x0  }
0x1eb: {  	[sflag:s18] =	ssyncadd.s32 $0xFFFFE000  }
0x1ec: {  	_ =	swait.ge [sflag:s18], $0x2000  }
0x1ed: {  	[sflag:s18] =	ssyncset.done $0x0  }
0x1ee: {  	s3 =	rddreg [dreg:$0x14];
	[sflag:s18] =	ssyncadd.s32 $0xFFFFE000  }
0x1ef: {  	[hbm4b:s3+s2] =	stream.linear.scatter [tilespmem:s16], [sflag:$0xB], $0x4000, $0x38;
	[tilespmem:$0x18000] =	vst v63  }
0x1f0: {  	_ =	swait.ge [sflag:s13], $0x4000  }
0x1f1: {  	[sflag:s13] =	ssyncset.done $0x0  }
0x1f2: {  	s0 =	rddreg [dreg:$0x15];
	[sflag:s13] =	ssyncadd.s32 $0xFFFFC000  }
0x1f3: {  	[tilespmem:s5], [sflag:$0x2] =	stream.linear.gather [hbm4b:s0+s2], $0x2000, $0x38;
	[tilespmem:$0x18000] =	vst v63  }
0x1f4: {  	s3 =	rddreg [dreg:$0x16]  }
0x1f5: {  	[tilespmem:s31], [sflag:$0x2] =	stream.linear.gather [hbm4b:s3+s2], $0x2000, $0x38;
	[tilespmem:$0x18000] =	vst v63  }
0x1f6: {  	_ =	swait.ge [sflag:s17], $0x2000  }
0x1f7: {  	[sflag:s17] =	ssyncset.done $0x0  }
0x1f8: {  	[sflag:s17] =	ssyncadd.s32 $0xFFFFE000  }
0x1f9: {  	_ =	swait.ge [sflag:s17], $0x2000  }
0x1fa: {  	[sflag:s17] =	ssyncset.done $0x0  }
0x1fb: {  	s3 =	rddreg [dreg:$0x17];
	[sflag:s17] =	ssyncadd.s32 $0xFFFFE000  }
0x1fc: {  	[hbm4b:s3+s2] =	stream.linear.scatter [tilespmem:s12], [sflag:$0xC], $0x4000, $0x38;
	[tilespmem:$0x18000] =	vst v63  }
0x1fd: {  	_ =	swait.ge [sflag:s11], $0x4000  }
0x1fe: {  	[sflag:s11] =	ssyncset.done $0x0  }
0x1ff: {  	s0 =	rddreg [dreg:$0x18];
	[sflag:s11] =	ssyncadd.s32 $0xFFFFC000  }
0x200: {  	[tilespmem:s23], [sflag:$0x3] =	stream.linear.gather [hbm4b:s0+s2], $0x2000, $0x38;
	[tilespmem:$0x18000] =	vst v63  }
0x201: {  	s3 =	rddreg [dreg:$0x19]  }
0x202: {  	[tilespmem:s30], [sflag:$0x3] =	stream.linear.gather [hbm4b:s3+s2], $0x2000, $0x38;
	[tilespmem:$0x18000] =	vst v63  }
0x203: {  	_ =	swait.ge [sflag:s29], $0x2000  }
0x204: {  	[sflag:s29] =	ssyncset.done $0x0  }
0x205: {  	[sflag:s29] =	ssyncadd.s32 $0xFFFFE000  }
0x206: {  	_ =	swait.ge [sflag:s29], $0x2000  }
0x207: {  	[sflag:s29] =	ssyncset.done $0x0  }
0x208: {  	s3 =	rddreg [dreg:$0x1a];
	[sflag:s29] =	ssyncadd.s32 $0xFFFFE000  }
0x209: {  	[hbm4b:s3+s2] =	stream.linear.scatter [tilespmem:s2], [sflag:$0x7], $0x4000, $0x38;
	[tilespmem:$0x18000] =	vst v63  }
0x20a: {  	_ =	swait.ge [sflag:s9], $0x4000  }
0x20b: {  	[sflag:s9] =	ssyncset.done $0x0  }
0x20c: {  	s0 =	rddreg [dreg:$0x1b];
	[sflag:s9] =	ssyncadd.s32 $0xFFFFC000  }
0x20d: {  	[tilespmem:s19], [sflag:$0x4] =	stream.linear.gather [hbm4b:s0+s2], $0x2000, $0x38;
	[tilespmem:$0x18000] =	vst v63  }
0x20e: {  	s3 =	rddreg [dreg:$0x1c]  }
0x20f: {  	[tilespmem:s28], [sflag:$0x4] =	stream.linear.gather [hbm4b:s3+s2], $0x2000, $0x38;
	[tilespmem:$0x18000] =	vst v63  }
0x210: {  	_ =	swait.ge [sflag:s25], $0x2000  }
0x211: {  	[sflag:s25] =	ssyncset.done $0x0  }
0x212: {  	[sflag:s25] =	ssyncadd.s32 $0xFFFFE000  }
0x213: {  	_ =	swait.ge [sflag:s25], $0x2000  }
0x214: {  	[sflag:s25] =	ssyncset.done $0x0  }
0x215: {  	s23 =	simm.s32 $0x4000;
	s3 =	rddreg [dreg:$0x1d];
	[sflag:s25] =	ssyncadd.s32 $0xFFFFE000  }
0x216: {  	[hbm4b:s3+s2] =	stream.linear.scatter [tilespmem:s23], [sflag:$0x8], $0x4000, $0x38;
	[tilespmem:$0x18000] =	vst v63  }
0x217: {  	_ =	swait.ge [sflag:s7], $0x4000  }
0x218: {  	[sflag:s7] =	ssyncset.done $0x0  }
0x219: {  	s0 =	rddreg [dreg:$0x1e];
	[sflag:s7] =	ssyncadd.s32 $0xFFFFC000  }
0x21a: {  	[tilespmem:s16], [sflag:$0x5] =	stream.linear.gather [hbm4b:s0+s2], $0x2000, $0x38;
	[tilespmem:$0x18000] =	vst v63  }
0x21b: {  	s3 =	rddreg [dreg:$0x1f]  }
0x21c: {  	[tilespmem:s26], [sflag:$0x5] =	stream.linear.gather [hbm4b:s3+s2], $0x2000, $0x38;
	[tilespmem:$0x18000] =	vst v63  }
0x21d: {  	_ =	swait.ge [sflag:s22], $0x2000  }
0x21e: {  	[sflag:s22] =	ssyncset.done $0x0  }
0x21f: {  	[sflag:s22] =	ssyncadd.s32 $0xFFFFE000  }
0x220: {  	_ =	swait.ge [sflag:s22], $0x2000  }
0x221: {  	s3 =	sld [smem:$0x7D9]  }
0x222: {  	[sflag:s22] =	ssyncset.done $0x0  }
0x223: {  	s5 =	simm.s32 $0xC;
	s19 =	simm.s32 $0x8000;
	[sflag:s22] =	ssyncadd.s32 $0xFFFFE000  }
0x224: {  	[hbm4b:s3+s2] =	stream.linear.scatter [tilespmem:s19], [sflag:$0x9], $0x4000, $0x38;
	[tilespmem:$0x18000] =	vst v63  }
0x225: {  	_ =	swait.ge [sflag:s5], $0x4000  }
0x226: {  	s0 =	sld [smem:$0x7DA]  }
0x227: {  	[sflag:s5] =	ssyncset.done $0x0  }
0x228: {  	s3 =	sld [smem:$0x7DB];
	[sflag:s5] =	ssyncadd.s32 $0xFFFFC000  }
0x229: {  	[tilespmem:s12], [sflag:$0x6] =	stream.linear.gather [hbm4b:s0+s2], $0x2000, $0x38;
	[tilespmem:$0x18000] =	vst v63  }
0x22a: {  	_ = 	snop  }
0x22b: {  	[tilespmem:s24], [sflag:$0x6] =	stream.linear.gather [hbm4b:s3+s2], $0x2000, $0x38;
	[tilespmem:$0x18000] =	vst v63  }
0x22c: {  	_ =	swait.ge [sflag:s20], $0x2000  }
0x22d: {  	[sflag:s20] =	ssyncset.done $0x0  }
0x22e: {  	[sflag:s20] =	ssyncadd.s32 $0xFFFFE000  }
0x22f: {  	_ =	swait.ge [sflag:s20], $0x2000  }
0x230: {  	s3 =	sld [smem:$0x7DC]  }
0x231: {  	[sflag:s20] =	ssyncset.done $0x0  }
0x232: {  	s16 =	simm.s32 $0xC000;
	[sflag:s20] =	ssyncadd.s32 $0xFFFFE000  }
0x233: {  	[hbm4b:s3+s2] =	stream.linear.scatter [tilespmem:s16], [sflag:$0xA], $0x4000, $0x38;
	[tilespmem:$0x18000] =	vst v63  }
0x234: {  	_ =	swait.ge [sflag:s10], $0x4000  }
0x235: {  	s0 =	sld [smem:$0x7DD]  }
0x236: {  	[sflag:s10] =	ssyncset.done $0x0  }
0x237: {  	s3 =	sld [smem:$0x7DE];
	[sflag:s10] =	ssyncadd.s32 $0xFFFFC000  }
0x238: {  	[tilespmem:s2], [sflag:$0x1] =	stream.linear.gather [hbm4b:s0+s2], $0x2000, $0x38;
	[tilespmem:$0x18000] =	vst v63  }
0x239: {  	_ = 	snop  }
0x23a: {  	[tilespmem:s6], [sflag:$0x1] =	stream.linear.gather [hbm4b:s3+s2], $0x2000, $0x38;
	[tilespmem:$0x18000] =	vst v63  }
0x23b: {  	_ =	swait.ge [sflag:s18], $0x2000  }
0x23c: {  	[sflag:s18] =	ssyncset.done $0x0  }
0x23d: {  	[sflag:s18] =	ssyncadd.s32 $0xFFFFE000  }
0x23e: {  	_ =	swait.ge [sflag:s18], $0x2000  }
0x23f: {  	s3 =	sld [smem:$0x7DF]  }
0x240: {  	[sflag:s18] =	ssyncset.done $0x0  }
0x241: {  	s12 =	simm.s32 $0x10000;
	[sflag:s18] =	ssyncadd.s32 $0xFFFFE000  }
0x242: {  	[hbm4b:s3+s2] =	stream.linear.scatter [tilespmem:s12], [sflag:$0xB], $0x4000, $0x38;
	[tilespmem:$0x18000] =	vst v63  }
0x243: {  	_ =	swait.ge [sflag:s13], $0x4000  }
0x244: {  	s0 =	sld [smem:$0x7E0]  }
0x245: {  	[sflag:s13] =	ssyncset.done $0x0  }
0x246: {  	s3 =	sld [smem:$0x7E1];
	[sflag:s13] =	ssyncadd.s32 $0xFFFFC000  }
0x247: {  	[tilespmem:s23], [sflag:$0x2] =	stream.linear.gather [hbm4b:s0+s2], $0x2000, $0x38;
	[tilespmem:$0x18000] =	vst v63  }
0x248: {  	_ = 	snop  }
0x249: {  	[tilespmem:s31], [sflag:$0x2] =	stream.linear.gather [hbm4b:s3+s2], $0x2000, $0x38;
	[tilespmem:$0x18000] =	vst v63  }
0x24a: {  	_ =	swait.ge [sflag:s17], $0x2000  }
0x24b: {  	[sflag:s17] =	ssyncset.done $0x0  }
0x24c: {  	[sflag:s17] =	ssyncadd.s32 $0xFFFFE000  }
0x24d: {  	_ =	swait.ge [sflag:s17], $0x2000  }
0x24e: {  	s3 =	sld [smem:$0x7E2]  }
0x24f: {  	[sflag:s17] =	ssyncset.done $0x0  }
0x250: {  	s6 =	simm.s32 $0x14000;
	[sflag:s17] =	ssyncadd.s32 $0xFFFFE000  }
0x251: {  	[hbm4b:s3+s2] =	stream.linear.scatter [tilespmem:s6], [sflag:$0xC], $0x4000, $0x38;
	[tilespmem:$0x18000] =	vst v63  }
0x252: {  	_ =	swait.ge [sflag:s11], $0x4000  }
0x253: {  	s0 =	sld [smem:$0x7E3]  }
0x254: {  	[sflag:s11] =	ssyncset.done $0x0  }
0x255: {  	s3 =	sld [smem:$0x7E4];
	[sflag:s11] =	ssyncadd.s32 $0xFFFFC000  }
0x256: {  	[tilespmem:s19], [sflag:$0x3] =	stream.linear.gather [hbm4b:s0+s2], $0x2000, $0x38;
	[tilespmem:$0x18000] =	vst v63  }
0x257: {  	_ = 	snop  }
0x258: {  	[tilespmem:s30], [sflag:$0x3] =	stream.linear.gather [hbm4b:s3+s2], $0x2000, $0x38;
	[tilespmem:$0x18000] =	vst v63  }
0x259: {  	_ =	swait.ge [sflag:s29], $0x2000  }
0x25a: {  	[sflag:s29] =	ssyncset.done $0x0  }
0x25b: {  	[sflag:s29] =	ssyncadd.s32 $0xFFFFE000  }
0x25c: {  	_ =	swait.ge [sflag:s29], $0x2000  }
0x25d: {  	s3 =	sld [smem:$0x7E5]  }
0x25e: {  	[sflag:s29] =	ssyncset.done $0x0  }
0x25f: {  	[sflag:s29] =	ssyncadd.s32 $0xFFFFE000  }
0x260: {  	[hbm4b:s3+s2] =	stream.linear.scatter [tilespmem:s2], [sflag:$0x7], $0x4000, $0x38;
	[tilespmem:$0x18000] =	vst v63  }
0x261: {  	_ =	swait.ge [sflag:s9], $0x4000  }
0x262: {  	s0 =	sld [smem:$0x7E6]  }
0x263: {  	[sflag:s9] =	ssyncset.done $0x0  }
0x264: {  	s3 =	sld [smem:$0x7E7];
	[sflag:s9] =	ssyncadd.s32 $0xFFFFC000  }
0x265: {  	[tilespmem:s16], [sflag:$0x4] =	stream.linear.gather [hbm4b:s0+s2], $0x2000, $0x38;
	[tilespmem:$0x18000] =	vst v63  }
0x266: {  	_ = 	snop  }
0x267: {  	[tilespmem:s28], [sflag:$0x4] =	stream.linear.gather [hbm4b:s3+s2], $0x2000, $0x38;
	[tilespmem:$0x18000] =	vst v63  }
0x268: {  	_ =	swait.ge [sflag:s25], $0x2000  }
0x269: {  	[sflag:s25] =	ssyncset.done $0x0  }
0x26a: {  	[sflag:s25] =	ssyncadd.s32 $0xFFFFE000  }
0x26b: {  	_ =	swait.ge [sflag:s25], $0x2000  }
0x26c: {  	s3 =	sld [smem:$0x7E8]  }
0x26d: {  	[sflag:s25] =	ssyncset.done $0x0  }
0x26e: {  	[sflag:s25] =	ssyncadd.s32 $0xFFFFE000  }
0x26f: {  	[hbm4b:s3+s2] =	stream.linear.scatter [tilespmem:s23], [sflag:$0x8], $0x4000, $0x38;
	[tilespmem:$0x18000] =	vst v63  }
0x270: {  	_ =	swait.ge [sflag:s7], $0x4000  }
0x271: {  	s0 =	sld [smem:$0x7E9]  }
0x272: {  	[sflag:s7] =	ssyncset.done $0x0  }
0x273: {  	s3 =	sld [smem:$0x7EA];
	[sflag:s7] =	ssyncadd.s32 $0xFFFFC000  }
0x274: {  	[tilespmem:s12], [sflag:$0x5] =	stream.linear.gather [hbm4b:s0+s2], $0x2000, $0x38;
	[tilespmem:$0x18000] =	vst v63  }
0x275: {  	_ = 	snop  }
0x276: {  	[tilespmem:s26], [sflag:$0x5] =	stream.linear.gather [hbm4b:s3+s2], $0x2000, $0x38;
	[tilespmem:$0x18000] =	vst v63  }
0x277: {  	_ =	swait.ge [sflag:s22], $0x2000  }
0x278: {  	[sflag:s22] =	ssyncset.done $0x0  }
0x279: {  	[sflag:s22] =	ssyncadd.s32 $0xFFFFE000  }
0x27a: {  	_ =	swait.ge [sflag:s22], $0x2000  }
0x27b: {  	s3 =	sld [smem:$0x7EB]  }
0x27c: {  	[sflag:s22] =	ssyncset.done $0x0  }
0x27d: {  	[sflag:s22] =	ssyncadd.s32 $0xFFFFE000  }
0x27e: {  	[hbm4b:s3+s2] =	stream.linear.scatter [tilespmem:s19], [sflag:$0x9], $0x4000, $0x38;
	[tilespmem:$0x18000] =	vst v63  }
0x27f: {  	_ =	swait.ge [sflag:s5], $0x4000  }
0x280: {  	s0 =	sld [smem:$0x7EC]  }
0x281: {  	[sflag:s5] =	ssyncset.done $0x0  }
0x282: {  	s3 =	sld [smem:$0x7ED];
	[sflag:s5] =	ssyncadd.s32 $0xFFFFC000  }
0x283: {  	[tilespmem:s6], [sflag:$0x6] =	stream.linear.gather [hbm4b:s0+s2], $0x2000, $0x38;
	[tilespmem:$0x18000] =	vst v63  }
0x284: {  	_ = 	snop  }
0x285: {  	[tilespmem:s24], [sflag:$0x6] =	stream.linear.gather [hbm4b:s3+s2], $0x2000, $0x38;
	[tilespmem:$0x18000] =	vst v63  }
0x286: {  	_ =	swait.ge [sflag:s20], $0x2000  }
0x287: {  	[sflag:s20] =	ssyncset.done $0x0  }
0x288: {  	[sflag:s20] =	ssyncadd.s32 $0xFFFFE000  }
0x289: {  	_ =	swait.ge [sflag:s20], $0x2000  }
0x28a: {  	s3 =	sld [smem:$0x7EE]  }
0x28b: {  	[sflag:s20] =	ssyncset.done $0x0  }
0x28c: {  	[sflag:s20] =	ssyncadd.s32 $0xFFFFE000  }
0x28d: {  	[hbm4b:s3+s2] =	stream.linear.scatter [tilespmem:s16], [sflag:$0xA], $0x4000, $0x38;
	[tilespmem:$0x18000] =	vst v63  }
0x28e: {  	_ =	swait.ge [sflag:s10], $0x4000  }
0x28f: {  	s0 =	sld [smem:$0x7EF]  }
0x290: {  	[sflag:s10] =	ssyncset.done $0x0  }
0x291: {  	s3 =	sld [smem:$0x7F0];
	[sflag:s10] =	ssyncadd.s32 $0xFFFFC000  }
0x292: {  	[tilespmem:s2], [sflag:$0x1] =	stream.linear.gather [hbm4b:s0+s2], $0x2000, $0x38;
	[tilespmem:$0x18000] =	vst v63  }
0x293: {  	s31 =	simm.s32 $0x2000  }
0x294: {  	[tilespmem:s31], [sflag:$0x1] =	stream.linear.gather [hbm4b:s3+s2], $0x2000, $0x38;
	[tilespmem:$0x18000] =	vst v63  }
0x295: {  	_ =	swait.ge [sflag:s18], $0x2000  }
0x296: {  	[sflag:s18] =	ssyncset.done $0x0  }
0x297: {  	[sflag:s18] =	ssyncadd.s32 $0xFFFFE000  }
0x298: {  	_ =	swait.ge [sflag:s18], $0x2000  }
0x299: {  	s3 =	sld [smem:$0x7F1]  }
0x29a: {  	[sflag:s18] =	ssyncset.done $0x0  }
0x29b: {  	[sflag:s18] =	ssyncadd.s32 $0xFFFFE000  }
0x29c: {  	[hbm4b:s3+s2] =	stream.linear.scatter [tilespmem:s12], [sflag:$0xB], $0x4000, $0x38;
	[tilespmem:$0x18000] =	vst v63  }
0x29d: {  	_ =	swait.ge [sflag:s13], $0x4000  }
0x29e: {  	s0 =	sld [smem:$0x7F2]  }
0x29f: {  	[sflag:s13] =	ssyncset.done $0x0  }
0x2a0: {  	s3 =	sld [smem:$0x7F3];
	[sflag:s13] =	ssyncadd.s32 $0xFFFFC000  }
0x2a1: {  	[tilespmem:s23], [sflag:$0x2] =	stream.linear.gather [hbm4b:s0+s2], $0x2000, $0x38;
	[tilespmem:$0x18000] =	vst v63  }
0x2a2: {  	s30 =	simm.s32 $0x6000  }
0x2a3: {  	[tilespmem:s30], [sflag:$0x2] =	stream.linear.gather [hbm4b:s3+s2], $0x2000, $0x38;
	[tilespmem:$0x18000] =	vst v63  }
0x2a4: {  	_ =	swait.ge [sflag:s17], $0x2000  }
0x2a5: {  	[sflag:s17] =	ssyncset.done $0x0  }
0x2a6: {  	[sflag:s17] =	ssyncadd.s32 $0xFFFFE000  }
0x2a7: {  	_ =	swait.ge [sflag:s17], $0x2000  }
0x2a8: {  	s3 =	sld [smem:$0x7F4]  }
0x2a9: {  	[sflag:s17] =	ssyncset.done $0x0  }
0x2aa: {  	[sflag:s17] =	ssyncadd.s32 $0xFFFFE000  }
0x2ab: {  	[hbm4b:s3+s2] =	stream.linear.scatter [tilespmem:s6], [sflag:$0xC], $0x4000, $0x38;
	[tilespmem:$0x18000] =	vst v63  }
0x2ac: {  	_ =	swait.ge [sflag:s11], $0x4000  }
0x2ad: {  	s0 =	sld [smem:$0x7F5]  }
0x2ae: {  	[sflag:s11] =	ssyncset.done $0x0  }
0x2af: {  	s3 =	sld [smem:$0x7F6];
	[sflag:s11] =	ssyncadd.s32 $0xFFFFC000  }
0x2b0: {  	[tilespmem:s19], [sflag:$0x3] =	stream.linear.gather [hbm4b:s0+s2], $0x2000, $0x38;
	[tilespmem:$0x18000] =	vst v63  }
0x2b1: {  	s28 =	simm.s32 $0xA000  }
0x2b2: {  	[tilespmem:s28], [sflag:$0x3] =	stream.linear.gather [hbm4b:s3+s2], $0x2000, $0x38;
	[tilespmem:$0x18000] =	vst v63  }
0x2b3: {  	_ =	swait.ge [sflag:s29], $0x2000  }
0x2b4: {  	[sflag:s29] =	ssyncset.done $0x0  }
0x2b5: {  	[sflag:s29] =	ssyncadd.s32 $0xFFFFE000  }
0x2b6: {  	_ =	swait.ge [sflag:s29], $0x2000  }
0x2b7: {  	s3 =	sld [smem:$0x7F7]  }
0x2b8: {  	[sflag:s29] =	ssyncset.done $0x0  }
0x2b9: {  	[sflag:s29] =	ssyncadd.s32 $0xFFFFE000  }
0x2ba: {  	[hbm4b:s3+s2] =	stream.linear.scatter [tilespmem:s2], [sflag:$0x7], $0x4000, $0x38;
	[tilespmem:$0x18000] =	vst v63  }
0x2bb: {  	_ =	swait.ge [sflag:s9], $0x4000  }
0x2bc: {  	s0 =	sld [smem:$0x7F8]  }
0x2bd: {  	[sflag:s9] =	ssyncset.done $0x0  }
0x2be: {  	s3 =	sld [smem:$0x7F9];
	[sflag:s9] =	ssyncadd.s32 $0xFFFFC000  }
0x2bf: {  	[tilespmem:s16], [sflag:$0x4] =	stream.linear.gather [hbm4b:s0+s2], $0x2000, $0x38;
	[tilespmem:$0x18000] =	vst v63  }
0x2c0: {  	s26 =	simm.s32 $0xE000  }
0x2c1: {  	[tilespmem:s26], [sflag:$0x4] =	stream.linear.gather [hbm4b:s3+s2], $0x2000, $0x38;
	[tilespmem:$0x18000] =	vst v63  }
0x2c2: {  	_ =	swait.ge [sflag:s25], $0x2000  }
0x2c3: {  	[sflag:s25] =	ssyncset.done $0x0  }
0x2c4: {  	[sflag:s25] =	ssyncadd.s32 $0xFFFFE000  }
0x2c5: {  	_ =	swait.ge [sflag:s25], $0x2000  }
0x2c6: {  	s3 =	sld [smem:$0x7FA]  }
0x2c7: {  	[sflag:s25] =	ssyncset.done $0x0  }
0x2c8: {  	[sflag:s25] =	ssyncadd.s32 $0xFFFFE000  }
0x2c9: {  	[hbm4b:s3+s2] =	stream.linear.scatter [tilespmem:s23], [sflag:$0x8], $0x4000, $0x38;
	[tilespmem:$0x18000] =	vst v63  }
0x2ca: {  	_ =	swait.ge [sflag:s7], $0x4000  }
0x2cb: {  	s0 =	sld [smem:$0x7FB]  }
0x2cc: {  	[sflag:s7] =	ssyncset.done $0x0  }
0x2cd: {  	s3 =	sld [smem:$0x7FC];
	[sflag:s7] =	ssyncadd.s32 $0xFFFFC000  }
0x2ce: {  	[tilespmem:s12], [sflag:$0x5] =	stream.linear.gather [hbm4b:s0+s2], $0x2000, $0x38;
	[tilespmem:$0x18000] =	vst v63  }
0x2cf: {  	s24 =	simm.s32 $0x12000  }
0x2d0: {  	[tilespmem:s24], [sflag:$0x5] =	stream.linear.gather [hbm4b:s3+s2], $0x2000, $0x38;
	[tilespmem:$0x18000] =	vst v63  }
0x2d1: {  	_ =	swait.ge [sflag:s22], $0x2000  }
0x2d2: {  	[sflag:s22] =	ssyncset.done $0x0  }
0x2d3: {  	[sflag:s22] =	ssyncadd.s32 $0xFFFFE000  }
0x2d4: {  	_ =	swait.ge [sflag:s22], $0x2000  }
0x2d5: {  	s0 =	sld [smem:$0x7FD]  }
0x2d6: {  	[sflag:s22] =	ssyncset.done $0x0  }
0x2d7: {  	[sflag:s22] =	ssyncadd.s32 $0xFFFFE000  }
0x2d8: {  	[hbm4b:s0+s2] =	stream.linear.scatter [tilespmem:s19], [sflag:$0x9], $0x4000, $0x38;
	[tilespmem:$0x18000] =	vst v63  }
0x2d9: {  	_ =	swait.ge [sflag:s5], $0x4000  }
0x2da: {  	s3 =	smov.u32 s4;
	s4 =	smov.u32 s8;
	[sflag:s5] =	ssyncset.done $0x0  }
0x2db: {  	s8 =	smov.u32 s14;
	s14 =	smov.u32 s15;
	[sflag:s5] =	ssyncadd.s32 $0xFFFFC000  }
0x2dc: {  	[tilespmem:s6], [sflag:$0x6] =	stream.linear.gather [hbm4b:s14+s2], $0x2000, $0x38;
	[tilespmem:$0x18000] =	vst v63  }
0x2dd: {  	s15 =	smov.u32 s21;
	s21 =	simm.s32 $0x16000  }
0x2de: {  	[tilespmem:s21], [sflag:$0x6] =	stream.linear.gather [hbm4b:s15+s2], $0x2000, $0x38;
	[tilespmem:$0x18000] =	vst v63  }
0x2df: {  	_ =	swait.ge [sflag:s20], $0x2000  }
0x2e0: {  	[sflag:s20] =	ssyncset.done $0x0  }
0x2e1: {  	[sflag:s20] =	ssyncadd.s32 $0xFFFFE000  }
0x2e2: {  	_ =	swait.ge [sflag:s20], $0x2000  }
0x2e3: {  	[sflag:s20] =	ssyncset.done $0x0  }
0x2e4: {  	[sflag:s20] =	ssyncadd.s32 $0xFFFFE000  }
0x2e5: {  	[hbm4b:s8+s2] =	stream.linear.scatter [tilespmem:s16], [sflag:$0xA], $0x4000, $0x38;
	[tilespmem:$0x18000] =	vst v63  }
0x2e6: {  	_ =	swait.ge [sflag:s18], $0x2000  }
0x2e7: {  	[sflag:s18] =	ssyncset.done $0x0  }
0x2e8: {  	[sflag:s18] =	ssyncadd.s32 $0xFFFFE000  }
0x2e9: {  	_ =	swait.ge [sflag:s18], $0x2000  }
0x2ea: {  	[sflag:s18] =	ssyncset.done $0x0  }
0x2eb: {  	[sflag:s18] =	ssyncadd.s32 $0xFFFFE000  }
0x2ec: {  	[hbm4b:s4+s2] =	stream.linear.scatter [tilespmem:s12], [sflag:$0xB], $0x4000, $0x38;
	[tilespmem:$0x18000] =	vst v63  }
0x2ed: {  	_ =	swait.ge [sflag:s17], $0x2000  }
0x2ee: {  	[sflag:s17] =	ssyncset.done $0x0  }
0x2ef: {  	[sflag:s17] =	ssyncadd.s32 $0xFFFFE000  }
0x2f0: {  	_ =	swait.ge [sflag:s17], $0x2000  }
0x2f1: {  	[sflag:s17] =	ssyncset.done $0x0  }
0x2f2: {  	[sflag:s17] =	ssyncadd.s32 $0xFFFFE000  }
0x2f3: {  	[hbm4b:s3+s2] =	stream.linear.scatter [tilespmem:s6], [sflag:$0xC], $0x4000, $0x38;
	[tilespmem:$0x18000] =	vst v63  }
0x2f4: {  	_ =	swait.ge [sflag:s10], $0x4000  }
0x2f5: {  	[sflag:s10] =	ssyncset.done $0x0  }
0x2f6: {  	[sflag:s10] =	ssyncadd.s32 $0xFFFFC000  }
0x2f7: {  	_ =	swait.ge [sflag:s13], $0x4000  }
0x2f8: {  	[sflag:s13] =	ssyncset.done $0x0  }
0x2f9: {  	[sflag:s13] =	ssyncadd.s32 $0xFFFFC000  }
0x2fa: {  	_ =	swait.ge [sflag:s11], $0x4000  }
0x2fb: {  	[sflag:s11] =	ssyncset.done $0x0  }
0x2fc: {  	[sflag:s11] =	ssyncadd.s32 $0xFFFFC000  }
0x2fd: {  	_ =	swait.ge [sflag:s9], $0x4000  }
0x2fe: {  	[sflag:s9] =	ssyncset.done $0x0  }
0x2ff: {  	p1 =	sne.s32 s1, $0x1;
	[sflag:s9] =	ssyncadd.s32 $0xFFFFC000  }
.Ltmp2:
0x300: {  	_ =	swait.ge [sflag:s7], $0x4000;
	(pc) =	sbr.rel @p1 .LBB2_2-.Ltmp2, $4  }
0x301: {  	[sflag:s7] =	ssyncset.done $0x0  }
0x302: {  	[sflag:s7] =	ssyncadd.s32 $0xFFFFC000  }
0x303: {  	_ =	swait.ge [sflag:s5], $0x4000  }
0x304: {  	s1 =	sadd.s32 $0xFFFFFFFF, s1;
	s0 =	rddreg [dreg:$0x2];
	[sflag:s5] =	ssyncset.done $0x0  }
.LBB2_3:
0x305: {  	[sflag:s5] =	ssyncadd.s32 @p0 $0xFFFFC000  }
0x306: {  	[tilespmem:s2], [sflag:$0x1] =	stream.linear.gather [hbm4b:s0+s2], $0x2000, $0x38;
	[tilespmem:$0x18000] =	vst v63  }
0x307: {  	s1 =	rddreg [dreg:$0x3]  }
0x308: {  	[tilespmem:s31], [sflag:$0x1] =	stream.linear.gather [hbm4b:s1+s2], $0x2000, $0x38;
	[tilespmem:$0x18000] =	vst v63  }
0x309: {  	s0 =	rddreg [dreg:$0x4]  }
0x30a: {  	[tilespmem:s23], [sflag:$0x2] =	stream.linear.gather [hbm4b:s0+s2], $0x2000, $0x38;
	[tilespmem:$0x18000] =	vst v63  }
0x30b: {  	s1 =	rddreg [dreg:$0x5]  }
0x30c: {  	[tilespmem:s30], [sflag:$0x2] =	stream.linear.gather [hbm4b:s1+s2], $0x2000, $0x38;
	[tilespmem:$0x18000] =	vst v63  }
0x30d: {  	s0 =	rddreg [dreg:$0x6]  }
0x30e: {  	[tilespmem:s19], [sflag:$0x3] =	stream.linear.gather [hbm4b:s0+s2], $0x2000, $0x38;
	[tilespmem:$0x18000] =	vst v63  }
0x30f: {  	s1 =	rddreg [dreg:$0x7]  }
0x310: {  	[tilespmem:s28], [sflag:$0x3] =	stream.linear.gather [hbm4b:s1+s2], $0x2000, $0x38;
	[tilespmem:$0x18000] =	vst v63  }
0x311: {  	s0 =	rddreg [dreg:$0x8]  }
0x312: {  	[tilespmem:s16], [sflag:$0x4] =	stream.linear.gather [hbm4b:s0+s2], $0x2000, $0x38;
	[tilespmem:$0x18000] =	vst v63  }
0x313: {  	s1 =	rddreg [dreg:$0x9]  }
0x314: {  	[tilespmem:s26], [sflag:$0x4] =	stream.linear.gather [hbm4b:s1+s2], $0x2000, $0x38;
	[tilespmem:$0x18000] =	vst v63  }
0x315: {  	s0 =	rddreg [dreg:$0xa]  }
0x316: {  	[tilespmem:s12], [sflag:$0x5] =	stream.linear.gather [hbm4b:s0+s2], $0x2000, $0x38;
	[tilespmem:$0x18000] =	vst v63  }
0x317: {  	s1 =	rddreg [dreg:$0xb]  }
0x318: {  	[tilespmem:s24], [sflag:$0x5] =	stream.linear.gather [hbm4b:s1+s2], $0x2000, $0x38;
	[tilespmem:$0x18000] =	vst v63  }
0x319: {  	s0 =	rddreg [dreg:$0xc]  }
0x31a: {  	[tilespmem:s6], [sflag:$0x6] =	stream.linear.gather [hbm4b:s0+s2], $0x2000, $0x38;
	[tilespmem:$0x18000] =	vst v63  }
0x31b: {  	s1 =	rddreg [dreg:$0xd]  }
0x31c: {  	[tilespmem:s21], [sflag:$0x6] =	stream.linear.gather [hbm4b:s1+s2], $0x2000, $0x38;
	[tilespmem:$0x18000] =	vst v63  }
0x31d: {  	_ =	swait.ge [sflag:s29], $0x2000  }
0x31e: {  	[sflag:s29] =	ssyncset.done $0x0  }
0x31f: {  	[sflag:s29] =	ssyncadd.s32 $0xFFFFE000  }
0x320: {  	_ =	swait.ge [sflag:s29], $0x2000  }
0x321: {  	[sflag:s29] =	ssyncset.done $0x0  }
0x322: {  	s1 =	rddreg [dreg:$0xe];
	[sflag:s29] =	ssyncadd.s32 $0xFFFFE000  }
0x323: {  	[hbm4b:s1+s2] =	stream.linear.scatter [tilespmem:s2], [sflag:$0x7], $0x4000, $0x38;
	[tilespmem:$0x18000] =	vst v63  }
0x324: {  	_ =	swait.ge [sflag:s25], $0x2000  }
0x325: {  	[sflag:s25] =	ssyncset.done $0x0  }
0x326: {  	[sflag:s25] =	ssyncadd.s32 $0xFFFFE000  }
0x327: {  	_ =	swait.ge [sflag:s25], $0x2000  }
0x328: {  	[sflag:s25] =	ssyncset.done $0x0  }
0x329: {  	s1 =	rddreg [dreg:$0xf];
	[sflag:s25] =	ssyncadd.s32 $0xFFFFE000  }
0x32a: {  	[hbm4b:s1+s2] =	stream.linear.scatter [tilespmem:s23], [sflag:$0x8], $0x4000, $0x38;
	[tilespmem:$0x18000] =	vst v63  }
0x32b: {  	_ =	swait.ge [sflag:s22], $0x2000  }
0x32c: {  	[sflag:s22] =	ssyncset.done $0x0  }
0x32d: {  	[sflag:s22] =	ssyncadd.s32 $0xFFFFE000  }
0x32e: {  	_ =	swait.ge [sflag:s22], $0x2000  }
0x32f: {  	[sflag:s22] =	ssyncset.done $0x0  }
0x330: {  	s1 =	rddreg [dreg:$0x10];
	[sflag:s22] =	ssyncadd.s32 $0xFFFFE000  }
0x331: {  	[hbm4b:s1+s2] =	stream.linear.scatter [tilespmem:s19], [sflag:$0x9], $0x4000, $0x38;
	[tilespmem:$0x18000] =	vst v63  }
0x332: {  	_ =	swait.ge [sflag:s20], $0x2000  }
0x333: {  	[sflag:s20] =	ssyncset.done $0x0  }
0x334: {  	[sflag:s20] =	ssyncadd.s32 $0xFFFFE000  }
0x335: {  	_ =	swait.ge [sflag:s20], $0x2000  }
0x336: {  	[sflag:s20] =	ssyncset.done $0x0  }
0x337: {  	s1 =	rddreg [dreg:$0x11];
	[sflag:s20] =	ssyncadd.s32 $0xFFFFE000  }
0x338: {  	[hbm4b:s1+s2] =	stream.linear.scatter [tilespmem:s16], [sflag:$0xA], $0x4000, $0x38;
	[tilespmem:$0x18000] =	vst v63  }
0x339: {  	_ =	swait.ge [sflag:s10], $0x4000  }
0x33a: {  	[sflag:s10] =	ssyncset.done $0x0  }
0x33b: {  	s0 =	rddreg [dreg:$0x12];
	[sflag:s10] =	ssyncadd.s32 $0xFFFFC000  }
0x33c: {  	[tilespmem:s2], [sflag:$0x1] =	stream.linear.gather [hbm4b:s0+s2], $0x2000, $0x38;
	[tilespmem:$0x18000] =	vst v63  }
0x33d: {  	s1 =	rddreg [dreg:$0x13]  }
0x33e: {  	[tilespmem:s31], [sflag:$0x1] =	stream.linear.gather [hbm4b:s1+s2], $0x2000, $0x38;
	[tilespmem:$0x18000] =	vst v63  }
0x33f: {  	_ =	swait.ge [sflag:s18], $0x2000  }
0x340: {  	[sflag:s18] =	ssyncset.done $0x0  }
0x341: {  	[sflag:s18] =	ssyncadd.s32 $0xFFFFE000  }
0x342: {  	_ =	swait.ge [sflag:s18], $0x2000  }
0x343: {  	[sflag:s18] =	ssyncset.done $0x0  }
0x344: {  	s1 =	rddreg [dreg:$0x14];
	[sflag:s18] =	ssyncadd.s32 $0xFFFFE000  }
0x345: {  	[hbm4b:s1+s2] =	stream.linear.scatter [tilespmem:s12], [sflag:$0xB], $0x4000, $0x38;
	[tilespmem:$0x18000] =	vst v63  }
0x346: {  	_ =	swait.ge [sflag:s13], $0x4000  }
0x347: {  	[sflag:s13] =	ssyncset.done $0x0  }
0x348: {  	s0 =	rddreg [dreg:$0x15];
	[sflag:s13] =	ssyncadd.s32 $0xFFFFC000  }
0x349: {  	[tilespmem:s23], [sflag:$0x2] =	stream.linear.gather [hbm4b:s0+s2], $0x2000, $0x38;
	[tilespmem:$0x18000] =	vst v63  }
0x34a: {  	s1 =	rddreg [dreg:$0x16]  }
0x34b: {  	[tilespmem:s30], [sflag:$0x2] =	stream.linear.gather [hbm4b:s1+s2], $0x2000, $0x38;
	[tilespmem:$0x18000] =	vst v63  }
0x34c: {  	_ =	swait.ge [sflag:s17], $0x2000  }
0x34d: {  	[sflag:s17] =	ssyncset.done $0x0  }
0x34e: {  	[sflag:s17] =	ssyncadd.s32 $0xFFFFE000  }
0x34f: {  	_ =	swait.ge [sflag:s17], $0x2000  }
0x350: {  	[sflag:s17] =	ssyncset.done $0x0  }
0x351: {  	s1 =	rddreg [dreg:$0x17];
	[sflag:s17] =	ssyncadd.s32 $0xFFFFE000  }
0x352: {  	[hbm4b:s1+s2] =	stream.linear.scatter [tilespmem:s6], [sflag:$0xC], $0x4000, $0x38;
	[tilespmem:$0x18000] =	vst v63  }
0x353: {  	_ =	swait.ge [sflag:s11], $0x4000  }
0x354: {  	[sflag:s11] =	ssyncset.done $0x0  }
0x355: {  	s0 =	rddreg [dreg:$0x18];
	[sflag:s11] =	ssyncadd.s32 $0xFFFFC000  }
0x356: {  	[tilespmem:s19], [sflag:$0x3] =	stream.linear.gather [hbm4b:s0+s2], $0x2000, $0x38;
	[tilespmem:$0x18000] =	vst v63  }
0x357: {  	s1 =	rddreg [dreg:$0x19]  }
0x358: {  	[tilespmem:s28], [sflag:$0x3] =	stream.linear.gather [hbm4b:s1+s2], $0x2000, $0x38;
	[tilespmem:$0x18000] =	vst v63  }
0x359: {  	_ =	swait.ge [sflag:s29], $0x2000  }
0x35a: {  	[sflag:s29] =	ssyncset.done $0x0  }
0x35b: {  	[sflag:s29] =	ssyncadd.s32 $0xFFFFE000  }
0x35c: {  	_ =	swait.ge [sflag:s29], $0x2000  }
0x35d: {  	[sflag:s29] =	ssyncset.done $0x0  }
0x35e: {  	s1 =	rddreg [dreg:$0x1a];
	[sflag:s29] =	ssyncadd.s32 $0xFFFFE000  }
0x35f: {  	[hbm4b:s1+s2] =	stream.linear.scatter [tilespmem:s2], [sflag:$0x7], $0x4000, $0x38;
	[tilespmem:$0x18000] =	vst v63  }
0x360: {  	_ =	swait.ge [sflag:s9], $0x4000  }
0x361: {  	[sflag:s9] =	ssyncset.done $0x0  }
0x362: {  	s0 =	rddreg [dreg:$0x1b];
	[sflag:s9] =	ssyncadd.s32 $0xFFFFC000  }
0x363: {  	[tilespmem:s16], [sflag:$0x4] =	stream.linear.gather [hbm4b:s0+s2], $0x2000, $0x38;
	[tilespmem:$0x18000] =	vst v63  }
0x364: {  	s1 =	rddreg [dreg:$0x1c]  }
0x365: {  	[tilespmem:s26], [sflag:$0x4] =	stream.linear.gather [hbm4b:s1+s2], $0x2000, $0x38;
	[tilespmem:$0x18000] =	vst v63  }
0x366: {  	_ =	swait.ge [sflag:s25], $0x2000  }
0x367: {  	[sflag:s25] =	ssyncset.done $0x0  }
0x368: {  	[sflag:s25] =	ssyncadd.s32 $0xFFFFE000  }
0x369: {  	_ =	swait.ge [sflag:s25], $0x2000  }
0x36a: {  	[sflag:s25] =	ssyncset.done $0x0  }
0x36b: {  	s1 =	rddreg [dreg:$0x1d];
	[sflag:s25] =	ssyncadd.s32 $0xFFFFE000  }
0x36c: {  	[hbm4b:s1+s2] =	stream.linear.scatter [tilespmem:s23], [sflag:$0x8], $0x4000, $0x38;
	[tilespmem:$0x18000] =	vst v63  }
0x36d: {  	_ =	swait.ge [sflag:s7], $0x4000  }
0x36e: {  	[sflag:s7] =	ssyncset.done $0x0  }
0x36f: {  	s0 =	rddreg [dreg:$0x1e];
	[sflag:s7] =	ssyncadd.s32 $0xFFFFC000  }
0x370: {  	[tilespmem:s12], [sflag:$0x5] =	stream.linear.gather [hbm4b:s0+s2], $0x2000, $0x38;
	[tilespmem:$0x18000] =	vst v63  }
0x371: {  	s1 =	rddreg [dreg:$0x1f]  }
0x372: {  	[tilespmem:s24], [sflag:$0x5] =	stream.linear.gather [hbm4b:s1+s2], $0x2000, $0x38;
	[tilespmem:$0x18000] =	vst v63  }
0x373: {  	_ =	swait.ge [sflag:s22], $0x2000  }
0x374: {  	[sflag:s22] =	ssyncset.done $0x0  }
0x375: {  	[sflag:s22] =	ssyncadd.s32 $0xFFFFE000  }
0x376: {  	_ =	swait.ge [sflag:s22], $0x2000  }
0x377: {  	s1 =	sld [smem:$0x7D9]  }
0x378: {  	[sflag:s22] =	ssyncset.done $0x0  }
0x379: {  	[sflag:s22] =	ssyncadd.s32 $0xFFFFE000  }
0x37a: {  	[hbm4b:s1+s2] =	stream.linear.scatter [tilespmem:s19], [sflag:$0x9], $0x4000, $0x38;
	[tilespmem:$0x18000] =	vst v63  }
0x37b: {  	_ =	swait.ge [sflag:s5], $0x4000  }
0x37c: {  	s0 =	sld [smem:$0x7DA]  }
0x37d: {  	[sflag:s5] =	ssyncset.done $0x0  }
0x37e: {  	s1 =	sld [smem:$0x7DB];
	[sflag:s5] =	ssyncadd.s32 $0xFFFFC000  }
0x37f: {  	[tilespmem:s6], [sflag:$0x6] =	stream.linear.gather [hbm4b:s0+s2], $0x2000, $0x38;
	[tilespmem:$0x18000] =	vst v63  }
0x380: {  	_ = 	snop  }
0x381: {  	[tilespmem:s21], [sflag:$0x6] =	stream.linear.gather [hbm4b:s1+s2], $0x2000, $0x38;
	[tilespmem:$0x18000] =	vst v63  }
0x382: {  	_ =	swait.ge [sflag:s20], $0x2000  }
0x383: {  	[sflag:s20] =	ssyncset.done $0x0  }
0x384: {  	[sflag:s20] =	ssyncadd.s32 $0xFFFFE000  }
0x385: {  	_ =	swait.ge [sflag:s20], $0x2000  }
0x386: {  	s1 =	sld [smem:$0x7DC]  }
0x387: {  	[sflag:s20] =	ssyncset.done $0x0  }
0x388: {  	[sflag:s20] =	ssyncadd.s32 $0xFFFFE000  }
0x389: {  	[hbm4b:s1+s2] =	stream.linear.scatter [tilespmem:s16], [sflag:$0xA], $0x4000, $0x38;
	[tilespmem:$0x18000] =	vst v63  }
0x38a: {  	_ =	swait.ge [sflag:s10], $0x4000  }
0x38b: {  	s0 =	sld [smem:$0x7DD]  }
0x38c: {  	[sflag:s10] =	ssyncset.done $0x0  }
0x38d: {  	s1 =	sld [smem:$0x7DE];
	[sflag:s10] =	ssyncadd.s32 $0xFFFFC000  }
0x38e: {  	[tilespmem:s2], [sflag:$0x1] =	stream.linear.gather [hbm4b:s0+s2], $0x2000, $0x38;
	[tilespmem:$0x18000] =	vst v63  }
0x38f: {  	_ = 	snop  }
0x390: {  	[tilespmem:s31], [sflag:$0x1] =	stream.linear.gather [hbm4b:s1+s2], $0x2000, $0x38;
	[tilespmem:$0x18000] =	vst v63  }
0x391: {  	_ =	swait.ge [sflag:s18], $0x2000  }
0x392: {  	[sflag:s18] =	ssyncset.done $0x0  }
0x393: {  	[sflag:s18] =	ssyncadd.s32 $0xFFFFE000  }
0x394: {  	_ =	swait.ge [sflag:s18], $0x2000  }
0x395: {  	s1 =	sld [smem:$0x7DF]  }
0x396: {  	[sflag:s18] =	ssyncset.done $0x0  }
0x397: {  	[sflag:s18] =	ssyncadd.s32 $0xFFFFE000  }
0x398: {  	[hbm4b:s1+s2] =	stream.linear.scatter [tilespmem:s12], [sflag:$0xB], $0x4000, $0x38;
	[tilespmem:$0x18000] =	vst v63  }
0x399: {  	_ =	swait.ge [sflag:s13], $0x4000  }
0x39a: {  	s0 =	sld [smem:$0x7E0]  }
0x39b: {  	[sflag:s13] =	ssyncset.done $0x0  }
0x39c: {  	s1 =	sld [smem:$0x7E1];
	[sflag:s13] =	ssyncadd.s32 $0xFFFFC000  }
0x39d: {  	[tilespmem:s23], [sflag:$0x2] =	stream.linear.gather [hbm4b:s0+s2], $0x2000, $0x38;
	[tilespmem:$0x18000] =	vst v63  }
0x39e: {  	_ = 	snop  }
0x39f: {  	[tilespmem:s30], [sflag:$0x2] =	stream.linear.gather [hbm4b:s1+s2], $0x2000, $0x38;
	[tilespmem:$0x18000] =	vst v63  }
0x3a0: {  	_ =	swait.ge [sflag:s17], $0x2000  }
0x3a1: {  	[sflag:s17] =	ssyncset.done $0x0  }
0x3a2: {  	[sflag:s17] =	ssyncadd.s32 $0xFFFFE000  }
0x3a3: {  	_ =	swait.ge [sflag:s17], $0x2000  }
0x3a4: {  	s1 =	sld [smem:$0x7E2]  }
0x3a5: {  	[sflag:s17] =	ssyncset.done $0x0  }
0x3a6: {  	[sflag:s17] =	ssyncadd.s32 $0xFFFFE000  }
0x3a7: {  	[hbm4b:s1+s2] =	stream.linear.scatter [tilespmem:s6], [sflag:$0xC], $0x4000, $0x38;
	[tilespmem:$0x18000] =	vst v63  }
0x3a8: {  	_ =	swait.ge [sflag:s11], $0x4000  }
0x3a9: {  	s0 =	sld [smem:$0x7E3]  }
0x3aa: {  	[sflag:s11] =	ssyncset.done $0x0  }
0x3ab: {  	s1 =	sld [smem:$0x7E4];
	[sflag:s11] =	ssyncadd.s32 $0xFFFFC000  }
0x3ac: {  	[tilespmem:s19], [sflag:$0x3] =	stream.linear.gather [hbm4b:s0+s2], $0x2000, $0x38;
	[tilespmem:$0x18000] =	vst v63  }
0x3ad: {  	_ = 	snop  }
0x3ae: {  	[tilespmem:s28], [sflag:$0x3] =	stream.linear.gather [hbm4b:s1+s2], $0x2000, $0x38;
	[tilespmem:$0x18000] =	vst v63  }
0x3af: {  	_ =	swait.ge [sflag:s29], $0x2000  }
0x3b0: {  	[sflag:s29] =	ssyncset.done $0x0  }
0x3b1: {  	[sflag:s29] =	ssyncadd.s32 $0xFFFFE000  }
0x3b2: {  	_ =	swait.ge [sflag:s29], $0x2000  }
0x3b3: {  	s1 =	sld [smem:$0x7E5]  }
0x3b4: {  	[sflag:s29] =	ssyncset.done $0x0  }
0x3b5: {  	[sflag:s29] =	ssyncadd.s32 $0xFFFFE000  }
0x3b6: {  	[hbm4b:s1+s2] =	stream.linear.scatter [tilespmem:s2], [sflag:$0x7], $0x4000, $0x38;
	[tilespmem:$0x18000] =	vst v63  }
0x3b7: {  	_ =	swait.ge [sflag:s9], $0x4000  }
0x3b8: {  	s0 =	sld [smem:$0x7E6]  }
0x3b9: {  	[sflag:s9] =	ssyncset.done $0x0  }
0x3ba: {  	s1 =	sld [smem:$0x7E7];
	[sflag:s9] =	ssyncadd.s32 $0xFFFFC000  }
0x3bb: {  	[tilespmem:s16], [sflag:$0x4] =	stream.linear.gather [hbm4b:s0+s2], $0x2000, $0x38;
	[tilespmem:$0x18000] =	vst v63  }
0x3bc: {  	_ = 	snop  }
0x3bd: {  	[tilespmem:s26], [sflag:$0x4] =	stream.linear.gather [hbm4b:s1+s2], $0x2000, $0x38;
	[tilespmem:$0x18000] =	vst v63  }
0x3be: {  	_ =	swait.ge [sflag:s25], $0x2000  }
0x3bf: {  	[sflag:s25] =	ssyncset.done $0x0  }
0x3c0: {  	[sflag:s25] =	ssyncadd.s32 $0xFFFFE000  }
0x3c1: {  	_ =	swait.ge [sflag:s25], $0x2000  }
0x3c2: {  	s1 =	sld [smem:$0x7E8]  }
0x3c3: {  	[sflag:s25] =	ssyncset.done $0x0  }
0x3c4: {  	[sflag:s25] =	ssyncadd.s32 $0xFFFFE000  }
0x3c5: {  	[hbm4b:s1+s2] =	stream.linear.scatter [tilespmem:s23], [sflag:$0x8], $0x4000, $0x38;
	[tilespmem:$0x18000] =	vst v63  }
0x3c6: {  	_ =	swait.ge [sflag:s7], $0x4000  }
0x3c7: {  	s0 =	sld [smem:$0x7E9]  }
0x3c8: {  	[sflag:s7] =	ssyncset.done $0x0  }
0x3c9: {  	s1 =	sld [smem:$0x7EA];
	[sflag:s7] =	ssyncadd.s32 $0xFFFFC000  }
0x3ca: {  	[tilespmem:s12], [sflag:$0x5] =	stream.linear.gather [hbm4b:s0+s2], $0x2000, $0x38;
	[tilespmem:$0x18000] =	vst v63  }
0x3cb: {  	_ = 	snop  }
0x3cc: {  	[tilespmem:s24], [sflag:$0x5] =	stream.linear.gather [hbm4b:s1+s2], $0x2000, $0x38;
	[tilespmem:$0x18000] =	vst v63  }
0x3cd: {  	_ =	swait.ge [sflag:s22], $0x2000  }
0x3ce: {  	[sflag:s22] =	ssyncset.done $0x0  }
0x3cf: {  	[sflag:s22] =	ssyncadd.s32 $0xFFFFE000  }
0x3d0: {  	_ =	swait.ge [sflag:s22], $0x2000  }
0x3d1: {  	s1 =	sld [smem:$0x7EB]  }
0x3d2: {  	[sflag:s22] =	ssyncset.done $0x0  }
0x3d3: {  	[sflag:s22] =	ssyncadd.s32 $0xFFFFE000  }
0x3d4: {  	[hbm4b:s1+s2] =	stream.linear.scatter [tilespmem:s19], [sflag:$0x9], $0x4000, $0x38;
	[tilespmem:$0x18000] =	vst v63  }
0x3d5: {  	_ =	swait.ge [sflag:s5], $0x4000  }
0x3d6: {  	s0 =	sld [smem:$0x7EC]  }
0x3d7: {  	[sflag:s5] =	ssyncset.done $0x0  }
0x3d8: {  	s1 =	sld [smem:$0x7ED];
	[sflag:s5] =	ssyncadd.s32 $0xFFFFC000  }
0x3d9: {  	[tilespmem:s6], [sflag:$0x6] =	stream.linear.gather [hbm4b:s0+s2], $0x2000, $0x38;
	[tilespmem:$0x18000] =	vst v63  }
0x3da: {  	_ = 	snop  }
0x3db: {  	[tilespmem:s21], [sflag:$0x6] =	stream.linear.gather [hbm4b:s1+s2], $0x2000, $0x38;
	[tilespmem:$0x18000] =	vst v63  }
0x3dc: {  	_ =	swait.ge [sflag:s20], $0x2000  }
0x3dd: {  	[sflag:s20] =	ssyncset.done $0x0  }
0x3de: {  	[sflag:s20] =	ssyncadd.s32 $0xFFFFE000  }
0x3df: {  	_ =	swait.ge [sflag:s20], $0x2000  }
0x3e0: {  	s1 =	sld [smem:$0x7EE]  }
0x3e1: {  	[sflag:s20] =	ssyncset.done $0x0  }
0x3e2: {  	[sflag:s20] =	ssyncadd.s32 $0xFFFFE000  }
0x3e3: {  	[hbm4b:s1+s2] =	stream.linear.scatter [tilespmem:s16], [sflag:$0xA], $0x4000, $0x38;
	[tilespmem:$0x18000] =	vst v63  }
0x3e4: {  	_ =	swait.ge [sflag:s10], $0x4000  }
0x3e5: {  	s0 =	sld [smem:$0x7EF]  }
0x3e6: {  	[sflag:s10] =	ssyncset.done $0x0  }
0x3e7: {  	s1 =	sld [smem:$0x7F0];
	[sflag:s10] =	ssyncadd.s32 $0xFFFFC000  }
0x3e8: {  	[tilespmem:s2], [sflag:$0x1] =	stream.linear.gather [hbm4b:s0+s2], $0x2000, $0x38;
	[tilespmem:$0x18000] =	vst v63  }
0x3e9: {  	_ = 	snop  }
0x3ea: {  	[tilespmem:s31], [sflag:$0x1] =	stream.linear.gather [hbm4b:s1+s2], $0x2000, $0x38;
	[tilespmem:$0x18000] =	vst v63  }
0x3eb: {  	_ =	swait.ge [sflag:s18], $0x2000  }
0x3ec: {  	[sflag:s18] =	ssyncset.done $0x0  }
0x3ed: {  	[sflag:s18] =	ssyncadd.s32 $0xFFFFE000  }
0x3ee: {  	_ =	swait.ge [sflag:s18], $0x2000  }
0x3ef: {  	s31 =	sld [smem:$0x7F1]  }
0x3f0: {  	[sflag:s18] =	ssyncset.done $0x0  }
0x3f1: {  	[sflag:s18] =	ssyncadd.s32 $0xFFFFE000  }
0x3f2: {  	[hbm4b:s31+s2] =	stream.linear.scatter [tilespmem:s12], [sflag:$0xB], $0x4000, $0x38;
	[tilespmem:$0x18000] =	vst v63  }
0x3f3: {  	_ =	swait.ge [sflag:s13], $0x4000  }
0x3f4: {  	s1 =	sld [smem:$0x7F2]  }
0x3f5: {  	[sflag:s13] =	ssyncset.done $0x0  }
0x3f6: {  	s31 =	sld [smem:$0x7F3];
	[sflag:s13] =	ssyncadd.s32 $0xFFFFC000  }
0x3f7: {  	[tilespmem:s23], [sflag:$0x2] =	stream.linear.gather [hbm4b:s1+s2], $0x2000, $0x38;
	[tilespmem:$0x18000] =	vst v63  }
0x3f8: {  	_ = 	snop  }
0x3f9: {  	[tilespmem:s30], [sflag:$0x2] =	stream.linear.gather [hbm4b:s31+s2], $0x2000, $0x38;
	[tilespmem:$0x18000] =	vst v63  }
0x3fa: {  	_ =	swait.ge [sflag:s17], $0x2000  }
0x3fb: {  	[sflag:s17] =	ssyncset.done $0x0  }
0x3fc: {  	[sflag:s17] =	ssyncadd.s32 $0xFFFFE000  }
0x3fd: {  	_ =	swait.ge [sflag:s17], $0x2000  }
0x3fe: {  	s1 =	sld [smem:$0x7F4]  }
0x3ff: {  	[sflag:s17] =	ssyncset.done $0x0  }
0x400: {  	[sflag:s17] =	ssyncadd.s32 $0xFFFFE000  }
0x401: {  	[hbm4b:s1+s2] =	stream.linear.scatter [tilespmem:s6], [sflag:$0xC], $0x4000, $0x38;
	[tilespmem:$0x18000] =	vst v63  }
0x402: {  	_ =	swait.ge [sflag:s11], $0x4000  }
0x403: {  	s30 =	sld [smem:$0x7F5]  }
0x404: {  	[sflag:s11] =	ssyncset.done $0x0  }
0x405: {  	s31 =	sld [smem:$0x7F6];
	[sflag:s11] =	ssyncadd.s32 $0xFFFFC000  }
0x406: {  	[tilespmem:s19], [sflag:$0x3] =	stream.linear.gather [hbm4b:s30+s2], $0x2000, $0x38;
	[tilespmem:$0x18000] =	vst v63  }
0x407: {  	_ = 	snop  }
0x408: {  	[tilespmem:s28], [sflag:$0x3] =	stream.linear.gather [hbm4b:s31+s2], $0x2000, $0x38;
	[tilespmem:$0x18000] =	vst v63  }
0x409: {  	_ =	swait.ge [sflag:s29], $0x2000  }
0x40a: {  	[sflag:s29] =	ssyncset.done $0x0  }
0x40b: {  	[sflag:s29] =	ssyncadd.s32 $0xFFFFE000  }
0x40c: {  	_ =	swait.ge [sflag:s29], $0x2000  }
0x40d: {  	s28 =	sld [smem:$0x7F7]  }
0x40e: {  	[sflag:s29] =	ssyncset.done $0x0  }
0x40f: {  	[sflag:s29] =	ssyncadd.s32 $0xFFFFE000  }
0x410: {  	[hbm4b:s28+s2] =	stream.linear.scatter [tilespmem:s2], [sflag:$0x7], $0x4000, $0x38;
	[tilespmem:$0x18000] =	vst v63  }
0x411: {  	_ =	swait.ge [sflag:s9], $0x4000  }
0x412: {  	s30 =	sld [smem:$0x7F8]  }
0x413: {  	[sflag:s9] =	ssyncset.done $0x0  }
0x414: {  	s31 =	sld [smem:$0x7F9];
	[sflag:s9] =	ssyncadd.s32 $0xFFFFC000  }
0x415: {  	[tilespmem:s16], [sflag:$0x4] =	stream.linear.gather [hbm4b:s30+s2], $0x2000, $0x38;
	[tilespmem:$0x18000] =	vst v63  }
0x416: {  	_ = 	snop  }
0x417: {  	[tilespmem:s26], [sflag:$0x4] =	stream.linear.gather [hbm4b:s31+s2], $0x2000, $0x38;
	[tilespmem:$0x18000] =	vst v63  }
0x418: {  	_ =	swait.ge [sflag:s25], $0x2000  }
0x419: {  	[sflag:s25] =	ssyncset.done $0x0  }
0x41a: {  	[sflag:s25] =	ssyncadd.s32 $0xFFFFE000  }
0x41b: {  	_ =	swait.ge [sflag:s25], $0x2000  }
0x41c: {  	s26 =	sld [smem:$0x7FA]  }
0x41d: {  	[sflag:s25] =	ssyncset.done $0x0  }
0x41e: {  	[sflag:s25] =	ssyncadd.s32 $0xFFFFE000  }
0x41f: {  	[hbm4b:s26+s2] =	stream.linear.scatter [tilespmem:s23], [sflag:$0x8], $0x4000, $0x38;
	[tilespmem:$0x18000] =	vst v63  }
0x420: {  	_ =	swait.ge [sflag:s7], $0x4000  }
0x421: {  	s28 =	sld [smem:$0x7FB]  }
0x422: {  	[sflag:s7] =	ssyncset.done $0x0  }
0x423: {  	s29 =	sld [smem:$0x7FC];
	[sflag:s7] =	ssyncadd.s32 $0xFFFFC000  }
0x424: {  	[tilespmem:s12], [sflag:$0x5] =	stream.linear.gather [hbm4b:s28+s2], $0x2000, $0x38;
	[tilespmem:$0x18000] =	vst v63  }
0x425: {  	_ = 	snop  }
0x426: {  	[tilespmem:s24], [sflag:$0x5] =	stream.linear.gather [hbm4b:s29+s2], $0x2000, $0x38;
	[tilespmem:$0x18000] =	vst v63  }
0x427: {  	_ =	swait.ge [sflag:s22], $0x2000  }
0x428: {  	[sflag:s22] =	ssyncset.done $0x0  }
0x429: {  	[sflag:s22] =	ssyncadd.s32 $0xFFFFE000  }
0x42a: {  	_ =	swait.ge [sflag:s22], $0x2000  }
0x42b: {  	s30 =	sld [smem:$0x7FD]  }
0x42c: {  	[sflag:s22] =	ssyncset.done $0x0  }
0x42d: {  	[sflag:s22] =	ssyncadd.s32 $0xFFFFE000  }
0x42e: {  	[hbm4b:s30+s2] =	stream.linear.scatter [tilespmem:s19], [sflag:$0x9], $0x4000, $0x38;
	[tilespmem:$0x18000] =	vst v63  }
0x42f: {  	_ =	swait.ge [sflag:s5], $0x4000  }
0x430: {  	[sflag:s5] =	ssyncset.done $0x0  }
0x431: {  	[sflag:s5] =	ssyncadd.s32 $0xFFFFC000  }
0x432: {  	[tilespmem:s6], [sflag:$0x6] =	stream.linear.gather [hbm4b:s14+s2], $0x2000, $0x38;
	[tilespmem:$0x18000] =	vst v63  }
0x433: {  	_ = 	snop  }
0x434: {  	[tilespmem:s21], [sflag:$0x6] =	stream.linear.gather [hbm4b:s15+s2], $0x2000, $0x38;
	[tilespmem:$0x18000] =	vst v63  }
0x435: {  	_ =	swait.ge [sflag:s20], $0x2000  }
0x436: {  	[sflag:s20] =	ssyncset.done $0x0  }
0x437: {  	[sflag:s20] =	ssyncadd.s32 $0xFFFFE000  }
0x438: {  	_ =	swait.ge [sflag:s20], $0x2000  }
0x439: {  	[sflag:s20] =	ssyncset.done $0x0  }
0x43a: {  	[sflag:s20] =	ssyncadd.s32 $0xFFFFE000  }
0x43b: {  	[hbm4b:s8+s2] =	stream.linear.scatter [tilespmem:s16], [sflag:$0xA], $0x4000, $0x38;
	[tilespmem:$0x18000] =	vst v63  }
0x43c: {  	_ =	swait.ge [sflag:s18], $0x2000  }
0x43d: {  	[sflag:s18] =	ssyncset.done $0x0  }
0x43e: {  	[sflag:s18] =	ssyncadd.s32 $0xFFFFE000  }
0x43f: {  	_ =	swait.ge [sflag:s18], $0x2000  }
0x440: {  	[sflag:s18] =	ssyncset.done $0x0  }
0x441: {  	[sflag:s18] =	ssyncadd.s32 $0xFFFFE000  }
0x442: {  	[hbm4b:s4+s2] =	stream.linear.scatter [tilespmem:s12], [sflag:$0xB], $0x4000, $0x38;
	[tilespmem:$0x18000] =	vst v63  }
0x443: {  	_ =	swait.ge [sflag:s17], $0x2000  }
0x444: {  	[sflag:s17] =	ssyncset.done $0x0  }
0x445: {  	[sflag:s17] =	ssyncadd.s32 $0xFFFFE000  }
0x446: {  	_ =	swait.ge [sflag:s17], $0x2000  }
0x447: {  	[sflag:s17] =	ssyncset.done $0x0  }
0x448: {  	[sflag:s17] =	ssyncadd.s32 $0xFFFFE000  }
0x449: {  	[hbm4b:s3+s2] =	stream.linear.scatter [tilespmem:s6], [sflag:$0xC], $0x4000, $0x38;
	[tilespmem:$0x18000] =	vst v63  }
0x44a: {  	_ =	swait.ge [sflag:s10], $0x4000  }
0x44b: {  	[sflag:s10] =	ssyncset.done $0x0  }
0x44c: {  	[sflag:s10] =	ssyncadd.s32 $0xFFFFC000  }
0x44d: {  	_ =	swait.ge [sflag:s13], $0x4000  }
0x44e: {  	[sflag:s13] =	ssyncset.done $0x0  }
0x44f: {  	[sflag:s13] =	ssyncadd.s32 $0xFFFFC000  }
0x450: {  	_ =	swait.ge [sflag:s11], $0x4000  }
0x451: {  	[sflag:s11] =	ssyncset.done $0x0  }
0x452: {  	[sflag:s11] =	ssyncadd.s32 $0xFFFFC000  }
0x453: {  	_ =	swait.ge [sflag:s9], $0x4000  }
0x454: {  	[sflag:s9] =	ssyncset.done $0x0  }
0x455: {  	[sflag:s9] =	ssyncadd.s32 $0xFFFFC000  }
0x456: {  	_ =	swait.ge [sflag:s7], $0x4000  }
0x457: {  	[sflag:s7] =	ssyncset.done $0x0  }
0x458: {  	[sflag:s7] =	ssyncadd.s32 $0xFFFFC000  }
0x459: {  	_ =	swait.ge [sflag:s5], $0x4000  }
0x45a: {  	[sflag:s5] =	ssyncset.done $0x0  }
0x45b: {  	[sflag:s5] =	ssyncadd.s32 $0xFFFFC000  }
0x45c: {  	_ =	sfence.sel $0x180000  }
0x45d: {  	[bflag:$0x0] =	sbarrier.arrive $0xFFFF  }
0x45e: {  	_ =	strace $0x90000047  }
0x45f: {  	s31 =	stileid.u32;
	[bflag:$0x2] =	sbarrier.arrive $0xFFFF  }
0x460: {  	p0 =	sne.s32 s31, $0x0;
	s0 =	rddreg [dreg:$0x1]  }
0x461: {  	s0 =	sadd.s32 @!p0 $0x100000, s0  }
0x462: {  	[sflag:s0] =	ssyncadd.tile.s32 @!p0 $0x1;
	_ =	shalt  }
.Lfunc_end2:
_tile_overlayer_lowered:
.L_overlay_start_2:
0x463: {  	(tag) =	ssettag $0x2  }
0x464: {  	s0 =	rddreg [dreg:$0x0];
	s2 =	stileid.u32  }
0x465: {  	s1 =	rddreg [dreg:$0x1];
	p0 =	sne.s32 s2, $0x0  }
0x466: {  	s3 =	rddreg [dreg:$0x2];
	[bflag:$0x3] =	sbarrier.arrive $0xFFFF;
	s2 =	simm.s32 @!p0 $0x1C0D  }
0x467: {  	[timem:s3], [sflag:s2] =	dma.local @!p0 [hbm:s0], s1  }
0x468: {  	s0 =	simm.s32 @!p0 $0xD  }
0x469: {  	_ =	swait.ge @!p0 [sflag:s0], s1  }
0x46a: {  	s1 =	ssub.s32 @!p0 $0x0, s1;
	[sflag:s0] =	ssyncset.done @!p0 $0x0  }
0x46b: {  	[sflag:s0] =	ssyncadd.s32 @!p0 s1  }
0x46c: {  	[bflag:$0x3] =	sbarrier.arrive $0xFFFF  }
0x46d: {  	_ =	shalt  }

</sc_bundles>
